<compile_context>
chip_gen: v7x
topology: tpu7x:2x2x1
jax: 0.10.2.dev20260603
libtpu: 0.0.44.dev20260713+nightly
codegen_flags: <defaults>
</compile_context>

<pallas_src>
import jax
import jax.numpy as jnp
import numpy as np
from jax import lax
from jax.experimental import pallas as pl
from jax.experimental.pallas import tpu as pltpu
from jax.experimental.pallas import tpu_sc as plsc

VOCAB = 100000
D_MODEL = 1024
MAX_SEQ = 2048
PAD_IDX = 1
BATCH = 4
SEQ = 2048

NC = 2
NS = 16
NW = NC * NS
SEQ_PER_W = SEQ // NW
SUB = 4
N_STEPS = SEQ_PER_W // SUB
ROWS = BATCH * SUB
NBUF = 6
LANES = 16
NCH = D_MODEL // LANES


def _make_pos_enc() -> np.ndarray:
    pos = np.arange(MAX_SEQ, dtype=np.float32)[:, None]
    i = np.arange(0, d_model := D_MODEL, 2, dtype=np.float32)
    div = np.power(10000.0, i / float(d_model))
    pe = np.zeros((MAX_SEQ, d_model), dtype=np.float32)
    pe[:, 0::2] = np.sin(pos / div)
    pe[:, 1::2] = np.cos(pos / div)
    return pe


_PE = _make_pos_enc()[:SEQ]


def _embed_body(xt_hbm, tbl_hbm, pe_hbm, out_hbm,
                idx_v, scale_v, tok_v, pe_v,
                gsems, osems, psems):
    cid = lax.axis_index("c")
    sid = lax.axis_index("s")
    wid = sid * NC + cid
    s0 = wid * SEQ_PER_W

    pltpu.sync_copy(xt_hbm.at[wid], idx_v)

    def g_desc(k, kb):
        return pltpu.make_async_copy(
            tbl_hbm.at[idx_v.at[k]], tok_v.at[kb], gsems.at[kb])

    def pe_desc(k, kb):
        return pltpu.make_async_copy(
            pe_hbm.at[pl.ds(s0 + k * SUB, SUB)], pe_v.at[kb], psems.at[kb])

    def o_descs(k, kb):
        return [pltpu.make_async_copy(
            tok_v.at[kb, pl.ds(b * SUB, SUB)],
            out_hbm.at[b, wid, pl.ds(k * SUB, SUB)], osems.at[kb])
            for b in range(BATCH)]

    for k in range(NBUF - 1):
        g_desc(k, k).start()
        pe_desc(k, k).start()

    padcnt = jnp.int32(0)
    for k in range(N_STEPS):
        for g in range(ROWS // LANES):
            iv = idx_v[k, pl.ds(g * LANES, LANES)]
            hit = jnp.where(iv == PAD_IDX, 1, 0).astype(jnp.int32)
            scale_v[pl.ds(k * ROWS + g * LANES, LANES)] = (
                1.0 - hit.astype(jnp.float32))
            padcnt = padcnt + jnp.sum(hit)

    def step(k, carry):
        kb = lax.rem(k, NBUF)
        g_desc(k, kb).wait()
        pe_desc(k, kb).wait()

        @pl.when(padcnt > 0)
        def _scale_pass():
            def srow(r, carry2):
                rid = jnp.broadcast_to(k * ROWS + r, (LANES,)).astype(
                    jnp.int32)
                scale = plsc.load_gather(scale_v, [rid])
                for j in range(NCH):
                    sl = pl.ds(j * LANES, LANES)
                    tok_v[kb, r, sl] = tok_v[kb, r, sl] * scale
                return carry2
            lax.fori_loop(0, ROWS, srow, 0)

        def arow(sp, carry2):
            for j in range(NCH):
                sl = pl.ds(j * LANES, LANES)
                pvec = pe_v[kb, sp, sl]
                for b in range(BATCH):
                    plsc.addupdate(tok_v.at[kb, b * SUB + sp, sl], pvec)
            return carry2

        lax.fori_loop(0, SUB, arow, 0)
        for d in o_descs(k, kb):
            d.start()

        @pl.when(k + NBUF - 1 < N_STEPS)
        def _prefetch():
            kn = k + NBUF - 1
            knb = lax.rem(kn, NBUF)

            @pl.when(k >= 1)
            def _drain_prev():
                for d in o_descs(k - 1, knb):
                    d.wait()

            g_desc(kn, knb).start()
            pe_desc(kn, knb).start()

        return carry

    lax.fori_loop(0, N_STEPS, step, 0)

    for k in range(N_STEPS - NBUF, N_STEPS):
        for d in o_descs(k, k % NBUF):
            d.wait()


@jax.jit
def kernel(x, token_table):
    pe = jnp.asarray(_PE)
    x_t = (x.reshape(BATCH, NW, N_STEPS, SUB)
           .transpose(1, 2, 0, 3)
           .reshape(NW, N_STEPS, ROWS))
    mesh = plsc.VectorSubcoreMesh(core_axis_name="c", subcore_axis_name="s")
    out = pl.kernel(
        _embed_body,
        mesh=mesh,
        compiler_params=pltpu.CompilerParams(needs_layout_passes=False),
        out_type=jax.ShapeDtypeStruct((BATCH, NW, SEQ_PER_W, D_MODEL),
                                      jnp.float32),
        scratch_types=[
            pltpu.VMEM((N_STEPS, ROWS), jnp.int32),
            pltpu.VMEM((N_STEPS * ROWS,), jnp.float32),
            pltpu.VMEM((NBUF, ROWS, D_MODEL), jnp.float32),
            pltpu.VMEM((NBUF, SUB, D_MODEL), jnp.float32),
            pltpu.SemaphoreType.DMA((NBUF,)),
            pltpu.SemaphoreType.DMA((NBUF,)),
            pltpu.SemaphoreType.DMA((NBUF,)),
        ],
    )(x_t, token_table, pe)
    return out.reshape(BATCH, SEQ, D_MODEL)

# --- scband reference (transcript-rebuilt; emitter-appended) ---
"""Pipeline reference for scband-transformer-embedding-26053271618061 (READ-ONLY COPY).

The authoritative reference and input builder live on the scoring server;
editing this copy changes nothing except your own understanding.
"""

import jax, jax.numpy as jnp
import numpy as np

VOCAB = 100000
D_MODEL = 1024
MAX_SEQ = 2048
PAD_IDX = 1
BATCH = 4
SEQ = 2048


def make_pos_enc(max_seq, d_model):
    pos = np.arange(max_seq, dtype=np.float32)[:, None]
    i = np.arange(0, d_model, 2, dtype=np.float32)
    div = np.power(10000.0, i / float(d_model))
    pe = np.zeros((max_seq, d_model), dtype=np.float32)
    pe[:, 0::2] = np.sin(pos / div)
    pe[:, 1::2] = np.cos(pos / div)
    return jnp.asarray(pe)


def setup_inputs(seed: int = 0) -> dict:
    key = jax.random.key(seed)
    k1, k2 = jax.random.split(key)
    x = jax.random.randint(k1, (BATCH, SEQ), 0, VOCAB, dtype=jnp.int32)
    token_table = jax.random.normal(k2, (VOCAB, D_MODEL), dtype=jnp.float32)
    return {"x": x, "token_table": token_table}


def reference(x, token_table):
    # nn.Embedding with padding_idx=1: row PAD_IDX is zero
    tbl = token_table.at[PAD_IDX].set(0.0)
    tok = jnp.take(tbl, x, axis=0)  # [B, S, D] gather
    pe = make_pos_enc(MAX_SEQ, D_MODEL)
    seq_len = x.shape[1]
    out = tok + pe[:seq_len][None, :, :]
    # dropout_rate=0.0 -> identity
    return out

if __name__ == "__main__":
    import jax
    _d = setup_inputs()
    print(jax.jit(kernel)(*tuple(_d.values())))

</pallas_src>

<mosaic_0001>
#map = affine_map<(d0, d1) -> (0, 0, 0)>
#map1 = affine_map<(d0, d1) -> (0, 0)>
#map2 = affine_map<(d0, d1) -> (0, 0, 0, 0)>
module attributes {stable_mosaic.version = 14 : i64} {
  func.func @_embed_body(%arg0: i32, %arg1: i32, %arg2: memref<32x16x16xi32, #tpu.memory_space<hbm>>, %arg3: memref<100000x1024xf32, #tpu.memory_space<hbm>>, %arg4: memref<2048x1024xf32, #tpu.memory_space<hbm>>, %arg5: memref<4x32x64x1024xf32, #tpu.memory_space<hbm>>, %arg6: memref<16x16xi32, #tpu.memory_space<vmem>>, %arg7: memref<256xf32, #tpu.memory_space<vmem>>, %arg8: memref<6x16x1024xf32, #tpu.memory_space<vmem>>, %arg9: memref<6x4x1024xf32, #tpu.memory_space<vmem>>, %arg10: memref<6x!tpu.dma_semaphore, #tpu.memory_space<semaphore_mem>>, %arg11: memref<6x!tpu.dma_semaphore, #tpu.memory_space<semaphore_mem>>, %arg12: memref<6x!tpu.dma_semaphore, #tpu.memory_space<semaphore_mem>>) attributes {dimension_semantics = [#tpu.dimension_semantics<core_parallel>, #tpu.dimension_semantics<subcore_parallel>], iteration_bounds = array<i64: 2, 16>, scalar_prefetch = 0 : i64, scratch_operands = 7 : i64, tpu.core_type = #tpu.core_type<sc_vector_subcore>, window_params = [{transform_indices = #map}, {transform_indices = #map1}, {transform_indices = #map1}, {transform_indices = #map2}]} {
    %mul3A = arith.constant 2 : i32
    %mul3A_0 = arith.muli %arg1, %mul3A : i32
    %add3A = arith.addi %mul3A_0, %arg0 : i32
    %mul3A_1 = arith.constant 64 : i32
    %mul3A_2 = arith.muli %add3A, %mul3A_1 : i32
    "tpu.region"() ({
      %run_scoped3A = tpu.sem_alloc : memref<!tpu.dma_semaphore, #tpu.memory_space<semaphore_mem>>
      %dma_start3A_1035 = arith.constant 0 : i32
      %dma_start3A_1036 = arith.constant 0 : i32
      %dma_start3A_1037 = tpu.memref_slice %arg2[%add3A, %dma_start3A_1035, %dma_start3A_1036] : memref<32x16x16xi32, #tpu.memory_space<hbm>> -> memref<1x16x16xi32, #tpu.memory_space<hbm>>
      %dma_start3A_1038 = tpu.memref_squeeze %dma_start3A_1037 : memref<1x16x16xi32, #tpu.memory_space<hbm>> -> memref<16x16xi32, #tpu.memory_space<hbm>>
      %dma_start3A_1039 = arith.constant 0 : i32
      %dma_start3A_1040 = arith.constant 0 : i32
      %dma_start3A_1041 = tpu.memref_slice %arg2[%add3A, %dma_start3A_1039, %dma_start3A_1040] : memref<32x16x16xi32, #tpu.memory_space<hbm>> -> memref<1x16x16xi32, #tpu.memory_space<hbm>>
      %dma_start3A_1042 = tpu.memref_squeeze %dma_start3A_1041 : memref<1x16x16xi32, #tpu.memory_space<hbm>> -> memref<16x16xi32, #tpu.memory_space<hbm>>
      tpu.enqueue_dma source(%dma_start3A_1042 : memref<16x16xi32, #tpu.memory_space<hbm>>) target(%arg6 : memref<16x16xi32, #tpu.memory_space<vmem>>) target_semaphore(%run_scoped3A : memref<!tpu.dma_semaphore, #tpu.memory_space<semaphore_mem>>)
      %dma_wait3A_1043 = arith.constant 0 : i32
      %dma_wait3A_1044 = arith.constant 0 : i32
      %dma_wait3A_1045 = tpu.memref_slice %arg2[%add3A, %dma_wait3A_1043, %dma_wait3A_1044] : memref<32x16x16xi32, #tpu.memory_space<hbm>> -> memref<1x16x16xi32, #tpu.memory_space<hbm>>
      %dma_wait3A_1046 = tpu.memref_squeeze %dma_wait3A_1045 : memref<1x16x16xi32, #tpu.memory_space<hbm>> -> memref<16x16xi32, #tpu.memory_space<hbm>>
      %dma_wait3A_1047 = arith.constant 0 : i32
      %dma_wait3A_1048 = arith.constant 0 : i32
      %dma_wait3A_1049 = tpu.memref_slice %arg2[%add3A, %dma_wait3A_1047, %dma_wait3A_1048] : memref<32x16x16xi32, #tpu.memory_space<hbm>> -> memref<1x16x16xi32, #tpu.memory_space<hbm>>
      %dma_wait3A_1050 = tpu.memref_squeeze %dma_wait3A_1049 : memref<1x16x16xi32, #tpu.memory_space<hbm>> -> memref<16x16xi32, #tpu.memory_space<hbm>>
      tpu.wait_dma2 semaphore(%run_scoped3A : memref<!tpu.dma_semaphore, #tpu.memory_space<semaphore_mem>>) src(%dma_wait3A_1050 : memref<16x16xi32, #tpu.memory_space<hbm>>) dst(%arg6 : memref<16x16xi32, #tpu.memory_space<vmem>>)
      tpu.yield
    }) : () -> ()
    %dma_start3A = arith.constant 0 : i32
    %dma_start3A_3 = arith.constant 0 : i32
    %dma_start3A_4 = arith.constant 0 : i32
    %dma_start3A_5 = arith.constant 0 : i32
    %dma_start3A_6 = arith.constant 0 : i32
    %dma_start3A_7 = tpu.memref_slice %arg8[%dma_start3A_3, %dma_start3A_5, %dma_start3A_6] : memref<6x16x1024xf32, #tpu.memory_space<vmem>> -> memref<1x16x1024xf32, #tpu.memory_space<vmem>>
    %dma_start3A_8 = tpu.memref_squeeze %dma_start3A_7 : memref<1x16x1024xf32, #tpu.memory_space<vmem>> -> memref<16x1024xf32, #tpu.memory_space<vmem>>
    %dma_start3A_9 = arith.constant 0 : i32
    %dma_start3A_10 = tpu.memref_slice %arg6[%dma_start3A, %dma_start3A_9] : memref<16x16xi32, #tpu.memory_space<vmem>> -> memref<1x16xi32, #tpu.memory_space<vmem>>
    %dma_start3A_11 = tpu.memref_squeeze %dma_start3A_10 : memref<1x16xi32, #tpu.memory_space<vmem>> -> memref<16xi32, #tpu.memory_space<vmem>>
    %dma_start3A_12 = arith.constant 0 : i32
    %dma_start3A_13 = arith.constant 0 : i32
    %dma_start3A_14 = tpu.memref_slice %arg3[%dma_start3A_12, %dma_start3A_13] : memref<100000x1024xf32, #tpu.memory_space<hbm>> -> memref<100000x1024xf32, #tpu.memory_space<hbm>>
    %dma_start3A_15 = tpu.memref_slice %arg10[%dma_start3A_4] : memref<6x!tpu.dma_semaphore, #tpu.memory_space<semaphore_mem>> -> memref<1x!tpu.dma_semaphore, #tpu.memory_space<semaphore_mem>>
    %dma_start3A_16 = tpu.memref_squeeze %dma_start3A_15 : memref<1x!tpu.dma_semaphore, #tpu.memory_space<semaphore_mem>> -> memref<!tpu.dma_semaphore, #tpu.memory_space<semaphore_mem>>
    tpu.enqueue_indirect_dma source(%dma_start3A_14 : memref<100000x1024xf32, #tpu.memory_space<hbm>>) target(%dma_start3A_8 : memref<16x1024xf32, #tpu.memory_space<vmem>>) offsets(%dma_start3A_11 : memref<16xi32, #tpu.memory_space<vmem>>) semaphore(%dma_start3A_16 : memref<!tpu.dma_semaphore, #tpu.memory_space<semaphore_mem>>)
    %add3A_17 = arith.constant 0 : i32
    %add3A_18 = arith.addi %mul3A_2, %add3A_17 : i32
    %dma_start3A_19 = arith.constant 0 : i32
    %dma_start3A_20 = arith.constant 0 : i32
    %dma_start3A_21 = arith.constant 0 : i32
    %dma_start3A_22 = arith.constant 0 : i32
    %dma_start3A_23 = tpu.memref_slice %arg9[%dma_start3A_19, %dma_start3A_21, %dma_start3A_22] : memref<6x4x1024xf32, #tpu.memory_space<vmem>> -> memref<1x4x1024xf32, #tpu.memory_space<vmem>>
    %dma_start3A_24 = tpu.memref_squeeze %dma_start3A_23 : memref<1x4x1024xf32, #tpu.memory_space<vmem>> -> memref<4x1024xf32, #tpu.memory_space<vmem>>
    %dma_start3A_25 = arith.constant 0 : i32
    %dma_start3A_26 = tpu.memref_slice %arg4[%add3A_18, %dma_start3A_25] : memref<2048x1024xf32, #tpu.memory_space<hbm>> -> memref<4x1024xf32, #tpu.memory_space<hbm>>
    %dma_start3A_27 = tpu.memref_slice %arg12[%dma_start3A_20] : memref<6x!tpu.dma_semaphore, #tpu.memory_space<semaphore_mem>> -> memref<1x!tpu.dma_semaphore, #tpu.memory_space<semaphore_mem>>
    %dma_start3A_28 = tpu.memref_squeeze %dma_start3A_27 : memref<1x!tpu.dma_semaphore, #tpu.memory_space<semaphore_mem>> -> memref<!tpu.dma_semaphore, #tpu.memory_space<semaphore_mem>>
    %dma_start3A_29 = arith.constant 0 : i32
    %dma_start3A_30 = arith.constant 0 : i32
    %dma_start3A_31 = tpu.memref_slice %arg9[%dma_start3A_19, %dma_start3A_29, %dma_start3A_30] : memref<6x4x1024xf32, #tpu.memory_space<vmem>> -> memref<1x4x1024xf32, #tpu.memory_space<vmem>>
    %dma_start3A_32 = tpu.memref_squeeze %dma_start3A_31 : memref<1x4x1024xf32, #tpu.memory_space<vmem>> -> memref<4x1024xf32, #tpu.memory_space<vmem>>
    %dma_start3A_33 = arith.constant 0 : i32
    %dma_start3A_34 = tpu.memref_slice %arg4[%add3A_18, %dma_start3A_33] : memref<2048x1024xf32, #tpu.memory_space<hbm>> -> memref<4x1024xf32, #tpu.memory_space<hbm>>
    tpu.enqueue_dma source(%dma_start3A_34 : memref<4x1024xf32, #tpu.memory_space<hbm>>) target(%dma_start3A_32 : memref<4x1024xf32, #tpu.memory_space<vmem>>) target_semaphore(%dma_start3A_28 : memref<!tpu.dma_semaphore, #tpu.memory_space<semaphore_mem>>)
    %dma_start3A_35 = arith.constant 1 : i32
    %dma_start3A_36 = arith.constant 1 : i32
    %dma_start3A_37 = arith.constant 1 : i32
    %dma_start3A_38 = arith.constant 0 : i32
    %dma_start3A_39 = arith.constant 0 : i32
    %dma_start3A_40 = tpu.memref_slice %arg8[%dma_start3A_36, %dma_start3A_38, %dma_start3A_39] : memref<6x16x1024xf32, #tpu.memory_space<vmem>> -> memref<1x16x1024xf32, #tpu.memory_space<vmem>>
    %dma_start3A_41 = tpu.memref_squeeze %dma_start3A_40 : memref<1x16x1024xf32, #tpu.memory_space<vmem>> -> memref<16x1024xf32, #tpu.memory_space<vmem>>
    %dma_start3A_42 = arith.constant 0 : i32
    %dma_start3A_43 = tpu.memref_slice %arg6[%dma_start3A_35, %dma_start3A_42] : memref<16x16xi32, #tpu.memory_space<vmem>> -> memref<1x16xi32, #tpu.memory_space<vmem>>
    %dma_start3A_44 = tpu.memref_squeeze %dma_start3A_43 : memref<1x16xi32, #tpu.memory_space<vmem>> -> memref<16xi32, #tpu.memory_space<vmem>>
    %dma_start3A_45 = arith.constant 0 : i32
    %dma_start3A_46 = arith.constant 0 : i32
    %dma_start3A_47 = tpu.memref_slice %arg3[%dma_start3A_45, %dma_start3A_46] : memref<100000x1024xf32, #tpu.memory_space<hbm>> -> memref<100000x1024xf32, #tpu.memory_space<hbm>>
    %dma_start3A_48 = tpu.memref_slice %arg10[%dma_start3A_37] : memref<6x!tpu.dma_semaphore, #tpu.memory_space<semaphore_mem>> -> memref<1x!tpu.dma_semaphore, #tpu.memory_space<semaphore_mem>>
    %dma_start3A_49 = tpu.memref_squeeze %dma_start3A_48 : memref<1x!tpu.dma_semaphore, #tpu.memory_space<semaphore_mem>> -> memref<!tpu.dma_semaphore, #tpu.memory_space<semaphore_mem>>
    tpu.enqueue_indirect_dma source(%dma_start3A_47 : memref<100000x1024xf32, #tpu.memory_space<hbm>>) target(%dma_start3A_41 : memref<16x1024xf32, #tpu.memory_space<vmem>>) offsets(%dma_start3A_44 : memref<16xi32, #tpu.memory_space<vmem>>) semaphore(%dma_start3A_49 : memref<!tpu.dma_semaphore, #tpu.memory_space<semaphore_mem>>)
    %add3A_50 = arith.constant 4 : i32
    %add3A_51 = arith.addi %mul3A_2, %add3A_50 : i32
    %dma_start3A_52 = arith.constant 1 : i32
    %dma_start3A_53 = arith.constant 1 : i32
    %dma_start3A_54 = arith.constant 0 : i32
    %dma_start3A_55 = arith.constant 0 : i32
    %dma_start3A_56 = tpu.memref_slice %arg9[%dma_start3A_52, %dma_start3A_54, %dma_start3A_55] : memref<6x4x1024xf32, #tpu.memory_space<vmem>> -> memref<1x4x1024xf32, #tpu.memory_space<vmem>>
    %dma_start3A_57 = tpu.memref_squeeze %dma_start3A_56 : memref<1x4x1024xf32, #tpu.memory_space<vmem>> -> memref<4x1024xf32, #tpu.memory_space<vmem>>
    %dma_start3A_58 = arith.constant 0 : i32
    %dma_start3A_59 = tpu.memref_slice %arg4[%add3A_51, %dma_start3A_58] : memref<2048x1024xf32, #tpu.memory_space<hbm>> -> memref<4x1024xf32, #tpu.memory_space<hbm>>
    %dma_start3A_60 = tpu.memref_slice %arg12[%dma_start3A_53] : memref<6x!tpu.dma_semaphore, #tpu.memory_space<semaphore_mem>> -> memref<1x!tpu.dma_semaphore, #tpu.memory_space<semaphore_mem>>
    %dma_start3A_61 = tpu.memref_squeeze %dma_start3A_60 : memref<1x!tpu.dma_semaphore, #tpu.memory_space<semaphore_mem>> -> memref<!tpu.dma_semaphore, #tpu.memory_space<semaphore_mem>>
    %dma_start3A_62 = arith.constant 0 : i32
    %dma_start3A_63 = arith.constant 0 : i32
    %dma_start3A_64 = tpu.memref_slice %arg9[%dma_start3A_52, %dma_start3A_62, %dma_start3A_63] : memref<6x4x1024xf32, #tpu.memory_space<vmem>> -> memref<1x4x1024xf32, #tpu.memory_space<vmem>>
    %dma_start3A_65 = tpu.memref_squeeze %dma_start3A_64 : memref<1x4x1024xf32, #tpu.memory_space<vmem>> -> memref<4x1024xf32, #tpu.memory_space<vmem>>
    %dma_start3A_66 = arith.constant 0 : i32
    %dma_start3A_67 = tpu.memref_slice %arg4[%add3A_51, %dma_start3A_66] : memref<2048x1024xf32, #tpu.memory_space<hbm>> -> memref<4x1024xf32, #tpu.memory_space<hbm>>
    tpu.enqueue_dma source(%dma_start3A_67 : memref<4x1024xf32, #tpu.memory_space<hbm>>) target(%dma_start3A_65 : memref<4x1024xf32, #tpu.memory_space<vmem>>) target_semaphore(%dma_start3A_61 : memref<!tpu.dma_semaphore, #tpu.memory_space<semaphore_mem>>)
    %dma_start3A_68 = arith.constant 2 : i32
    %dma_start3A_69 = arith.constant 2 : i32
    %dma_start3A_70 = arith.constant 2 : i32
    %dma_start3A_71 = arith.constant 0 : i32
    %dma_start3A_72 = arith.constant 0 : i32
    %dma_start3A_73 = tpu.memref_slice %arg8[%dma_start3A_69, %dma_start3A_71, %dma_start3A_72] : memref<6x16x1024xf32, #tpu.memory_space<vmem>> -> memref<1x16x1024xf32, #tpu.memory_space<vmem>>
    %dma_start3A_74 = tpu.memref_squeeze %dma_start3A_73 : memref<1x16x1024xf32, #tpu.memory_space<vmem>> -> memref<16x1024xf32, #tpu.memory_space<vmem>>
    %dma_start3A_75 = arith.constant 0 : i32
    %dma_start3A_76 = tpu.memref_slice %arg6[%dma_start3A_68, %dma_start3A_75] : memref<16x16xi32, #tpu.memory_space<vmem>> -> memref<1x16xi32, #tpu.memory_space<vmem>>
    %dma_start3A_77 = tpu.memref_squeeze %dma_start3A_76 : memref<1x16xi32, #tpu.memory_space<vmem>> -> memref<16xi32, #tpu.memory_space<vmem>>
    %dma_start3A_78 = arith.constant 0 : i32
    %dma_start3A_79 = arith.constant 0 : i32
    %dma_start3A_80 = tpu.memref_slice %arg3[%dma_start3A_78, %dma_start3A_79] : memref<100000x1024xf32, #tpu.memory_space<hbm>> -> memref<100000x1024xf32, #tpu.memory_space<hbm>>
    %dma_start3A_81 = tpu.memref_slice %arg10[%dma_start3A_70] : memref<6x!tpu.dma_semaphore, #tpu.memory_space<semaphore_mem>> -> memref<1x!tpu.dma_semaphore, #tpu.memory_space<semaphore_mem>>
    %dma_start3A_82 = tpu.memref_squeeze %dma_start3A_81 : memref<1x!tpu.dma_semaphore, #tpu.memory_space<semaphore_mem>> -> memref<!tpu.dma_semaphore, #tpu.memory_space<semaphore_mem>>
    tpu.enqueue_indirect_dma source(%dma_start3A_80 : memref<100000x1024xf32, #tpu.memory_space<hbm>>) target(%dma_start3A_74 : memref<16x1024xf32, #tpu.memory_space<vmem>>) offsets(%dma_start3A_77 : memref<16xi32, #tpu.memory_space<vmem>>) semaphore(%dma_start3A_82 : memref<!tpu.dma_semaphore, #tpu.memory_space<semaphore_mem>>)
    %add3A_83 = arith.constant 8 : i32
    %add3A_84 = arith.addi %mul3A_2, %add3A_83 : i32
    %dma_start3A_85 = arith.constant 2 : i32
    %dma_start3A_86 = arith.constant 2 : i32
    %dma_start3A_87 = arith.constant 0 : i32
    %dma_start3A_88 = arith.constant 0 : i32
    %dma_start3A_89 = tpu.memref_slice %arg9[%dma_start3A_85, %dma_start3A_87, %dma_start3A_88] : memref<6x4x1024xf32, #tpu.memory_space<vmem>> -> memref<1x4x1024xf32, #tpu.memory_space<vmem>>
    %dma_start3A_90 = tpu.memref_squeeze %dma_start3A_89 : memref<1x4x1024xf32, #tpu.memory_space<vmem>> -> memref<4x1024xf32, #tpu.memory_space<vmem>>
    %dma_start3A_91 = arith.constant 0 : i32
    %dma_start3A_92 = tpu.memref_slice %arg4[%add3A_84, %dma_start3A_91] : memref<2048x1024xf32, #tpu.memory_space<hbm>> -> memref<4x1024xf32, #tpu.memory_space<hbm>>
    %dma_start3A_93 = tpu.memref_slice %arg12[%dma_start3A_86] : memref<6x!tpu.dma_semaphore, #tpu.memory_space<semaphore_mem>> -> memref<1x!tpu.dma_semaphore, #tpu.memory_space<semaphore_mem>>
    %dma_start3A_94 = tpu.memref_squeeze %dma_start3A_93 : memref<1x!tpu.dma_semaphore, #tpu.memory_space<semaphore_mem>> -> memref<!tpu.dma_semaphore, #tpu.memory_space<semaphore_mem>>
    %dma_start3A_95 = arith.constant 0 : i32
    %dma_start3A_96 = arith.constant 0 : i32
    %dma_start3A_97 = tpu.memref_slice %arg9[%dma_start3A_85, %dma_start3A_95, %dma_start3A_96] : memref<6x4x1024xf32, #tpu.memory_space<vmem>> -> memref<1x4x1024xf32, #tpu.memory_space<vmem>>
    %dma_start3A_98 = tpu.memref_squeeze %dma_start3A_97 : memref<1x4x1024xf32, #tpu.memory_space<vmem>> -> memref<4x1024xf32, #tpu.memory_space<vmem>>
    %dma_start3A_99 = arith.constant 0 : i32
    %dma_start3A_100 = tpu.memref_slice %arg4[%add3A_84, %dma_start3A_99] : memref<2048x1024xf32, #tpu.memory_space<hbm>> -> memref<4x1024xf32, #tpu.memory_space<hbm>>
    tpu.enqueue_dma source(%dma_start3A_100 : memref<4x1024xf32, #tpu.memory_space<hbm>>) target(%dma_start3A_98 : memref<4x1024xf32, #tpu.memory_space<vmem>>) target_semaphore(%dma_start3A_94 : memref<!tpu.dma_semaphore, #tpu.memory_space<semaphore_mem>>)
    %dma_start3A_101 = arith.constant 3 : i32
    %dma_start3A_102 = arith.constant 3 : i32
    %dma_start3A_103 = arith.constant 3 : i32
    %dma_start3A_104 = arith.constant 0 : i32
    %dma_start3A_105 = arith.constant 0 : i32
    %dma_start3A_106 = tpu.memref_slice %arg8[%dma_start3A_102, %dma_start3A_104, %dma_start3A_105] : memref<6x16x1024xf32, #tpu.memory_space<vmem>> -> memref<1x16x1024xf32, #tpu.memory_space<vmem>>
    %dma_start3A_107 = tpu.memref_squeeze %dma_start3A_106 : memref<1x16x1024xf32, #tpu.memory_space<vmem>> -> memref<16x1024xf32, #tpu.memory_space<vmem>>
    %dma_start3A_108 = arith.constant 0 : i32
    %dma_start3A_109 = tpu.memref_slice %arg6[%dma_start3A_101, %dma_start3A_108] : memref<16x16xi32, #tpu.memory_space<vmem>> -> memref<1x16xi32, #tpu.memory_space<vmem>>
    %dma_start3A_110 = tpu.memref_squeeze %dma_start3A_109 : memref<1x16xi32, #tpu.memory_space<vmem>> -> memref<16xi32, #tpu.memory_space<vmem>>
    %dma_start3A_111 = arith.constant 0 : i32
    %dma_start3A_112 = arith.constant 0 : i32
    %dma_start3A_113 = tpu.memref_slice %arg3[%dma_start3A_111, %dma_start3A_112] : memref<100000x1024xf32, #tpu.memory_space<hbm>> -> memref<100000x1024xf32, #tpu.memory_space<hbm>>
    %dma_start3A_114 = tpu.memref_slice %arg10[%dma_start3A_103] : memref<6x!tpu.dma_semaphore, #tpu.memory_space<semaphore_mem>> -> memref<1x!tpu.dma_semaphore, #tpu.memory_space<semaphore_mem>>
    %dma_start3A_115 = tpu.memref_squeeze %dma_start3A_114 : memref<1x!tpu.dma_semaphore, #tpu.memory_space<semaphore_mem>> -> memref<!tpu.dma_semaphore, #tpu.memory_space<semaphore_mem>>
    tpu.enqueue_indirect_dma source(%dma_start3A_113 : memref<100000x1024xf32, #tpu.memory_space<hbm>>) target(%dma_start3A_107 : memref<16x1024xf32, #tpu.memory_space<vmem>>) offsets(%dma_start3A_110 : memref<16xi32, #tpu.memory_space<vmem>>) semaphore(%dma_start3A_115 : memref<!tpu.dma_semaphore, #tpu.memory_space<semaphore_mem>>)
    %add3A_116 = arith.constant 12 : i32
    %add3A_117 = arith.addi %mul3A_2, %add3A_116 : i32
    %dma_start3A_118 = arith.constant 3 : i32
    %dma_start3A_119 = arith.constant 3 : i32
    %dma_start3A_120 = arith.constant 0 : i32
    %dma_start3A_121 = arith.constant 0 : i32
    %dma_start3A_122 = tpu.memref_slice %arg9[%dma_start3A_118, %dma_start3A_120, %dma_start3A_121] : memref<6x4x1024xf32, #tpu.memory_space<vmem>> -> memref<1x4x1024xf32, #tpu.memory_space<vmem>>
    %dma_start3A_123 = tpu.memref_squeeze %dma_start3A_122 : memref<1x4x1024xf32, #tpu.memory_space<vmem>> -> memref<4x1024xf32, #tpu.memory_space<vmem>>
    %dma_start3A_124 = arith.constant 0 : i32
    %dma_start3A_125 = tpu.memref_slice %arg4[%add3A_117, %dma_start3A_124] : memref<2048x1024xf32, #tpu.memory_space<hbm>> -> memref<4x1024xf32, #tpu.memory_space<hbm>>
    %dma_start3A_126 = tpu.memref_slice %arg12[%dma_start3A_119] : memref<6x!tpu.dma_semaphore, #tpu.memory_space<semaphore_mem>> -> memref<1x!tpu.dma_semaphore, #tpu.memory_space<semaphore_mem>>
    %dma_start3A_127 = tpu.memref_squeeze %dma_start3A_126 : memref<1x!tpu.dma_semaphore, #tpu.memory_space<semaphore_mem>> -> memref<!tpu.dma_semaphore, #tpu.memory_space<semaphore_mem>>
    %dma_start3A_128 = arith.constant 0 : i32
    %dma_start3A_129 = arith.constant 0 : i32
    %dma_start3A_130 = tpu.memref_slice %arg9[%dma_start3A_118, %dma_start3A_128, %dma_start3A_129] : memref<6x4x1024xf32, #tpu.memory_space<vmem>> -> memref<1x4x1024xf32, #tpu.memory_space<vmem>>
    %dma_start3A_131 = tpu.memref_squeeze %dma_start3A_130 : memref<1x4x1024xf32, #tpu.memory_space<vmem>> -> memref<4x1024xf32, #tpu.memory_space<vmem>>
    %dma_start3A_132 = arith.constant 0 : i32
    %dma_start3A_133 = tpu.memref_slice %arg4[%add3A_117, %dma_start3A_132] : memref<2048x1024xf32, #tpu.memory_space<hbm>> -> memref<4x1024xf32, #tpu.memory_space<hbm>>
    tpu.enqueue_dma source(%dma_start3A_133 : memref<4x1024xf32, #tpu.memory_space<hbm>>) target(%dma_start3A_131 : memref<4x1024xf32, #tpu.memory_space<vmem>>) target_semaphore(%dma_start3A_127 : memref<!tpu.dma_semaphore, #tpu.memory_space<semaphore_mem>>)
    %dma_start3A_134 = arith.constant 4 : i32
    %dma_start3A_135 = arith.constant 4 : i32
    %dma_start3A_136 = arith.constant 4 : i32
    %dma_start3A_137 = arith.constant 0 : i32
    %dma_start3A_138 = arith.constant 0 : i32
    %dma_start3A_139 = tpu.memref_slice %arg8[%dma_start3A_135, %dma_start3A_137, %dma_start3A_138] : memref<6x16x1024xf32, #tpu.memory_space<vmem>> -> memref<1x16x1024xf32, #tpu.memory_space<vmem>>
    %dma_start3A_140 = tpu.memref_squeeze %dma_start3A_139 : memref<1x16x1024xf32, #tpu.memory_space<vmem>> -> memref<16x1024xf32, #tpu.memory_space<vmem>>
    %dma_start3A_141 = arith.constant 0 : i32
    %dma_start3A_142 = tpu.memref_slice %arg6[%dma_start3A_134, %dma_start3A_141] : memref<16x16xi32, #tpu.memory_space<vmem>> -> memref<1x16xi32, #tpu.memory_space<vmem>>
    %dma_start3A_143 = tpu.memref_squeeze %dma_start3A_142 : memref<1x16xi32, #tpu.memory_space<vmem>> -> memref<16xi32, #tpu.memory_space<vmem>>
    %dma_start3A_144 = arith.constant 0 : i32
    %dma_start3A_145 = arith.constant 0 : i32
    %dma_start3A_146 = tpu.memref_slice %arg3[%dma_start3A_144, %dma_start3A_145] : memref<100000x1024xf32, #tpu.memory_space<hbm>> -> memref<100000x1024xf32, #tpu.memory_space<hbm>>
    %dma_start3A_147 = tpu.memref_slice %arg10[%dma_start3A_136] : memref<6x!tpu.dma_semaphore, #tpu.memory_space<semaphore_mem>> -> memref<1x!tpu.dma_semaphore, #tpu.memory_space<semaphore_mem>>
    %dma_start3A_148 = tpu.memref_squeeze %dma_start3A_147 : memref<1x!tpu.dma_semaphore, #tpu.memory_space<semaphore_mem>> -> memref<!tpu.dma_semaphore, #tpu.memory_space<semaphore_mem>>
    tpu.enqueue_indirect_dma source(%dma_start3A_146 : memref<100000x1024xf32, #tpu.memory_space<hbm>>) target(%dma_start3A_140 : memref<16x1024xf32, #tpu.memory_space<vmem>>) offsets(%dma_start3A_143 : memref<16xi32, #tpu.memory_space<vmem>>) semaphore(%dma_start3A_148 : memref<!tpu.dma_semaphore, #tpu.memory_space<semaphore_mem>>)
    %add3A_149 = arith.constant 16 : i32
    %add3A_150 = arith.addi %mul3A_2, %add3A_149 : i32
    %dma_start3A_151 = arith.constant 4 : i32
    %dma_start3A_152 = arith.constant 4 : i32
    %dma_start3A_153 = arith.constant 0 : i32
    %dma_start3A_154 = arith.constant 0 : i32
    %dma_start3A_155 = tpu.memref_slice %arg9[%dma_start3A_151, %dma_start3A_153, %dma_start3A_154] : memref<6x4x1024xf32, #tpu.memory_space<vmem>> -> memref<1x4x1024xf32, #tpu.memory_space<vmem>>
    %dma_start3A_156 = tpu.memref_squeeze %dma_start3A_155 : memref<1x4x1024xf32, #tpu.memory_space<vmem>> -> memref<4x1024xf32, #tpu.memory_space<vmem>>
    %dma_start3A_157 = arith.constant 0 : i32
    %dma_start3A_158 = tpu.memref_slice %arg4[%add3A_150, %dma_start3A_157] : memref<2048x1024xf32, #tpu.memory_space<hbm>> -> memref<4x1024xf32, #tpu.memory_space<hbm>>
    %dma_start3A_159 = tpu.memref_slice %arg12[%dma_start3A_152] : memref<6x!tpu.dma_semaphore, #tpu.memory_space<semaphore_mem>> -> memref<1x!tpu.dma_semaphore, #tpu.memory_space<semaphore_mem>>
    %dma_start3A_160 = tpu.memref_squeeze %dma_start3A_159 : memref<1x!tpu.dma_semaphore, #tpu.memory_space<semaphore_mem>> -> memref<!tpu.dma_semaphore, #tpu.memory_space<semaphore_mem>>
    %dma_start3A_161 = arith.constant 0 : i32
    %dma_start3A_162 = arith.constant 0 : i32
    %dma_start3A_163 = tpu.memref_slice %arg9[%dma_start3A_151, %dma_start3A_161, %dma_start3A_162] : memref<6x4x1024xf32, #tpu.memory_space<vmem>> -> memref<1x4x1024xf32, #tpu.memory_space<vmem>>
    %dma_start3A_164 = tpu.memref_squeeze %dma_start3A_163 : memref<1x4x1024xf32, #tpu.memory_space<vmem>> -> memref<4x1024xf32, #tpu.memory_space<vmem>>
    %dma_start3A_165 = arith.constant 0 : i32
    %dma_start3A_166 = tpu.memref_slice %arg4[%add3A_150, %dma_start3A_165] : memref<2048x1024xf32, #tpu.memory_space<hbm>> -> memref<4x1024xf32, #tpu.memory_space<hbm>>
    tpu.enqueue_dma source(%dma_start3A_166 : memref<4x1024xf32, #tpu.memory_space<hbm>>) target(%dma_start3A_164 : memref<4x1024xf32, #tpu.memory_space<vmem>>) target_semaphore(%dma_start3A_160 : memref<!tpu.dma_semaphore, #tpu.memory_space<semaphore_mem>>)
    %get3A = arith.constant 0 : i32
    %get3A_167 = arith.index_cast %get3A : i32 to index
    %get3A_168 = arith.constant 0 : index
    %get3A_169 = tpu.vector_load %arg6[%get3A_167, %get3A_168] {strides = array<i32>} : memref<16x16xi32, #tpu.memory_space<vmem>>, vector<16xi32>,
    %eq3A = arith.constant 1 : i32
    %eq3A_170 = vector.broadcast %eq3A : i32 to vector<16xi32>
    %eq3A_171 = arith.cmpi eq, %get3A_169, %eq3A_170 : vector<16xi32>
    %jit3A = arith.constant 1 : i32
    %jit3A_172 = arith.constant 0 : i32
    %broadcast_in_dim3A = vector.broadcast %jit3A : i32 to vector<16xi32>
    %broadcast_in_dim3A_173 = vector.broadcast %jit3A_172 : i32 to vector<16xi32>
    %select_n3A = arith.select %eq3A_171, %broadcast_in_dim3A, %broadcast_in_dim3A_173 : vector<16xi1>, vector<16xi32>
    %convert_element_type3A = arith.sitofp %select_n3A : vector<16xi32> to vector<16xf32>
    %sub3A = arith.constant 1.000000e+00 : f32
    %sub3A_174 = vector.broadcast %sub3A : f32 to vector<16xf32>
    %sub3A_175 = arith.subf %sub3A_174, %convert_element_type3A : vector<16xf32>
    %swap3A = arith.constant 0 : index
    %swap3A_176 = tpu.vector_load %arg7[%swap3A] {strides = array<i32>} : memref<256xf32, #tpu.memory_space<vmem>>, vector<16xf32>,
    tpu.vector_store %arg7[%swap3A], %sub3A_175 {strides = array<i32>} : memref<256xf32, #tpu.memory_space<vmem>>, vector<16xf32>,
    %reduce_sum3A = arith.constant true
    %reduce_sum3A_177 = vector.broadcast %reduce_sum3A : i1 to vector<16xi1>
    %reduce_sum3A_178 = tpu.scan <sum>, %select_n3A masked %reduce_sum3A_177 : vector<16xi32>, vector<16xi1> -> vector<16xi32>
    %reduce_sum3A_179 = vector.extract %reduce_sum3A_178[15] : i32 from vector<16xi32>
    %add3A_180 = arith.constant 0 : i32
    %add3A_181 = arith.addi %add3A_180, %reduce_sum3A_179 : i32
    %get3A_182 = arith.constant 1 : i32
    %get3A_183 = arith.index_cast %get3A_182 : i32 to index
    %get3A_184 = arith.constant 0 : index
    %get3A_185 = tpu.vector_load %arg6[%get3A_183, %get3A_184] {strides = array<i32>} : memref<16x16xi32, #tpu.memory_space<vmem>>, vector<16xi32>,
    %eq3A_186 = arith.constant 1 : i32
    %eq3A_187 = vector.broadcast %eq3A_186 : i32 to vector<16xi32>
    %eq3A_188 = arith.cmpi eq, %get3A_185, %eq3A_187 : vector<16xi32>
    %jit3A_189 = arith.constant 1 : i32
    %jit3A_190 = arith.constant 0 : i32
    %broadcast_in_dim3A_191 = vector.broadcast %jit3A_189 : i32 to vector<16xi32>
    %broadcast_in_dim3A_192 = vector.broadcast %jit3A_190 : i32 to vector<16xi32>
    %select_n3A_193 = arith.select %eq3A_188, %broadcast_in_dim3A_191, %broadcast_in_dim3A_192 : vector<16xi1>, vector<16xi32>
    %convert_element_type3A_194 = arith.sitofp %select_n3A_193 : vector<16xi32> to vector<16xf32>
    %sub3A_195 = arith.constant 1.000000e+00 : f32
    %sub3A_196 = vector.broadcast %sub3A_195 : f32 to vector<16xf32>
    %sub3A_197 = arith.subf %sub3A_196, %convert_element_type3A_194 : vector<16xf32>
    %swap3A_198 = arith.constant 16 : index
    %swap3A_199 = tpu.vector_load %arg7[%swap3A_198] {strides = array<i32>} : memref<256xf32, #tpu.memory_space<vmem>>, vector<16xf32>,
    tpu.vector_store %arg7[%swap3A_198], %sub3A_197 {strides = array<i32>} : memref<256xf32, #tpu.memory_space<vmem>>, vector<16xf32>,
    %reduce_sum3A_200 = arith.constant true
    %reduce_sum3A_201 = vector.broadcast %reduce_sum3A_200 : i1 to vector<16xi1>
    %reduce_sum3A_202 = tpu.scan <sum>, %select_n3A_193 masked %reduce_sum3A_201 : vector<16xi32>, vector<16xi1> -> vector<16xi32>
    %reduce_sum3A_203 = vector.extract %reduce_sum3A_202[15] : i32 from vector<16xi32>
    %add3A_204 = arith.addi %add3A_181, %reduce_sum3A_203 : i32
    %get3A_205 = arith.constant 2 : i32
    %get3A_206 = arith.index_cast %get3A_205 : i32 to index
    %get3A_207 = arith.constant 0 : index
    %get3A_208 = tpu.vector_load %arg6[%get3A_206, %get3A_207] {strides = array<i32>} : memref<16x16xi32, #tpu.memory_space<vmem>>, vector<16xi32>,
    %eq3A_209 = arith.constant 1 : i32
    %eq3A_210 = vector.broadcast %eq3A_209 : i32 to vector<16xi32>
    %eq3A_211 = arith.cmpi eq, %get3A_208, %eq3A_210 : vector<16xi32>
    %jit3A_212 = arith.constant 1 : i32
    %jit3A_213 = arith.constant 0 : i32
    %broadcast_in_dim3A_214 = vector.broadcast %jit3A_212 : i32 to vector<16xi32>
    %broadcast_in_dim3A_215 = vector.broadcast %jit3A_213 : i32 to vector<16xi32>
    %select_n3A_216 = arith.select %eq3A_211, %broadcast_in_dim3A_214, %broadcast_in_dim3A_215 : vector<16xi1>, vector<16xi32>
    %convert_element_type3A_217 = arith.sitofp %select_n3A_216 : vector<16xi32> to vector<16xf32>
    %sub3A_218 = arith.constant 1.000000e+00 : f32
    %sub3A_219 = vector.broadcast %sub3A_218 : f32 to vector<16xf32>
    %sub3A_220 = arith.subf %sub3A_219, %convert_element_type3A_217 : vector<16xf32>
    %swap3A_221 = arith.constant 32 : index
    %swap3A_222 = tpu.vector_load %arg7[%swap3A_221] {strides = array<i32>} : memref<256xf32, #tpu.memory_space<vmem>>, vector<16xf32>,
    tpu.vector_store %arg7[%swap3A_221], %sub3A_220 {strides = array<i32>} : memref<256xf32, #tpu.memory_space<vmem>>, vector<16xf32>,
    %reduce_sum3A_223 = arith.constant true
    %reduce_sum3A_224 = vector.broadcast %reduce_sum3A_223 : i1 to vector<16xi1>
    %reduce_sum3A_225 = tpu.scan <sum>, %select_n3A_216 masked %reduce_sum3A_224 : vector<16xi32>, vector<16xi1> -> vector<16xi32>
    %reduce_sum3A_226 = vector.extract %reduce_sum3A_225[15] : i32 from vector<16xi32>
    %add3A_227 = arith.addi %add3A_204, %reduce_sum3A_226 : i32
    %get3A_228 = arith.constant 3 : i32
    %get3A_229 = arith.index_cast %get3A_228 : i32 to index
    %get3A_230 = arith.constant 0 : index
    %get3A_231 = tpu.vector_load %arg6[%get3A_229, %get3A_230] {strides = array<i32>} : memref<16x16xi32, #tpu.memory_space<vmem>>, vector<16xi32>,
    %eq3A_232 = arith.constant 1 : i32
    %eq3A_233 = vector.broadcast %eq3A_232 : i32 to vector<16xi32>
    %eq3A_234 = arith.cmpi eq, %get3A_231, %eq3A_233 : vector<16xi32>
    %jit3A_235 = arith.constant 1 : i32
    %jit3A_236 = arith.constant 0 : i32
    %broadcast_in_dim3A_237 = vector.broadcast %jit3A_235 : i32 to vector<16xi32>
    %broadcast_in_dim3A_238 = vector.broadcast %jit3A_236 : i32 to vector<16xi32>
    %select_n3A_239 = arith.select %eq3A_234, %broadcast_in_dim3A_237, %broadcast_in_dim3A_238 : vector<16xi1>, vector<16xi32>
    %convert_element_type3A_240 = arith.sitofp %select_n3A_239 : vector<16xi32> to vector<16xf32>
    %sub3A_241 = arith.constant 1.000000e+00 : f32
    %sub3A_242 = vector.broadcast %sub3A_241 : f32 to vector<16xf32>
    %sub3A_243 = arith.subf %sub3A_242, %convert_element_type3A_240 : vector<16xf32>
    %swap3A_244 = arith.constant 48 : index
    %swap3A_245 = tpu.vector_load %arg7[%swap3A_244] {strides = array<i32>} : memref<256xf32, #tpu.memory_space<vmem>>, vector<16xf32>,
    tpu.vector_store %arg7[%swap3A_244], %sub3A_243 {strides = array<i32>} : memref<256xf32, #tpu.memory_space<vmem>>, vector<16xf32>,
    %reduce_sum3A_246 = arith.constant true
    %reduce_sum3A_247 = vector.broadcast %reduce_sum3A_246 : i1 to vector<16xi1>
    %reduce_sum3A_248 = tpu.scan <sum>, %select_n3A_239 masked %reduce_sum3A_247 : vector<16xi32>, vector<16xi1> -> vector<16xi32>
    %reduce_sum3A_249 = vector.extract %reduce_sum3A_248[15] : i32 from vector<16xi32>
    %add3A_250 = arith.addi %add3A_227, %reduce_sum3A_249 : i32
    %get3A_251 = arith.constant 4 : i32
    %get3A_252 = arith.index_cast %get3A_251 : i32 to index
    %get3A_253 = arith.constant 0 : index
    %get3A_254 = tpu.vector_load %arg6[%get3A_252, %get3A_253] {strides = array<i32>} : memref<16x16xi32, #tpu.memory_space<vmem>>, vector<16xi32>,
    %eq3A_255 = arith.constant 1 : i32
    %eq3A_256 = vector.broadcast %eq3A_255 : i32 to vector<16xi32>
    %eq3A_257 = arith.cmpi eq, %get3A_254, %eq3A_256 : vector<16xi32>
    %jit3A_258 = arith.constant 1 : i32
    %jit3A_259 = arith.constant 0 : i32
    %broadcast_in_dim3A_260 = vector.broadcast %jit3A_258 : i32 to vector<16xi32>
    %broadcast_in_dim3A_261 = vector.broadcast %jit3A_259 : i32 to vector<16xi32>
    %select_n3A_262 = arith.select %eq3A_257, %broadcast_in_dim3A_260, %broadcast_in_dim3A_261 : vector<16xi1>, vector<16xi32>
    %convert_element_type3A_263 = arith.sitofp %select_n3A_262 : vector<16xi32> to vector<16xf32>
    %sub3A_264 = arith.constant 1.000000e+00 : f32
    %sub3A_265 = vector.broadcast %sub3A_264 : f32 to vector<16xf32>
    %sub3A_266 = arith.subf %sub3A_265, %convert_element_type3A_263 : vector<16xf32>
    %swap3A_267 = arith.constant 64 : index
    %swap3A_268 = tpu.vector_load %arg7[%swap3A_267] {strides = array<i32>} : memref<256xf32, #tpu.memory_space<vmem>>, vector<16xf32>,
    tpu.vector_store %arg7[%swap3A_267], %sub3A_266 {strides = array<i32>} : memref<256xf32, #tpu.memory_space<vmem>>, vector<16xf32>,
    %reduce_sum3A_269 = arith.constant true
    %reduce_sum3A_270 = vector.broadcast %reduce_sum3A_269 : i1 to vector<16xi1>
    %reduce_sum3A_271 = tpu.scan <sum>, %select_n3A_262 masked %reduce_sum3A_270 : vector<16xi32>, vector<16xi1> -> vector<16xi32>
    %reduce_sum3A_272 = vector.extract %reduce_sum3A_271[15] : i32 from vector<16xi32>
    %add3A_273 = arith.addi %add3A_250, %reduce_sum3A_272 : i32
    %get3A_274 = arith.constant 5 : i32
    %get3A_275 = arith.index_cast %get3A_274 : i32 to index
    %get3A_276 = arith.constant 0 : index
    %get3A_277 = tpu.vector_load %arg6[%get3A_275, %get3A_276] {strides = array<i32>} : memref<16x16xi32, #tpu.memory_space<vmem>>, vector<16xi32>,
    %eq3A_278 = arith.constant 1 : i32
    %eq3A_279 = vector.broadcast %eq3A_278 : i32 to vector<16xi32>
    %eq3A_280 = arith.cmpi eq, %get3A_277, %eq3A_279 : vector<16xi32>
    %jit3A_281 = arith.constant 1 : i32
    %jit3A_282 = arith.constant 0 : i32
    %broadcast_in_dim3A_283 = vector.broadcast %jit3A_281 : i32 to vector<16xi32>
    %broadcast_in_dim3A_284 = vector.broadcast %jit3A_282 : i32 to vector<16xi32>
    %select_n3A_285 = arith.select %eq3A_280, %broadcast_in_dim3A_283, %broadcast_in_dim3A_284 : vector<16xi1>, vector<16xi32>
    %convert_element_type3A_286 = arith.sitofp %select_n3A_285 : vector<16xi32> to vector<16xf32>
    %sub3A_287 = arith.constant 1.000000e+00 : f32
    %sub3A_288 = vector.broadcast %sub3A_287 : f32 to vector<16xf32>
    %sub3A_289 = arith.subf %sub3A_288, %convert_element_type3A_286 : vector<16xf32>
    %swap3A_290 = arith.constant 80 : index
    %swap3A_291 = tpu.vector_load %arg7[%swap3A_290] {strides = array<i32>} : memref<256xf32, #tpu.memory_space<vmem>>, vector<16xf32>,
    tpu.vector_store %arg7[%swap3A_290], %sub3A_289 {strides = array<i32>} : memref<256xf32, #tpu.memory_space<vmem>>, vector<16xf32>,
    %reduce_sum3A_292 = arith.constant true
    %reduce_sum3A_293 = vector.broadcast %reduce_sum3A_292 : i1 to vector<16xi1>
    %reduce_sum3A_294 = tpu.scan <sum>, %select_n3A_285 masked %reduce_sum3A_293 : vector<16xi32>, vector<16xi1> -> vector<16xi32>
    %reduce_sum3A_295 = vector.extract %reduce_sum3A_294[15] : i32 from vector<16xi32>
    %add3A_296 = arith.addi %add3A_273, %reduce_sum3A_295 : i32
    %get3A_297 = arith.constant 6 : i32
    %get3A_298 = arith.index_cast %get3A_297 : i32 to index
    %get3A_299 = arith.constant 0 : index
    %get3A_300 = tpu.vector_load %arg6[%get3A_298, %get3A_299] {strides = array<i32>} : memref<16x16xi32, #tpu.memory_space<vmem>>, vector<16xi32>,
    %eq3A_301 = arith.constant 1 : i32
    %eq3A_302 = vector.broadcast %eq3A_301 : i32 to vector<16xi32>
    %eq3A_303 = arith.cmpi eq, %get3A_300, %eq3A_302 : vector<16xi32>
    %jit3A_304 = arith.constant 1 : i32
    %jit3A_305 = arith.constant 0 : i32
    %broadcast_in_dim3A_306 = vector.broadcast %jit3A_304 : i32 to vector<16xi32>
    %broadcast_in_dim3A_307 = vector.broadcast %jit3A_305 : i32 to vector<16xi32>
    %select_n3A_308 = arith.select %eq3A_303, %broadcast_in_dim3A_306, %broadcast_in_dim3A_307 : vector<16xi1>, vector<16xi32>
    %convert_element_type3A_309 = arith.sitofp %select_n3A_308 : vector<16xi32> to vector<16xf32>
    %sub3A_310 = arith.constant 1.000000e+00 : f32
    %sub3A_311 = vector.broadcast %sub3A_310 : f32 to vector<16xf32>
    %sub3A_312 = arith.subf %sub3A_311, %convert_element_type3A_309 : vector<16xf32>
    %swap3A_313 = arith.constant 96 : index
    %swap3A_314 = tpu.vector_load %arg7[%swap3A_313] {strides = array<i32>} : memref<256xf32, #tpu.memory_space<vmem>>, vector<16xf32>,
    tpu.vector_store %arg7[%swap3A_313], %sub3A_312 {strides = array<i32>} : memref<256xf32, #tpu.memory_space<vmem>>, vector<16xf32>,
    %reduce_sum3A_315 = arith.constant true
    %reduce_sum3A_316 = vector.broadcast %reduce_sum3A_315 : i1 to vector<16xi1>
    %reduce_sum3A_317 = tpu.scan <sum>, %select_n3A_308 masked %reduce_sum3A_316 : vector<16xi32>, vector<16xi1> -> vector<16xi32>
    %reduce_sum3A_318 = vector.extract %reduce_sum3A_317[15] : i32 from vector<16xi32>
    %add3A_319 = arith.addi %add3A_296, %reduce_sum3A_318 : i32
    %get3A_320 = arith.constant 7 : i32
    %get3A_321 = arith.index_cast %get3A_320 : i32 to index
    %get3A_322 = arith.constant 0 : index
    %get3A_323 = tpu.vector_load %arg6[%get3A_321, %get3A_322] {strides = array<i32>} : memref<16x16xi32, #tpu.memory_space<vmem>>, vector<16xi32>,
    %eq3A_324 = arith.constant 1 : i32
    %eq3A_325 = vector.broadcast %eq3A_324 : i32 to vector<16xi32>
    %eq3A_326 = arith.cmpi eq, %get3A_323, %eq3A_325 : vector<16xi32>
    %jit3A_327 = arith.constant 1 : i32
    %jit3A_328 = arith.constant 0 : i32
    %broadcast_in_dim3A_329 = vector.broadcast %jit3A_327 : i32 to vector<16xi32>
    %broadcast_in_dim3A_330 = vector.broadcast %jit3A_328 : i32 to vector<16xi32>
    %select_n3A_331 = arith.select %eq3A_326, %broadcast_in_dim3A_329, %broadcast_in_dim3A_330 : vector<16xi1>, vector<16xi32>
    %convert_element_type3A_332 = arith.sitofp %select_n3A_331 : vector<16xi32> to vector<16xf32>
    %sub3A_333 = arith.constant 1.000000e+00 : f32
    %sub3A_334 = vector.broadcast %sub3A_333 : f32 to vector<16xf32>
    %sub3A_335 = arith.subf %sub3A_334, %convert_element_type3A_332 : vector<16xf32>
    %swap3A_336 = arith.constant 112 : index
    %swap3A_337 = tpu.vector_load %arg7[%swap3A_336] {strides = array<i32>} : memref<256xf32, #tpu.memory_space<vmem>>, vector<16xf32>,
    tpu.vector_store %arg7[%swap3A_336], %sub3A_335 {strides = array<i32>} : memref<256xf32, #tpu.memory_space<vmem>>, vector<16xf32>,
    %reduce_sum3A_338 = arith.constant true
    %reduce_sum3A_339 = vector.broadcast %reduce_sum3A_338 : i1 to vector<16xi1>
    %reduce_sum3A_340 = tpu.scan <sum>, %select_n3A_331 masked %reduce_sum3A_339 : vector<16xi32>, vector<16xi1> -> vector<16xi32>
    %reduce_sum3A_341 = vector.extract %reduce_sum3A_340[15] : i32 from vector<16xi32>
    %add3A_342 = arith.addi %add3A_319, %reduce_sum3A_341 : i32
    %get3A_343 = arith.constant 8 : i32
    %get3A_344 = arith.index_cast %get3A_343 : i32 to index
    %get3A_345 = arith.constant 0 : index
    %get3A_346 = tpu.vector_load %arg6[%get3A_344, %get3A_345] {strides = array<i32>} : memref<16x16xi32, #tpu.memory_space<vmem>>, vector<16xi32>,
    %eq3A_347 = arith.constant 1 : i32
    %eq3A_348 = vector.broadcast %eq3A_347 : i32 to vector<16xi32>
    %eq3A_349 = arith.cmpi eq, %get3A_346, %eq3A_348 : vector<16xi32>
    %jit3A_350 = arith.constant 1 : i32
    %jit3A_351 = arith.constant 0 : i32
    %broadcast_in_dim3A_352 = vector.broadcast %jit3A_350 : i32 to vector<16xi32>
    %broadcast_in_dim3A_353 = vector.broadcast %jit3A_351 : i32 to vector<16xi32>
    %select_n3A_354 = arith.select %eq3A_349, %broadcast_in_dim3A_352, %broadcast_in_dim3A_353 : vector<16xi1>, vector<16xi32>
    %convert_element_type3A_355 = arith.sitofp %select_n3A_354 : vector<16xi32> to vector<16xf32>
    %sub3A_356 = arith.constant 1.000000e+00 : f32
    %sub3A_357 = vector.broadcast %sub3A_356 : f32 to vector<16xf32>
    %sub3A_358 = arith.subf %sub3A_357, %convert_element_type3A_355 : vector<16xf32>
    %swap3A_359 = arith.constant 128 : index
    %swap3A_360 = tpu.vector_load %arg7[%swap3A_359] {strides = array<i32>} : memref<256xf32, #tpu.memory_space<vmem>>, vector<16xf32>,
    tpu.vector_store %arg7[%swap3A_359], %sub3A_358 {strides = array<i32>} : memref<256xf32, #tpu.memory_space<vmem>>, vector<16xf32>,
    %reduce_sum3A_361 = arith.constant true
    %reduce_sum3A_362 = vector.broadcast %reduce_sum3A_361 : i1 to vector<16xi1>
    %reduce_sum3A_363 = tpu.scan <sum>, %select_n3A_354 masked %reduce_sum3A_362 : vector<16xi32>, vector<16xi1> -> vector<16xi32>
    %reduce_sum3A_364 = vector.extract %reduce_sum3A_363[15] : i32 from vector<16xi32>
    %add3A_365 = arith.addi %add3A_342, %reduce_sum3A_364 : i32
    %get3A_366 = arith.constant 9 : i32
    %get3A_367 = arith.index_cast %get3A_366 : i32 to index
    %get3A_368 = arith.constant 0 : index
    %get3A_369 = tpu.vector_load %arg6[%get3A_367, %get3A_368] {strides = array<i32>} : memref<16x16xi32, #tpu.memory_space<vmem>>, vector<16xi32>,
    %eq3A_370 = arith.constant 1 : i32
    %eq3A_371 = vector.broadcast %eq3A_370 : i32 to vector<16xi32>
    %eq3A_372 = arith.cmpi eq, %get3A_369, %eq3A_371 : vector<16xi32>
    %jit3A_373 = arith.constant 1 : i32
    %jit3A_374 = arith.constant 0 : i32
    %broadcast_in_dim3A_375 = vector.broadcast %jit3A_373 : i32 to vector<16xi32>
    %broadcast_in_dim3A_376 = vector.broadcast %jit3A_374 : i32 to vector<16xi32>
    %select_n3A_377 = arith.select %eq3A_372, %broadcast_in_dim3A_375, %broadcast_in_dim3A_376 : vector<16xi1>, vector<16xi32>
    %convert_element_type3A_378 = arith.sitofp %select_n3A_377 : vector<16xi32> to vector<16xf32>
    %sub3A_379 = arith.constant 1.000000e+00 : f32
    %sub3A_380 = vector.broadcast %sub3A_379 : f32 to vector<16xf32>
    %sub3A_381 = arith.subf %sub3A_380, %convert_element_type3A_378 : vector<16xf32>
    %swap3A_382 = arith.constant 144 : index
    %swap3A_383 = tpu.vector_load %arg7[%swap3A_382] {strides = array<i32>} : memref<256xf32, #tpu.memory_space<vmem>>, vector<16xf32>,
    tpu.vector_store %arg7[%swap3A_382], %sub3A_381 {strides = array<i32>} : memref<256xf32, #tpu.memory_space<vmem>>, vector<16xf32>,
    %reduce_sum3A_384 = arith.constant true
    %reduce_sum3A_385 = vector.broadcast %reduce_sum3A_384 : i1 to vector<16xi1>
    %reduce_sum3A_386 = tpu.scan <sum>, %select_n3A_377 masked %reduce_sum3A_385 : vector<16xi32>, vector<16xi1> -> vector<16xi32>
    %reduce_sum3A_387 = vector.extract %reduce_sum3A_386[15] : i32 from vector<16xi32>
    %add3A_388 = arith.addi %add3A_365, %reduce_sum3A_387 : i32
    %get3A_389 = arith.constant 10 : i32
    %get3A_390 = arith.index_cast %get3A_389 : i32 to index
    %get3A_391 = arith.constant 0 : index
    %get3A_392 = tpu.vector_load %arg6[%get3A_390, %get3A_391] {strides = array<i32>} : memref<16x16xi32, #tpu.memory_space<vmem>>, vector<16xi32>,
    %eq3A_393 = arith.constant 1 : i32
    %eq3A_394 = vector.broadcast %eq3A_393 : i32 to vector<16xi32>
    %eq3A_395 = arith.cmpi eq, %get3A_392, %eq3A_394 : vector<16xi32>
    %jit3A_396 = arith.constant 1 : i32
    %jit3A_397 = arith.constant 0 : i32
    %broadcast_in_dim3A_398 = vector.broadcast %jit3A_396 : i32 to vector<16xi32>
    %broadcast_in_dim3A_399 = vector.broadcast %jit3A_397 : i32 to vector<16xi32>
    %select_n3A_400 = arith.select %eq3A_395, %broadcast_in_dim3A_398, %broadcast_in_dim3A_399 : vector<16xi1>, vector<16xi32>
    %convert_element_type3A_401 = arith.sitofp %select_n3A_400 : vector<16xi32> to vector<16xf32>
    %sub3A_402 = arith.constant 1.000000e+00 : f32
    %sub3A_403 = vector.broadcast %sub3A_402 : f32 to vector<16xf32>
    %sub3A_404 = arith.subf %sub3A_403, %convert_element_type3A_401 : vector<16xf32>
    %swap3A_405 = arith.constant 160 : index
    %swap3A_406 = tpu.vector_load %arg7[%swap3A_405] {strides = array<i32>} : memref<256xf32, #tpu.memory_space<vmem>>, vector<16xf32>,
    tpu.vector_store %arg7[%swap3A_405], %sub3A_404 {strides = array<i32>} : memref<256xf32, #tpu.memory_space<vmem>>, vector<16xf32>,
    %reduce_sum3A_407 = arith.constant true
    %reduce_sum3A_408 = vector.broadcast %reduce_sum3A_407 : i1 to vector<16xi1>
    %reduce_sum3A_409 = tpu.scan <sum>, %select_n3A_400 masked %reduce_sum3A_408 : vector<16xi32>, vector<16xi1> -> vector<16xi32>
    %reduce_sum3A_410 = vector.extract %reduce_sum3A_409[15] : i32 from vector<16xi32>
    %add3A_411 = arith.addi %add3A_388, %reduce_sum3A_410 : i32
    %get3A_412 = arith.constant 11 : i32
    %get3A_413 = arith.index_cast %get3A_412 : i32 to index
    %get3A_414 = arith.constant 0 : index
    %get3A_415 = tpu.vector_load %arg6[%get3A_413, %get3A_414] {strides = array<i32>} : memref<16x16xi32, #tpu.memory_space<vmem>>, vector<16xi32>,
    %eq3A_416 = arith.constant 1 : i32
    %eq3A_417 = vector.broadcast %eq3A_416 : i32 to vector<16xi32>
    %eq3A_418 = arith.cmpi eq, %get3A_415, %eq3A_417 : vector<16xi32>
    %jit3A_419 = arith.constant 1 : i32
    %jit3A_420 = arith.constant 0 : i32
    %broadcast_in_dim3A_421 = vector.broadcast %jit3A_419 : i32 to vector<16xi32>
    %broadcast_in_dim3A_422 = vector.broadcast %jit3A_420 : i32 to vector<16xi32>
    %select_n3A_423 = arith.select %eq3A_418, %broadcast_in_dim3A_421, %broadcast_in_dim3A_422 : vector<16xi1>, vector<16xi32>
    %convert_element_type3A_424 = arith.sitofp %select_n3A_423 : vector<16xi32> to vector<16xf32>
    %sub3A_425 = arith.constant 1.000000e+00 : f32
    %sub3A_426 = vector.broadcast %sub3A_425 : f32 to vector<16xf32>
    %sub3A_427 = arith.subf %sub3A_426, %convert_element_type3A_424 : vector<16xf32>
    %swap3A_428 = arith.constant 176 : index
    %swap3A_429 = tpu.vector_load %arg7[%swap3A_428] {strides = array<i32>} : memref<256xf32, #tpu.memory_space<vmem>>, vector<16xf32>,
    tpu.vector_store %arg7[%swap3A_428], %sub3A_427 {strides = array<i32>} : memref<256xf32, #tpu.memory_space<vmem>>, vector<16xf32>,
    %reduce_sum3A_430 = arith.constant true
    %reduce_sum3A_431 = vector.broadcast %reduce_sum3A_430 : i1 to vector<16xi1>
    %reduce_sum3A_432 = tpu.scan <sum>, %select_n3A_423 masked %reduce_sum3A_431 : vector<16xi32>, vector<16xi1> -> vector<16xi32>
    %reduce_sum3A_433 = vector.extract %reduce_sum3A_432[15] : i32 from vector<16xi32>
    %add3A_434 = arith.addi %add3A_411, %reduce_sum3A_433 : i32
    %get3A_435 = arith.constant 12 : i32
    %get3A_436 = arith.index_cast %get3A_435 : i32 to index
    %get3A_437 = arith.constant 0 : index
    %get3A_438 = tpu.vector_load %arg6[%get3A_436, %get3A_437] {strides = array<i32>} : memref<16x16xi32, #tpu.memory_space<vmem>>, vector<16xi32>,
    %eq3A_439 = arith.constant 1 : i32
    %eq3A_440 = vector.broadcast %eq3A_439 : i32 to vector<16xi32>
    %eq3A_441 = arith.cmpi eq, %get3A_438, %eq3A_440 : vector<16xi32>
    %jit3A_442 = arith.constant 1 : i32
    %jit3A_443 = arith.constant 0 : i32
    %broadcast_in_dim3A_444 = vector.broadcast %jit3A_442 : i32 to vector<16xi32>
    %broadcast_in_dim3A_445 = vector.broadcast %jit3A_443 : i32 to vector<16xi32>
    %select_n3A_446 = arith.select %eq3A_441, %broadcast_in_dim3A_444, %broadcast_in_dim3A_445 : vector<16xi1>, vector<16xi32>
    %convert_element_type3A_447 = arith.sitofp %select_n3A_446 : vector<16xi32> to vector<16xf32>
    %sub3A_448 = arith.constant 1.000000e+00 : f32
    %sub3A_449 = vector.broadcast %sub3A_448 : f32 to vector<16xf32>
    %sub3A_450 = arith.subf %sub3A_449, %convert_element_type3A_447 : vector<16xf32>
    %swap3A_451 = arith.constant 192 : index
    %swap3A_452 = tpu.vector_load %arg7[%swap3A_451] {strides = array<i32>} : memref<256xf32, #tpu.memory_space<vmem>>, vector<16xf32>,
    tpu.vector_store %arg7[%swap3A_451], %sub3A_450 {strides = array<i32>} : memref<256xf32, #tpu.memory_space<vmem>>, vector<16xf32>,
    %reduce_sum3A_453 = arith.constant true
    %reduce_sum3A_454 = vector.broadcast %reduce_sum3A_453 : i1 to vector<16xi1>
    %reduce_sum3A_455 = tpu.scan <sum>, %select_n3A_446 masked %reduce_sum3A_454 : vector<16xi32>, vector<16xi1> -> vector<16xi32>
    %reduce_sum3A_456 = vector.extract %reduce_sum3A_455[15] : i32 from vector<16xi32>
    %add3A_457 = arith.addi %add3A_434, %reduce_sum3A_456 : i32
    %get3A_458 = arith.constant 13 : i32
    %get3A_459 = arith.index_cast %get3A_458 : i32 to index
    %get3A_460 = arith.constant 0 : index
    %get3A_461 = tpu.vector_load %arg6[%get3A_459, %get3A_460] {strides = array<i32>} : memref<16x16xi32, #tpu.memory_space<vmem>>, vector<16xi32>,
    %eq3A_462 = arith.constant 1 : i32
    %eq3A_463 = vector.broadcast %eq3A_462 : i32 to vector<16xi32>
    %eq3A_464 = arith.cmpi eq, %get3A_461, %eq3A_463 : vector<16xi32>
    %jit3A_465 = arith.constant 1 : i32
    %jit3A_466 = arith.constant 0 : i32
    %broadcast_in_dim3A_467 = vector.broadcast %jit3A_465 : i32 to vector<16xi32>
    %broadcast_in_dim3A_468 = vector.broadcast %jit3A_466 : i32 to vector<16xi32>
    %select_n3A_469 = arith.select %eq3A_464, %broadcast_in_dim3A_467, %broadcast_in_dim3A_468 : vector<16xi1>, vector<16xi32>
    %convert_element_type3A_470 = arith.sitofp %select_n3A_469 : vector<16xi32> to vector<16xf32>
    %sub3A_471 = arith.constant 1.000000e+00 : f32
    %sub3A_472 = vector.broadcast %sub3A_471 : f32 to vector<16xf32>
    %sub3A_473 = arith.subf %sub3A_472, %convert_element_type3A_470 : vector<16xf32>
    %swap3A_474 = arith.constant 208 : index
    %swap3A_475 = tpu.vector_load %arg7[%swap3A_474] {strides = array<i32>} : memref<256xf32, #tpu.memory_space<vmem>>, vector<16xf32>,
    tpu.vector_store %arg7[%swap3A_474], %sub3A_473 {strides = array<i32>} : memref<256xf32, #tpu.memory_space<vmem>>, vector<16xf32>,
    %reduce_sum3A_476 = arith.constant true
    %reduce_sum3A_477 = vector.broadcast %reduce_sum3A_476 : i1 to vector<16xi1>
    %reduce_sum3A_478 = tpu.scan <sum>, %select_n3A_469 masked %reduce_sum3A_477 : vector<16xi32>, vector<16xi1> -> vector<16xi32>
    %reduce_sum3A_479 = vector.extract %reduce_sum3A_478[15] : i32 from vector<16xi32>
    %add3A_480 = arith.addi %add3A_457, %reduce_sum3A_479 : i32
    %get3A_481 = arith.constant 14 : i32
    %get3A_482 = arith.index_cast %get3A_481 : i32 to index
    %get3A_483 = arith.constant 0 : index
    %get3A_484 = tpu.vector_load %arg6[%get3A_482, %get3A_483] {strides = array<i32>} : memref<16x16xi32, #tpu.memory_space<vmem>>, vector<16xi32>,
    %eq3A_485 = arith.constant 1 : i32
    %eq3A_486 = vector.broadcast %eq3A_485 : i32 to vector<16xi32>
    %eq3A_487 = arith.cmpi eq, %get3A_484, %eq3A_486 : vector<16xi32>
    %jit3A_488 = arith.constant 1 : i32
    %jit3A_489 = arith.constant 0 : i32
    %broadcast_in_dim3A_490 = vector.broadcast %jit3A_488 : i32 to vector<16xi32>
    %broadcast_in_dim3A_491 = vector.broadcast %jit3A_489 : i32 to vector<16xi32>
    %select_n3A_492 = arith.select %eq3A_487, %broadcast_in_dim3A_490, %broadcast_in_dim3A_491 : vector<16xi1>, vector<16xi32>
    %convert_element_type3A_493 = arith.sitofp %select_n3A_492 : vector<16xi32> to vector<16xf32>
    %sub3A_494 = arith.constant 1.000000e+00 : f32
    %sub3A_495 = vector.broadcast %sub3A_494 : f32 to vector<16xf32>
    %sub3A_496 = arith.subf %sub3A_495, %convert_element_type3A_493 : vector<16xf32>
    %swap3A_497 = arith.constant 224 : index
    %swap3A_498 = tpu.vector_load %arg7[%swap3A_497] {strides = array<i32>} : memref<256xf32, #tpu.memory_space<vmem>>, vector<16xf32>,
    tpu.vector_store %arg7[%swap3A_497], %sub3A_496 {strides = array<i32>} : memref<256xf32, #tpu.memory_space<vmem>>, vector<16xf32>,
    %reduce_sum3A_499 = arith.constant true
    %reduce_sum3A_500 = vector.broadcast %reduce_sum3A_499 : i1 to vector<16xi1>
    %reduce_sum3A_501 = tpu.scan <sum>, %select_n3A_492 masked %reduce_sum3A_500 : vector<16xi32>, vector<16xi1> -> vector<16xi32>
    %reduce_sum3A_502 = vector.extract %reduce_sum3A_501[15] : i32 from vector<16xi32>
    %add3A_503 = arith.addi %add3A_480, %reduce_sum3A_502 : i32
    %get3A_504 = arith.constant 15 : i32
    %get3A_505 = arith.index_cast %get3A_504 : i32 to index
    %get3A_506 = arith.constant 0 : index
    %get3A_507 = tpu.vector_load %arg6[%get3A_505, %get3A_506] {strides = array<i32>} : memref<16x16xi32, #tpu.memory_space<vmem>>, vector<16xi32>,
    %eq3A_508 = arith.constant 1 : i32
    %eq3A_509 = vector.broadcast %eq3A_508 : i32 to vector<16xi32>
    %eq3A_510 = arith.cmpi eq, %get3A_507, %eq3A_509 : vector<16xi32>
    %jit3A_511 = arith.constant 1 : i32
    %jit3A_512 = arith.constant 0 : i32
    %broadcast_in_dim3A_513 = vector.broadcast %jit3A_511 : i32 to vector<16xi32>
    %broadcast_in_dim3A_514 = vector.broadcast %jit3A_512 : i32 to vector<16xi32>
    %select_n3A_515 = arith.select %eq3A_510, %broadcast_in_dim3A_513, %broadcast_in_dim3A_514 : vector<16xi1>, vector<16xi32>
    %convert_element_type3A_516 = arith.sitofp %select_n3A_515 : vector<16xi32> to vector<16xf32>
    %sub3A_517 = arith.constant 1.000000e+00 : f32
    %sub3A_518 = vector.broadcast %sub3A_517 : f32 to vector<16xf32>
    %sub3A_519 = arith.subf %sub3A_518, %convert_element_type3A_516 : vector<16xf32>
    %swap3A_520 = arith.constant 240 : index
    %swap3A_521 = tpu.vector_load %arg7[%swap3A_520] {strides = array<i32>} : memref<256xf32, #tpu.memory_space<vmem>>, vector<16xf32>,
    tpu.vector_store %arg7[%swap3A_520], %sub3A_519 {strides = array<i32>} : memref<256xf32, #tpu.memory_space<vmem>>, vector<16xf32>,
    %reduce_sum3A_522 = arith.constant true
    %reduce_sum3A_523 = vector.broadcast %reduce_sum3A_522 : i1 to vector<16xi1>
    %reduce_sum3A_524 = tpu.scan <sum>, %select_n3A_515 masked %reduce_sum3A_523 : vector<16xi32>, vector<16xi1> -> vector<16xi32>
    %reduce_sum3A_525 = vector.extract %reduce_sum3A_524[15] : i32 from vector<16xi32>
    %add3A_526 = arith.addi %add3A_503, %reduce_sum3A_525 : i32
    %scan3A = arith.constant 0 : i32
    %scan3A_527 = arith.constant 0 : i32
    %scan3A_528 = arith.constant 16 : i32
    %scan3A_529 = arith.addi %scan3A_527, %scan3A_528 : i32
    %scan3A_530 = arith.constant 1 : i32
    scf.for %scan3A_1035 = %scan3A_527 to %scan3A_529 step %scan3A_530  : i32 {
      %rem3A = arith.constant 6 : i32
      %rem3A_1036 = arith.remsi %scan3A_1035, %rem3A : i32
      %dma_wait3A_1037 = arith.constant 0 : i32
      %dma_wait3A_1038 = arith.constant 0 : i32
      %dma_wait3A_1039 = tpu.memref_slice %arg8[%rem3A_1036, %dma_wait3A_1037, %dma_wait3A_1038] : memref<6x16x1024xf32, #tpu.memory_space<vmem>> -> memref<1x16x1024xf32, #tpu.memory_space<vmem>>
      %dma_wait3A_1040 = tpu.memref_squeeze %dma_wait3A_1039 : memref<1x16x1024xf32, #tpu.memory_space<vmem>> -> memref<16x1024xf32, #tpu.memory_space<vmem>>
      %dma_wait3A_1041 = arith.constant 0 : i32
      %dma_wait3A_1042 = tpu.memref_slice %arg6[%scan3A_1035, %dma_wait3A_1041] : memref<16x16xi32, #tpu.memory_space<vmem>> -> memref<1x16xi32, #tpu.memory_space<vmem>>
      %dma_wait3A_1043 = tpu.memref_squeeze %dma_wait3A_1042 : memref<1x16xi32, #tpu.memory_space<vmem>> -> memref<16xi32, #tpu.memory_space<vmem>>
      %dma_wait3A_1044 = arith.constant 0 : i32
      %dma_wait3A_1045 = arith.constant 0 : i32
      %dma_wait3A_1046 = tpu.memref_slice %arg3[%dma_wait3A_1044, %dma_wait3A_1045] : memref<100000x1024xf32, #tpu.memory_space<hbm>> -> memref<100000x1024xf32, #tpu.memory_space<hbm>>
      %dma_wait3A_1047 = tpu.memref_slice %arg10[%rem3A_1036] : memref<6x!tpu.dma_semaphore, #tpu.memory_space<semaphore_mem>> -> memref<1x!tpu.dma_semaphore, #tpu.memory_space<semaphore_mem>>
      %dma_wait3A_1048 = tpu.memref_squeeze %dma_wait3A_1047 : memref<1x!tpu.dma_semaphore, #tpu.memory_space<semaphore_mem>> -> memref<!tpu.dma_semaphore, #tpu.memory_space<semaphore_mem>>
      tpu.wait_indirect_dma semaphore(%dma_wait3A_1048 : memref<!tpu.dma_semaphore, #tpu.memory_space<semaphore_mem>>) src(%dma_wait3A_1046 : memref<100000x1024xf32, #tpu.memory_space<hbm>>) dst(%dma_wait3A_1040 : memref<16x1024xf32, #tpu.memory_space<vmem>>)
      %mul3A_1049 = arith.constant 4 : i32
      %mul3A_1050 = arith.muli %scan3A_1035, %mul3A_1049 : i32
      %add3A_1051 = arith.addi %mul3A_2, %mul3A_1050 : i32
      %dma_wait3A_1052 = arith.constant 0 : i32
      %dma_wait3A_1053 = arith.constant 0 : i32
      %dma_wait3A_1054 = tpu.memref_slice %arg9[%rem3A_1036, %dma_wait3A_1052, %dma_wait3A_1053] : memref<6x4x1024xf32, #tpu.memory_space<vmem>> -> memref<1x4x1024xf32, #tpu.memory_space<vmem>>
      %dma_wait3A_1055 = tpu.memref_squeeze %dma_wait3A_1054 : memref<1x4x1024xf32, #tpu.memory_space<vmem>> -> memref<4x1024xf32, #tpu.memory_space<vmem>>
      %dma_wait3A_1056 = arith.constant 0 : i32
      %dma_wait3A_1057 = tpu.memref_slice %arg4[%add3A_1051, %dma_wait3A_1056] : memref<2048x1024xf32, #tpu.memory_space<hbm>> -> memref<4x1024xf32, #tpu.memory_space<hbm>>
      %dma_wait3A_1058 = tpu.memref_slice %arg12[%rem3A_1036] : memref<6x!tpu.dma_semaphore, #tpu.memory_space<semaphore_mem>> -> memref<1x!tpu.dma_semaphore, #tpu.memory_space<semaphore_mem>>
      %dma_wait3A_1059 = tpu.memref_squeeze %dma_wait3A_1058 : memref<1x!tpu.dma_semaphore, #tpu.memory_space<semaphore_mem>> -> memref<!tpu.dma_semaphore, #tpu.memory_space<semaphore_mem>>
      %dma_wait3A_1060 = arith.constant 0 : i32
      %dma_wait3A_1061 = arith.constant 0 : i32
      %dma_wait3A_1062 = tpu.memref_slice %arg9[%rem3A_1036, %dma_wait3A_1060, %dma_wait3A_1061] : memref<6x4x1024xf32, #tpu.memory_space<vmem>> -> memref<1x4x1024xf32, #tpu.memory_space<vmem>>
      %dma_wait3A_1063 = tpu.memref_squeeze %dma_wait3A_1062 : memref<1x4x1024xf32, #tpu.memory_space<vmem>> -> memref<4x1024xf32, #tpu.memory_space<vmem>>
      %dma_wait3A_1064 = arith.constant 0 : i32
      %dma_wait3A_1065 = tpu.memref_slice %arg4[%add3A_1051, %dma_wait3A_1064] : memref<2048x1024xf32, #tpu.memory_space<hbm>> -> memref<4x1024xf32, #tpu.memory_space<hbm>>
      tpu.wait_dma2 semaphore(%dma_wait3A_1059 : memref<!tpu.dma_semaphore, #tpu.memory_space<semaphore_mem>>) src(%dma_wait3A_1065 : memref<4x1024xf32, #tpu.memory_space<hbm>>) dst(%dma_wait3A_1063 : memref<4x1024xf32, #tpu.memory_space<vmem>>)
      %gt3A = arith.constant 0 : i32
      %gt3A_1066 = arith.cmpi sgt, %add3A_526, %gt3A : i32
      %convert_element_type3A_1067 = arith.extui %gt3A_1066 : i1 to i32
      %cond3A = arith.constant 0 : i32
      %cond3A_1068 = arith.cmpi ne, %convert_element_type3A_1067, %cond3A : i32
      scf.if %cond3A_1068 {
        %scan3A_1159 = arith.constant 0 : i32
        %scan3A_1160 = arith.constant 0 : i32
        %scan3A_1161 = arith.constant 16 : i32
        %scan3A_1162 = arith.addi %scan3A_1160, %scan3A_1161 : i32
        %scan3A_1163 = arith.constant 1 : i32
        scf.for %scan3A_1165 = %scan3A_1160 to %scan3A_1162 step %scan3A_1163  : i32 {
          %mul3A_1166 = arith.constant 16 : i32
          %mul3A_1167 = arith.muli %scan3A_1035, %mul3A_1166 : i32
          %add3A_1168 = arith.addi %mul3A_1167, %scan3A_1165 : i32
          %broadcast_in_dim3A_1169 = vector.broadcast %add3A_1168 : i32 to vector<16xi32>
          %gather3A = tpu.vector_load_idx %arg7[%broadcast_in_dim3A_1169] : memref<256xf32, #tpu.memory_space<vmem>>[vector<16xi32>], vector<16xf32>,
          %get3A_1170 = arith.index_cast %rem3A_1036 : i32 to index
          %get3A_1171 = arith.index_cast %scan3A_1165 : i32 to index
          %get3A_1172 = arith.constant 0 : index
          %get3A_1173 = tpu.vector_load %arg8[%get3A_1170, %get3A_1171, %get3A_1172] {strides = array<i32>} : memref<6x16x1024xf32, #tpu.memory_space<vmem>>, vector<16xf32>,
          %mul3A_1174 = arith.mulf %get3A_1173, %gather3A : vector<16xf32>
          %swap3A_1175 = arith.index_cast %rem3A_1036 : i32 to index
          %swap3A_1176 = arith.index_cast %scan3A_1165 : i32 to index
          %swap3A_1177 = arith.constant 0 : index
          %swap3A_1178 = tpu.vector_load %arg8[%swap3A_1175, %swap3A_1176, %swap3A_1177] {strides = array<i32>} : memref<6x16x1024xf32, #tpu.memory_space<vmem>>, vector<16xf32>,
          tpu.vector_store %arg8[%swap3A_1175, %swap3A_1176, %swap3A_1177], %mul3A_1174 {strides = array<i32>} : memref<6x16x1024xf32, #tpu.memory_space<vmem>>, vector<16xf32>,
          %get3A_1179 = arith.index_cast %rem3A_1036 : i32 to index
          %get3A_1180 = arith.index_cast %scan3A_1165 : i32 to index
          %get3A_1181 = arith.constant 16 : index
          %get3A_1182 = tpu.vector_load %arg8[%get3A_1179, %get3A_1180, %get3A_1181] {strides = array<i32>} : memref<6x16x1024xf32, #tpu.memory_space<vmem>>, vector<16xf32>,
          %mul3A_1183 = arith.mulf %get3A_1182, %gather3A : vector<16xf32>
          %swap3A_1184 = arith.index_cast %rem3A_1036 : i32 to index
          %swap3A_1185 = arith.index_cast %scan3A_1165 : i32 to index
          %swap3A_1186 = arith.constant 16 : index
          %swap3A_1187 = tpu.vector_load %arg8[%swap3A_1184, %swap3A_1185, %swap3A_1186] {strides = array<i32>} : memref<6x16x1024xf32, #tpu.memory_space<vmem>>, vector<16xf32>,
          tpu.vector_store %arg8[%swap3A_1184, %swap3A_1185, %swap3A_1186], %mul3A_1183 {strides = array<i32>} : memref<6x16x1024xf32, #tpu.memory_space<vmem>>, vector<16xf32>,
          %get3A_1188 = arith.index_cast %rem3A_1036 : i32 to index
          %get3A_1189 = arith.index_cast %scan3A_1165 : i32 to index
          %get3A_1190 = arith.constant 32 : index
          %get3A_1191 = tpu.vector_load %arg8[%get3A_1188, %get3A_1189, %get3A_1190] {strides = array<i32>} : memref<6x16x1024xf32, #tpu.memory_space<vmem>>, vector<16xf32>,
          %mul3A_1192 = arith.mulf %get3A_1191, %gather3A : vector<16xf32>
          %swap3A_1193 = arith.index_cast %rem3A_1036 : i32 to index
          %swap3A_1194 = arith.index_cast %scan3A_1165 : i32 to index
          %swap3A_1195 = arith.constant 32 : index
          %swap3A_1196 = tpu.vector_load %arg8[%swap3A_1193, %swap3A_1194, %swap3A_1195] {strides = array<i32>} : memref<6x16x1024xf32, #tpu.memory_space<vmem>>, vector<16xf32>,
          tpu.vector_store %arg8[%swap3A_1193, %swap3A_1194, %swap3A_1195], %mul3A_1192 {strides = array<i32>} : memref<6x16x1024xf32, #tpu.memory_space<vmem>>, vector<16xf32>,
          %get3A_1197 = arith.index_cast %rem3A_1036 : i32 to index
          %get3A_1198 = arith.index_cast %scan3A_1165 : i32 to index
          %get3A_1199 = arith.constant 48 : index
          %get3A_1200 = tpu.vector_load %arg8[%get3A_1197, %get3A_1198, %get3A_1199] {strides = array<i32>} : memref<6x16x1024xf32, #tpu.memory_space<vmem>>, vector<16xf32>,
          %mul3A_1201 = arith.mulf %get3A_1200, %gather3A : vector<16xf32>
          %swap3A_1202 = arith.index_cast %rem3A_1036 : i32 to index
          %swap3A_1203 = arith.index_cast %scan3A_1165 : i32 to index
          %swap3A_1204 = arith.constant 48 : index
          %swap3A_1205 = tpu.vector_load %arg8[%swap3A_1202, %swap3A_1203, %swap3A_1204] {strides = array<i32>} : memref<6x16x1024xf32, #tpu.memory_space<vmem>>, vector<16xf32>,
          tpu.vector_store %arg8[%swap3A_1202, %swap3A_1203, %swap3A_1204], %mul3A_1201 {strides = array<i32>} : memref<6x16x1024xf32, #tpu.memory_space<vmem>>, vector<16xf32>,
          %get3A_1206 = arith.index_cast %rem3A_1036 : i32 to index
          %get3A_1207 = arith.index_cast %scan3A_1165 : i32 to index
          %get3A_1208 = arith.constant 64 : index
          %get3A_1209 = tpu.vector_load %arg8[%get3A_1206, %get3A_1207, %get3A_1208] {strides = array<i32>} : memref<6x16x1024xf32, #tpu.memory_space<vmem>>, vector<16xf32>,
          %mul3A_1210 = arith.mulf %get3A_1209, %gather3A : vector<16xf32>
          %swap3A_1211 = arith.index_cast %rem3A_1036 : i32 to index
          %swap3A_1212 = arith.index_cast %scan3A_1165 : i32 to index
          %swap3A_1213 = arith.constant 64 : index
          %swap3A_1214 = tpu.vector_load %arg8[%swap3A_1211, %swap3A_1212, %swap3A_1213] {strides = array<i32>} : memref<6x16x1024xf32, #tpu.memory_space<vmem>>, vector<16xf32>,
          tpu.vector_store %arg8[%swap3A_1211, %swap3A_1212, %swap3A_1213], %mul3A_1210 {strides = array<i32>} : memref<6x16x1024xf32, #tpu.memory_space<vmem>>, vector<16xf32>,
          %get3A_1215 = arith.index_cast %rem3A_1036 : i32 to index
          %get3A_1216 = arith.index_cast %scan3A_1165 : i32 to index
          %get3A_1217 = arith.constant 80 : index
          %get3A_1218 = tpu.vector_load %arg8[%get3A_1215, %get3A_1216, %get3A_1217] {strides = array<i32>} : memref<6x16x1024xf32, #tpu.memory_space<vmem>>, vector<16xf32>,
          %mul3A_1219 = arith.mulf %get3A_1218, %gather3A : vector<16xf32>
          %swap3A_1220 = arith.index_cast %rem3A_1036 : i32 to index
          %swap3A_1221 = arith.index_cast %scan3A_1165 : i32 to index
          %swap3A_1222 = arith.constant 80 : index
          %swap3A_1223 = tpu.vector_load %arg8[%swap3A_1220, %swap3A_1221, %swap3A_1222] {strides = array<i32>} : memref<6x16x1024xf32, #tpu.memory_space<vmem>>, vector<16xf32>,
          tpu.vector_store %arg8[%swap3A_1220, %swap3A_1221, %swap3A_1222], %mul3A_1219 {strides = array<i32>} : memref<6x16x1024xf32, #tpu.memory_space<vmem>>, vector<16xf32>,
          %get3A_1224 = arith.index_cast %rem3A_1036 : i32 to index
          %get3A_1225 = arith.index_cast %scan3A_1165 : i32 to index
          %get3A_1226 = arith.constant 96 : index
          %get3A_1227 = tpu.vector_load %arg8[%get3A_1224, %get3A_1225, %get3A_1226] {strides = array<i32>} : memref<6x16x1024xf32, #tpu.memory_space<vmem>>, vector<16xf32>,
          %mul3A_1228 = arith.mulf %get3A_1227, %gather3A : vector<16xf32>
          %swap3A_1229 = arith.index_cast %rem3A_1036 : i32 to index
          %swap3A_1230 = arith.index_cast %scan3A_1165 : i32 to index
          %swap3A_1231 = arith.constant 96 : index
          %swap3A_1232 = tpu.vector_load %arg8[%swap3A_1229, %swap3A_1230, %swap3A_1231] {strides = array<i32>} : memref<6x16x1024xf32, #tpu.memory_space<vmem>>, vector<16xf32>,
          tpu.vector_store %arg8[%swap3A_1229, %swap3A_1230, %swap3A_1231], %mul3A_1228 {strides = array<i32>} : memref<6x16x1024xf32, #tpu.memory_space<vmem>>, vector<16xf32>,
          %get3A_1233 = arith.index_cast %rem3A_1036 : i32 to index
          %get3A_1234 = arith.index_cast %scan3A_1165 : i32 to index
          %get3A_1235 = arith.constant 112 : index
          %get3A_1236 = tpu.vector_load %arg8[%get3A_1233, %get3A_1234, %get3A_1235] {strides = array<i32>} : memref<6x16x1024xf32, #tpu.memory_space<vmem>>, vector<16xf32>,
          %mul3A_1237 = arith.mulf %get3A_1236, %gather3A : vector<16xf32>
          %swap3A_1238 = arith.index_cast %rem3A_1036 : i32 to index
          %swap3A_1239 = arith.index_cast %scan3A_1165 : i32 to index
          %swap3A_1240 = arith.constant 112 : index
          %swap3A_1241 = tpu.vector_load %arg8[%swap3A_1238, %swap3A_1239, %swap3A_1240] {strides = array<i32>} : memref<6x16x1024xf32, #tpu.memory_space<vmem>>, vector<16xf32>,
          tpu.vector_store %arg8[%swap3A_1238, %swap3A_1239, %swap3A_1240], %mul3A_1237 {strides = array<i32>} : memref<6x16x1024xf32, #tpu.memory_space<vmem>>, vector<16xf32>,
          %get3A_1242 = arith.index_cast %rem3A_1036 : i32 to index
          %get3A_1243 = arith.index_cast %scan3A_1165 : i32 to index
          %get3A_1244 = arith.constant 128 : index
          %get3A_1245 = tpu.vector_load %arg8[%get3A_1242, %get3A_1243, %get3A_1244] {strides = array<i32>} : memref<6x16x1024xf32, #tpu.memory_space<vmem>>, vector<16xf32>,
          %mul3A_1246 = arith.mulf %get3A_1245, %gather3A : vector<16xf32>
          %swap3A_1247 = arith.index_cast %rem3A_1036 : i32 to index
          %swap3A_1248 = arith.index_cast %scan3A_1165 : i32 to index
          %swap3A_1249 = arith.constant 128 : index
          %swap3A_1250 = tpu.vector_load %arg8[%swap3A_1247, %swap3A_1248, %swap3A_1249] {strides = array<i32>} : memref<6x16x1024xf32, #tpu.memory_space<vmem>>, vector<16xf32>,
          tpu.vector_store %arg8[%swap3A_1247, %swap3A_1248, %swap3A_1249], %mul3A_1246 {strides = array<i32>} : memref<6x16x1024xf32, #tpu.memory_space<vmem>>, vector<16xf32>,
          %get3A_1251 = arith.index_cast %rem3A_1036 : i32 to index
          %get3A_1252 = arith.index_cast %scan3A_1165 : i32 to index
          %get3A_1253 = arith.constant 144 : index
          %get3A_1254 = tpu.vector_load %arg8[%get3A_1251, %get3A_1252, %get3A_1253] {strides = array<i32>} : memref<6x16x1024xf32, #tpu.memory_space<vmem>>, vector<16xf32>,
          %mul3A_1255 = arith.mulf %get3A_1254, %gather3A : vector<16xf32>
          %swap3A_1256 = arith.index_cast %rem3A_1036 : i32 to index
          %swap3A_1257 = arith.index_cast %scan3A_1165 : i32 to index
          %swap3A_1258 = arith.constant 144 : index
          %swap3A_1259 = tpu.vector_load %arg8[%swap3A_1256, %swap3A_1257, %swap3A_1258] {strides = array<i32>} : memref<6x16x1024xf32, #tpu.memory_space<vmem>>, vector<16xf32>,
          tpu.vector_store %arg8[%swap3A_1256, %swap3A_1257, %swap3A_1258], %mul3A_1255 {strides = array<i32>} : memref<6x16x1024xf32, #tpu.memory_space<vmem>>, vector<16xf32>,
          %get3A_1260 = arith.index_cast %rem3A_1036 : i32 to index
          %get3A_1261 = arith.index_cast %scan3A_1165 : i32 to index
          %get3A_1262 = arith.constant 160 : index
          %get3A_1263 = tpu.vector_load %arg8[%get3A_1260, %get3A_1261, %get3A_1262] {strides = array<i32>} : memref<6x16x1024xf32, #tpu.memory_space<vmem>>, vector<16xf32>,
          %mul3A_1264 = arith.mulf %get3A_1263, %gather3A : vector<16xf32>
          %swap3A_1265 = arith.index_cast %rem3A_1036 : i32 to index
          %swap3A_1266 = arith.index_cast %scan3A_1165 : i32 to index
          %swap3A_1267 = arith.constant 160 : index
          %swap3A_1268 = tpu.vector_load %arg8[%swap3A_1265, %swap3A_1266, %swap3A_1267] {strides = array<i32>} : memref<6x16x1024xf32, #tpu.memory_space<vmem>>, vector<16xf32>,
          tpu.vector_store %arg8[%swap3A_1265, %swap3A_1266, %swap3A_1267], %mul3A_1264 {strides = array<i32>} : memref<6x16x1024xf32, #tpu.memory_space<vmem>>, vector<16xf32>,
          %get3A_1269 = arith.index_cast %rem3A_1036 : i32 to index
          %get3A_1270 = arith.index_cast %scan3A_1165 : i32 to index
          %get3A_1271 = arith.constant 176 : index
          %get3A_1272 = tpu.vector_load %arg8[%get3A_1269, %get3A_1270, %get3A_1271] {strides = array<i32>} : memref<6x16x1024xf32, #tpu.memory_space<vmem>>, vector<16xf32>,
          %mul3A_1273 = arith.mulf %get3A_1272, %gather3A : vector<16xf32>
          %swap3A_1274 = arith.index_cast %rem3A_1036 : i32 to index
          %swap3A_1275 = arith.index_cast %scan3A_1165 : i32 to index
          %swap3A_1276 = arith.constant 176 : index
          %swap3A_1277 = tpu.vector_load %arg8[%swap3A_1274, %swap3A_1275, %swap3A_1276] {strides = array<i32>} : memref<6x16x1024xf32, #tpu.memory_space<vmem>>, vector<16xf32>,
          tpu.vector_store %arg8[%swap3A_1274, %swap3A_1275, %swap3A_1276], %mul3A_1273 {strides = array<i32>} : memref<6x16x1024xf32, #tpu.memory_space<vmem>>, vector<16xf32>,
          %get3A_1278 = arith.index_cast %rem3A_1036 : i32 to index
          %get3A_1279 = arith.index_cast %scan3A_1165 : i32 to index
          %get3A_1280 = arith.constant 192 : index
          %get3A_1281 = tpu.vector_load %arg8[%get3A_1278, %get3A_1279, %get3A_1280] {strides = array<i32>} : memref<6x16x1024xf32, #tpu.memory_space<vmem>>, vector<16xf32>,
          %mul3A_1282 = arith.mulf %get3A_1281, %gather3A : vector<16xf32>
          %swap3A_1283 = arith.index_cast %rem3A_1036 : i32 to index
          %swap3A_1284 = arith.index_cast %scan3A_1165 : i32 to index
          %swap3A_1285 = arith.constant 192 : index
          %swap3A_1286 = tpu.vector_load %arg8[%swap3A_1283, %swap3A_1284, %swap3A_1285] {strides = array<i32>} : memref<6x16x1024xf32, #tpu.memory_space<vmem>>, vector<16xf32>,
          tpu.vector_store %arg8[%swap3A_1283, %swap3A_1284, %swap3A_1285], %mul3A_1282 {strides = array<i32>} : memref<6x16x1024xf32, #tpu.memory_space<vmem>>, vector<16xf32>,
          %get3A_1287 = arith.index_cast %rem3A_1036 : i32 to index
          %get3A_1288 = arith.index_cast %scan3A_1165 : i32 to index
          %get3A_1289 = arith.constant 208 : index
          %get3A_1290 = tpu.vector_load %arg8[%get3A_1287, %get3A_1288, %get3A_1289] {strides = array<i32>} : memref<6x16x1024xf32, #tpu.memory_space<vmem>>, vector<16xf32>,
          %mul3A_1291 = arith.mulf %get3A_1290, %gather3A : vector<16xf32>
          %swap3A_1292 = arith.index_cast %rem3A_1036 : i32 to index
          %swap3A_1293 = arith.index_cast %scan3A_1165 : i32 to index
          %swap3A_1294 = arith.constant 208 : index
          %swap3A_1295 = tpu.vector_load %arg8[%swap3A_1292, %swap3A_1293, %swap3A_1294] {strides = array<i32>} : memref<6x16x1024xf32, #tpu.memory_space<vmem>>, vector<16xf32>,
          tpu.vector_store %arg8[%swap3A_1292, %swap3A_1293, %swap3A_1294], %mul3A_1291 {strides = array<i32>} : memref<6x16x1024xf32, #tpu.memory_space<vmem>>, vector<16xf32>,
          %get3A_1296 = arith.index_cast %rem3A_1036 : i32 to index
          %get3A_1297 = arith.index_cast %scan3A_1165 : i32 to index
          %get3A_1298 = arith.constant 224 : index
          %get3A_1299 = tpu.vector_load %arg8[%get3A_1296, %get3A_1297, %get3A_1298] {strides = array<i32>} : memref<6x16x1024xf32, #tpu.memory_space<vmem>>, vector<16xf32>,
          %mul3A_1300 = arith.mulf %get3A_1299, %gather3A : vector<16xf32>
          %swap3A_1301 = arith.index_cast %rem3A_1036 : i32 to index
          %swap3A_1302 = arith.index_cast %scan3A_1165 : i32 to index
          %swap3A_1303 = arith.constant 224 : index
          %swap3A_1304 = tpu.vector_load %arg8[%swap3A_1301, %swap3A_1302, %swap3A_1303] {strides = array<i32>} : memref<6x16x1024xf32, #tpu.memory_space<vmem>>, vector<16xf32>,
          tpu.vector_store %arg8[%swap3A_1301, %swap3A_1302, %swap3A_1303], %mul3A_1300 {strides = array<i32>} : memref<6x16x1024xf32, #tpu.memory_space<vmem>>, vector<16xf32>,
          %get3A_1305 = arith.index_cast %rem3A_1036 : i32 to index
          %get3A_1306 = arith.index_cast %scan3A_1165 : i32 to index
          %get3A_1307 = arith.constant 240 : index
          %get3A_1308 = tpu.vector_load %arg8[%get3A_1305, %get3A_1306, %get3A_1307] {strides = array<i32>} : memref<6x16x1024xf32, #tpu.memory_space<vmem>>, vector<16xf32>,
          %mul3A_1309 = arith.mulf %get3A_1308, %gather3A : vector<16xf32>
          %swap3A_1310 = arith.index_cast %rem3A_1036 : i32 to index
          %swap3A_1311 = arith.index_cast %scan3A_1165 : i32 to index
          %swap3A_1312 = arith.constant 240 : index
          %swap3A_1313 = tpu.vector_load %arg8[%swap3A_1310, %swap3A_1311, %swap3A_1312] {strides = array<i32>} : memref<6x16x1024xf32, #tpu.memory_space<vmem>>, vector<16xf32>,
          tpu.vector_store %arg8[%swap3A_1310, %swap3A_1311, %swap3A_1312], %mul3A_1309 {strides = array<i32>} : memref<6x16x1024xf32, #tpu.memory_space<vmem>>, vector<16xf32>,
          %get3A_1314 = arith.index_cast %rem3A_1036 : i32 to index
          %get3A_1315 = arith.index_cast %scan3A_1165 : i32 to index
          %get3A_1316 = arith.constant 256 : index
          %get3A_1317 = tpu.vector_load %arg8[%get3A_1314, %get3A_1315, %get3A_1316] {strides = array<i32>} : memref<6x16x1024xf32, #tpu.memory_space<vmem>>, vector<16xf32>,
          %mul3A_1318 = arith.mulf %get3A_1317, %gather3A : vector<16xf32>
          %swap3A_1319 = arith.index_cast %rem3A_1036 : i32 to index
          %swap3A_1320 = arith.index_cast %scan3A_1165 : i32 to index
          %swap3A_1321 = arith.constant 256 : index
          %swap3A_1322 = tpu.vector_load %arg8[%swap3A_1319, %swap3A_1320, %swap3A_1321] {strides = array<i32>} : memref<6x16x1024xf32, #tpu.memory_space<vmem>>, vector<16xf32>,
          tpu.vector_store %arg8[%swap3A_1319, %swap3A_1320, %swap3A_1321], %mul3A_1318 {strides = array<i32>} : memref<6x16x1024xf32, #tpu.memory_space<vmem>>, vector<16xf32>,
          %get3A_1323 = arith.index_cast %rem3A_1036 : i32 to index
          %get3A_1324 = arith.index_cast %scan3A_1165 : i32 to index
          %get3A_1325 = arith.constant 272 : index
          %get3A_1326 = tpu.vector_load %arg8[%get3A_1323, %get3A_1324, %get3A_1325] {strides = array<i32>} : memref<6x16x1024xf32, #tpu.memory_space<vmem>>, vector<16xf32>,
          %mul3A_1327 = arith.mulf %get3A_1326, %gather3A : vector<16xf32>
          %swap3A_1328 = arith.index_cast %rem3A_1036 : i32 to index
          %swap3A_1329 = arith.index_cast %scan3A_1165 : i32 to index
          %swap3A_1330 = arith.constant 272 : index
          %swap3A_1331 = tpu.vector_load %arg8[%swap3A_1328, %swap3A_1329, %swap3A_1330] {strides = array<i32>} : memref<6x16x1024xf32, #tpu.memory_space<vmem>>, vector<16xf32>,
          tpu.vector_store %arg8[%swap3A_1328, %swap3A_1329, %swap3A_1330], %mul3A_1327 {strides = array<i32>} : memref<6x16x1024xf32, #tpu.memory_space<vmem>>, vector<16xf32>,
          %get3A_1332 = arith.index_cast %rem3A_1036 : i32 to index
          %get3A_1333 = arith.index_cast %scan3A_1165 : i32 to index
          %get3A_1334 = arith.constant 288 : index
          %get3A_1335 = tpu.vector_load %arg8[%get3A_1332, %get3A_1333, %get3A_1334] {strides = array<i32>} : memref<6x16x1024xf32, #tpu.memory_space<vmem>>, vector<16xf32>,
          %mul3A_1336 = arith.mulf %get3A_1335, %gather3A : vector<16xf32>
          %swap3A_1337 = arith.index_cast %rem3A_1036 : i32 to index
          %swap3A_1338 = arith.index_cast %scan3A_1165 : i32 to index
          %swap3A_1339 = arith.constant 288 : index
          %swap3A_1340 = tpu.vector_load %arg8[%swap3A_1337, %swap3A_1338, %swap3A_1339] {strides = array<i32>} : memref<6x16x1024xf32, #tpu.memory_space<vmem>>, vector<16xf32>,
          tpu.vector_store %arg8[%swap3A_1337, %swap3A_1338, %swap3A_1339], %mul3A_1336 {strides = array<i32>} : memref<6x16x1024xf32, #tpu.memory_space<vmem>>, vector<16xf32>,
          %get3A_1341 = arith.index_cast %rem3A_1036 : i32 to index
          %get3A_1342 = arith.index_cast %scan3A_1165 : i32 to index
          %get3A_1343 = arith.constant 304 : index
          %get3A_1344 = tpu.vector_load %arg8[%get3A_1341, %get3A_1342, %get3A_1343] {strides = array<i32>} : memref<6x16x1024xf32, #tpu.memory_space<vmem>>, vector<16xf32>,
          %mul3A_1345 = arith.mulf %get3A_1344, %gather3A : vector<16xf32>
          %swap3A_1346 = arith.index_cast %rem3A_1036 : i32 to index
          %swap3A_1347 = arith.index_cast %scan3A_1165 : i32 to index
          %swap3A_1348 = arith.constant 304 : index
          %swap3A_1349 = tpu.vector_load %arg8[%swap3A_1346, %swap3A_1347, %swap3A_1348] {strides = array<i32>} : memref<6x16x1024xf32, #tpu.memory_space<vmem>>, vector<16xf32>,
          tpu.vector_store %arg8[%swap3A_1346, %swap3A_1347, %swap3A_1348], %mul3A_1345 {strides = array<i32>} : memref<6x16x1024xf32, #tpu.memory_space<vmem>>, vector<16xf32>,
          %get3A_1350 = arith.index_cast %rem3A_1036 : i32 to index
          %get3A_1351 = arith.index_cast %scan3A_1165 : i32 to index
          %get3A_1352 = arith.constant 320 : index
          %get3A_1353 = tpu.vector_load %arg8[%get3A_1350, %get3A_1351, %get3A_1352] {strides = array<i32>} : memref<6x16x1024xf32, #tpu.memory_space<vmem>>, vector<16xf32>,
          %mul3A_1354 = arith.mulf %get3A_1353, %gather3A : vector<16xf32>
          %swap3A_1355 = arith.index_cast %rem3A_1036 : i32 to index
          %swap3A_1356 = arith.index_cast %scan3A_1165 : i32 to index
          %swap3A_1357 = arith.constant 320 : index
          %swap3A_1358 = tpu.vector_load %arg8[%swap3A_1355, %swap3A_1356, %swap3A_1357] {strides = array<i32>} : memref<6x16x1024xf32, #tpu.memory_space<vmem>>, vector<16xf32>,
          tpu.vector_store %arg8[%swap3A_1355, %swap3A_1356, %swap3A_1357], %mul3A_1354 {strides = array<i32>} : memref<6x16x1024xf32, #tpu.memory_space<vmem>>, vector<16xf32>,
          %get3A_1359 = arith.index_cast %rem3A_1036 : i32 to index
          %get3A_1360 = arith.index_cast %scan3A_1165 : i32 to index
          %get3A_1361 = arith.constant 336 : index
          %get3A_1362 = tpu.vector_load %arg8[%get3A_1359, %get3A_1360, %get3A_1361] {strides = array<i32>} : memref<6x16x1024xf32, #tpu.memory_space<vmem>>, vector<16xf32>,
          %mul3A_1363 = arith.mulf %get3A_1362, %gather3A : vector<16xf32>
          %swap3A_1364 = arith.index_cast %rem3A_1036 : i32 to index
          %swap3A_1365 = arith.index_cast %scan3A_1165 : i32 to index
          %swap3A_1366 = arith.constant 336 : index
          %swap3A_1367 = tpu.vector_load %arg8[%swap3A_1364, %swap3A_1365, %swap3A_1366] {strides = array<i32>} : memref<6x16x1024xf32, #tpu.memory_space<vmem>>, vector<16xf32>,
          tpu.vector_store %arg8[%swap3A_1364, %swap3A_1365, %swap3A_1366], %mul3A_1363 {strides = array<i32>} : memref<6x16x1024xf32, #tpu.memory_space<vmem>>, vector<16xf32>,
          %get3A_1368 = arith.index_cast %rem3A_1036 : i32 to index
          %get3A_1369 = arith.index_cast %scan3A_1165 : i32 to index
          %get3A_1370 = arith.constant 352 : index
          %get3A_1371 = tpu.vector_load %arg8[%get3A_1368, %get3A_1369, %get3A_1370] {strides = array<i32>} : memref<6x16x1024xf32, #tpu.memory_space<vmem>>, vector<16xf32>,
          %mul3A_1372 = arith.mulf %get3A_1371, %gather3A : vector<16xf32>
          %swap3A_1373 = arith.index_cast %rem3A_1036 : i32 to index
          %swap3A_1374 = arith.index_cast %scan3A_1165 : i32 to index
          %swap3A_1375 = arith.constant 352 : index
          %swap3A_1376 = tpu.vector_load %arg8[%swap3A_1373, %swap3A_1374, %swap3A_1375] {strides = array<i32>} : memref<6x16x1024xf32, #tpu.memory_space<vmem>>, vector<16xf32>,
          tpu.vector_store %arg8[%swap3A_1373, %swap3A_1374, %swap3A_1375], %mul3A_1372 {strides = array<i32>} : memref<6x16x1024xf32, #tpu.memory_space<vmem>>, vector<16xf32>,
          %get3A_1377 = arith.index_cast %rem3A_1036 : i32 to index
          %get3A_1378 = arith.index_cast %scan3A_1165 : i32 to index
          %get3A_1379 = arith.constant 368 : index
          %get3A_1380 = tpu.vector_load %arg8[%get3A_1377, %get3A_1378, %get3A_1379] {strides = array<i32>} : memref<6x16x1024xf32, #tpu.memory_space<vmem>>, vector<16xf32>,
          %mul3A_1381 = arith.mulf %get3A_1380, %gather3A : vector<16xf32>
          %swap3A_1382 = arith.index_cast %rem3A_1036 : i32 to index
          %swap3A_1383 = arith.index_cast %scan3A_1165 : i32 to index
          %swap3A_1384 = arith.constant 368 : index
          %swap3A_1385 = tpu.vector_load %arg8[%swap3A_1382, %swap3A_1383, %swap3A_1384] {strides = array<i32>} : memref<6x16x1024xf32, #tpu.memory_space<vmem>>, vector<16xf32>,
          tpu.vector_store %arg8[%swap3A_1382, %swap3A_1383, %swap3A_1384], %mul3A_1381 {strides = array<i32>} : memref<6x16x1024xf32, #tpu.memory_space<vmem>>, vector<16xf32>,
          %get3A_1386 = arith.index_cast %rem3A_1036 : i32 to index
          %get3A_1387 = arith.index_cast %scan3A_1165 : i32 to index
          %get3A_1388 = arith.constant 384 : index
          %get3A_1389 = tpu.vector_load %arg8[%get3A_1386, %get3A_1387, %get3A_1388] {strides = array<i32>} : memref<6x16x1024xf32, #tpu.memory_space<vmem>>, vector<16xf32>,
          %mul3A_1390 = arith.mulf %get3A_1389, %gather3A : vector<16xf32>
          %swap3A_1391 = arith.index_cast %rem3A_1036 : i32 to index
          %swap3A_1392 = arith.index_cast %scan3A_1165 : i32 to index
          %swap3A_1393 = arith.constant 384 : index
          %swap3A_1394 = tpu.vector_load %arg8[%swap3A_1391, %swap3A_1392, %swap3A_1393] {strides = array<i32>} : memref<6x16x1024xf32, #tpu.memory_space<vmem>>, vector<16xf32>,
          tpu.vector_store %arg8[%swap3A_1391, %swap3A_1392, %swap3A_1393], %mul3A_1390 {strides = array<i32>} : memref<6x16x1024xf32, #tpu.memory_space<vmem>>, vector<16xf32>,
          %get3A_1395 = arith.index_cast %rem3A_1036 : i32 to index
          %get3A_1396 = arith.index_cast %scan3A_1165 : i32 to index
          %get3A_1397 = arith.constant 400 : index
          %get3A_1398 = tpu.vector_load %arg8[%get3A_1395, %get3A_1396, %get3A_1397] {strides = array<i32>} : memref<6x16x1024xf32, #tpu.memory_space<vmem>>, vector<16xf32>,
          %mul3A_1399 = arith.mulf %get3A_1398, %gather3A : vector<16xf32>
          %swap3A_1400 = arith.index_cast %rem3A_1036 : i32 to index
          %swap3A_1401 = arith.index_cast %scan3A_1165 : i32 to index
          %swap3A_1402 = arith.constant 400 : index
          %swap3A_1403 = tpu.vector_load %arg8[%swap3A_1400, %swap3A_1401, %swap3A_1402] {strides = array<i32>} : memref<6x16x1024xf32, #tpu.memory_space<vmem>>, vector<16xf32>,
          tpu.vector_store %arg8[%swap3A_1400, %swap3A_1401, %swap3A_1402], %mul3A_1399 {strides = array<i32>} : memref<6x16x1024xf32, #tpu.memory_space<vmem>>, vector<16xf32>,
          %get3A_1404 = arith.index_cast %rem3A_1036 : i32 to index
          %get3A_1405 = arith.index_cast %scan3A_1165 : i32 to index
          %get3A_1406 = arith.constant 416 : index
          %get3A_1407 = tpu.vector_load %arg8[%get3A_1404, %get3A_1405, %get3A_1406] {strides = array<i32>} : memref<6x16x1024xf32, #tpu.memory_space<vmem>>, vector<16xf32>,
          %mul3A_1408 = arith.mulf %get3A_1407, %gather3A : vector<16xf32>
          %swap3A_1409 = arith.index_cast %rem3A_1036 : i32 to index
          %swap3A_1410 = arith.index_cast %scan3A_1165 : i32 to index
          %swap3A_1411 = arith.constant 416 : index
          %swap3A_1412 = tpu.vector_load %arg8[%swap3A_1409, %swap3A_1410, %swap3A_1411] {strides = array<i32>} : memref<6x16x1024xf32, #tpu.memory_space<vmem>>, vector<16xf32>,
          tpu.vector_store %arg8[%swap3A_1409, %swap3A_1410, %swap3A_1411], %mul3A_1408 {strides = array<i32>} : memref<6x16x1024xf32, #tpu.memory_space<vmem>>, vector<16xf32>,
          %get3A_1413 = arith.index_cast %rem3A_1036 : i32 to index
          %get3A_1414 = arith.index_cast %scan3A_1165 : i32 to index
          %get3A_1415 = arith.constant 432 : index
          %get3A_1416 = tpu.vector_load %arg8[%get3A_1413, %get3A_1414, %get3A_1415] {strides = array<i32>} : memref<6x16x1024xf32, #tpu.memory_space<vmem>>, vector<16xf32>,
          %mul3A_1417 = arith.mulf %get3A_1416, %gather3A : vector<16xf32>
          %swap3A_1418 = arith.index_cast %rem3A_1036 : i32 to index
          %swap3A_1419 = arith.index_cast %scan3A_1165 : i32 to index
          %swap3A_1420 = arith.constant 432 : index
          %swap3A_1421 = tpu.vector_load %arg8[%swap3A_1418, %swap3A_1419, %swap3A_1420] {strides = array<i32>} : memref<6x16x1024xf32, #tpu.memory_space<vmem>>, vector<16xf32>,
          tpu.vector_store %arg8[%swap3A_1418, %swap3A_1419, %swap3A_1420], %mul3A_1417 {strides = array<i32>} : memref<6x16x1024xf32, #tpu.memory_space<vmem>>, vector<16xf32>,
          %get3A_1422 = arith.index_cast %rem3A_1036 : i32 to index
          %get3A_1423 = arith.index_cast %scan3A_1165 : i32 to index
          %get3A_1424 = arith.constant 448 : index
          %get3A_1425 = tpu.vector_load %arg8[%get3A_1422, %get3A_1423, %get3A_1424] {strides = array<i32>} : memref<6x16x1024xf32, #tpu.memory_space<vmem>>, vector<16xf32>,
          %mul3A_1426 = arith.mulf %get3A_1425, %gather3A : vector<16xf32>
          %swap3A_1427 = arith.index_cast %rem3A_1036 : i32 to index
          %swap3A_1428 = arith.index_cast %scan3A_1165 : i32 to index
          %swap3A_1429 = arith.constant 448 : index
          %swap3A_1430 = tpu.vector_load %arg8[%swap3A_1427, %swap3A_1428, %swap3A_1429] {strides = array<i32>} : memref<6x16x1024xf32, #tpu.memory_space<vmem>>, vector<16xf32>,
          tpu.vector_store %arg8[%swap3A_1427, %swap3A_1428, %swap3A_1429], %mul3A_1426 {strides = array<i32>} : memref<6x16x1024xf32, #tpu.memory_space<vmem>>, vector<16xf32>,
          %get3A_1431 = arith.index_cast %rem3A_1036 : i32 to index
          %get3A_1432 = arith.index_cast %scan3A_1165 : i32 to index
          %get3A_1433 = arith.constant 464 : index
          %get3A_1434 = tpu.vector_load %arg8[%get3A_1431, %get3A_1432, %get3A_1433] {strides = array<i32>} : memref<6x16x1024xf32, #tpu.memory_space<vmem>>, vector<16xf32>,
          %mul3A_1435 = arith.mulf %get3A_1434, %gather3A : vector<16xf32>
          %swap3A_1436 = arith.index_cast %rem3A_1036 : i32 to index
          %swap3A_1437 = arith.index_cast %scan3A_1165 : i32 to index
          %swap3A_1438 = arith.constant 464 : index
          %swap3A_1439 = tpu.vector_load %arg8[%swap3A_1436, %swap3A_1437, %swap3A_1438] {strides = array<i32>} : memref<6x16x1024xf32, #tpu.memory_space<vmem>>, vector<16xf32>,
          tpu.vector_store %arg8[%swap3A_1436, %swap3A_1437, %swap3A_1438], %mul3A_1435 {strides = array<i32>} : memref<6x16x1024xf32, #tpu.memory_space<vmem>>, vector<16xf32>,
          %get3A_1440 = arith.index_cast %rem3A_1036 : i32 to index
          %get3A_1441 = arith.index_cast %scan3A_1165 : i32 to index
          %get3A_1442 = arith.constant 480 : index
          %get3A_1443 = tpu.vector_load %arg8[%get3A_1440, %get3A_1441, %get3A_1442] {strides = array<i32>} : memref<6x16x1024xf32, #tpu.memory_space<vmem>>, vector<16xf32>,
          %mul3A_1444 = arith.mulf %get3A_1443, %gather3A : vector<16xf32>
          %swap3A_1445 = arith.index_cast %rem3A_1036 : i32 to index
          %swap3A_1446 = arith.index_cast %scan3A_1165 : i32 to index
          %swap3A_1447 = arith.constant 480 : index
          %swap3A_1448 = tpu.vector_load %arg8[%swap3A_1445, %swap3A_1446, %swap3A_1447] {strides = array<i32>} : memref<6x16x1024xf32, #tpu.memory_space<vmem>>, vector<16xf32>,
          tpu.vector_store %arg8[%swap3A_1445, %swap3A_1446, %swap3A_1447], %mul3A_1444 {strides = array<i32>} : memref<6x16x1024xf32, #tpu.memory_space<vmem>>, vector<16xf32>,
          %get3A_1449 = arith.index_cast %rem3A_1036 : i32 to index
          %get3A_1450 = arith.index_cast %scan3A_1165 : i32 to index
          %get3A_1451 = arith.constant 496 : index
          %get3A_1452 = tpu.vector_load %arg8[%get3A_1449, %get3A_1450, %get3A_1451] {strides = array<i32>} : memref<6x16x1024xf32, #tpu.memory_space<vmem>>, vector<16xf32>,
          %mul3A_1453 = arith.mulf %get3A_1452, %gather3A : vector<16xf32>
          %swap3A_1454 = arith.index_cast %rem3A_1036 : i32 to index
          %swap3A_1455 = arith.index_cast %scan3A_1165 : i32 to index
          %swap3A_1456 = arith.constant 496 : index
          %swap3A_1457 = tpu.vector_load %arg8[%swap3A_1454, %swap3A_1455, %swap3A_1456] {strides = array<i32>} : memref<6x16x1024xf32, #tpu.memory_space<vmem>>, vector<16xf32>,
          tpu.vector_store %arg8[%swap3A_1454, %swap3A_1455, %swap3A_1456], %mul3A_1453 {strides = array<i32>} : memref<6x16x1024xf32, #tpu.memory_space<vmem>>, vector<16xf32>,
          %get3A_1458 = arith.index_cast %rem3A_1036 : i32 to index
          %get3A_1459 = arith.index_cast %scan3A_1165 : i32 to index
          %get3A_1460 = arith.constant 512 : index
          %get3A_1461 = tpu.vector_load %arg8[%get3A_1458, %get3A_1459, %get3A_1460] {strides = array<i32>} : memref<6x16x1024xf32, #tpu.memory_space<vmem>>, vector<16xf32>,
          %mul3A_1462 = arith.mulf %get3A_1461, %gather3A : vector<16xf32>
          %swap3A_1463 = arith.index_cast %rem3A_1036 : i32 to index
          %swap3A_1464 = arith.index_cast %scan3A_1165 : i32 to index
          %swap3A_1465 = arith.constant 512 : index
          %swap3A_1466 = tpu.vector_load %arg8[%swap3A_1463, %swap3A_1464, %swap3A_1465] {strides = array<i32>} : memref<6x16x1024xf32, #tpu.memory_space<vmem>>, vector<16xf32>,
          tpu.vector_store %arg8[%swap3A_1463, %swap3A_1464, %swap3A_1465], %mul3A_1462 {strides = array<i32>} : memref<6x16x1024xf32, #tpu.memory_space<vmem>>, vector<16xf32>,
          %get3A_1467 = arith.index_cast %rem3A_1036 : i32 to index
          %get3A_1468 = arith.index_cast %scan3A_1165 : i32 to index
          %get3A_1469 = arith.constant 528 : index
          %get3A_1470 = tpu.vector_load %arg8[%get3A_1467, %get3A_1468, %get3A_1469] {strides = array<i32>} : memref<6x16x1024xf32, #tpu.memory_space<vmem>>, vector<16xf32>,
          %mul3A_1471 = arith.mulf %get3A_1470, %gather3A : vector<16xf32>
          %swap3A_1472 = arith.index_cast %rem3A_1036 : i32 to index
          %swap3A_1473 = arith.index_cast %scan3A_1165 : i32 to index
          %swap3A_1474 = arith.constant 528 : index
          %swap3A_1475 = tpu.vector_load %arg8[%swap3A_1472, %swap3A_1473, %swap3A_1474] {strides = array<i32>} : memref<6x16x1024xf32, #tpu.memory_space<vmem>>, vector<16xf32>,
          tpu.vector_store %arg8[%swap3A_1472, %swap3A_1473, %swap3A_1474], %mul3A_1471 {strides = array<i32>} : memref<6x16x1024xf32, #tpu.memory_space<vmem>>, vector<16xf32>,
          %get3A_1476 = arith.index_cast %rem3A_1036 : i32 to index
          %get3A_1477 = arith.index_cast %scan3A_1165 : i32 to index
          %get3A_1478 = arith.constant 544 : index
          %get3A_1479 = tpu.vector_load %arg8[%get3A_1476, %get3A_1477, %get3A_1478] {strides = array<i32>} : memref<6x16x1024xf32, #tpu.memory_space<vmem>>, vector<16xf32>,
          %mul3A_1480 = arith.mulf %get3A_1479, %gather3A : vector<16xf32>
          %swap3A_1481 = arith.index_cast %rem3A_1036 : i32 to index
          %swap3A_1482 = arith.index_cast %scan3A_1165 : i32 to index
          %swap3A_1483 = arith.constant 544 : index
          %swap3A_1484 = tpu.vector_load %arg8[%swap3A_1481, %swap3A_1482, %swap3A_1483] {strides = array<i32>} : memref<6x16x1024xf32, #tpu.memory_space<vmem>>, vector<16xf32>,
          tpu.vector_store %arg8[%swap3A_1481, %swap3A_1482, %swap3A_1483], %mul3A_1480 {strides = array<i32>} : memref<6x16x1024xf32, #tpu.memory_space<vmem>>, vector<16xf32>,
          %get3A_1485 = arith.index_cast %rem3A_1036 : i32 to index
          %get3A_1486 = arith.index_cast %scan3A_1165 : i32 to index
          %get3A_1487 = arith.constant 560 : index
          %get3A_1488 = tpu.vector_load %arg8[%get3A_1485, %get3A_1486, %get3A_1487] {strides = array<i32>} : memref<6x16x1024xf32, #tpu.memory_space<vmem>>, vector<16xf32>,
          %mul3A_1489 = arith.mulf %get3A_1488, %gather3A : vector<16xf32>
          %swap3A_1490 = arith.index_cast %rem3A_1036 : i32 to index
          %swap3A_1491 = arith.index_cast %scan3A_1165 : i32 to index
          %swap3A_1492 = arith.constant 560 : index
          %swap3A_1493 = tpu.vector_load %arg8[%swap3A_1490, %swap3A_1491, %swap3A_1492] {strides = array<i32>} : memref<6x16x1024xf32, #tpu.memory_space<vmem>>, vector<16xf32>,
          tpu.vector_store %arg8[%swap3A_1490, %swap3A_1491, %swap3A_1492], %mul3A_1489 {strides = array<i32>} : memref<6x16x1024xf32, #tpu.memory_space<vmem>>, vector<16xf32>,
          %get3A_1494 = arith.index_cast %rem3A_1036 : i32 to index
          %get3A_1495 = arith.index_cast %scan3A_1165 : i32 to index
          %get3A_1496 = arith.constant 576 : index
          %get3A_1497 = tpu.vector_load %arg8[%get3A_1494, %get3A_1495, %get3A_1496] {strides = array<i32>} : memref<6x16x1024xf32, #tpu.memory_space<vmem>>, vector<16xf32>,
          %mul3A_1498 = arith.mulf %get3A_1497, %gather3A : vector<16xf32>
          %swap3A_1499 = arith.index_cast %rem3A_1036 : i32 to index
          %swap3A_1500 = arith.index_cast %scan3A_1165 : i32 to index
          %swap3A_1501 = arith.constant 576 : index
          %swap3A_1502 = tpu.vector_load %arg8[%swap3A_1499, %swap3A_1500, %swap3A_1501] {strides = array<i32>} : memref<6x16x1024xf32, #tpu.memory_space<vmem>>, vector<16xf32>,
          tpu.vector_store %arg8[%swap3A_1499, %swap3A_1500, %swap3A_1501], %mul3A_1498 {strides = array<i32>} : memref<6x16x1024xf32, #tpu.memory_space<vmem>>, vector<16xf32>,
          %get3A_1503 = arith.index_cast %rem3A_1036 : i32 to index
          %get3A_1504 = arith.index_cast %scan3A_1165 : i32 to index
          %get3A_1505 = arith.constant 592 : index
          %get3A_1506 = tpu.vector_load %arg8[%get3A_1503, %get3A_1504, %get3A_1505] {strides = array<i32>} : memref<6x16x1024xf32, #tpu.memory_space<vmem>>, vector<16xf32>,
          %mul3A_1507 = arith.mulf %get3A_1506, %gather3A : vector<16xf32>
          %swap3A_1508 = arith.index_cast %rem3A_1036 : i32 to index
          %swap3A_1509 = arith.index_cast %scan3A_1165 : i32 to index
          %swap3A_1510 = arith.constant 592 : index
          %swap3A_1511 = tpu.vector_load %arg8[%swap3A_1508, %swap3A_1509, %swap3A_1510] {strides = array<i32>} : memref<6x16x1024xf32, #tpu.memory_space<vmem>>, vector<16xf32>,
          tpu.vector_store %arg8[%swap3A_1508, %swap3A_1509, %swap3A_1510], %mul3A_1507 {strides = array<i32>} : memref<6x16x1024xf32, #tpu.memory_space<vmem>>, vector<16xf32>,
          %get3A_1512 = arith.index_cast %rem3A_1036 : i32 to index
          %get3A_1513 = arith.index_cast %scan3A_1165 : i32 to index
          %get3A_1514 = arith.constant 608 : index
          %get3A_1515 = tpu.vector_load %arg8[%get3A_1512, %get3A_1513, %get3A_1514] {strides = array<i32>} : memref<6x16x1024xf32, #tpu.memory_space<vmem>>, vector<16xf32>,
          %mul3A_1516 = arith.mulf %get3A_1515, %gather3A : vector<16xf32>
          %swap3A_1517 = arith.index_cast %rem3A_1036 : i32 to index
          %swap3A_1518 = arith.index_cast %scan3A_1165 : i32 to index
          %swap3A_1519 = arith.constant 608 : index
          %swap3A_1520 = tpu.vector_load %arg8[%swap3A_1517, %swap3A_1518, %swap3A_1519] {strides = array<i32>} : memref<6x16x1024xf32, #tpu.memory_space<vmem>>, vector<16xf32>,
          tpu.vector_store %arg8[%swap3A_1517, %swap3A_1518, %swap3A_1519], %mul3A_1516 {strides = array<i32>} : memref<6x16x1024xf32, #tpu.memory_space<vmem>>, vector<16xf32>,
          %get3A_1521 = arith.index_cast %rem3A_1036 : i32 to index
          %get3A_1522 = arith.index_cast %scan3A_1165 : i32 to index
          %get3A_1523 = arith.constant 624 : index
          %get3A_1524 = tpu.vector_load %arg8[%get3A_1521, %get3A_1522, %get3A_1523] {strides = array<i32>} : memref<6x16x1024xf32, #tpu.memory_space<vmem>>, vector<16xf32>,
          %mul3A_1525 = arith.mulf %get3A_1524, %gather3A : vector<16xf32>
          %swap3A_1526 = arith.index_cast %rem3A_1036 : i32 to index
          %swap3A_1527 = arith.index_cast %scan3A_1165 : i32 to index
          %swap3A_1528 = arith.constant 624 : index
          %swap3A_1529 = tpu.vector_load %arg8[%swap3A_1526, %swap3A_1527, %swap3A_1528] {strides = array<i32>} : memref<6x16x1024xf32, #tpu.memory_space<vmem>>, vector<16xf32>,
          tpu.vector_store %arg8[%swap3A_1526, %swap3A_1527, %swap3A_1528], %mul3A_1525 {strides = array<i32>} : memref<6x16x1024xf32, #tpu.memory_space<vmem>>, vector<16xf32>,
          %get3A_1530 = arith.index_cast %rem3A_1036 : i32 to index
          %get3A_1531 = arith.index_cast %scan3A_1165 : i32 to index
          %get3A_1532 = arith.constant 640 : index
          %get3A_1533 = tpu.vector_load %arg8[%get3A_1530, %get3A_1531, %get3A_1532] {strides = array<i32>} : memref<6x16x1024xf32, #tpu.memory_space<vmem>>, vector<16xf32>,
          %mul3A_1534 = arith.mulf %get3A_1533, %gather3A : vector<16xf32>
          %swap3A_1535 = arith.index_cast %rem3A_1036 : i32 to index
          %swap3A_1536 = arith.index_cast %scan3A_1165 : i32 to index
          %swap3A_1537 = arith.constant 640 : index
          %swap3A_1538 = tpu.vector_load %arg8[%swap3A_1535, %swap3A_1536, %swap3A_1537] {strides = array<i32>} : memref<6x16x1024xf32, #tpu.memory_space<vmem>>, vector<16xf32>,
          tpu.vector_store %arg8[%swap3A_1535, %swap3A_1536, %swap3A_1537], %mul3A_1534 {strides = array<i32>} : memref<6x16x1024xf32, #tpu.memory_space<vmem>>, vector<16xf32>,
          %get3A_1539 = arith.index_cast %rem3A_1036 : i32 to index
          %get3A_1540 = arith.index_cast %scan3A_1165 : i32 to index
          %get3A_1541 = arith.constant 656 : index
          %get3A_1542 = tpu.vector_load %arg8[%get3A_1539, %get3A_1540, %get3A_1541] {strides = array<i32>} : memref<6x16x1024xf32, #tpu.memory_space<vmem>>, vector<16xf32>,
          %mul3A_1543 = arith.mulf %get3A_1542, %gather3A : vector<16xf32>
          %swap3A_1544 = arith.index_cast %rem3A_1036 : i32 to index
          %swap3A_1545 = arith.index_cast %scan3A_1165 : i32 to index
          %swap3A_1546 = arith.constant 656 : index
          %swap3A_1547 = tpu.vector_load %arg8[%swap3A_1544, %swap3A_1545, %swap3A_1546] {strides = array<i32>} : memref<6x16x1024xf32, #tpu.memory_space<vmem>>, vector<16xf32>,
          tpu.vector_store %arg8[%swap3A_1544, %swap3A_1545, %swap3A_1546], %mul3A_1543 {strides = array<i32>} : memref<6x16x1024xf32, #tpu.memory_space<vmem>>, vector<16xf32>,
          %get3A_1548 = arith.index_cast %rem3A_1036 : i32 to index
          %get3A_1549 = arith.index_cast %scan3A_1165 : i32 to index
          %get3A_1550 = arith.constant 672 : index
          %get3A_1551 = tpu.vector_load %arg8[%get3A_1548, %get3A_1549, %get3A_1550] {strides = array<i32>} : memref<6x16x1024xf32, #tpu.memory_space<vmem>>, vector<16xf32>,
          %mul3A_1552 = arith.mulf %get3A_1551, %gather3A : vector<16xf32>
          %swap3A_1553 = arith.index_cast %rem3A_1036 : i32 to index
          %swap3A_1554 = arith.index_cast %scan3A_1165 : i32 to index
          %swap3A_1555 = arith.constant 672 : index
          %swap3A_1556 = tpu.vector_load %arg8[%swap3A_1553, %swap3A_1554, %swap3A_1555] {strides = array<i32>} : memref<6x16x1024xf32, #tpu.memory_space<vmem>>, vector<16xf32>,
          tpu.vector_store %arg8[%swap3A_1553, %swap3A_1554, %swap3A_1555], %mul3A_1552 {strides = array<i32>} : memref<6x16x1024xf32, #tpu.memory_space<vmem>>, vector<16xf32>,
          %get3A_1557 = arith.index_cast %rem3A_1036 : i32 to index
          %get3A_1558 = arith.index_cast %scan3A_1165 : i32 to index
          %get3A_1559 = arith.constant 688 : index
          %get3A_1560 = tpu.vector_load %arg8[%get3A_1557, %get3A_1558, %get3A_1559] {strides = array<i32>} : memref<6x16x1024xf32, #tpu.memory_space<vmem>>, vector<16xf32>,
          %mul3A_1561 = arith.mulf %get3A_1560, %gather3A : vector<16xf32>
          %swap3A_1562 = arith.index_cast %rem3A_1036 : i32 to index
          %swap3A_1563 = arith.index_cast %scan3A_1165 : i32 to index
          %swap3A_1564 = arith.constant 688 : index
          %swap3A_1565 = tpu.vector_load %arg8[%swap3A_1562, %swap3A_1563, %swap3A_1564] {strides = array<i32>} : memref<6x16x1024xf32, #tpu.memory_space<vmem>>, vector<16xf32>,
          tpu.vector_store %arg8[%swap3A_1562, %swap3A_1563, %swap3A_1564], %mul3A_1561 {strides = array<i32>} : memref<6x16x1024xf32, #tpu.memory_space<vmem>>, vector<16xf32>,
          %get3A_1566 = arith.index_cast %rem3A_1036 : i32 to index
          %get3A_1567 = arith.index_cast %scan3A_1165 : i32 to index
          %get3A_1568 = arith.constant 704 : index
          %get3A_1569 = tpu.vector_load %arg8[%get3A_1566, %get3A_1567, %get3A_1568] {strides = array<i32>} : memref<6x16x1024xf32, #tpu.memory_space<vmem>>, vector<16xf32>,
          %mul3A_1570 = arith.mulf %get3A_1569, %gather3A : vector<16xf32>
          %swap3A_1571 = arith.index_cast %rem3A_1036 : i32 to index
          %swap3A_1572 = arith.index_cast %scan3A_1165 : i32 to index
          %swap3A_1573 = arith.constant 704 : index
          %swap3A_1574 = tpu.vector_load %arg8[%swap3A_1571, %swap3A_1572, %swap3A_1573] {strides = array<i32>} : memref<6x16x1024xf32, #tpu.memory_space<vmem>>, vector<16xf32>,
          tpu.vector_store %arg8[%swap3A_1571, %swap3A_1572, %swap3A_1573], %mul3A_1570 {strides = array<i32>} : memref<6x16x1024xf32, #tpu.memory_space<vmem>>, vector<16xf32>,
          %get3A_1575 = arith.index_cast %rem3A_1036 : i32 to index
          %get3A_1576 = arith.index_cast %scan3A_1165 : i32 to index
          %get3A_1577 = arith.constant 720 : index
          %get3A_1578 = tpu.vector_load %arg8[%get3A_1575, %get3A_1576, %get3A_1577] {strides = array<i32>} : memref<6x16x1024xf32, #tpu.memory_space<vmem>>, vector<16xf32>,
          %mul3A_1579 = arith.mulf %get3A_1578, %gather3A : vector<16xf32>
          %swap3A_1580 = arith.index_cast %rem3A_1036 : i32 to index
          %swap3A_1581 = arith.index_cast %scan3A_1165 : i32 to index
          %swap3A_1582 = arith.constant 720 : index
          %swap3A_1583 = tpu.vector_load %arg8[%swap3A_1580, %swap3A_1581, %swap3A_1582] {strides = array<i32>} : memref<6x16x1024xf32, #tpu.memory_space<vmem>>, vector<16xf32>,
          tpu.vector_store %arg8[%swap3A_1580, %swap3A_1581, %swap3A_1582], %mul3A_1579 {strides = array<i32>} : memref<6x16x1024xf32, #tpu.memory_space<vmem>>, vector<16xf32>,
          %get3A_1584 = arith.index_cast %rem3A_1036 : i32 to index
          %get3A_1585 = arith.index_cast %scan3A_1165 : i32 to index
          %get3A_1586 = arith.constant 736 : index
          %get3A_1587 = tpu.vector_load %arg8[%get3A_1584, %get3A_1585, %get3A_1586] {strides = array<i32>} : memref<6x16x1024xf32, #tpu.memory_space<vmem>>, vector<16xf32>,
          %mul3A_1588 = arith.mulf %get3A_1587, %gather3A : vector<16xf32>
          %swap3A_1589 = arith.index_cast %rem3A_1036 : i32 to index
          %swap3A_1590 = arith.index_cast %scan3A_1165 : i32 to index
          %swap3A_1591 = arith.constant 736 : index
          %swap3A_1592 = tpu.vector_load %arg8[%swap3A_1589, %swap3A_1590, %swap3A_1591] {strides = array<i32>} : memref<6x16x1024xf32, #tpu.memory_space<vmem>>, vector<16xf32>,
          tpu.vector_store %arg8[%swap3A_1589, %swap3A_1590, %swap3A_1591], %mul3A_1588 {strides = array<i32>} : memref<6x16x1024xf32, #tpu.memory_space<vmem>>, vector<16xf32>,
          %get3A_1593 = arith.index_cast %rem3A_1036 : i32 to index
          %get3A_1594 = arith.index_cast %scan3A_1165 : i32 to index
          %get3A_1595 = arith.constant 752 : index
          %get3A_1596 = tpu.vector_load %arg8[%get3A_1593, %get3A_1594, %get3A_1595] {strides = array<i32>} : memref<6x16x1024xf32, #tpu.memory_space<vmem>>, vector<16xf32>,
          %mul3A_1597 = arith.mulf %get3A_1596, %gather3A : vector<16xf32>
          %swap3A_1598 = arith.index_cast %rem3A_1036 : i32 to index
          %swap3A_1599 = arith.index_cast %scan3A_1165 : i32 to index
          %swap3A_1600 = arith.constant 752 : index
          %swap3A_1601 = tpu.vector_load %arg8[%swap3A_1598, %swap3A_1599, %swap3A_1600] {strides = array<i32>} : memref<6x16x1024xf32, #tpu.memory_space<vmem>>, vector<16xf32>,
          tpu.vector_store %arg8[%swap3A_1598, %swap3A_1599, %swap3A_1600], %mul3A_1597 {strides = array<i32>} : memref<6x16x1024xf32, #tpu.memory_space<vmem>>, vector<16xf32>,
          %get3A_1602 = arith.index_cast %rem3A_1036 : i32 to index
          %get3A_1603 = arith.index_cast %scan3A_1165 : i32 to index
          %get3A_1604 = arith.constant 768 : index
          %get3A_1605 = tpu.vector_load %arg8[%get3A_1602, %get3A_1603, %get3A_1604] {strides = array<i32>} : memref<6x16x1024xf32, #tpu.memory_space<vmem>>, vector<16xf32>,
          %mul3A_1606 = arith.mulf %get3A_1605, %gather3A : vector<16xf32>
          %swap3A_1607 = arith.index_cast %rem3A_1036 : i32 to index
          %swap3A_1608 = arith.index_cast %scan3A_1165 : i32 to index
          %swap3A_1609 = arith.constant 768 : index
          %swap3A_1610 = tpu.vector_load %arg8[%swap3A_1607, %swap3A_1608, %swap3A_1609] {strides = array<i32>} : memref<6x16x1024xf32, #tpu.memory_space<vmem>>, vector<16xf32>,
          tpu.vector_store %arg8[%swap3A_1607, %swap3A_1608, %swap3A_1609], %mul3A_1606 {strides = array<i32>} : memref<6x16x1024xf32, #tpu.memory_space<vmem>>, vector<16xf32>,
          %get3A_1611 = arith.index_cast %rem3A_1036 : i32 to index
          %get3A_1612 = arith.index_cast %scan3A_1165 : i32 to index
          %get3A_1613 = arith.constant 784 : index
          %get3A_1614 = tpu.vector_load %arg8[%get3A_1611, %get3A_1612, %get3A_1613] {strides = array<i32>} : memref<6x16x1024xf32, #tpu.memory_space<vmem>>, vector<16xf32>,
          %mul3A_1615 = arith.mulf %get3A_1614, %gather3A : vector<16xf32>
          %swap3A_1616 = arith.index_cast %rem3A_1036 : i32 to index
          %swap3A_1617 = arith.index_cast %scan3A_1165 : i32 to index
          %swap3A_1618 = arith.constant 784 : index
          %swap3A_1619 = tpu.vector_load %arg8[%swap3A_1616, %swap3A_1617, %swap3A_1618] {strides = array<i32>} : memref<6x16x1024xf32, #tpu.memory_space<vmem>>, vector<16xf32>,
          tpu.vector_store %arg8[%swap3A_1616, %swap3A_1617, %swap3A_1618], %mul3A_1615 {strides = array<i32>} : memref<6x16x1024xf32, #tpu.memory_space<vmem>>, vector<16xf32>,
          %get3A_1620 = arith.index_cast %rem3A_1036 : i32 to index
          %get3A_1621 = arith.index_cast %scan3A_1165 : i32 to index
          %get3A_1622 = arith.constant 800 : index
          %get3A_1623 = tpu.vector_load %arg8[%get3A_1620, %get3A_1621, %get3A_1622] {strides = array<i32>} : memref<6x16x1024xf32, #tpu.memory_space<vmem>>, vector<16xf32>,
          %mul3A_1624 = arith.mulf %get3A_1623, %gather3A : vector<16xf32>
          %swap3A_1625 = arith.index_cast %rem3A_1036 : i32 to index
          %swap3A_1626 = arith.index_cast %scan3A_1165 : i32 to index
          %swap3A_1627 = arith.constant 800 : index
          %swap3A_1628 = tpu.vector_load %arg8[%swap3A_1625, %swap3A_1626, %swap3A_1627] {strides = array<i32>} : memref<6x16x1024xf32, #tpu.memory_space<vmem>>, vector<16xf32>,
          tpu.vector_store %arg8[%swap3A_1625, %swap3A_1626, %swap3A_1627], %mul3A_1624 {strides = array<i32>} : memref<6x16x1024xf32, #tpu.memory_space<vmem>>, vector<16xf32>,
          %get3A_1629 = arith.index_cast %rem3A_1036 : i32 to index
          %get3A_1630 = arith.index_cast %scan3A_1165 : i32 to index
          %get3A_1631 = arith.constant 816 : index
          %get3A_1632 = tpu.vector_load %arg8[%get3A_1629, %get3A_1630, %get3A_1631] {strides = array<i32>} : memref<6x16x1024xf32, #tpu.memory_space<vmem>>, vector<16xf32>,
          %mul3A_1633 = arith.mulf %get3A_1632, %gather3A : vector<16xf32>
          %swap3A_1634 = arith.index_cast %rem3A_1036 : i32 to index
          %swap3A_1635 = arith.index_cast %scan3A_1165 : i32 to index
          %swap3A_1636 = arith.constant 816 : index
          %swap3A_1637 = tpu.vector_load %arg8[%swap3A_1634, %swap3A_1635, %swap3A_1636] {strides = array<i32>} : memref<6x16x1024xf32, #tpu.memory_space<vmem>>, vector<16xf32>,
          tpu.vector_store %arg8[%swap3A_1634, %swap3A_1635, %swap3A_1636], %mul3A_1633 {strides = array<i32>} : memref<6x16x1024xf32, #tpu.memory_space<vmem>>, vector<16xf32>,
          %get3A_1638 = arith.index_cast %rem3A_1036 : i32 to index
          %get3A_1639 = arith.index_cast %scan3A_1165 : i32 to index
          %get3A_1640 = arith.constant 832 : index
          %get3A_1641 = tpu.vector_load %arg8[%get3A_1638, %get3A_1639, %get3A_1640] {strides = array<i32>} : memref<6x16x1024xf32, #tpu.memory_space<vmem>>, vector<16xf32>,
          %mul3A_1642 = arith.mulf %get3A_1641, %gather3A : vector<16xf32>
          %swap3A_1643 = arith.index_cast %rem3A_1036 : i32 to index
          %swap3A_1644 = arith.index_cast %scan3A_1165 : i32 to index
          %swap3A_1645 = arith.constant 832 : index
          %swap3A_1646 = tpu.vector_load %arg8[%swap3A_1643, %swap3A_1644, %swap3A_1645] {strides = array<i32>} : memref<6x16x1024xf32, #tpu.memory_space<vmem>>, vector<16xf32>,
          tpu.vector_store %arg8[%swap3A_1643, %swap3A_1644, %swap3A_1645], %mul3A_1642 {strides = array<i32>} : memref<6x16x1024xf32, #tpu.memory_space<vmem>>, vector<16xf32>,
          %get3A_1647 = arith.index_cast %rem3A_1036 : i32 to index
          %get3A_1648 = arith.index_cast %scan3A_1165 : i32 to index
          %get3A_1649 = arith.constant 848 : index
          %get3A_1650 = tpu.vector_load %arg8[%get3A_1647, %get3A_1648, %get3A_1649] {strides = array<i32>} : memref<6x16x1024xf32, #tpu.memory_space<vmem>>, vector<16xf32>,
          %mul3A_1651 = arith.mulf %get3A_1650, %gather3A : vector<16xf32>
          %swap3A_1652 = arith.index_cast %rem3A_1036 : i32 to index
          %swap3A_1653 = arith.index_cast %scan3A_1165 : i32 to index
          %swap3A_1654 = arith.constant 848 : index
          %swap3A_1655 = tpu.vector_load %arg8[%swap3A_1652, %swap3A_1653, %swap3A_1654] {strides = array<i32>} : memref<6x16x1024xf32, #tpu.memory_space<vmem>>, vector<16xf32>,
          tpu.vector_store %arg8[%swap3A_1652, %swap3A_1653, %swap3A_1654], %mul3A_1651 {strides = array<i32>} : memref<6x16x1024xf32, #tpu.memory_space<vmem>>, vector<16xf32>,
          %get3A_1656 = arith.index_cast %rem3A_1036 : i32 to index
          %get3A_1657 = arith.index_cast %scan3A_1165 : i32 to index
          %get3A_1658 = arith.constant 864 : index
          %get3A_1659 = tpu.vector_load %arg8[%get3A_1656, %get3A_1657, %get3A_1658] {strides = array<i32>} : memref<6x16x1024xf32, #tpu.memory_space<vmem>>, vector<16xf32>,
          %mul3A_1660 = arith.mulf %get3A_1659, %gather3A : vector<16xf32>
          %swap3A_1661 = arith.index_cast %rem3A_1036 : i32 to index
          %swap3A_1662 = arith.index_cast %scan3A_1165 : i32 to index
          %swap3A_1663 = arith.constant 864 : index
          %swap3A_1664 = tpu.vector_load %arg8[%swap3A_1661, %swap3A_1662, %swap3A_1663] {strides = array<i32>} : memref<6x16x1024xf32, #tpu.memory_space<vmem>>, vector<16xf32>,
          tpu.vector_store %arg8[%swap3A_1661, %swap3A_1662, %swap3A_1663], %mul3A_1660 {strides = array<i32>} : memref<6x16x1024xf32, #tpu.memory_space<vmem>>, vector<16xf32>,
          %get3A_1665 = arith.index_cast %rem3A_1036 : i32 to index
          %get3A_1666 = arith.index_cast %scan3A_1165 : i32 to index
          %get3A_1667 = arith.constant 880 : index
          %get3A_1668 = tpu.vector_load %arg8[%get3A_1665, %get3A_1666, %get3A_1667] {strides = array<i32>} : memref<6x16x1024xf32, #tpu.memory_space<vmem>>, vector<16xf32>,
          %mul3A_1669 = arith.mulf %get3A_1668, %gather3A : vector<16xf32>
          %swap3A_1670 = arith.index_cast %rem3A_1036 : i32 to index
          %swap3A_1671 = arith.index_cast %scan3A_1165 : i32 to index
          %swap3A_1672 = arith.constant 880 : index
          %swap3A_1673 = tpu.vector_load %arg8[%swap3A_1670, %swap3A_1671, %swap3A_1672] {strides = array<i32>} : memref<6x16x1024xf32, #tpu.memory_space<vmem>>, vector<16xf32>,
          tpu.vector_store %arg8[%swap3A_1670, %swap3A_1671, %swap3A_1672], %mul3A_1669 {strides = array<i32>} : memref<6x16x1024xf32, #tpu.memory_space<vmem>>, vector<16xf32>,
          %get3A_1674 = arith.index_cast %rem3A_1036 : i32 to index
          %get3A_1675 = arith.index_cast %scan3A_1165 : i32 to index
          %get3A_1676 = arith.constant 896 : index
          %get3A_1677 = tpu.vector_load %arg8[%get3A_1674, %get3A_1675, %get3A_1676] {strides = array<i32>} : memref<6x16x1024xf32, #tpu.memory_space<vmem>>, vector<16xf32>,
          %mul3A_1678 = arith.mulf %get3A_1677, %gather3A : vector<16xf32>
          %swap3A_1679 = arith.index_cast %rem3A_1036 : i32 to index
          %swap3A_1680 = arith.index_cast %scan3A_1165 : i32 to index
          %swap3A_1681 = arith.constant 896 : index
          %swap3A_1682 = tpu.vector_load %arg8[%swap3A_1679, %swap3A_1680, %swap3A_1681] {strides = array<i32>} : memref<6x16x1024xf32, #tpu.memory_space<vmem>>, vector<16xf32>,
          tpu.vector_store %arg8[%swap3A_1679, %swap3A_1680, %swap3A_1681], %mul3A_1678 {strides = array<i32>} : memref<6x16x1024xf32, #tpu.memory_space<vmem>>, vector<16xf32>,
          %get3A_1683 = arith.index_cast %rem3A_1036 : i32 to index
          %get3A_1684 = arith.index_cast %scan3A_1165 : i32 to index
          %get3A_1685 = arith.constant 912 : index
          %get3A_1686 = tpu.vector_load %arg8[%get3A_1683, %get3A_1684, %get3A_1685] {strides = array<i32>} : memref<6x16x1024xf32, #tpu.memory_space<vmem>>, vector<16xf32>,
          %mul3A_1687 = arith.mulf %get3A_1686, %gather3A : vector<16xf32>
          %swap3A_1688 = arith.index_cast %rem3A_1036 : i32 to index
          %swap3A_1689 = arith.index_cast %scan3A_1165 : i32 to index
          %swap3A_1690 = arith.constant 912 : index
          %swap3A_1691 = tpu.vector_load %arg8[%swap3A_1688, %swap3A_1689, %swap3A_1690] {strides = array<i32>} : memref<6x16x1024xf32, #tpu.memory_space<vmem>>, vector<16xf32>,
          tpu.vector_store %arg8[%swap3A_1688, %swap3A_1689, %swap3A_1690], %mul3A_1687 {strides = array<i32>} : memref<6x16x1024xf32, #tpu.memory_space<vmem>>, vector<16xf32>,
          %get3A_1692 = arith.index_cast %rem3A_1036 : i32 to index
          %get3A_1693 = arith.index_cast %scan3A_1165 : i32 to index
          %get3A_1694 = arith.constant 928 : index
          %get3A_1695 = tpu.vector_load %arg8[%get3A_1692, %get3A_1693, %get3A_1694] {strides = array<i32>} : memref<6x16x1024xf32, #tpu.memory_space<vmem>>, vector<16xf32>,
          %mul3A_1696 = arith.mulf %get3A_1695, %gather3A : vector<16xf32>
          %swap3A_1697 = arith.index_cast %rem3A_1036 : i32 to index
          %swap3A_1698 = arith.index_cast %scan3A_1165 : i32 to index
          %swap3A_1699 = arith.constant 928 : index
          %swap3A_1700 = tpu.vector_load %arg8[%swap3A_1697, %swap3A_1698, %swap3A_1699] {strides = array<i32>} : memref<6x16x1024xf32, #tpu.memory_space<vmem>>, vector<16xf32>,
          tpu.vector_store %arg8[%swap3A_1697, %swap3A_1698, %swap3A_1699], %mul3A_1696 {strides = array<i32>} : memref<6x16x1024xf32, #tpu.memory_space<vmem>>, vector<16xf32>,
          %get3A_1701 = arith.index_cast %rem3A_1036 : i32 to index
          %get3A_1702 = arith.index_cast %scan3A_1165 : i32 to index
          %get3A_1703 = arith.constant 944 : index
          %get3A_1704 = tpu.vector_load %arg8[%get3A_1701, %get3A_1702, %get3A_1703] {strides = array<i32>} : memref<6x16x1024xf32, #tpu.memory_space<vmem>>, vector<16xf32>,
          %mul3A_1705 = arith.mulf %get3A_1704, %gather3A : vector<16xf32>
          %swap3A_1706 = arith.index_cast %rem3A_1036 : i32 to index
          %swap3A_1707 = arith.index_cast %scan3A_1165 : i32 to index
          %swap3A_1708 = arith.constant 944 : index
          %swap3A_1709 = tpu.vector_load %arg8[%swap3A_1706, %swap3A_1707, %swap3A_1708] {strides = array<i32>} : memref<6x16x1024xf32, #tpu.memory_space<vmem>>, vector<16xf32>,
          tpu.vector_store %arg8[%swap3A_1706, %swap3A_1707, %swap3A_1708], %mul3A_1705 {strides = array<i32>} : memref<6x16x1024xf32, #tpu.memory_space<vmem>>, vector<16xf32>,
          %get3A_1710 = arith.index_cast %rem3A_1036 : i32 to index
          %get3A_1711 = arith.index_cast %scan3A_1165 : i32 to index
          %get3A_1712 = arith.constant 960 : index
          %get3A_1713 = tpu.vector_load %arg8[%get3A_1710, %get3A_1711, %get3A_1712] {strides = array<i32>} : memref<6x16x1024xf32, #tpu.memory_space<vmem>>, vector<16xf32>,
          %mul3A_1714 = arith.mulf %get3A_1713, %gather3A : vector<16xf32>
          %swap3A_1715 = arith.index_cast %rem3A_1036 : i32 to index
          %swap3A_1716 = arith.index_cast %scan3A_1165 : i32 to index
          %swap3A_1717 = arith.constant 960 : index
          %swap3A_1718 = tpu.vector_load %arg8[%swap3A_1715, %swap3A_1716, %swap3A_1717] {strides = array<i32>} : memref<6x16x1024xf32, #tpu.memory_space<vmem>>, vector<16xf32>,
          tpu.vector_store %arg8[%swap3A_1715, %swap3A_1716, %swap3A_1717], %mul3A_1714 {strides = array<i32>} : memref<6x16x1024xf32, #tpu.memory_space<vmem>>, vector<16xf32>,
          %get3A_1719 = arith.index_cast %rem3A_1036 : i32 to index
          %get3A_1720 = arith.index_cast %scan3A_1165 : i32 to index
          %get3A_1721 = arith.constant 976 : index
          %get3A_1722 = tpu.vector_load %arg8[%get3A_1719, %get3A_1720, %get3A_1721] {strides = array<i32>} : memref<6x16x1024xf32, #tpu.memory_space<vmem>>, vector<16xf32>,
          %mul3A_1723 = arith.mulf %get3A_1722, %gather3A : vector<16xf32>
          %swap3A_1724 = arith.index_cast %rem3A_1036 : i32 to index
          %swap3A_1725 = arith.index_cast %scan3A_1165 : i32 to index
          %swap3A_1726 = arith.constant 976 : index
          %swap3A_1727 = tpu.vector_load %arg8[%swap3A_1724, %swap3A_1725, %swap3A_1726] {strides = array<i32>} : memref<6x16x1024xf32, #tpu.memory_space<vmem>>, vector<16xf32>,
          tpu.vector_store %arg8[%swap3A_1724, %swap3A_1725, %swap3A_1726], %mul3A_1723 {strides = array<i32>} : memref<6x16x1024xf32, #tpu.memory_space<vmem>>, vector<16xf32>,
          %get3A_1728 = arith.index_cast %rem3A_1036 : i32 to index
          %get3A_1729 = arith.index_cast %scan3A_1165 : i32 to index
          %get3A_1730 = arith.constant 992 : index
          %get3A_1731 = tpu.vector_load %arg8[%get3A_1728, %get3A_1729, %get3A_1730] {strides = array<i32>} : memref<6x16x1024xf32, #tpu.memory_space<vmem>>, vector<16xf32>,
          %mul3A_1732 = arith.mulf %get3A_1731, %gather3A : vector<16xf32>
          %swap3A_1733 = arith.index_cast %rem3A_1036 : i32 to index
          %swap3A_1734 = arith.index_cast %scan3A_1165 : i32 to index
          %swap3A_1735 = arith.constant 992 : index
          %swap3A_1736 = tpu.vector_load %arg8[%swap3A_1733, %swap3A_1734, %swap3A_1735] {strides = array<i32>} : memref<6x16x1024xf32, #tpu.memory_space<vmem>>, vector<16xf32>,
          tpu.vector_store %arg8[%swap3A_1733, %swap3A_1734, %swap3A_1735], %mul3A_1732 {strides = array<i32>} : memref<6x16x1024xf32, #tpu.memory_space<vmem>>, vector<16xf32>,
          %get3A_1737 = arith.index_cast %rem3A_1036 : i32 to index
          %get3A_1738 = arith.index_cast %scan3A_1165 : i32 to index
          %get3A_1739 = arith.constant 1008 : index
          %get3A_1740 = tpu.vector_load %arg8[%get3A_1737, %get3A_1738, %get3A_1739] {strides = array<i32>} : memref<6x16x1024xf32, #tpu.memory_space<vmem>>, vector<16xf32>,
          %mul3A_1741 = arith.mulf %get3A_1740, %gather3A : vector<16xf32>
          %swap3A_1742 = arith.index_cast %rem3A_1036 : i32 to index
          %swap3A_1743 = arith.index_cast %scan3A_1165 : i32 to index
          %swap3A_1744 = arith.constant 1008 : index
          %swap3A_1745 = tpu.vector_load %arg8[%swap3A_1742, %swap3A_1743, %swap3A_1744] {strides = array<i32>} : memref<6x16x1024xf32, #tpu.memory_space<vmem>>, vector<16xf32>,
          tpu.vector_store %arg8[%swap3A_1742, %swap3A_1743, %swap3A_1744], %mul3A_1741 {strides = array<i32>} : memref<6x16x1024xf32, #tpu.memory_space<vmem>>, vector<16xf32>,
        }
        %scan3A_1164 = arith.constant 16 : i32
      } else {
      }
      %scan3A_1069 = arith.constant 0 : i32
      %scan3A_1070 = arith.constant 0 : i32
      %scan3A_1071 = arith.constant 4 : i32
      %scan3A_1072 = arith.addi %scan3A_1070, %scan3A_1071 : i32
      %scan3A_1073 = arith.constant 1 : i32
      scf.for %scan3A_1159 = %scan3A_1070 to %scan3A_1072 step %scan3A_1073  : i32 {
        %get3A_1160 = arith.index_cast %rem3A_1036 : i32 to index
        %get3A_1161 = arith.index_cast %scan3A_1159 : i32 to index
        %get3A_1162 = arith.constant 0 : index
        %get3A_1163 = tpu.vector_load %arg9[%get3A_1160, %get3A_1161, %get3A_1162] {strides = array<i32>} : memref<6x4x1024xf32, #tpu.memory_space<vmem>>, vector<16xf32>,
        %add3A_1164 = arith.constant 0 : i32
        %add3A_1165 = arith.addi %add3A_1164, %scan3A_1159 : i32
        %swap3A_1166 = arith.index_cast %rem3A_1036 : i32 to index
        %swap3A_1167 = arith.index_cast %add3A_1165 : i32 to index
        %swap3A_1168 = arith.constant 0 : index
        %swap3A_1169 = tpu.vector_load %arg8[%swap3A_1166, %swap3A_1167, %swap3A_1168] {strides = array<i32>} : memref<6x16x1024xf32, #tpu.memory_space<vmem>>, vector<16xf32>,
        tpu.vector_store %arg8[%swap3A_1166, %swap3A_1167, %swap3A_1168], %get3A_1163 {add = true, strides = array<i32>} : memref<6x16x1024xf32, #tpu.memory_space<vmem>>, vector<16xf32>,
        %add3A_1170 = arith.constant 4 : i32
        %add3A_1171 = arith.addi %add3A_1170, %scan3A_1159 : i32
        %swap3A_1172 = arith.index_cast %rem3A_1036 : i32 to index
        %swap3A_1173 = arith.index_cast %add3A_1171 : i32 to index
        %swap3A_1174 = arith.constant 0 : index
        %swap3A_1175 = tpu.vector_load %arg8[%swap3A_1172, %swap3A_1173, %swap3A_1174] {strides = array<i32>} : memref<6x16x1024xf32, #tpu.memory_space<vmem>>, vector<16xf32>,
        tpu.vector_store %arg8[%swap3A_1172, %swap3A_1173, %swap3A_1174], %get3A_1163 {add = true, strides = array<i32>} : memref<6x16x1024xf32, #tpu.memory_space<vmem>>, vector<16xf32>,
        %add3A_1176 = arith.constant 8 : i32
        %add3A_1177 = arith.addi %add3A_1176, %scan3A_1159 : i32
        %swap3A_1178 = arith.index_cast %rem3A_1036 : i32 to index
        %swap3A_1179 = arith.index_cast %add3A_1177 : i32 to index
        %swap3A_1180 = arith.constant 0 : index
        %swap3A_1181 = tpu.vector_load %arg8[%swap3A_1178, %swap3A_1179, %swap3A_1180] {strides = array<i32>} : memref<6x16x1024xf32, #tpu.memory_space<vmem>>, vector<16xf32>,
        tpu.vector_store %arg8[%swap3A_1178, %swap3A_1179, %swap3A_1180], %get3A_1163 {add = true, strides = array<i32>} : memref<6x16x1024xf32, #tpu.memory_space<vmem>>, vector<16xf32>,
        %add3A_1182 = arith.constant 12 : i32
        %add3A_1183 = arith.addi %add3A_1182, %scan3A_1159 : i32
        %swap3A_1184 = arith.index_cast %rem3A_1036 : i32 to index
        %swap3A_1185 = arith.index_cast %add3A_1183 : i32 to index
        %swap3A_1186 = arith.constant 0 : index
        %swap3A_1187 = tpu.vector_load %arg8[%swap3A_1184, %swap3A_1185, %swap3A_1186] {strides = array<i32>} : memref<6x16x1024xf32, #tpu.memory_space<vmem>>, vector<16xf32>,
        tpu.vector_store %arg8[%swap3A_1184, %swap3A_1185, %swap3A_1186], %get3A_1163 {add = true, strides = array<i32>} : memref<6x16x1024xf32, #tpu.memory_space<vmem>>, vector<16xf32>,
        %get3A_1188 = arith.index_cast %rem3A_1036 : i32 to index
        %get3A_1189 = arith.index_cast %scan3A_1159 : i32 to index
        %get3A_1190 = arith.constant 16 : index
        %get3A_1191 = tpu.vector_load %arg9[%get3A_1188, %get3A_1189, %get3A_1190] {strides = array<i32>} : memref<6x4x1024xf32, #tpu.memory_space<vmem>>, vector<16xf32>,
        %add3A_1192 = arith.constant 0 : i32
        %add3A_1193 = arith.addi %add3A_1192, %scan3A_1159 : i32
        %swap3A_1194 = arith.index_cast %rem3A_1036 : i32 to index
        %swap3A_1195 = arith.index_cast %add3A_1193 : i32 to index
        %swap3A_1196 = arith.constant 16 : index
        %swap3A_1197 = tpu.vector_load %arg8[%swap3A_1194, %swap3A_1195, %swap3A_1196] {strides = array<i32>} : memref<6x16x1024xf32, #tpu.memory_space<vmem>>, vector<16xf32>,
        tpu.vector_store %arg8[%swap3A_1194, %swap3A_1195, %swap3A_1196], %get3A_1191 {add = true, strides = array<i32>} : memref<6x16x1024xf32, #tpu.memory_space<vmem>>, vector<16xf32>,
        %add3A_1198 = arith.constant 4 : i32
        %add3A_1199 = arith.addi %add3A_1198, %scan3A_1159 : i32
        %swap3A_1200 = arith.index_cast %rem3A_1036 : i32 to index
        %swap3A_1201 = arith.index_cast %add3A_1199 : i32 to index
        %swap3A_1202 = arith.constant 16 : index
        %swap3A_1203 = tpu.vector_load %arg8[%swap3A_1200, %swap3A_1201, %swap3A_1202] {strides = array<i32>} : memref<6x16x1024xf32, #tpu.memory_space<vmem>>, vector<16xf32>,
        tpu.vector_store %arg8[%swap3A_1200, %swap3A_1201, %swap3A_1202], %get3A_1191 {add = true, strides = array<i32>} : memref<6x16x1024xf32, #tpu.memory_space<vmem>>, vector<16xf32>,
        %add3A_1204 = arith.constant 8 : i32
        %add3A_1205 = arith.addi %add3A_1204, %scan3A_1159 : i32
        %swap3A_1206 = arith.index_cast %rem3A_1036 : i32 to index
        %swap3A_1207 = arith.index_cast %add3A_1205 : i32 to index
        %swap3A_1208 = arith.constant 16 : index
        %swap3A_1209 = tpu.vector_load %arg8[%swap3A_1206, %swap3A_1207, %swap3A_1208] {strides = array<i32>} : memref<6x16x1024xf32, #tpu.memory_space<vmem>>, vector<16xf32>,
        tpu.vector_store %arg8[%swap3A_1206, %swap3A_1207, %swap3A_1208], %get3A_1191 {add = true, strides = array<i32>} : memref<6x16x1024xf32, #tpu.memory_space<vmem>>, vector<16xf32>,
        %add3A_1210 = arith.constant 12 : i32
        %add3A_1211 = arith.addi %add3A_1210, %scan3A_1159 : i32
        %swap3A_1212 = arith.index_cast %rem3A_1036 : i32 to index
        %swap3A_1213 = arith.index_cast %add3A_1211 : i32 to index
        %swap3A_1214 = arith.constant 16 : index
        %swap3A_1215 = tpu.vector_load %arg8[%swap3A_1212, %swap3A_1213, %swap3A_1214] {strides = array<i32>} : memref<6x16x1024xf32, #tpu.memory_space<vmem>>, vector<16xf32>,
        tpu.vector_store %arg8[%swap3A_1212, %swap3A_1213, %swap3A_1214], %get3A_1191 {add = true, strides = array<i32>} : memref<6x16x1024xf32, #tpu.memory_space<vmem>>, vector<16xf32>,
        %get3A_1216 = arith.index_cast %rem3A_1036 : i32 to index
        %get3A_1217 = arith.index_cast %scan3A_1159 : i32 to index
        %get3A_1218 = arith.constant 32 : index
        %get3A_1219 = tpu.vector_load %arg9[%get3A_1216, %get3A_1217, %get3A_1218] {strides = array<i32>} : memref<6x4x1024xf32, #tpu.memory_space<vmem>>, vector<16xf32>,
        %add3A_1220 = arith.constant 0 : i32
        %add3A_1221 = arith.addi %add3A_1220, %scan3A_1159 : i32
        %swap3A_1222 = arith.index_cast %rem3A_1036 : i32 to index
        %swap3A_1223 = arith.index_cast %add3A_1221 : i32 to index
        %swap3A_1224 = arith.constant 32 : index
        %swap3A_1225 = tpu.vector_load %arg8[%swap3A_1222, %swap3A_1223, %swap3A_1224] {strides = array<i32>} : memref<6x16x1024xf32, #tpu.memory_space<vmem>>, vector<16xf32>,
        tpu.vector_store %arg8[%swap3A_1222, %swap3A_1223, %swap3A_1224], %get3A_1219 {add = true, strides = array<i32>} : memref<6x16x1024xf32, #tpu.memory_space<vmem>>, vector<16xf32>,
        %add3A_1226 = arith.constant 4 : i32
        %add3A_1227 = arith.addi %add3A_1226, %scan3A_1159 : i32
        %swap3A_1228 = arith.index_cast %rem3A_1036 : i32 to index
        %swap3A_1229 = arith.index_cast %add3A_1227 : i32 to index
        %swap3A_1230 = arith.constant 32 : index
        %swap3A_1231 = tpu.vector_load %arg8[%swap3A_1228, %swap3A_1229, %swap3A_1230] {strides = array<i32>} : memref<6x16x1024xf32, #tpu.memory_space<vmem>>, vector<16xf32>,
        tpu.vector_store %arg8[%swap3A_1228, %swap3A_1229, %swap3A_1230], %get3A_1219 {add = true, strides = array<i32>} : memref<6x16x1024xf32, #tpu.memory_space<vmem>>, vector<16xf32>,
        %add3A_1232 = arith.constant 8 : i32
        %add3A_1233 = arith.addi %add3A_1232, %scan3A_1159 : i32
        %swap3A_1234 = arith.index_cast %rem3A_1036 : i32 to index
        %swap3A_1235 = arith.index_cast %add3A_1233 : i32 to index
        %swap3A_1236 = arith.constant 32 : index
        %swap3A_1237 = tpu.vector_load %arg8[%swap3A_1234, %swap3A_1235, %swap3A_1236] {strides = array<i32>} : memref<6x16x1024xf32, #tpu.memory_space<vmem>>, vector<16xf32>,
        tpu.vector_store %arg8[%swap3A_1234, %swap3A_1235, %swap3A_1236], %get3A_1219 {add = true, strides = array<i32>} : memref<6x16x1024xf32, #tpu.memory_space<vmem>>, vector<16xf32>,
        %add3A_1238 = arith.constant 12 : i32
        %add3A_1239 = arith.addi %add3A_1238, %scan3A_1159 : i32
        %swap3A_1240 = arith.index_cast %rem3A_1036 : i32 to index
        %swap3A_1241 = arith.index_cast %add3A_1239 : i32 to index
        %swap3A_1242 = arith.constant 32 : index
        %swap3A_1243 = tpu.vector_load %arg8[%swap3A_1240, %swap3A_1241, %swap3A_1242] {strides = array<i32>} : memref<6x16x1024xf32, #tpu.memory_space<vmem>>, vector<16xf32>,
        tpu.vector_store %arg8[%swap3A_1240, %swap3A_1241, %swap3A_1242], %get3A_1219 {add = true, strides = array<i32>} : memref<6x16x1024xf32, #tpu.memory_space<vmem>>, vector<16xf32>,
        %get3A_1244 = arith.index_cast %rem3A_1036 : i32 to index
        %get3A_1245 = arith.index_cast %scan3A_1159 : i32 to index
        %get3A_1246 = arith.constant 48 : index
        %get3A_1247 = tpu.vector_load %arg9[%get3A_1244, %get3A_1245, %get3A_1246] {strides = array<i32>} : memref<6x4x1024xf32, #tpu.memory_space<vmem>>, vector<16xf32>,
        %add3A_1248 = arith.constant 0 : i32
        %add3A_1249 = arith.addi %add3A_1248, %scan3A_1159 : i32
        %swap3A_1250 = arith.index_cast %rem3A_1036 : i32 to index
        %swap3A_1251 = arith.index_cast %add3A_1249 : i32 to index
        %swap3A_1252 = arith.constant 48 : index
        %swap3A_1253 = tpu.vector_load %arg8[%swap3A_1250, %swap3A_1251, %swap3A_1252] {strides = array<i32>} : memref<6x16x1024xf32, #tpu.memory_space<vmem>>, vector<16xf32>,
        tpu.vector_store %arg8[%swap3A_1250, %swap3A_1251, %swap3A_1252], %get3A_1247 {add = true, strides = array<i32>} : memref<6x16x1024xf32, #tpu.memory_space<vmem>>, vector<16xf32>,
        %add3A_1254 = arith.constant 4 : i32
        %add3A_1255 = arith.addi %add3A_1254, %scan3A_1159 : i32
        %swap3A_1256 = arith.index_cast %rem3A_1036 : i32 to index
        %swap3A_1257 = arith.index_cast %add3A_1255 : i32 to index
        %swap3A_1258 = arith.constant 48 : index
        %swap3A_1259 = tpu.vector_load %arg8[%swap3A_1256, %swap3A_1257, %swap3A_1258] {strides = array<i32>} : memref<6x16x1024xf32, #tpu.memory_space<vmem>>, vector<16xf32>,
        tpu.vector_store %arg8[%swap3A_1256, %swap3A_1257, %swap3A_1258], %get3A_1247 {add = true, strides = array<i32>} : memref<6x16x1024xf32, #tpu.memory_space<vmem>>, vector<16xf32>,
        %add3A_1260 = arith.constant 8 : i32
        %add3A_1261 = arith.addi %add3A_1260, %scan3A_1159 : i32
        %swap3A_1262 = arith.index_cast %rem3A_1036 : i32 to index
        %swap3A_1263 = arith.index_cast %add3A_1261 : i32 to index
        %swap3A_1264 = arith.constant 48 : index
        %swap3A_1265 = tpu.vector_load %arg8[%swap3A_1262, %swap3A_1263, %swap3A_1264] {strides = array<i32>} : memref<6x16x1024xf32, #tpu.memory_space<vmem>>, vector<16xf32>,
        tpu.vector_store %arg8[%swap3A_1262, %swap3A_1263, %swap3A_1264], %get3A_1247 {add = true, strides = array<i32>} : memref<6x16x1024xf32, #tpu.memory_space<vmem>>, vector<16xf32>,
        %add3A_1266 = arith.constant 12 : i32
        %add3A_1267 = arith.addi %add3A_1266, %scan3A_1159 : i32
        %swap3A_1268 = arith.index_cast %rem3A_1036 : i32 to index
        %swap3A_1269 = arith.index_cast %add3A_1267 : i32 to index
        %swap3A_1270 = arith.constant 48 : index
        %swap3A_1271 = tpu.vector_load %arg8[%swap3A_1268, %swap3A_1269, %swap3A_1270] {strides = array<i32>} : memref<6x16x1024xf32, #tpu.memory_space<vmem>>, vector<16xf32>,
        tpu.vector_store %arg8[%swap3A_1268, %swap3A_1269, %swap3A_1270], %get3A_1247 {add = true, strides = array<i32>} : memref<6x16x1024xf32, #tpu.memory_space<vmem>>, vector<16xf32>,
        %get3A_1272 = arith.index_cast %rem3A_1036 : i32 to index
        %get3A_1273 = arith.index_cast %scan3A_1159 : i32 to index
        %get3A_1274 = arith.constant 64 : index
        %get3A_1275 = tpu.vector_load %arg9[%get3A_1272, %get3A_1273, %get3A_1274] {strides = array<i32>} : memref<6x4x1024xf32, #tpu.memory_space<vmem>>, vector<16xf32>,
        %add3A_1276 = arith.constant 0 : i32
        %add3A_1277 = arith.addi %add3A_1276, %scan3A_1159 : i32
        %swap3A_1278 = arith.index_cast %rem3A_1036 : i32 to index
        %swap3A_1279 = arith.index_cast %add3A_1277 : i32 to index
        %swap3A_1280 = arith.constant 64 : index
        %swap3A_1281 = tpu.vector_load %arg8[%swap3A_1278, %swap3A_1279, %swap3A_1280] {strides = array<i32>} : memref<6x16x1024xf32, #tpu.memory_space<vmem>>, vector<16xf32>,
        tpu.vector_store %arg8[%swap3A_1278, %swap3A_1279, %swap3A_1280], %get3A_1275 {add = true, strides = array<i32>} : memref<6x16x1024xf32, #tpu.memory_space<vmem>>, vector<16xf32>,
        %add3A_1282 = arith.constant 4 : i32
        %add3A_1283 = arith.addi %add3A_1282, %scan3A_1159 : i32
        %swap3A_1284 = arith.index_cast %rem3A_1036 : i32 to index
        %swap3A_1285 = arith.index_cast %add3A_1283 : i32 to index
        %swap3A_1286 = arith.constant 64 : index
        %swap3A_1287 = tpu.vector_load %arg8[%swap3A_1284, %swap3A_1285, %swap3A_1286] {strides = array<i32>} : memref<6x16x1024xf32, #tpu.memory_space<vmem>>, vector<16xf32>,
        tpu.vector_store %arg8[%swap3A_1284, %swap3A_1285, %swap3A_1286], %get3A_1275 {add = true, strides = array<i32>} : memref<6x16x1024xf32, #tpu.memory_space<vmem>>, vector<16xf32>,
        %add3A_1288 = arith.constant 8 : i32
        %add3A_1289 = arith.addi %add3A_1288, %scan3A_1159 : i32
        %swap3A_1290 = arith.index_cast %rem3A_1036 : i32 to index
        %swap3A_1291 = arith.index_cast %add3A_1289 : i32 to index
        %swap3A_1292 = arith.constant 64 : index
        %swap3A_1293 = tpu.vector_load %arg8[%swap3A_1290, %swap3A_1291, %swap3A_1292] {strides = array<i32>} : memref<6x16x1024xf32, #tpu.memory_space<vmem>>, vector<16xf32>,
        tpu.vector_store %arg8[%swap3A_1290, %swap3A_1291, %swap3A_1292], %get3A_1275 {add = true, strides = array<i32>} : memref<6x16x1024xf32, #tpu.memory_space<vmem>>, vector<16xf32>,
        %add3A_1294 = arith.constant 12 : i32
        %add3A_1295 = arith.addi %add3A_1294, %scan3A_1159 : i32
        %swap3A_1296 = arith.index_cast %rem3A_1036 : i32 to index
        %swap3A_1297 = arith.index_cast %add3A_1295 : i32 to index
        %swap3A_1298 = arith.constant 64 : index
        %swap3A_1299 = tpu.vector_load %arg8[%swap3A_1296, %swap3A_1297, %swap3A_1298] {strides = array<i32>} : memref<6x16x1024xf32, #tpu.memory_space<vmem>>, vector<16xf32>,
        tpu.vector_store %arg8[%swap3A_1296, %swap3A_1297, %swap3A_1298], %get3A_1275 {add = true, strides = array<i32>} : memref<6x16x1024xf32, #tpu.memory_space<vmem>>, vector<16xf32>,
        %get3A_1300 = arith.index_cast %rem3A_1036 : i32 to index
        %get3A_1301 = arith.index_cast %scan3A_1159 : i32 to index
        %get3A_1302 = arith.constant 80 : index
        %get3A_1303 = tpu.vector_load %arg9[%get3A_1300, %get3A_1301, %get3A_1302] {strides = array<i32>} : memref<6x4x1024xf32, #tpu.memory_space<vmem>>, vector<16xf32>,
        %add3A_1304 = arith.constant 0 : i32
        %add3A_1305 = arith.addi %add3A_1304, %scan3A_1159 : i32
        %swap3A_1306 = arith.index_cast %rem3A_1036 : i32 to index
        %swap3A_1307 = arith.index_cast %add3A_1305 : i32 to index
        %swap3A_1308 = arith.constant 80 : index
        %swap3A_1309 = tpu.vector_load %arg8[%swap3A_1306, %swap3A_1307, %swap3A_1308] {strides = array<i32>} : memref<6x16x1024xf32, #tpu.memory_space<vmem>>, vector<16xf32>,
        tpu.vector_store %arg8[%swap3A_1306, %swap3A_1307, %swap3A_1308], %get3A_1303 {add = true, strides = array<i32>} : memref<6x16x1024xf32, #tpu.memory_space<vmem>>, vector<16xf32>,
        %add3A_1310 = arith.constant 4 : i32
        %add3A_1311 = arith.addi %add3A_1310, %scan3A_1159 : i32
        %swap3A_1312 = arith.index_cast %rem3A_1036 : i32 to index
        %swap3A_1313 = arith.index_cast %add3A_1311 : i32 to index
        %swap3A_1314 = arith.constant 80 : index
        %swap3A_1315 = tpu.vector_load %arg8[%swap3A_1312, %swap3A_1313, %swap3A_1314] {strides = array<i32>} : memref<6x16x1024xf32, #tpu.memory_space<vmem>>, vector<16xf32>,
        tpu.vector_store %arg8[%swap3A_1312, %swap3A_1313, %swap3A_1314], %get3A_1303 {add = true, strides = array<i32>} : memref<6x16x1024xf32, #tpu.memory_space<vmem>>, vector<16xf32>,
        %add3A_1316 = arith.constant 8 : i32
        %add3A_1317 = arith.addi %add3A_1316, %scan3A_1159 : i32
        %swap3A_1318 = arith.index_cast %rem3A_1036 : i32 to index
        %swap3A_1319 = arith.index_cast %add3A_1317 : i32 to index
        %swap3A_1320 = arith.constant 80 : index
        %swap3A_1321 = tpu.vector_load %arg8[%swap3A_1318, %swap3A_1319, %swap3A_1320] {strides = array<i32>} : memref<6x16x1024xf32, #tpu.memory_space<vmem>>, vector<16xf32>,
        tpu.vector_store %arg8[%swap3A_1318, %swap3A_1319, %swap3A_1320], %get3A_1303 {add = true, strides = array<i32>} : memref<6x16x1024xf32, #tpu.memory_space<vmem>>, vector<16xf32>,
        %add3A_1322 = arith.constant 12 : i32
        %add3A_1323 = arith.addi %add3A_1322, %scan3A_1159 : i32
        %swap3A_1324 = arith.index_cast %rem3A_1036 : i32 to index
        %swap3A_1325 = arith.index_cast %add3A_1323 : i32 to index
        %swap3A_1326 = arith.constant 80 : index
        %swap3A_1327 = tpu.vector_load %arg8[%swap3A_1324, %swap3A_1325, %swap3A_1326] {strides = array<i32>} : memref<6x16x1024xf32, #tpu.memory_space<vmem>>, vector<16xf32>,
        tpu.vector_store %arg8[%swap3A_1324, %swap3A_1325, %swap3A_1326], %get3A_1303 {add = true, strides = array<i32>} : memref<6x16x1024xf32, #tpu.memory_space<vmem>>, vector<16xf32>,
        %get3A_1328 = arith.index_cast %rem3A_1036 : i32 to index
        %get3A_1329 = arith.index_cast %scan3A_1159 : i32 to index
        %get3A_1330 = arith.constant 96 : index
        %get3A_1331 = tpu.vector_load %arg9[%get3A_1328, %get3A_1329, %get3A_1330] {strides = array<i32>} : memref<6x4x1024xf32, #tpu.memory_space<vmem>>, vector<16xf32>,
        %add3A_1332 = arith.constant 0 : i32
        %add3A_1333 = arith.addi %add3A_1332, %scan3A_1159 : i32
        %swap3A_1334 = arith.index_cast %rem3A_1036 : i32 to index
        %swap3A_1335 = arith.index_cast %add3A_1333 : i32 to index
        %swap3A_1336 = arith.constant 96 : index
        %swap3A_1337 = tpu.vector_load %arg8[%swap3A_1334, %swap3A_1335, %swap3A_1336] {strides = array<i32>} : memref<6x16x1024xf32, #tpu.memory_space<vmem>>, vector<16xf32>,
        tpu.vector_store %arg8[%swap3A_1334, %swap3A_1335, %swap3A_1336], %get3A_1331 {add = true, strides = array<i32>} : memref<6x16x1024xf32, #tpu.memory_space<vmem>>, vector<16xf32>,
        %add3A_1338 = arith.constant 4 : i32
        %add3A_1339 = arith.addi %add3A_1338, %scan3A_1159 : i32
        %swap3A_1340 = arith.index_cast %rem3A_1036 : i32 to index
        %swap3A_1341 = arith.index_cast %add3A_1339 : i32 to index
        %swap3A_1342 = arith.constant 96 : index
        %swap3A_1343 = tpu.vector_load %arg8[%swap3A_1340, %swap3A_1341, %swap3A_1342] {strides = array<i32>} : memref<6x16x1024xf32, #tpu.memory_space<vmem>>, vector<16xf32>,
        tpu.vector_store %arg8[%swap3A_1340, %swap3A_1341, %swap3A_1342], %get3A_1331 {add = true, strides = array<i32>} : memref<6x16x1024xf32, #tpu.memory_space<vmem>>, vector<16xf32>,
        %add3A_1344 = arith.constant 8 : i32
        %add3A_1345 = arith.addi %add3A_1344, %scan3A_1159 : i32
        %swap3A_1346 = arith.index_cast %rem3A_1036 : i32 to index
        %swap3A_1347 = arith.index_cast %add3A_1345 : i32 to index
        %swap3A_1348 = arith.constant 96 : index
        %swap3A_1349 = tpu.vector_load %arg8[%swap3A_1346, %swap3A_1347, %swap3A_1348] {strides = array<i32>} : memref<6x16x1024xf32, #tpu.memory_space<vmem>>, vector<16xf32>,
        tpu.vector_store %arg8[%swap3A_1346, %swap3A_1347, %swap3A_1348], %get3A_1331 {add = true, strides = array<i32>} : memref<6x16x1024xf32, #tpu.memory_space<vmem>>, vector<16xf32>,
        %add3A_1350 = arith.constant 12 : i32
        %add3A_1351 = arith.addi %add3A_1350, %scan3A_1159 : i32
        %swap3A_1352 = arith.index_cast %rem3A_1036 : i32 to index
        %swap3A_1353 = arith.index_cast %add3A_1351 : i32 to index
        %swap3A_1354 = arith.constant 96 : index
        %swap3A_1355 = tpu.vector_load %arg8[%swap3A_1352, %swap3A_1353, %swap3A_1354] {strides = array<i32>} : memref<6x16x1024xf32, #tpu.memory_space<vmem>>, vector<16xf32>,
        tpu.vector_store %arg8[%swap3A_1352, %swap3A_1353, %swap3A_1354], %get3A_1331 {add = true, strides = array<i32>} : memref<6x16x1024xf32, #tpu.memory_space<vmem>>, vector<16xf32>,
        %get3A_1356 = arith.index_cast %rem3A_1036 : i32 to index
        %get3A_1357 = arith.index_cast %scan3A_1159 : i32 to index
        %get3A_1358 = arith.constant 112 : index
        %get3A_1359 = tpu.vector_load %arg9[%get3A_1356, %get3A_1357, %get3A_1358] {strides = array<i32>} : memref<6x4x1024xf32, #tpu.memory_space<vmem>>, vector<16xf32>,
        %add3A_1360 = arith.constant 0 : i32
        %add3A_1361 = arith.addi %add3A_1360, %scan3A_1159 : i32
        %swap3A_1362 = arith.index_cast %rem3A_1036 : i32 to index
        %swap3A_1363 = arith.index_cast %add3A_1361 : i32 to index
        %swap3A_1364 = arith.constant 112 : index
        %swap3A_1365 = tpu.vector_load %arg8[%swap3A_1362, %swap3A_1363, %swap3A_1364] {strides = array<i32>} : memref<6x16x1024xf32, #tpu.memory_space<vmem>>, vector<16xf32>,
        tpu.vector_store %arg8[%swap3A_1362, %swap3A_1363, %swap3A_1364], %get3A_1359 {add = true, strides = array<i32>} : memref<6x16x1024xf32, #tpu.memory_space<vmem>>, vector<16xf32>,
        %add3A_1366 = arith.constant 4 : i32
        %add3A_1367 = arith.addi %add3A_1366, %scan3A_1159 : i32
        %swap3A_1368 = arith.index_cast %rem3A_1036 : i32 to index
        %swap3A_1369 = arith.index_cast %add3A_1367 : i32 to index
        %swap3A_1370 = arith.constant 112 : index
        %swap3A_1371 = tpu.vector_load %arg8[%swap3A_1368, %swap3A_1369, %swap3A_1370] {strides = array<i32>} : memref<6x16x1024xf32, #tpu.memory_space<vmem>>, vector<16xf32>,
        tpu.vector_store %arg8[%swap3A_1368, %swap3A_1369, %swap3A_1370], %get3A_1359 {add = true, strides = array<i32>} : memref<6x16x1024xf32, #tpu.memory_space<vmem>>, vector<16xf32>,
        %add3A_1372 = arith.constant 8 : i32
        %add3A_1373 = arith.addi %add3A_1372, %scan3A_1159 : i32
        %swap3A_1374 = arith.index_cast %rem3A_1036 : i32 to index
        %swap3A_1375 = arith.index_cast %add3A_1373 : i32 to index
        %swap3A_1376 = arith.constant 112 : index
        %swap3A_1377 = tpu.vector_load %arg8[%swap3A_1374, %swap3A_1375, %swap3A_1376] {strides = array<i32>} : memref<6x16x1024xf32, #tpu.memory_space<vmem>>, vector<16xf32>,
        tpu.vector_store %arg8[%swap3A_1374, %swap3A_1375, %swap3A_1376], %get3A_1359 {add = true, strides = array<i32>} : memref<6x16x1024xf32, #tpu.memory_space<vmem>>, vector<16xf32>,
        %add3A_1378 = arith.constant 12 : i32
        %add3A_1379 = arith.addi %add3A_1378, %scan3A_1159 : i32
        %swap3A_1380 = arith.index_cast %rem3A_1036 : i32 to index
        %swap3A_1381 = arith.index_cast %add3A_1379 : i32 to index
        %swap3A_1382 = arith.constant 112 : index
        %swap3A_1383 = tpu.vector_load %arg8[%swap3A_1380, %swap3A_1381, %swap3A_1382] {strides = array<i32>} : memref<6x16x1024xf32, #tpu.memory_space<vmem>>, vector<16xf32>,
        tpu.vector_store %arg8[%swap3A_1380, %swap3A_1381, %swap3A_1382], %get3A_1359 {add = true, strides = array<i32>} : memref<6x16x1024xf32, #tpu.memory_space<vmem>>, vector<16xf32>,
        %get3A_1384 = arith.index_cast %rem3A_1036 : i32 to index
        %get3A_1385 = arith.index_cast %scan3A_1159 : i32 to index
        %get3A_1386 = arith.constant 128 : index
        %get3A_1387 = tpu.vector_load %arg9[%get3A_1384, %get3A_1385, %get3A_1386] {strides = array<i32>} : memref<6x4x1024xf32, #tpu.memory_space<vmem>>, vector<16xf32>,
        %add3A_1388 = arith.constant 0 : i32
        %add3A_1389 = arith.addi %add3A_1388, %scan3A_1159 : i32
        %swap3A_1390 = arith.index_cast %rem3A_1036 : i32 to index
        %swap3A_1391 = arith.index_cast %add3A_1389 : i32 to index
        %swap3A_1392 = arith.constant 128 : index
        %swap3A_1393 = tpu.vector_load %arg8[%swap3A_1390, %swap3A_1391, %swap3A_1392] {strides = array<i32>} : memref<6x16x1024xf32, #tpu.memory_space<vmem>>, vector<16xf32>,
        tpu.vector_store %arg8[%swap3A_1390, %swap3A_1391, %swap3A_1392], %get3A_1387 {add = true, strides = array<i32>} : memref<6x16x1024xf32, #tpu.memory_space<vmem>>, vector<16xf32>,
        %add3A_1394 = arith.constant 4 : i32
        %add3A_1395 = arith.addi %add3A_1394, %scan3A_1159 : i32
        %swap3A_1396 = arith.index_cast %rem3A_1036 : i32 to index
        %swap3A_1397 = arith.index_cast %add3A_1395 : i32 to index
        %swap3A_1398 = arith.constant 128 : index
        %swap3A_1399 = tpu.vector_load %arg8[%swap3A_1396, %swap3A_1397, %swap3A_1398] {strides = array<i32>} : memref<6x16x1024xf32, #tpu.memory_space<vmem>>, vector<16xf32>,
        tpu.vector_store %arg8[%swap3A_1396, %swap3A_1397, %swap3A_1398], %get3A_1387 {add = true, strides = array<i32>} : memref<6x16x1024xf32, #tpu.memory_space<vmem>>, vector<16xf32>,
        %add3A_1400 = arith.constant 8 : i32
        %add3A_1401 = arith.addi %add3A_1400, %scan3A_1159 : i32
        %swap3A_1402 = arith.index_cast %rem3A_1036 : i32 to index
        %swap3A_1403 = arith.index_cast %add3A_1401 : i32 to index
        %swap3A_1404 = arith.constant 128 : index
        %swap3A_1405 = tpu.vector_load %arg8[%swap3A_1402, %swap3A_1403, %swap3A_1404] {strides = array<i32>} : memref<6x16x1024xf32, #tpu.memory_space<vmem>>, vector<16xf32>,
        tpu.vector_store %arg8[%swap3A_1402, %swap3A_1403, %swap3A_1404], %get3A_1387 {add = true, strides = array<i32>} : memref<6x16x1024xf32, #tpu.memory_space<vmem>>, vector<16xf32>,
        %add3A_1406 = arith.constant 12 : i32
        %add3A_1407 = arith.addi %add3A_1406, %scan3A_1159 : i32
        %swap3A_1408 = arith.index_cast %rem3A_1036 : i32 to index
        %swap3A_1409 = arith.index_cast %add3A_1407 : i32 to index
        %swap3A_1410 = arith.constant 128 : index
        %swap3A_1411 = tpu.vector_load %arg8[%swap3A_1408, %swap3A_1409, %swap3A_1410] {strides = array<i32>} : memref<6x16x1024xf32, #tpu.memory_space<vmem>>, vector<16xf32>,
        tpu.vector_store %arg8[%swap3A_1408, %swap3A_1409, %swap3A_1410], %get3A_1387 {add = true, strides = array<i32>} : memref<6x16x1024xf32, #tpu.memory_space<vmem>>, vector<16xf32>,
        %get3A_1412 = arith.index_cast %rem3A_1036 : i32 to index
        %get3A_1413 = arith.index_cast %scan3A_1159 : i32 to index
        %get3A_1414 = arith.constant 144 : index
        %get3A_1415 = tpu.vector_load %arg9[%get3A_1412, %get3A_1413, %get3A_1414] {strides = array<i32>} : memref<6x4x1024xf32, #tpu.memory_space<vmem>>, vector<16xf32>,
        %add3A_1416 = arith.constant 0 : i32
        %add3A_1417 = arith.addi %add3A_1416, %scan3A_1159 : i32
        %swap3A_1418 = arith.index_cast %rem3A_1036 : i32 to index
        %swap3A_1419 = arith.index_cast %add3A_1417 : i32 to index
        %swap3A_1420 = arith.constant 144 : index
        %swap3A_1421 = tpu.vector_load %arg8[%swap3A_1418, %swap3A_1419, %swap3A_1420] {strides = array<i32>} : memref<6x16x1024xf32, #tpu.memory_space<vmem>>, vector<16xf32>,
        tpu.vector_store %arg8[%swap3A_1418, %swap3A_1419, %swap3A_1420], %get3A_1415 {add = true, strides = array<i32>} : memref<6x16x1024xf32, #tpu.memory_space<vmem>>, vector<16xf32>,
        %add3A_1422 = arith.constant 4 : i32
        %add3A_1423 = arith.addi %add3A_1422, %scan3A_1159 : i32
        %swap3A_1424 = arith.index_cast %rem3A_1036 : i32 to index
        %swap3A_1425 = arith.index_cast %add3A_1423 : i32 to index
        %swap3A_1426 = arith.constant 144 : index
        %swap3A_1427 = tpu.vector_load %arg8[%swap3A_1424, %swap3A_1425, %swap3A_1426] {strides = array<i32>} : memref<6x16x1024xf32, #tpu.memory_space<vmem>>, vector<16xf32>,
        tpu.vector_store %arg8[%swap3A_1424, %swap3A_1425, %swap3A_1426], %get3A_1415 {add = true, strides = array<i32>} : memref<6x16x1024xf32, #tpu.memory_space<vmem>>, vector<16xf32>,
        %add3A_1428 = arith.constant 8 : i32
        %add3A_1429 = arith.addi %add3A_1428, %scan3A_1159 : i32
        %swap3A_1430 = arith.index_cast %rem3A_1036 : i32 to index
        %swap3A_1431 = arith.index_cast %add3A_1429 : i32 to index
        %swap3A_1432 = arith.constant 144 : index
        %swap3A_1433 = tpu.vector_load %arg8[%swap3A_1430, %swap3A_1431, %swap3A_1432] {strides = array<i32>} : memref<6x16x1024xf32, #tpu.memory_space<vmem>>, vector<16xf32>,
        tpu.vector_store %arg8[%swap3A_1430, %swap3A_1431, %swap3A_1432], %get3A_1415 {add = true, strides = array<i32>} : memref<6x16x1024xf32, #tpu.memory_space<vmem>>, vector<16xf32>,
        %add3A_1434 = arith.constant 12 : i32
        %add3A_1435 = arith.addi %add3A_1434, %scan3A_1159 : i32
        %swap3A_1436 = arith.index_cast %rem3A_1036 : i32 to index
        %swap3A_1437 = arith.index_cast %add3A_1435 : i32 to index
        %swap3A_1438 = arith.constant 144 : index
        %swap3A_1439 = tpu.vector_load %arg8[%swap3A_1436, %swap3A_1437, %swap3A_1438] {strides = array<i32>} : memref<6x16x1024xf32, #tpu.memory_space<vmem>>, vector<16xf32>,
        tpu.vector_store %arg8[%swap3A_1436, %swap3A_1437, %swap3A_1438], %get3A_1415 {add = true, strides = array<i32>} : memref<6x16x1024xf32, #tpu.memory_space<vmem>>, vector<16xf32>,
        %get3A_1440 = arith.index_cast %rem3A_1036 : i32 to index
        %get3A_1441 = arith.index_cast %scan3A_1159 : i32 to index
        %get3A_1442 = arith.constant 160 : index
        %get3A_1443 = tpu.vector_load %arg9[%get3A_1440, %get3A_1441, %get3A_1442] {strides = array<i32>} : memref<6x4x1024xf32, #tpu.memory_space<vmem>>, vector<16xf32>,
        %add3A_1444 = arith.constant 0 : i32
        %add3A_1445 = arith.addi %add3A_1444, %scan3A_1159 : i32
        %swap3A_1446 = arith.index_cast %rem3A_1036 : i32 to index
        %swap3A_1447 = arith.index_cast %add3A_1445 : i32 to index
        %swap3A_1448 = arith.constant 160 : index
        %swap3A_1449 = tpu.vector_load %arg8[%swap3A_1446, %swap3A_1447, %swap3A_1448] {strides = array<i32>} : memref<6x16x1024xf32, #tpu.memory_space<vmem>>, vector<16xf32>,
        tpu.vector_store %arg8[%swap3A_1446, %swap3A_1447, %swap3A_1448], %get3A_1443 {add = true, strides = array<i32>} : memref<6x16x1024xf32, #tpu.memory_space<vmem>>, vector<16xf32>,
        %add3A_1450 = arith.constant 4 : i32
        %add3A_1451 = arith.addi %add3A_1450, %scan3A_1159 : i32
        %swap3A_1452 = arith.index_cast %rem3A_1036 : i32 to index
        %swap3A_1453 = arith.index_cast %add3A_1451 : i32 to index
        %swap3A_1454 = arith.constant 160 : index
        %swap3A_1455 = tpu.vector_load %arg8[%swap3A_1452, %swap3A_1453, %swap3A_1454] {strides = array<i32>} : memref<6x16x1024xf32, #tpu.memory_space<vmem>>, vector<16xf32>,
        tpu.vector_store %arg8[%swap3A_1452, %swap3A_1453, %swap3A_1454], %get3A_1443 {add = true, strides = array<i32>} : memref<6x16x1024xf32, #tpu.memory_space<vmem>>, vector<16xf32>,
        %add3A_1456 = arith.constant 8 : i32
        %add3A_1457 = arith.addi %add3A_1456, %scan3A_1159 : i32
        %swap3A_1458 = arith.index_cast %rem3A_1036 : i32 to index
        %swap3A_1459 = arith.index_cast %add3A_1457 : i32 to index
        %swap3A_1460 = arith.constant 160 : index
        %swap3A_1461 = tpu.vector_load %arg8[%swap3A_1458, %swap3A_1459, %swap3A_1460] {strides = array<i32>} : memref<6x16x1024xf32, #tpu.memory_space<vmem>>, vector<16xf32>,
        tpu.vector_store %arg8[%swap3A_1458, %swap3A_1459, %swap3A_1460], %get3A_1443 {add = true, strides = array<i32>} : memref<6x16x1024xf32, #tpu.memory_space<vmem>>, vector<16xf32>,
        %add3A_1462 = arith.constant 12 : i32
        %add3A_1463 = arith.addi %add3A_1462, %scan3A_1159 : i32
        %swap3A_1464 = arith.index_cast %rem3A_1036 : i32 to index
        %swap3A_1465 = arith.index_cast %add3A_1463 : i32 to index
        %swap3A_1466 = arith.constant 160 : index
        %swap3A_1467 = tpu.vector_load %arg8[%swap3A_1464, %swap3A_1465, %swap3A_1466] {strides = array<i32>} : memref<6x16x1024xf32, #tpu.memory_space<vmem>>, vector<16xf32>,
        tpu.vector_store %arg8[%swap3A_1464, %swap3A_1465, %swap3A_1466], %get3A_1443 {add = true, strides = array<i32>} : memref<6x16x1024xf32, #tpu.memory_space<vmem>>, vector<16xf32>,
        %get3A_1468 = arith.index_cast %rem3A_1036 : i32 to index
        %get3A_1469 = arith.index_cast %scan3A_1159 : i32 to index
        %get3A_1470 = arith.constant 176 : index
        %get3A_1471 = tpu.vector_load %arg9[%get3A_1468, %get3A_1469, %get3A_1470] {strides = array<i32>} : memref<6x4x1024xf32, #tpu.memory_space<vmem>>, vector<16xf32>,
        %add3A_1472 = arith.constant 0 : i32
        %add3A_1473 = arith.addi %add3A_1472, %scan3A_1159 : i32
        %swap3A_1474 = arith.index_cast %rem3A_1036 : i32 to index
        %swap3A_1475 = arith.index_cast %add3A_1473 : i32 to index
        %swap3A_1476 = arith.constant 176 : index
        %swap3A_1477 = tpu.vector_load %arg8[%swap3A_1474, %swap3A_1475, %swap3A_1476] {strides = array<i32>} : memref<6x16x1024xf32, #tpu.memory_space<vmem>>, vector<16xf32>,
        tpu.vector_store %arg8[%swap3A_1474, %swap3A_1475, %swap3A_1476], %get3A_1471 {add = true, strides = array<i32>} : memref<6x16x1024xf32, #tpu.memory_space<vmem>>, vector<16xf32>,
        %add3A_1478 = arith.constant 4 : i32
        %add3A_1479 = arith.addi %add3A_1478, %scan3A_1159 : i32
        %swap3A_1480 = arith.index_cast %rem3A_1036 : i32 to index
        %swap3A_1481 = arith.index_cast %add3A_1479 : i32 to index
        %swap3A_1482 = arith.constant 176 : index
        %swap3A_1483 = tpu.vector_load %arg8[%swap3A_1480, %swap3A_1481, %swap3A_1482] {strides = array<i32>} : memref<6x16x1024xf32, #tpu.memory_space<vmem>>, vector<16xf32>,
        tpu.vector_store %arg8[%swap3A_1480, %swap3A_1481, %swap3A_1482], %get3A_1471 {add = true, strides = array<i32>} : memref<6x16x1024xf32, #tpu.memory_space<vmem>>, vector<16xf32>,
        %add3A_1484 = arith.constant 8 : i32
        %add3A_1485 = arith.addi %add3A_1484, %scan3A_1159 : i32
        %swap3A_1486 = arith.index_cast %rem3A_1036 : i32 to index
        %swap3A_1487 = arith.index_cast %add3A_1485 : i32 to index
        %swap3A_1488 = arith.constant 176 : index
        %swap3A_1489 = tpu.vector_load %arg8[%swap3A_1486, %swap3A_1487, %swap3A_1488] {strides = array<i32>} : memref<6x16x1024xf32, #tpu.memory_space<vmem>>, vector<16xf32>,
        tpu.vector_store %arg8[%swap3A_1486, %swap3A_1487, %swap3A_1488], %get3A_1471 {add = true, strides = array<i32>} : memref<6x16x1024xf32, #tpu.memory_space<vmem>>, vector<16xf32>,
        %add3A_1490 = arith.constant 12 : i32
        %add3A_1491 = arith.addi %add3A_1490, %scan3A_1159 : i32
        %swap3A_1492 = arith.index_cast %rem3A_1036 : i32 to index
        %swap3A_1493 = arith.index_cast %add3A_1491 : i32 to index
        %swap3A_1494 = arith.constant 176 : index
        %swap3A_1495 = tpu.vector_load %arg8[%swap3A_1492, %swap3A_1493, %swap3A_1494] {strides = array<i32>} : memref<6x16x1024xf32, #tpu.memory_space<vmem>>, vector<16xf32>,
        tpu.vector_store %arg8[%swap3A_1492, %swap3A_1493, %swap3A_1494], %get3A_1471 {add = true, strides = array<i32>} : memref<6x16x1024xf32, #tpu.memory_space<vmem>>, vector<16xf32>,
        %get3A_1496 = arith.index_cast %rem3A_1036 : i32 to index
        %get3A_1497 = arith.index_cast %scan3A_1159 : i32 to index
        %get3A_1498 = arith.constant 192 : index
        %get3A_1499 = tpu.vector_load %arg9[%get3A_1496, %get3A_1497, %get3A_1498] {strides = array<i32>} : memref<6x4x1024xf32, #tpu.memory_space<vmem>>, vector<16xf32>,
        %add3A_1500 = arith.constant 0 : i32
        %add3A_1501 = arith.addi %add3A_1500, %scan3A_1159 : i32
        %swap3A_1502 = arith.index_cast %rem3A_1036 : i32 to index
        %swap3A_1503 = arith.index_cast %add3A_1501 : i32 to index
        %swap3A_1504 = arith.constant 192 : index
        %swap3A_1505 = tpu.vector_load %arg8[%swap3A_1502, %swap3A_1503, %swap3A_1504] {strides = array<i32>} : memref<6x16x1024xf32, #tpu.memory_space<vmem>>, vector<16xf32>,
        tpu.vector_store %arg8[%swap3A_1502, %swap3A_1503, %swap3A_1504], %get3A_1499 {add = true, strides = array<i32>} : memref<6x16x1024xf32, #tpu.memory_space<vmem>>, vector<16xf32>,
        %add3A_1506 = arith.constant 4 : i32
        %add3A_1507 = arith.addi %add3A_1506, %scan3A_1159 : i32
        %swap3A_1508 = arith.index_cast %rem3A_1036 : i32 to index
        %swap3A_1509 = arith.index_cast %add3A_1507 : i32 to index
        %swap3A_1510 = arith.constant 192 : index
        %swap3A_1511 = tpu.vector_load %arg8[%swap3A_1508, %swap3A_1509, %swap3A_1510] {strides = array<i32>} : memref<6x16x1024xf32, #tpu.memory_space<vmem>>, vector<16xf32>,
        tpu.vector_store %arg8[%swap3A_1508, %swap3A_1509, %swap3A_1510], %get3A_1499 {add = true, strides = array<i32>} : memref<6x16x1024xf32, #tpu.memory_space<vmem>>, vector<16xf32>,
        %add3A_1512 = arith.constant 8 : i32
        %add3A_1513 = arith.addi %add3A_1512, %scan3A_1159 : i32
        %swap3A_1514 = arith.index_cast %rem3A_1036 : i32 to index
        %swap3A_1515 = arith.index_cast %add3A_1513 : i32 to index
        %swap3A_1516 = arith.constant 192 : index
        %swap3A_1517 = tpu.vector_load %arg8[%swap3A_1514, %swap3A_1515, %swap3A_1516] {strides = array<i32>} : memref<6x16x1024xf32, #tpu.memory_space<vmem>>, vector<16xf32>,
        tpu.vector_store %arg8[%swap3A_1514, %swap3A_1515, %swap3A_1516], %get3A_1499 {add = true, strides = array<i32>} : memref<6x16x1024xf32, #tpu.memory_space<vmem>>, vector<16xf32>,
        %add3A_1518 = arith.constant 12 : i32
        %add3A_1519 = arith.addi %add3A_1518, %scan3A_1159 : i32
        %swap3A_1520 = arith.index_cast %rem3A_1036 : i32 to index
        %swap3A_1521 = arith.index_cast %add3A_1519 : i32 to index
        %swap3A_1522 = arith.constant 192 : index
        %swap3A_1523 = tpu.vector_load %arg8[%swap3A_1520, %swap3A_1521, %swap3A_1522] {strides = array<i32>} : memref<6x16x1024xf32, #tpu.memory_space<vmem>>, vector<16xf32>,
        tpu.vector_store %arg8[%swap3A_1520, %swap3A_1521, %swap3A_1522], %get3A_1499 {add = true, strides = array<i32>} : memref<6x16x1024xf32, #tpu.memory_space<vmem>>, vector<16xf32>,
        %get3A_1524 = arith.index_cast %rem3A_1036 : i32 to index
        %get3A_1525 = arith.index_cast %scan3A_1159 : i32 to index
        %get3A_1526 = arith.constant 208 : index
        %get3A_1527 = tpu.vector_load %arg9[%get3A_1524, %get3A_1525, %get3A_1526] {strides = array<i32>} : memref<6x4x1024xf32, #tpu.memory_space<vmem>>, vector<16xf32>,
        %add3A_1528 = arith.constant 0 : i32
        %add3A_1529 = arith.addi %add3A_1528, %scan3A_1159 : i32
        %swap3A_1530 = arith.index_cast %rem3A_1036 : i32 to index
        %swap3A_1531 = arith.index_cast %add3A_1529 : i32 to index
        %swap3A_1532 = arith.constant 208 : index
        %swap3A_1533 = tpu.vector_load %arg8[%swap3A_1530, %swap3A_1531, %swap3A_1532] {strides = array<i32>} : memref<6x16x1024xf32, #tpu.memory_space<vmem>>, vector<16xf32>,
        tpu.vector_store %arg8[%swap3A_1530, %swap3A_1531, %swap3A_1532], %get3A_1527 {add = true, strides = array<i32>} : memref<6x16x1024xf32, #tpu.memory_space<vmem>>, vector<16xf32>,
        %add3A_1534 = arith.constant 4 : i32
        %add3A_1535 = arith.addi %add3A_1534, %scan3A_1159 : i32
        %swap3A_1536 = arith.index_cast %rem3A_1036 : i32 to index
        %swap3A_1537 = arith.index_cast %add3A_1535 : i32 to index
        %swap3A_1538 = arith.constant 208 : index
        %swap3A_1539 = tpu.vector_load %arg8[%swap3A_1536, %swap3A_1537, %swap3A_1538] {strides = array<i32>} : memref<6x16x1024xf32, #tpu.memory_space<vmem>>, vector<16xf32>,
        tpu.vector_store %arg8[%swap3A_1536, %swap3A_1537, %swap3A_1538], %get3A_1527 {add = true, strides = array<i32>} : memref<6x16x1024xf32, #tpu.memory_space<vmem>>, vector<16xf32>,
        %add3A_1540 = arith.constant 8 : i32
        %add3A_1541 = arith.addi %add3A_1540, %scan3A_1159 : i32
        %swap3A_1542 = arith.index_cast %rem3A_1036 : i32 to index
        %swap3A_1543 = arith.index_cast %add3A_1541 : i32 to index
        %swap3A_1544 = arith.constant 208 : index
        %swap3A_1545 = tpu.vector_load %arg8[%swap3A_1542, %swap3A_1543, %swap3A_1544] {strides = array<i32>} : memref<6x16x1024xf32, #tpu.memory_space<vmem>>, vector<16xf32>,
        tpu.vector_store %arg8[%swap3A_1542, %swap3A_1543, %swap3A_1544], %get3A_1527 {add = true, strides = array<i32>} : memref<6x16x1024xf32, #tpu.memory_space<vmem>>, vector<16xf32>,
        %add3A_1546 = arith.constant 12 : i32
        %add3A_1547 = arith.addi %add3A_1546, %scan3A_1159 : i32
        %swap3A_1548 = arith.index_cast %rem3A_1036 : i32 to index
        %swap3A_1549 = arith.index_cast %add3A_1547 : i32 to index
        %swap3A_1550 = arith.constant 208 : index
        %swap3A_1551 = tpu.vector_load %arg8[%swap3A_1548, %swap3A_1549, %swap3A_1550] {strides = array<i32>} : memref<6x16x1024xf32, #tpu.memory_space<vmem>>, vector<16xf32>,
        tpu.vector_store %arg8[%swap3A_1548, %swap3A_1549, %swap3A_1550], %get3A_1527 {add = true, strides = array<i32>} : memref<6x16x1024xf32, #tpu.memory_space<vmem>>, vector<16xf32>,
        %get3A_1552 = arith.index_cast %rem3A_1036 : i32 to index
        %get3A_1553 = arith.index_cast %scan3A_1159 : i32 to index
        %get3A_1554 = arith.constant 224 : index
        %get3A_1555 = tpu.vector_load %arg9[%get3A_1552, %get3A_1553, %get3A_1554] {strides = array<i32>} : memref<6x4x1024xf32, #tpu.memory_space<vmem>>, vector<16xf32>,
        %add3A_1556 = arith.constant 0 : i32
        %add3A_1557 = arith.addi %add3A_1556, %scan3A_1159 : i32
        %swap3A_1558 = arith.index_cast %rem3A_1036 : i32 to index
        %swap3A_1559 = arith.index_cast %add3A_1557 : i32 to index
        %swap3A_1560 = arith.constant 224 : index
        %swap3A_1561 = tpu.vector_load %arg8[%swap3A_1558, %swap3A_1559, %swap3A_1560] {strides = array<i32>} : memref<6x16x1024xf32, #tpu.memory_space<vmem>>, vector<16xf32>,
        tpu.vector_store %arg8[%swap3A_1558, %swap3A_1559, %swap3A_1560], %get3A_1555 {add = true, strides = array<i32>} : memref<6x16x1024xf32, #tpu.memory_space<vmem>>, vector<16xf32>,
        %add3A_1562 = arith.constant 4 : i32
        %add3A_1563 = arith.addi %add3A_1562, %scan3A_1159 : i32
        %swap3A_1564 = arith.index_cast %rem3A_1036 : i32 to index
        %swap3A_1565 = arith.index_cast %add3A_1563 : i32 to index
        %swap3A_1566 = arith.constant 224 : index
        %swap3A_1567 = tpu.vector_load %arg8[%swap3A_1564, %swap3A_1565, %swap3A_1566] {strides = array<i32>} : memref<6x16x1024xf32, #tpu.memory_space<vmem>>, vector<16xf32>,
        tpu.vector_store %arg8[%swap3A_1564, %swap3A_1565, %swap3A_1566], %get3A_1555 {add = true, strides = array<i32>} : memref<6x16x1024xf32, #tpu.memory_space<vmem>>, vector<16xf32>,
        %add3A_1568 = arith.constant 8 : i32
        %add3A_1569 = arith.addi %add3A_1568, %scan3A_1159 : i32
        %swap3A_1570 = arith.index_cast %rem3A_1036 : i32 to index
        %swap3A_1571 = arith.index_cast %add3A_1569 : i32 to index
        %swap3A_1572 = arith.constant 224 : index
        %swap3A_1573 = tpu.vector_load %arg8[%swap3A_1570, %swap3A_1571, %swap3A_1572] {strides = array<i32>} : memref<6x16x1024xf32, #tpu.memory_space<vmem>>, vector<16xf32>,
        tpu.vector_store %arg8[%swap3A_1570, %swap3A_1571, %swap3A_1572], %get3A_1555 {add = true, strides = array<i32>} : memref<6x16x1024xf32, #tpu.memory_space<vmem>>, vector<16xf32>,
        %add3A_1574 = arith.constant 12 : i32
        %add3A_1575 = arith.addi %add3A_1574, %scan3A_1159 : i32
        %swap3A_1576 = arith.index_cast %rem3A_1036 : i32 to index
        %swap3A_1577 = arith.index_cast %add3A_1575 : i32 to index
        %swap3A_1578 = arith.constant 224 : index
        %swap3A_1579 = tpu.vector_load %arg8[%swap3A_1576, %swap3A_1577, %swap3A_1578] {strides = array<i32>} : memref<6x16x1024xf32, #tpu.memory_space<vmem>>, vector<16xf32>,
        tpu.vector_store %arg8[%swap3A_1576, %swap3A_1577, %swap3A_1578], %get3A_1555 {add = true, strides = array<i32>} : memref<6x16x1024xf32, #tpu.memory_space<vmem>>, vector<16xf32>,
        %get3A_1580 = arith.index_cast %rem3A_1036 : i32 to index
        %get3A_1581 = arith.index_cast %scan3A_1159 : i32 to index
        %get3A_1582 = arith.constant 240 : index
        %get3A_1583 = tpu.vector_load %arg9[%get3A_1580, %get3A_1581, %get3A_1582] {strides = array<i32>} : memref<6x4x1024xf32, #tpu.memory_space<vmem>>, vector<16xf32>,
        %add3A_1584 = arith.constant 0 : i32
        %add3A_1585 = arith.addi %add3A_1584, %scan3A_1159 : i32
        %swap3A_1586 = arith.index_cast %rem3A_1036 : i32 to index
        %swap3A_1587 = arith.index_cast %add3A_1585 : i32 to index
        %swap3A_1588 = arith.constant 240 : index
        %swap3A_1589 = tpu.vector_load %arg8[%swap3A_1586, %swap3A_1587, %swap3A_1588] {strides = array<i32>} : memref<6x16x1024xf32, #tpu.memory_space<vmem>>, vector<16xf32>,
        tpu.vector_store %arg8[%swap3A_1586, %swap3A_1587, %swap3A_1588], %get3A_1583 {add = true, strides = array<i32>} : memref<6x16x1024xf32, #tpu.memory_space<vmem>>, vector<16xf32>,
        %add3A_1590 = arith.constant 4 : i32
        %add3A_1591 = arith.addi %add3A_1590, %scan3A_1159 : i32
        %swap3A_1592 = arith.index_cast %rem3A_1036 : i32 to index
        %swap3A_1593 = arith.index_cast %add3A_1591 : i32 to index
        %swap3A_1594 = arith.constant 240 : index
        %swap3A_1595 = tpu.vector_load %arg8[%swap3A_1592, %swap3A_1593, %swap3A_1594] {strides = array<i32>} : memref<6x16x1024xf32, #tpu.memory_space<vmem>>, vector<16xf32>,
        tpu.vector_store %arg8[%swap3A_1592, %swap3A_1593, %swap3A_1594], %get3A_1583 {add = true, strides = array<i32>} : memref<6x16x1024xf32, #tpu.memory_space<vmem>>, vector<16xf32>,
        %add3A_1596 = arith.constant 8 : i32
        %add3A_1597 = arith.addi %add3A_1596, %scan3A_1159 : i32
        %swap3A_1598 = arith.index_cast %rem3A_1036 : i32 to index
        %swap3A_1599 = arith.index_cast %add3A_1597 : i32 to index
        %swap3A_1600 = arith.constant 240 : index
        %swap3A_1601 = tpu.vector_load %arg8[%swap3A_1598, %swap3A_1599, %swap3A_1600] {strides = array<i32>} : memref<6x16x1024xf32, #tpu.memory_space<vmem>>, vector<16xf32>,
        tpu.vector_store %arg8[%swap3A_1598, %swap3A_1599, %swap3A_1600], %get3A_1583 {add = true, strides = array<i32>} : memref<6x16x1024xf32, #tpu.memory_space<vmem>>, vector<16xf32>,
        %add3A_1602 = arith.constant 12 : i32
        %add3A_1603 = arith.addi %add3A_1602, %scan3A_1159 : i32
        %swap3A_1604 = arith.index_cast %rem3A_1036 : i32 to index
        %swap3A_1605 = arith.index_cast %add3A_1603 : i32 to index
        %swap3A_1606 = arith.constant 240 : index
        %swap3A_1607 = tpu.vector_load %arg8[%swap3A_1604, %swap3A_1605, %swap3A_1606] {strides = array<i32>} : memref<6x16x1024xf32, #tpu.memory_space<vmem>>, vector<16xf32>,
        tpu.vector_store %arg8[%swap3A_1604, %swap3A_1605, %swap3A_1606], %get3A_1583 {add = true, strides = array<i32>} : memref<6x16x1024xf32, #tpu.memory_space<vmem>>, vector<16xf32>,
        %get3A_1608 = arith.index_cast %rem3A_1036 : i32 to index
        %get3A_1609 = arith.index_cast %scan3A_1159 : i32 to index
        %get3A_1610 = arith.constant 256 : index
        %get3A_1611 = tpu.vector_load %arg9[%get3A_1608, %get3A_1609, %get3A_1610] {strides = array<i32>} : memref<6x4x1024xf32, #tpu.memory_space<vmem>>, vector<16xf32>,
        %add3A_1612 = arith.constant 0 : i32
        %add3A_1613 = arith.addi %add3A_1612, %scan3A_1159 : i32
        %swap3A_1614 = arith.index_cast %rem3A_1036 : i32 to index
        %swap3A_1615 = arith.index_cast %add3A_1613 : i32 to index
        %swap3A_1616 = arith.constant 256 : index
        %swap3A_1617 = tpu.vector_load %arg8[%swap3A_1614, %swap3A_1615, %swap3A_1616] {strides = array<i32>} : memref<6x16x1024xf32, #tpu.memory_space<vmem>>, vector<16xf32>,
        tpu.vector_store %arg8[%swap3A_1614, %swap3A_1615, %swap3A_1616], %get3A_1611 {add = true, strides = array<i32>} : memref<6x16x1024xf32, #tpu.memory_space<vmem>>, vector<16xf32>,
        %add3A_1618 = arith.constant 4 : i32
        %add3A_1619 = arith.addi %add3A_1618, %scan3A_1159 : i32
        %swap3A_1620 = arith.index_cast %rem3A_1036 : i32 to index
        %swap3A_1621 = arith.index_cast %add3A_1619 : i32 to index
        %swap3A_1622 = arith.constant 256 : index
        %swap3A_1623 = tpu.vector_load %arg8[%swap3A_1620, %swap3A_1621, %swap3A_1622] {strides = array<i32>} : memref<6x16x1024xf32, #tpu.memory_space<vmem>>, vector<16xf32>,
        tpu.vector_store %arg8[%swap3A_1620, %swap3A_1621, %swap3A_1622], %get3A_1611 {add = true, strides = array<i32>} : memref<6x16x1024xf32, #tpu.memory_space<vmem>>, vector<16xf32>,
        %add3A_1624 = arith.constant 8 : i32
        %add3A_1625 = arith.addi %add3A_1624, %scan3A_1159 : i32
        %swap3A_1626 = arith.index_cast %rem3A_1036 : i32 to index
        %swap3A_1627 = arith.index_cast %add3A_1625 : i32 to index
        %swap3A_1628 = arith.constant 256 : index
        %swap3A_1629 = tpu.vector_load %arg8[%swap3A_1626, %swap3A_1627, %swap3A_1628] {strides = array<i32>} : memref<6x16x1024xf32, #tpu.memory_space<vmem>>, vector<16xf32>,
        tpu.vector_store %arg8[%swap3A_1626, %swap3A_1627, %swap3A_1628], %get3A_1611 {add = true, strides = array<i32>} : memref<6x16x1024xf32, #tpu.memory_space<vmem>>, vector<16xf32>,
        %add3A_1630 = arith.constant 12 : i32
        %add3A_1631 = arith.addi %add3A_1630, %scan3A_1159 : i32
        %swap3A_1632 = arith.index_cast %rem3A_1036 : i32 to index
        %swap3A_1633 = arith.index_cast %add3A_1631 : i32 to index
        %swap3A_1634 = arith.constant 256 : index
        %swap3A_1635 = tpu.vector_load %arg8[%swap3A_1632, %swap3A_1633, %swap3A_1634] {strides = array<i32>} : memref<6x16x1024xf32, #tpu.memory_space<vmem>>, vector<16xf32>,
        tpu.vector_store %arg8[%swap3A_1632, %swap3A_1633, %swap3A_1634], %get3A_1611 {add = true, strides = array<i32>} : memref<6x16x1024xf32, #tpu.memory_space<vmem>>, vector<16xf32>,
        %get3A_1636 = arith.index_cast %rem3A_1036 : i32 to index
        %get3A_1637 = arith.index_cast %scan3A_1159 : i32 to index
        %get3A_1638 = arith.constant 272 : index
        %get3A_1639 = tpu.vector_load %arg9[%get3A_1636, %get3A_1637, %get3A_1638] {strides = array<i32>} : memref<6x4x1024xf32, #tpu.memory_space<vmem>>, vector<16xf32>,
        %add3A_1640 = arith.constant 0 : i32
        %add3A_1641 = arith.addi %add3A_1640, %scan3A_1159 : i32
        %swap3A_1642 = arith.index_cast %rem3A_1036 : i32 to index
        %swap3A_1643 = arith.index_cast %add3A_1641 : i32 to index
        %swap3A_1644 = arith.constant 272 : index
        %swap3A_1645 = tpu.vector_load %arg8[%swap3A_1642, %swap3A_1643, %swap3A_1644] {strides = array<i32>} : memref<6x16x1024xf32, #tpu.memory_space<vmem>>, vector<16xf32>,
        tpu.vector_store %arg8[%swap3A_1642, %swap3A_1643, %swap3A_1644], %get3A_1639 {add = true, strides = array<i32>} : memref<6x16x1024xf32, #tpu.memory_space<vmem>>, vector<16xf32>,
        %add3A_1646 = arith.constant 4 : i32
        %add3A_1647 = arith.addi %add3A_1646, %scan3A_1159 : i32
        %swap3A_1648 = arith.index_cast %rem3A_1036 : i32 to index
        %swap3A_1649 = arith.index_cast %add3A_1647 : i32 to index
        %swap3A_1650 = arith.constant 272 : index
        %swap3A_1651 = tpu.vector_load %arg8[%swap3A_1648, %swap3A_1649, %swap3A_1650] {strides = array<i32>} : memref<6x16x1024xf32, #tpu.memory_space<vmem>>, vector<16xf32>,
        tpu.vector_store %arg8[%swap3A_1648, %swap3A_1649, %swap3A_1650], %get3A_1639 {add = true, strides = array<i32>} : memref<6x16x1024xf32, #tpu.memory_space<vmem>>, vector<16xf32>,
        %add3A_1652 = arith.constant 8 : i32
        %add3A_1653 = arith.addi %add3A_1652, %scan3A_1159 : i32
        %swap3A_1654 = arith.index_cast %rem3A_1036 : i32 to index
        %swap3A_1655 = arith.index_cast %add3A_1653 : i32 to index
        %swap3A_1656 = arith.constant 272 : index
        %swap3A_1657 = tpu.vector_load %arg8[%swap3A_1654, %swap3A_1655, %swap3A_1656] {strides = array<i32>} : memref<6x16x1024xf32, #tpu.memory_space<vmem>>, vector<16xf32>,
        tpu.vector_store %arg8[%swap3A_1654, %swap3A_1655, %swap3A_1656], %get3A_1639 {add = true, strides = array<i32>} : memref<6x16x1024xf32, #tpu.memory_space<vmem>>, vector<16xf32>,
        %add3A_1658 = arith.constant 12 : i32
        %add3A_1659 = arith.addi %add3A_1658, %scan3A_1159 : i32
        %swap3A_1660 = arith.index_cast %rem3A_1036 : i32 to index
        %swap3A_1661 = arith.index_cast %add3A_1659 : i32 to index
        %swap3A_1662 = arith.constant 272 : index
        %swap3A_1663 = tpu.vector_load %arg8[%swap3A_1660, %swap3A_1661, %swap3A_1662] {strides = array<i32>} : memref<6x16x1024xf32, #tpu.memory_space<vmem>>, vector<16xf32>,
        tpu.vector_store %arg8[%swap3A_1660, %swap3A_1661, %swap3A_1662], %get3A_1639 {add = true, strides = array<i32>} : memref<6x16x1024xf32, #tpu.memory_space<vmem>>, vector<16xf32>,
        %get3A_1664 = arith.index_cast %rem3A_1036 : i32 to index
        %get3A_1665 = arith.index_cast %scan3A_1159 : i32 to index
        %get3A_1666 = arith.constant 288 : index
        %get3A_1667 = tpu.vector_load %arg9[%get3A_1664, %get3A_1665, %get3A_1666] {strides = array<i32>} : memref<6x4x1024xf32, #tpu.memory_space<vmem>>, vector<16xf32>,
        %add3A_1668 = arith.constant 0 : i32
        %add3A_1669 = arith.addi %add3A_1668, %scan3A_1159 : i32
        %swap3A_1670 = arith.index_cast %rem3A_1036 : i32 to index
        %swap3A_1671 = arith.index_cast %add3A_1669 : i32 to index
        %swap3A_1672 = arith.constant 288 : index
        %swap3A_1673 = tpu.vector_load %arg8[%swap3A_1670, %swap3A_1671, %swap3A_1672] {strides = array<i32>} : memref<6x16x1024xf32, #tpu.memory_space<vmem>>, vector<16xf32>,
        tpu.vector_store %arg8[%swap3A_1670, %swap3A_1671, %swap3A_1672], %get3A_1667 {add = true, strides = array<i32>} : memref<6x16x1024xf32, #tpu.memory_space<vmem>>, vector<16xf32>,
        %add3A_1674 = arith.constant 4 : i32
        %add3A_1675 = arith.addi %add3A_1674, %scan3A_1159 : i32
        %swap3A_1676 = arith.index_cast %rem3A_1036 : i32 to index
        %swap3A_1677 = arith.index_cast %add3A_1675 : i32 to index
        %swap3A_1678 = arith.constant 288 : index
        %swap3A_1679 = tpu.vector_load %arg8[%swap3A_1676, %swap3A_1677, %swap3A_1678] {strides = array<i32>} : memref<6x16x1024xf32, #tpu.memory_space<vmem>>, vector<16xf32>,
        tpu.vector_store %arg8[%swap3A_1676, %swap3A_1677, %swap3A_1678], %get3A_1667 {add = true, strides = array<i32>} : memref<6x16x1024xf32, #tpu.memory_space<vmem>>, vector<16xf32>,
        %add3A_1680 = arith.constant 8 : i32
        %add3A_1681 = arith.addi %add3A_1680, %scan3A_1159 : i32
        %swap3A_1682 = arith.index_cast %rem3A_1036 : i32 to index
        %swap3A_1683 = arith.index_cast %add3A_1681 : i32 to index
        %swap3A_1684 = arith.constant 288 : index
        %swap3A_1685 = tpu.vector_load %arg8[%swap3A_1682, %swap3A_1683, %swap3A_1684] {strides = array<i32>} : memref<6x16x1024xf32, #tpu.memory_space<vmem>>, vector<16xf32>,
        tpu.vector_store %arg8[%swap3A_1682, %swap3A_1683, %swap3A_1684], %get3A_1667 {add = true, strides = array<i32>} : memref<6x16x1024xf32, #tpu.memory_space<vmem>>, vector<16xf32>,
        %add3A_1686 = arith.constant 12 : i32
        %add3A_1687 = arith.addi %add3A_1686, %scan3A_1159 : i32
        %swap3A_1688 = arith.index_cast %rem3A_1036 : i32 to index
        %swap3A_1689 = arith.index_cast %add3A_1687 : i32 to index
        %swap3A_1690 = arith.constant 288 : index
        %swap3A_1691 = tpu.vector_load %arg8[%swap3A_1688, %swap3A_1689, %swap3A_1690] {strides = array<i32>} : memref<6x16x1024xf32, #tpu.memory_space<vmem>>, vector<16xf32>,
        tpu.vector_store %arg8[%swap3A_1688, %swap3A_1689, %swap3A_1690], %get3A_1667 {add = true, strides = array<i32>} : memref<6x16x1024xf32, #tpu.memory_space<vmem>>, vector<16xf32>,
        %get3A_1692 = arith.index_cast %rem3A_1036 : i32 to index
        %get3A_1693 = arith.index_cast %scan3A_1159 : i32 to index
        %get3A_1694 = arith.constant 304 : index
        %get3A_1695 = tpu.vector_load %arg9[%get3A_1692, %get3A_1693, %get3A_1694] {strides = array<i32>} : memref<6x4x1024xf32, #tpu.memory_space<vmem>>, vector<16xf32>,
        %add3A_1696 = arith.constant 0 : i32
        %add3A_1697 = arith.addi %add3A_1696, %scan3A_1159 : i32
        %swap3A_1698 = arith.index_cast %rem3A_1036 : i32 to index
        %swap3A_1699 = arith.index_cast %add3A_1697 : i32 to index
        %swap3A_1700 = arith.constant 304 : index
        %swap3A_1701 = tpu.vector_load %arg8[%swap3A_1698, %swap3A_1699, %swap3A_1700] {strides = array<i32>} : memref<6x16x1024xf32, #tpu.memory_space<vmem>>, vector<16xf32>,
        tpu.vector_store %arg8[%swap3A_1698, %swap3A_1699, %swap3A_1700], %get3A_1695 {add = true, strides = array<i32>} : memref<6x16x1024xf32, #tpu.memory_space<vmem>>, vector<16xf32>,
        %add3A_1702 = arith.constant 4 : i32
        %add3A_1703 = arith.addi %add3A_1702, %scan3A_1159 : i32
        %swap3A_1704 = arith.index_cast %rem3A_1036 : i32 to index
        %swap3A_1705 = arith.index_cast %add3A_1703 : i32 to index
        %swap3A_1706 = arith.constant 304 : index
        %swap3A_1707 = tpu.vector_load %arg8[%swap3A_1704, %swap3A_1705, %swap3A_1706] {strides = array<i32>} : memref<6x16x1024xf32, #tpu.memory_space<vmem>>, vector<16xf32>,
        tpu.vector_store %arg8[%swap3A_1704, %swap3A_1705, %swap3A_1706], %get3A_1695 {add = true, strides = array<i32>} : memref<6x16x1024xf32, #tpu.memory_space<vmem>>, vector<16xf32>,
        %add3A_1708 = arith.constant 8 : i32
        %add3A_1709 = arith.addi %add3A_1708, %scan3A_1159 : i32
        %swap3A_1710 = arith.index_cast %rem3A_1036 : i32 to index
        %swap3A_1711 = arith.index_cast %add3A_1709 : i32 to index
        %swap3A_1712 = arith.constant 304 : index
        %swap3A_1713 = tpu.vector_load %arg8[%swap3A_1710, %swap3A_1711, %swap3A_1712] {strides = array<i32>} : memref<6x16x1024xf32, #tpu.memory_space<vmem>>, vector<16xf32>,
        tpu.vector_store %arg8[%swap3A_1710, %swap3A_1711, %swap3A_1712], %get3A_1695 {add = true, strides = array<i32>} : memref<6x16x1024xf32, #tpu.memory_space<vmem>>, vector<16xf32>,
        %add3A_1714 = arith.constant 12 : i32
        %add3A_1715 = arith.addi %add3A_1714, %scan3A_1159 : i32
        %swap3A_1716 = arith.index_cast %rem3A_1036 : i32 to index
        %swap3A_1717 = arith.index_cast %add3A_1715 : i32 to index
        %swap3A_1718 = arith.constant 304 : index
        %swap3A_1719 = tpu.vector_load %arg8[%swap3A_1716, %swap3A_1717, %swap3A_1718] {strides = array<i32>} : memref<6x16x1024xf32, #tpu.memory_space<vmem>>, vector<16xf32>,
        tpu.vector_store %arg8[%swap3A_1716, %swap3A_1717, %swap3A_1718], %get3A_1695 {add = true, strides = array<i32>} : memref<6x16x1024xf32, #tpu.memory_space<vmem>>, vector<16xf32>,
        %get3A_1720 = arith.index_cast %rem3A_1036 : i32 to index
        %get3A_1721 = arith.index_cast %scan3A_1159 : i32 to index
        %get3A_1722 = arith.constant 320 : index
        %get3A_1723 = tpu.vector_load %arg9[%get3A_1720, %get3A_1721, %get3A_1722] {strides = array<i32>} : memref<6x4x1024xf32, #tpu.memory_space<vmem>>, vector<16xf32>,
        %add3A_1724 = arith.constant 0 : i32
        %add3A_1725 = arith.addi %add3A_1724, %scan3A_1159 : i32
        %swap3A_1726 = arith.index_cast %rem3A_1036 : i32 to index
        %swap3A_1727 = arith.index_cast %add3A_1725 : i32 to index
        %swap3A_1728 = arith.constant 320 : index
        %swap3A_1729 = tpu.vector_load %arg8[%swap3A_1726, %swap3A_1727, %swap3A_1728] {strides = array<i32>} : memref<6x16x1024xf32, #tpu.memory_space<vmem>>, vector<16xf32>,
        tpu.vector_store %arg8[%swap3A_1726, %swap3A_1727, %swap3A_1728], %get3A_1723 {add = true, strides = array<i32>} : memref<6x16x1024xf32, #tpu.memory_space<vmem>>, vector<16xf32>,
        %add3A_1730 = arith.constant 4 : i32
        %add3A_1731 = arith.addi %add3A_1730, %scan3A_1159 : i32
        %swap3A_1732 = arith.index_cast %rem3A_1036 : i32 to index
        %swap3A_1733 = arith.index_cast %add3A_1731 : i32 to index
        %swap3A_1734 = arith.constant 320 : index
        %swap3A_1735 = tpu.vector_load %arg8[%swap3A_1732, %swap3A_1733, %swap3A_1734] {strides = array<i32>} : memref<6x16x1024xf32, #tpu.memory_space<vmem>>, vector<16xf32>,
        tpu.vector_store %arg8[%swap3A_1732, %swap3A_1733, %swap3A_1734], %get3A_1723 {add = true, strides = array<i32>} : memref<6x16x1024xf32, #tpu.memory_space<vmem>>, vector<16xf32>,
        %add3A_1736 = arith.constant 8 : i32
        %add3A_1737 = arith.addi %add3A_1736, %scan3A_1159 : i32
        %swap3A_1738 = arith.index_cast %rem3A_1036 : i32 to index
        %swap3A_1739 = arith.index_cast %add3A_1737 : i32 to index
        %swap3A_1740 = arith.constant 320 : index
        %swap3A_1741 = tpu.vector_load %arg8[%swap3A_1738, %swap3A_1739, %swap3A_1740] {strides = array<i32>} : memref<6x16x1024xf32, #tpu.memory_space<vmem>>, vector<16xf32>,
        tpu.vector_store %arg8[%swap3A_1738, %swap3A_1739, %swap3A_1740], %get3A_1723 {add = true, strides = array<i32>} : memref<6x16x1024xf32, #tpu.memory_space<vmem>>, vector<16xf32>,
        %add3A_1742 = arith.constant 12 : i32
        %add3A_1743 = arith.addi %add3A_1742, %scan3A_1159 : i32
        %swap3A_1744 = arith.index_cast %rem3A_1036 : i32 to index
        %swap3A_1745 = arith.index_cast %add3A_1743 : i32 to index
        %swap3A_1746 = arith.constant 320 : index
        %swap3A_1747 = tpu.vector_load %arg8[%swap3A_1744, %swap3A_1745, %swap3A_1746] {strides = array<i32>} : memref<6x16x1024xf32, #tpu.memory_space<vmem>>, vector<16xf32>,
        tpu.vector_store %arg8[%swap3A_1744, %swap3A_1745, %swap3A_1746], %get3A_1723 {add = true, strides = array<i32>} : memref<6x16x1024xf32, #tpu.memory_space<vmem>>, vector<16xf32>,
        %get3A_1748 = arith.index_cast %rem3A_1036 : i32 to index
        %get3A_1749 = arith.index_cast %scan3A_1159 : i32 to index
        %get3A_1750 = arith.constant 336 : index
        %get3A_1751 = tpu.vector_load %arg9[%get3A_1748, %get3A_1749, %get3A_1750] {strides = array<i32>} : memref<6x4x1024xf32, #tpu.memory_space<vmem>>, vector<16xf32>,
        %add3A_1752 = arith.constant 0 : i32
        %add3A_1753 = arith.addi %add3A_1752, %scan3A_1159 : i32
        %swap3A_1754 = arith.index_cast %rem3A_1036 : i32 to index
        %swap3A_1755 = arith.index_cast %add3A_1753 : i32 to index
        %swap3A_1756 = arith.constant 336 : index
        %swap3A_1757 = tpu.vector_load %arg8[%swap3A_1754, %swap3A_1755, %swap3A_1756] {strides = array<i32>} : memref<6x16x1024xf32, #tpu.memory_space<vmem>>, vector<16xf32>,
        tpu.vector_store %arg8[%swap3A_1754, %swap3A_1755, %swap3A_1756], %get3A_1751 {add = true, strides = array<i32>} : memref<6x16x1024xf32, #tpu.memory_space<vmem>>, vector<16xf32>,
        %add3A_1758 = arith.constant 4 : i32
        %add3A_1759 = arith.addi %add3A_1758, %scan3A_1159 : i32
        %swap3A_1760 = arith.index_cast %rem3A_1036 : i32 to index
        %swap3A_1761 = arith.index_cast %add3A_1759 : i32 to index
        %swap3A_1762 = arith.constant 336 : index
        %swap3A_1763 = tpu.vector_load %arg8[%swap3A_1760, %swap3A_1761, %swap3A_1762] {strides = array<i32>} : memref<6x16x1024xf32, #tpu.memory_space<vmem>>, vector<16xf32>,
        tpu.vector_store %arg8[%swap3A_1760, %swap3A_1761, %swap3A_1762], %get3A_1751 {add = true, strides = array<i32>} : memref<6x16x1024xf32, #tpu.memory_space<vmem>>, vector<16xf32>,
        %add3A_1764 = arith.constant 8 : i32
        %add3A_1765 = arith.addi %add3A_1764, %scan3A_1159 : i32
        %swap3A_1766 = arith.index_cast %rem3A_1036 : i32 to index
        %swap3A_1767 = arith.index_cast %add3A_1765 : i32 to index
        %swap3A_1768 = arith.constant 336 : index
        %swap3A_1769 = tpu.vector_load %arg8[%swap3A_1766, %swap3A_1767, %swap3A_1768] {strides = array<i32>} : memref<6x16x1024xf32, #tpu.memory_space<vmem>>, vector<16xf32>,
        tpu.vector_store %arg8[%swap3A_1766, %swap3A_1767, %swap3A_1768], %get3A_1751 {add = true, strides = array<i32>} : memref<6x16x1024xf32, #tpu.memory_space<vmem>>, vector<16xf32>,
        %add3A_1770 = arith.constant 12 : i32
        %add3A_1771 = arith.addi %add3A_1770, %scan3A_1159 : i32
        %swap3A_1772 = arith.index_cast %rem3A_1036 : i32 to index
        %swap3A_1773 = arith.index_cast %add3A_1771 : i32 to index
        %swap3A_1774 = arith.constant 336 : index
        %swap3A_1775 = tpu.vector_load %arg8[%swap3A_1772, %swap3A_1773, %swap3A_1774] {strides = array<i32>} : memref<6x16x1024xf32, #tpu.memory_space<vmem>>, vector<16xf32>,
        tpu.vector_store %arg8[%swap3A_1772, %swap3A_1773, %swap3A_1774], %get3A_1751 {add = true, strides = array<i32>} : memref<6x16x1024xf32, #tpu.memory_space<vmem>>, vector<16xf32>,
        %get3A_1776 = arith.index_cast %rem3A_1036 : i32 to index
        %get3A_1777 = arith.index_cast %scan3A_1159 : i32 to index
        %get3A_1778 = arith.constant 352 : index
        %get3A_1779 = tpu.vector_load %arg9[%get3A_1776, %get3A_1777, %get3A_1778] {strides = array<i32>} : memref<6x4x1024xf32, #tpu.memory_space<vmem>>, vector<16xf32>,
        %add3A_1780 = arith.constant 0 : i32
        %add3A_1781 = arith.addi %add3A_1780, %scan3A_1159 : i32
        %swap3A_1782 = arith.index_cast %rem3A_1036 : i32 to index
        %swap3A_1783 = arith.index_cast %add3A_1781 : i32 to index
        %swap3A_1784 = arith.constant 352 : index
        %swap3A_1785 = tpu.vector_load %arg8[%swap3A_1782, %swap3A_1783, %swap3A_1784] {strides = array<i32>} : memref<6x16x1024xf32, #tpu.memory_space<vmem>>, vector<16xf32>,
        tpu.vector_store %arg8[%swap3A_1782, %swap3A_1783, %swap3A_1784], %get3A_1779 {add = true, strides = array<i32>} : memref<6x16x1024xf32, #tpu.memory_space<vmem>>, vector<16xf32>,
        %add3A_1786 = arith.constant 4 : i32
        %add3A_1787 = arith.addi %add3A_1786, %scan3A_1159 : i32
        %swap3A_1788 = arith.index_cast %rem3A_1036 : i32 to index
        %swap3A_1789 = arith.index_cast %add3A_1787 : i32 to index
        %swap3A_1790 = arith.constant 352 : index
        %swap3A_1791 = tpu.vector_load %arg8[%swap3A_1788, %swap3A_1789, %swap3A_1790] {strides = array<i32>} : memref<6x16x1024xf32, #tpu.memory_space<vmem>>, vector<16xf32>,
        tpu.vector_store %arg8[%swap3A_1788, %swap3A_1789, %swap3A_1790], %get3A_1779 {add = true, strides = array<i32>} : memref<6x16x1024xf32, #tpu.memory_space<vmem>>, vector<16xf32>,
        %add3A_1792 = arith.constant 8 : i32
        %add3A_1793 = arith.addi %add3A_1792, %scan3A_1159 : i32
        %swap3A_1794 = arith.index_cast %rem3A_1036 : i32 to index
        %swap3A_1795 = arith.index_cast %add3A_1793 : i32 to index
        %swap3A_1796 = arith.constant 352 : index
        %swap3A_1797 = tpu.vector_load %arg8[%swap3A_1794, %swap3A_1795, %swap3A_1796] {strides = array<i32>} : memref<6x16x1024xf32, #tpu.memory_space<vmem>>, vector<16xf32>,
        tpu.vector_store %arg8[%swap3A_1794, %swap3A_1795, %swap3A_1796], %get3A_1779 {add = true, strides = array<i32>} : memref<6x16x1024xf32, #tpu.memory_space<vmem>>, vector<16xf32>,
        %add3A_1798 = arith.constant 12 : i32
        %add3A_1799 = arith.addi %add3A_1798, %scan3A_1159 : i32
        %swap3A_1800 = arith.index_cast %rem3A_1036 : i32 to index
        %swap3A_1801 = arith.index_cast %add3A_1799 : i32 to index
        %swap3A_1802 = arith.constant 352 : index
        %swap3A_1803 = tpu.vector_load %arg8[%swap3A_1800, %swap3A_1801, %swap3A_1802] {strides = array<i32>} : memref<6x16x1024xf32, #tpu.memory_space<vmem>>, vector<16xf32>,
        tpu.vector_store %arg8[%swap3A_1800, %swap3A_1801, %swap3A_1802], %get3A_1779 {add = true, strides = array<i32>} : memref<6x16x1024xf32, #tpu.memory_space<vmem>>, vector<16xf32>,
        %get3A_1804 = arith.index_cast %rem3A_1036 : i32 to index
        %get3A_1805 = arith.index_cast %scan3A_1159 : i32 to index
        %get3A_1806 = arith.constant 368 : index
        %get3A_1807 = tpu.vector_load %arg9[%get3A_1804, %get3A_1805, %get3A_1806] {strides = array<i32>} : memref<6x4x1024xf32, #tpu.memory_space<vmem>>, vector<16xf32>,
        %add3A_1808 = arith.constant 0 : i32
        %add3A_1809 = arith.addi %add3A_1808, %scan3A_1159 : i32
        %swap3A_1810 = arith.index_cast %rem3A_1036 : i32 to index
        %swap3A_1811 = arith.index_cast %add3A_1809 : i32 to index
        %swap3A_1812 = arith.constant 368 : index
        %swap3A_1813 = tpu.vector_load %arg8[%swap3A_1810, %swap3A_1811, %swap3A_1812] {strides = array<i32>} : memref<6x16x1024xf32, #tpu.memory_space<vmem>>, vector<16xf32>,
        tpu.vector_store %arg8[%swap3A_1810, %swap3A_1811, %swap3A_1812], %get3A_1807 {add = true, strides = array<i32>} : memref<6x16x1024xf32, #tpu.memory_space<vmem>>, vector<16xf32>,
        %add3A_1814 = arith.constant 4 : i32
        %add3A_1815 = arith.addi %add3A_1814, %scan3A_1159 : i32
        %swap3A_1816 = arith.index_cast %rem3A_1036 : i32 to index
        %swap3A_1817 = arith.index_cast %add3A_1815 : i32 to index
        %swap3A_1818 = arith.constant 368 : index
        %swap3A_1819 = tpu.vector_load %arg8[%swap3A_1816, %swap3A_1817, %swap3A_1818] {strides = array<i32>} : memref<6x16x1024xf32, #tpu.memory_space<vmem>>, vector<16xf32>,
        tpu.vector_store %arg8[%swap3A_1816, %swap3A_1817, %swap3A_1818], %get3A_1807 {add = true, strides = array<i32>} : memref<6x16x1024xf32, #tpu.memory_space<vmem>>, vector<16xf32>,
        %add3A_1820 = arith.constant 8 : i32
        %add3A_1821 = arith.addi %add3A_1820, %scan3A_1159 : i32
        %swap3A_1822 = arith.index_cast %rem3A_1036 : i32 to index
        %swap3A_1823 = arith.index_cast %add3A_1821 : i32 to index
        %swap3A_1824 = arith.constant 368 : index
        %swap3A_1825 = tpu.vector_load %arg8[%swap3A_1822, %swap3A_1823, %swap3A_1824] {strides = array<i32>} : memref<6x16x1024xf32, #tpu.memory_space<vmem>>, vector<16xf32>,
        tpu.vector_store %arg8[%swap3A_1822, %swap3A_1823, %swap3A_1824], %get3A_1807 {add = true, strides = array<i32>} : memref<6x16x1024xf32, #tpu.memory_space<vmem>>, vector<16xf32>,
        %add3A_1826 = arith.constant 12 : i32
        %add3A_1827 = arith.addi %add3A_1826, %scan3A_1159 : i32
        %swap3A_1828 = arith.index_cast %rem3A_1036 : i32 to index
        %swap3A_1829 = arith.index_cast %add3A_1827 : i32 to index
        %swap3A_1830 = arith.constant 368 : index
        %swap3A_1831 = tpu.vector_load %arg8[%swap3A_1828, %swap3A_1829, %swap3A_1830] {strides = array<i32>} : memref<6x16x1024xf32, #tpu.memory_space<vmem>>, vector<16xf32>,
        tpu.vector_store %arg8[%swap3A_1828, %swap3A_1829, %swap3A_1830], %get3A_1807 {add = true, strides = array<i32>} : memref<6x16x1024xf32, #tpu.memory_space<vmem>>, vector<16xf32>,
        %get3A_1832 = arith.index_cast %rem3A_1036 : i32 to index
        %get3A_1833 = arith.index_cast %scan3A_1159 : i32 to index
        %get3A_1834 = arith.constant 384 : index
        %get3A_1835 = tpu.vector_load %arg9[%get3A_1832, %get3A_1833, %get3A_1834] {strides = array<i32>} : memref<6x4x1024xf32, #tpu.memory_space<vmem>>, vector<16xf32>,
        %add3A_1836 = arith.constant 0 : i32
        %add3A_1837 = arith.addi %add3A_1836, %scan3A_1159 : i32
        %swap3A_1838 = arith.index_cast %rem3A_1036 : i32 to index
        %swap3A_1839 = arith.index_cast %add3A_1837 : i32 to index
        %swap3A_1840 = arith.constant 384 : index
        %swap3A_1841 = tpu.vector_load %arg8[%swap3A_1838, %swap3A_1839, %swap3A_1840] {strides = array<i32>} : memref<6x16x1024xf32, #tpu.memory_space<vmem>>, vector<16xf32>,
        tpu.vector_store %arg8[%swap3A_1838, %swap3A_1839, %swap3A_1840], %get3A_1835 {add = true, strides = array<i32>} : memref<6x16x1024xf32, #tpu.memory_space<vmem>>, vector<16xf32>,
        %add3A_1842 = arith.constant 4 : i32
        %add3A_1843 = arith.addi %add3A_1842, %scan3A_1159 : i32
        %swap3A_1844 = arith.index_cast %rem3A_1036 : i32 to index
        %swap3A_1845 = arith.index_cast %add3A_1843 : i32 to index
        %swap3A_1846 = arith.constant 384 : index
        %swap3A_1847 = tpu.vector_load %arg8[%swap3A_1844, %swap3A_1845, %swap3A_1846] {strides = array<i32>} : memref<6x16x1024xf32, #tpu.memory_space<vmem>>, vector<16xf32>,
        tpu.vector_store %arg8[%swap3A_1844, %swap3A_1845, %swap3A_1846], %get3A_1835 {add = true, strides = array<i32>} : memref<6x16x1024xf32, #tpu.memory_space<vmem>>, vector<16xf32>,
        %add3A_1848 = arith.constant 8 : i32
        %add3A_1849 = arith.addi %add3A_1848, %scan3A_1159 : i32
        %swap3A_1850 = arith.index_cast %rem3A_1036 : i32 to index
        %swap3A_1851 = arith.index_cast %add3A_1849 : i32 to index
        %swap3A_1852 = arith.constant 384 : index
        %swap3A_1853 = tpu.vector_load %arg8[%swap3A_1850, %swap3A_1851, %swap3A_1852] {strides = array<i32>} : memref<6x16x1024xf32, #tpu.memory_space<vmem>>, vector<16xf32>,
        tpu.vector_store %arg8[%swap3A_1850, %swap3A_1851, %swap3A_1852], %get3A_1835 {add = true, strides = array<i32>} : memref<6x16x1024xf32, #tpu.memory_space<vmem>>, vector<16xf32>,
        %add3A_1854 = arith.constant 12 : i32
        %add3A_1855 = arith.addi %add3A_1854, %scan3A_1159 : i32
        %swap3A_1856 = arith.index_cast %rem3A_1036 : i32 to index
        %swap3A_1857 = arith.index_cast %add3A_1855 : i32 to index
        %swap3A_1858 = arith.constant 384 : index
        %swap3A_1859 = tpu.vector_load %arg8[%swap3A_1856, %swap3A_1857, %swap3A_1858] {strides = array<i32>} : memref<6x16x1024xf32, #tpu.memory_space<vmem>>, vector<16xf32>,
        tpu.vector_store %arg8[%swap3A_1856, %swap3A_1857, %swap3A_1858], %get3A_1835 {add = true, strides = array<i32>} : memref<6x16x1024xf32, #tpu.memory_space<vmem>>, vector<16xf32>,
        %get3A_1860 = arith.index_cast %rem3A_1036 : i32 to index
        %get3A_1861 = arith.index_cast %scan3A_1159 : i32 to index
        %get3A_1862 = arith.constant 400 : index
        %get3A_1863 = tpu.vector_load %arg9[%get3A_1860, %get3A_1861, %get3A_1862] {strides = array<i32>} : memref<6x4x1024xf32, #tpu.memory_space<vmem>>, vector<16xf32>,
        %add3A_1864 = arith.constant 0 : i32
        %add3A_1865 = arith.addi %add3A_1864, %scan3A_1159 : i32
        %swap3A_1866 = arith.index_cast %rem3A_1036 : i32 to index
        %swap3A_1867 = arith.index_cast %add3A_1865 : i32 to index
        %swap3A_1868 = arith.constant 400 : index
        %swap3A_1869 = tpu.vector_load %arg8[%swap3A_1866, %swap3A_1867, %swap3A_1868] {strides = array<i32>} : memref<6x16x1024xf32, #tpu.memory_space<vmem>>, vector<16xf32>,
        tpu.vector_store %arg8[%swap3A_1866, %swap3A_1867, %swap3A_1868], %get3A_1863 {add = true, strides = array<i32>} : memref<6x16x1024xf32, #tpu.memory_space<vmem>>, vector<16xf32>,
        %add3A_1870 = arith.constant 4 : i32
        %add3A_1871 = arith.addi %add3A_1870, %scan3A_1159 : i32
        %swap3A_1872 = arith.index_cast %rem3A_1036 : i32 to index
        %swap3A_1873 = arith.index_cast %add3A_1871 : i32 to index
        %swap3A_1874 = arith.constant 400 : index
        %swap3A_1875 = tpu.vector_load %arg8[%swap3A_1872, %swap3A_1873, %swap3A_1874] {strides = array<i32>} : memref<6x16x1024xf32, #tpu.memory_space<vmem>>, vector<16xf32>,
        tpu.vector_store %arg8[%swap3A_1872, %swap3A_1873, %swap3A_1874], %get3A_1863 {add = true, strides = array<i32>} : memref<6x16x1024xf32, #tpu.memory_space<vmem>>, vector<16xf32>,
        %add3A_1876 = arith.constant 8 : i32
        %add3A_1877 = arith.addi %add3A_1876, %scan3A_1159 : i32
        %swap3A_1878 = arith.index_cast %rem3A_1036 : i32 to index
        %swap3A_1879 = arith.index_cast %add3A_1877 : i32 to index
        %swap3A_1880 = arith.constant 400 : index
        %swap3A_1881 = tpu.vector_load %arg8[%swap3A_1878, %swap3A_1879, %swap3A_1880] {strides = array<i32>} : memref<6x16x1024xf32, #tpu.memory_space<vmem>>, vector<16xf32>,
        tpu.vector_store %arg8[%swap3A_1878, %swap3A_1879, %swap3A_1880], %get3A_1863 {add = true, strides = array<i32>} : memref<6x16x1024xf32, #tpu.memory_space<vmem>>, vector<16xf32>,
        %add3A_1882 = arith.constant 12 : i32
        %add3A_1883 = arith.addi %add3A_1882, %scan3A_1159 : i32
        %swap3A_1884 = arith.index_cast %rem3A_1036 : i32 to index
        %swap3A_1885 = arith.index_cast %add3A_1883 : i32 to index
        %swap3A_1886 = arith.constant 400 : index
        %swap3A_1887 = tpu.vector_load %arg8[%swap3A_1884, %swap3A_1885, %swap3A_1886] {strides = array<i32>} : memref<6x16x1024xf32, #tpu.memory_space<vmem>>, vector<16xf32>,
        tpu.vector_store %arg8[%swap3A_1884, %swap3A_1885, %swap3A_1886], %get3A_1863 {add = true, strides = array<i32>} : memref<6x16x1024xf32, #tpu.memory_space<vmem>>, vector<16xf32>,
        %get3A_1888 = arith.index_cast %rem3A_1036 : i32 to index
        %get3A_1889 = arith.index_cast %scan3A_1159 : i32 to index
        %get3A_1890 = arith.constant 416 : index
        %get3A_1891 = tpu.vector_load %arg9[%get3A_1888, %get3A_1889, %get3A_1890] {strides = array<i32>} : memref<6x4x1024xf32, #tpu.memory_space<vmem>>, vector<16xf32>,
        %add3A_1892 = arith.constant 0 : i32
        %add3A_1893 = arith.addi %add3A_1892, %scan3A_1159 : i32
        %swap3A_1894 = arith.index_cast %rem3A_1036 : i32 to index
        %swap3A_1895 = arith.index_cast %add3A_1893 : i32 to index
        %swap3A_1896 = arith.constant 416 : index
        %swap3A_1897 = tpu.vector_load %arg8[%swap3A_1894, %swap3A_1895, %swap3A_1896] {strides = array<i32>} : memref<6x16x1024xf32, #tpu.memory_space<vmem>>, vector<16xf32>,
        tpu.vector_store %arg8[%swap3A_1894, %swap3A_1895, %swap3A_1896], %get3A_1891 {add = true, strides = array<i32>} : memref<6x16x1024xf32, #tpu.memory_space<vmem>>, vector<16xf32>,
        %add3A_1898 = arith.constant 4 : i32
        %add3A_1899 = arith.addi %add3A_1898, %scan3A_1159 : i32
        %swap3A_1900 = arith.index_cast %rem3A_1036 : i32 to index
        %swap3A_1901 = arith.index_cast %add3A_1899 : i32 to index
        %swap3A_1902 = arith.constant 416 : index
        %swap3A_1903 = tpu.vector_load %arg8[%swap3A_1900, %swap3A_1901, %swap3A_1902] {strides = array<i32>} : memref<6x16x1024xf32, #tpu.memory_space<vmem>>, vector<16xf32>,
        tpu.vector_store %arg8[%swap3A_1900, %swap3A_1901, %swap3A_1902], %get3A_1891 {add = true, strides = array<i32>} : memref<6x16x1024xf32, #tpu.memory_space<vmem>>, vector<16xf32>,
        %add3A_1904 = arith.constant 8 : i32
        %add3A_1905 = arith.addi %add3A_1904, %scan3A_1159 : i32
        %swap3A_1906 = arith.index_cast %rem3A_1036 : i32 to index
        %swap3A_1907 = arith.index_cast %add3A_1905 : i32 to index
        %swap3A_1908 = arith.constant 416 : index
        %swap3A_1909 = tpu.vector_load %arg8[%swap3A_1906, %swap3A_1907, %swap3A_1908] {strides = array<i32>} : memref<6x16x1024xf32, #tpu.memory_space<vmem>>, vector<16xf32>,
        tpu.vector_store %arg8[%swap3A_1906, %swap3A_1907, %swap3A_1908], %get3A_1891 {add = true, strides = array<i32>} : memref<6x16x1024xf32, #tpu.memory_space<vmem>>, vector<16xf32>,
        %add3A_1910 = arith.constant 12 : i32
        %add3A_1911 = arith.addi %add3A_1910, %scan3A_1159 : i32
        %swap3A_1912 = arith.index_cast %rem3A_1036 : i32 to index
        %swap3A_1913 = arith.index_cast %add3A_1911 : i32 to index
        %swap3A_1914 = arith.constant 416 : index
        %swap3A_1915 = tpu.vector_load %arg8[%swap3A_1912, %swap3A_1913, %swap3A_1914] {strides = array<i32>} : memref<6x16x1024xf32, #tpu.memory_space<vmem>>, vector<16xf32>,
        tpu.vector_store %arg8[%swap3A_1912, %swap3A_1913, %swap3A_1914], %get3A_1891 {add = true, strides = array<i32>} : memref<6x16x1024xf32, #tpu.memory_space<vmem>>, vector<16xf32>,
        %get3A_1916 = arith.index_cast %rem3A_1036 : i32 to index
        %get3A_1917 = arith.index_cast %scan3A_1159 : i32 to index
        %get3A_1918 = arith.constant 432 : index
        %get3A_1919 = tpu.vector_load %arg9[%get3A_1916, %get3A_1917, %get3A_1918] {strides = array<i32>} : memref<6x4x1024xf32, #tpu.memory_space<vmem>>, vector<16xf32>,
        %add3A_1920 = arith.constant 0 : i32
        %add3A_1921 = arith.addi %add3A_1920, %scan3A_1159 : i32
        %swap3A_1922 = arith.index_cast %rem3A_1036 : i32 to index
        %swap3A_1923 = arith.index_cast %add3A_1921 : i32 to index
        %swap3A_1924 = arith.constant 432 : index
        %swap3A_1925 = tpu.vector_load %arg8[%swap3A_1922, %swap3A_1923, %swap3A_1924] {strides = array<i32>} : memref<6x16x1024xf32, #tpu.memory_space<vmem>>, vector<16xf32>,
        tpu.vector_store %arg8[%swap3A_1922, %swap3A_1923, %swap3A_1924], %get3A_1919 {add = true, strides = array<i32>} : memref<6x16x1024xf32, #tpu.memory_space<vmem>>, vector<16xf32>,
        %add3A_1926 = arith.constant 4 : i32
        %add3A_1927 = arith.addi %add3A_1926, %scan3A_1159 : i32
        %swap3A_1928 = arith.index_cast %rem3A_1036 : i32 to index
        %swap3A_1929 = arith.index_cast %add3A_1927 : i32 to index
        %swap3A_1930 = arith.constant 432 : index
        %swap3A_1931 = tpu.vector_load %arg8[%swap3A_1928, %swap3A_1929, %swap3A_1930] {strides = array<i32>} : memref<6x16x1024xf32, #tpu.memory_space<vmem>>, vector<16xf32>,
        tpu.vector_store %arg8[%swap3A_1928, %swap3A_1929, %swap3A_1930], %get3A_1919 {add = true, strides = array<i32>} : memref<6x16x1024xf32, #tpu.memory_space<vmem>>, vector<16xf32>,
        %add3A_1932 = arith.constant 8 : i32
        %add3A_1933 = arith.addi %add3A_1932, %scan3A_1159 : i32
        %swap3A_1934 = arith.index_cast %rem3A_1036 : i32 to index
        %swap3A_1935 = arith.index_cast %add3A_1933 : i32 to index
        %swap3A_1936 = arith.constant 432 : index
        %swap3A_1937 = tpu.vector_load %arg8[%swap3A_1934, %swap3A_1935, %swap3A_1936] {strides = array<i32>} : memref<6x16x1024xf32, #tpu.memory_space<vmem>>, vector<16xf32>,
        tpu.vector_store %arg8[%swap3A_1934, %swap3A_1935, %swap3A_1936], %get3A_1919 {add = true, strides = array<i32>} : memref<6x16x1024xf32, #tpu.memory_space<vmem>>, vector<16xf32>,
        %add3A_1938 = arith.constant 12 : i32
        %add3A_1939 = arith.addi %add3A_1938, %scan3A_1159 : i32
        %swap3A_1940 = arith.index_cast %rem3A_1036 : i32 to index
        %swap3A_1941 = arith.index_cast %add3A_1939 : i32 to index
        %swap3A_1942 = arith.constant 432 : index
        %swap3A_1943 = tpu.vector_load %arg8[%swap3A_1940, %swap3A_1941, %swap3A_1942] {strides = array<i32>} : memref<6x16x1024xf32, #tpu.memory_space<vmem>>, vector<16xf32>,
        tpu.vector_store %arg8[%swap3A_1940, %swap3A_1941, %swap3A_1942], %get3A_1919 {add = true, strides = array<i32>} : memref<6x16x1024xf32, #tpu.memory_space<vmem>>, vector<16xf32>,
        %get3A_1944 = arith.index_cast %rem3A_1036 : i32 to index
        %get3A_1945 = arith.index_cast %scan3A_1159 : i32 to index
        %get3A_1946 = arith.constant 448 : index
        %get3A_1947 = tpu.vector_load %arg9[%get3A_1944, %get3A_1945, %get3A_1946] {strides = array<i32>} : memref<6x4x1024xf32, #tpu.memory_space<vmem>>, vector<16xf32>,
        %add3A_1948 = arith.constant 0 : i32
        %add3A_1949 = arith.addi %add3A_1948, %scan3A_1159 : i32
        %swap3A_1950 = arith.index_cast %rem3A_1036 : i32 to index
        %swap3A_1951 = arith.index_cast %add3A_1949 : i32 to index
        %swap3A_1952 = arith.constant 448 : index
        %swap3A_1953 = tpu.vector_load %arg8[%swap3A_1950, %swap3A_1951, %swap3A_1952] {strides = array<i32>} : memref<6x16x1024xf32, #tpu.memory_space<vmem>>, vector<16xf32>,
        tpu.vector_store %arg8[%swap3A_1950, %swap3A_1951, %swap3A_1952], %get3A_1947 {add = true, strides = array<i32>} : memref<6x16x1024xf32, #tpu.memory_space<vmem>>, vector<16xf32>,
        %add3A_1954 = arith.constant 4 : i32
        %add3A_1955 = arith.addi %add3A_1954, %scan3A_1159 : i32
        %swap3A_1956 = arith.index_cast %rem3A_1036 : i32 to index
        %swap3A_1957 = arith.index_cast %add3A_1955 : i32 to index
        %swap3A_1958 = arith.constant 448 : index
        %swap3A_1959 = tpu.vector_load %arg8[%swap3A_1956, %swap3A_1957, %swap3A_1958] {strides = array<i32>} : memref<6x16x1024xf32, #tpu.memory_space<vmem>>, vector<16xf32>,
        tpu.vector_store %arg8[%swap3A_1956, %swap3A_1957, %swap3A_1958], %get3A_1947 {add = true, strides = array<i32>} : memref<6x16x1024xf32, #tpu.memory_space<vmem>>, vector<16xf32>,
        %add3A_1960 = arith.constant 8 : i32
        %add3A_1961 = arith.addi %add3A_1960, %scan3A_1159 : i32
        %swap3A_1962 = arith.index_cast %rem3A_1036 : i32 to index
        %swap3A_1963 = arith.index_cast %add3A_1961 : i32 to index
        %swap3A_1964 = arith.constant 448 : index
        %swap3A_1965 = tpu.vector_load %arg8[%swap3A_1962, %swap3A_1963, %swap3A_1964] {strides = array<i32>} : memref<6x16x1024xf32, #tpu.memory_space<vmem>>, vector<16xf32>,
        tpu.vector_store %arg8[%swap3A_1962, %swap3A_1963, %swap3A_1964], %get3A_1947 {add = true, strides = array<i32>} : memref<6x16x1024xf32, #tpu.memory_space<vmem>>, vector<16xf32>,
        %add3A_1966 = arith.constant 12 : i32
        %add3A_1967 = arith.addi %add3A_1966, %scan3A_1159 : i32
        %swap3A_1968 = arith.index_cast %rem3A_1036 : i32 to index
        %swap3A_1969 = arith.index_cast %add3A_1967 : i32 to index
        %swap3A_1970 = arith.constant 448 : index
        %swap3A_1971 = tpu.vector_load %arg8[%swap3A_1968, %swap3A_1969, %swap3A_1970] {strides = array<i32>} : memref<6x16x1024xf32, #tpu.memory_space<vmem>>, vector<16xf32>,
        tpu.vector_store %arg8[%swap3A_1968, %swap3A_1969, %swap3A_1970], %get3A_1947 {add = true, strides = array<i32>} : memref<6x16x1024xf32, #tpu.memory_space<vmem>>, vector<16xf32>,
        %get3A_1972 = arith.index_cast %rem3A_1036 : i32 to index
        %get3A_1973 = arith.index_cast %scan3A_1159 : i32 to index
        %get3A_1974 = arith.constant 464 : index
        %get3A_1975 = tpu.vector_load %arg9[%get3A_1972, %get3A_1973, %get3A_1974] {strides = array<i32>} : memref<6x4x1024xf32, #tpu.memory_space<vmem>>, vector<16xf32>,
        %add3A_1976 = arith.constant 0 : i32
        %add3A_1977 = arith.addi %add3A_1976, %scan3A_1159 : i32
        %swap3A_1978 = arith.index_cast %rem3A_1036 : i32 to index
        %swap3A_1979 = arith.index_cast %add3A_1977 : i32 to index
        %swap3A_1980 = arith.constant 464 : index
        %swap3A_1981 = tpu.vector_load %arg8[%swap3A_1978, %swap3A_1979, %swap3A_1980] {strides = array<i32>} : memref<6x16x1024xf32, #tpu.memory_space<vmem>>, vector<16xf32>,
        tpu.vector_store %arg8[%swap3A_1978, %swap3A_1979, %swap3A_1980], %get3A_1975 {add = true, strides = array<i32>} : memref<6x16x1024xf32, #tpu.memory_space<vmem>>, vector<16xf32>,
        %add3A_1982 = arith.constant 4 : i32
        %add3A_1983 = arith.addi %add3A_1982, %scan3A_1159 : i32
        %swap3A_1984 = arith.index_cast %rem3A_1036 : i32 to index
        %swap3A_1985 = arith.index_cast %add3A_1983 : i32 to index
        %swap3A_1986 = arith.constant 464 : index
        %swap3A_1987 = tpu.vector_load %arg8[%swap3A_1984, %swap3A_1985, %swap3A_1986] {strides = array<i32>} : memref<6x16x1024xf32, #tpu.memory_space<vmem>>, vector<16xf32>,
        tpu.vector_store %arg8[%swap3A_1984, %swap3A_1985, %swap3A_1986], %get3A_1975 {add = true, strides = array<i32>} : memref<6x16x1024xf32, #tpu.memory_space<vmem>>, vector<16xf32>,
        %add3A_1988 = arith.constant 8 : i32
        %add3A_1989 = arith.addi %add3A_1988, %scan3A_1159 : i32
        %swap3A_1990 = arith.index_cast %rem3A_1036 : i32 to index
        %swap3A_1991 = arith.index_cast %add3A_1989 : i32 to index
        %swap3A_1992 = arith.constant 464 : index
        %swap3A_1993 = tpu.vector_load %arg8[%swap3A_1990, %swap3A_1991, %swap3A_1992] {strides = array<i32>} : memref<6x16x1024xf32, #tpu.memory_space<vmem>>, vector<16xf32>,
        tpu.vector_store %arg8[%swap3A_1990, %swap3A_1991, %swap3A_1992], %get3A_1975 {add = true, strides = array<i32>} : memref<6x16x1024xf32, #tpu.memory_space<vmem>>, vector<16xf32>,
        %add3A_1994 = arith.constant 12 : i32
        %add3A_1995 = arith.addi %add3A_1994, %scan3A_1159 : i32
        %swap3A_1996 = arith.index_cast %rem3A_1036 : i32 to index
        %swap3A_1997 = arith.index_cast %add3A_1995 : i32 to index
        %swap3A_1998 = arith.constant 464 : index
        %swap3A_1999 = tpu.vector_load %arg8[%swap3A_1996, %swap3A_1997, %swap3A_1998] {strides = array<i32>} : memref<6x16x1024xf32, #tpu.memory_space<vmem>>, vector<16xf32>,
        tpu.vector_store %arg8[%swap3A_1996, %swap3A_1997, %swap3A_1998], %get3A_1975 {add = true, strides = array<i32>} : memref<6x16x1024xf32, #tpu.memory_space<vmem>>, vector<16xf32>,
        %get3A_2000 = arith.index_cast %rem3A_1036 : i32 to index
        %get3A_2001 = arith.index_cast %scan3A_1159 : i32 to index
        %get3A_2002 = arith.constant 480 : index
        %get3A_2003 = tpu.vector_load %arg9[%get3A_2000, %get3A_2001, %get3A_2002] {strides = array<i32>} : memref<6x4x1024xf32, #tpu.memory_space<vmem>>, vector<16xf32>,
        %add3A_2004 = arith.constant 0 : i32
        %add3A_2005 = arith.addi %add3A_2004, %scan3A_1159 : i32
        %swap3A_2006 = arith.index_cast %rem3A_1036 : i32 to index
        %swap3A_2007 = arith.index_cast %add3A_2005 : i32 to index
        %swap3A_2008 = arith.constant 480 : index
        %swap3A_2009 = tpu.vector_load %arg8[%swap3A_2006, %swap3A_2007, %swap3A_2008] {strides = array<i32>} : memref<6x16x1024xf32, #tpu.memory_space<vmem>>, vector<16xf32>,
        tpu.vector_store %arg8[%swap3A_2006, %swap3A_2007, %swap3A_2008], %get3A_2003 {add = true, strides = array<i32>} : memref<6x16x1024xf32, #tpu.memory_space<vmem>>, vector<16xf32>,
        %add3A_2010 = arith.constant 4 : i32
        %add3A_2011 = arith.addi %add3A_2010, %scan3A_1159 : i32
        %swap3A_2012 = arith.index_cast %rem3A_1036 : i32 to index
        %swap3A_2013 = arith.index_cast %add3A_2011 : i32 to index
        %swap3A_2014 = arith.constant 480 : index
        %swap3A_2015 = tpu.vector_load %arg8[%swap3A_2012, %swap3A_2013, %swap3A_2014] {strides = array<i32>} : memref<6x16x1024xf32, #tpu.memory_space<vmem>>, vector<16xf32>,
        tpu.vector_store %arg8[%swap3A_2012, %swap3A_2013, %swap3A_2014], %get3A_2003 {add = true, strides = array<i32>} : memref<6x16x1024xf32, #tpu.memory_space<vmem>>, vector<16xf32>,
        %add3A_2016 = arith.constant 8 : i32
        %add3A_2017 = arith.addi %add3A_2016, %scan3A_1159 : i32
        %swap3A_2018 = arith.index_cast %rem3A_1036 : i32 to index
        %swap3A_2019 = arith.index_cast %add3A_2017 : i32 to index
        %swap3A_2020 = arith.constant 480 : index
        %swap3A_2021 = tpu.vector_load %arg8[%swap3A_2018, %swap3A_2019, %swap3A_2020] {strides = array<i32>} : memref<6x16x1024xf32, #tpu.memory_space<vmem>>, vector<16xf32>,
        tpu.vector_store %arg8[%swap3A_2018, %swap3A_2019, %swap3A_2020], %get3A_2003 {add = true, strides = array<i32>} : memref<6x16x1024xf32, #tpu.memory_space<vmem>>, vector<16xf32>,
        %add3A_2022 = arith.constant 12 : i32
        %add3A_2023 = arith.addi %add3A_2022, %scan3A_1159 : i32
        %swap3A_2024 = arith.index_cast %rem3A_1036 : i32 to index
        %swap3A_2025 = arith.index_cast %add3A_2023 : i32 to index
        %swap3A_2026 = arith.constant 480 : index
        %swap3A_2027 = tpu.vector_load %arg8[%swap3A_2024, %swap3A_2025, %swap3A_2026] {strides = array<i32>} : memref<6x16x1024xf32, #tpu.memory_space<vmem>>, vector<16xf32>,
        tpu.vector_store %arg8[%swap3A_2024, %swap3A_2025, %swap3A_2026], %get3A_2003 {add = true, strides = array<i32>} : memref<6x16x1024xf32, #tpu.memory_space<vmem>>, vector<16xf32>,
        %get3A_2028 = arith.index_cast %rem3A_1036 : i32 to index
        %get3A_2029 = arith.index_cast %scan3A_1159 : i32 to index
        %get3A_2030 = arith.constant 496 : index
        %get3A_2031 = tpu.vector_load %arg9[%get3A_2028, %get3A_2029, %get3A_2030] {strides = array<i32>} : memref<6x4x1024xf32, #tpu.memory_space<vmem>>, vector<16xf32>,
        %add3A_2032 = arith.constant 0 : i32
        %add3A_2033 = arith.addi %add3A_2032, %scan3A_1159 : i32
        %swap3A_2034 = arith.index_cast %rem3A_1036 : i32 to index
        %swap3A_2035 = arith.index_cast %add3A_2033 : i32 to index
        %swap3A_2036 = arith.constant 496 : index
        %swap3A_2037 = tpu.vector_load %arg8[%swap3A_2034, %swap3A_2035, %swap3A_2036] {strides = array<i32>} : memref<6x16x1024xf32, #tpu.memory_space<vmem>>, vector<16xf32>,
        tpu.vector_store %arg8[%swap3A_2034, %swap3A_2035, %swap3A_2036], %get3A_2031 {add = true, strides = array<i32>} : memref<6x16x1024xf32, #tpu.memory_space<vmem>>, vector<16xf32>,
        %add3A_2038 = arith.constant 4 : i32
        %add3A_2039 = arith.addi %add3A_2038, %scan3A_1159 : i32
        %swap3A_2040 = arith.index_cast %rem3A_1036 : i32 to index
        %swap3A_2041 = arith.index_cast %add3A_2039 : i32 to index
        %swap3A_2042 = arith.constant 496 : index
        %swap3A_2043 = tpu.vector_load %arg8[%swap3A_2040, %swap3A_2041, %swap3A_2042] {strides = array<i32>} : memref<6x16x1024xf32, #tpu.memory_space<vmem>>, vector<16xf32>,
        tpu.vector_store %arg8[%swap3A_2040, %swap3A_2041, %swap3A_2042], %get3A_2031 {add = true, strides = array<i32>} : memref<6x16x1024xf32, #tpu.memory_space<vmem>>, vector<16xf32>,
        %add3A_2044 = arith.constant 8 : i32
        %add3A_2045 = arith.addi %add3A_2044, %scan3A_1159 : i32
        %swap3A_2046 = arith.index_cast %rem3A_1036 : i32 to index
        %swap3A_2047 = arith.index_cast %add3A_2045 : i32 to index
        %swap3A_2048 = arith.constant 496 : index
        %swap3A_2049 = tpu.vector_load %arg8[%swap3A_2046, %swap3A_2047, %swap3A_2048] {strides = array<i32>} : memref<6x16x1024xf32, #tpu.memory_space<vmem>>, vector<16xf32>,
        tpu.vector_store %arg8[%swap3A_2046, %swap3A_2047, %swap3A_2048], %get3A_2031 {add = true, strides = array<i32>} : memref<6x16x1024xf32, #tpu.memory_space<vmem>>, vector<16xf32>,
        %add3A_2050 = arith.constant 12 : i32
        %add3A_2051 = arith.addi %add3A_2050, %scan3A_1159 : i32
        %swap3A_2052 = arith.index_cast %rem3A_1036 : i32 to index
        %swap3A_2053 = arith.index_cast %add3A_2051 : i32 to index
        %swap3A_2054 = arith.constant 496 : index
        %swap3A_2055 = tpu.vector_load %arg8[%swap3A_2052, %swap3A_2053, %swap3A_2054] {strides = array<i32>} : memref<6x16x1024xf32, #tpu.memory_space<vmem>>, vector<16xf32>,
        tpu.vector_store %arg8[%swap3A_2052, %swap3A_2053, %swap3A_2054], %get3A_2031 {add = true, strides = array<i32>} : memref<6x16x1024xf32, #tpu.memory_space<vmem>>, vector<16xf32>,
        %get3A_2056 = arith.index_cast %rem3A_1036 : i32 to index
        %get3A_2057 = arith.index_cast %scan3A_1159 : i32 to index
        %get3A_2058 = arith.constant 512 : index
        %get3A_2059 = tpu.vector_load %arg9[%get3A_2056, %get3A_2057, %get3A_2058] {strides = array<i32>} : memref<6x4x1024xf32, #tpu.memory_space<vmem>>, vector<16xf32>,
        %add3A_2060 = arith.constant 0 : i32
        %add3A_2061 = arith.addi %add3A_2060, %scan3A_1159 : i32
        %swap3A_2062 = arith.index_cast %rem3A_1036 : i32 to index
        %swap3A_2063 = arith.index_cast %add3A_2061 : i32 to index
        %swap3A_2064 = arith.constant 512 : index
        %swap3A_2065 = tpu.vector_load %arg8[%swap3A_2062, %swap3A_2063, %swap3A_2064] {strides = array<i32>} : memref<6x16x1024xf32, #tpu.memory_space<vmem>>, vector<16xf32>,
        tpu.vector_store %arg8[%swap3A_2062, %swap3A_2063, %swap3A_2064], %get3A_2059 {add = true, strides = array<i32>} : memref<6x16x1024xf32, #tpu.memory_space<vmem>>, vector<16xf32>,
        %add3A_2066 = arith.constant 4 : i32
        %add3A_2067 = arith.addi %add3A_2066, %scan3A_1159 : i32
        %swap3A_2068 = arith.index_cast %rem3A_1036 : i32 to index
        %swap3A_2069 = arith.index_cast %add3A_2067 : i32 to index
        %swap3A_2070 = arith.constant 512 : index
        %swap3A_2071 = tpu.vector_load %arg8[%swap3A_2068, %swap3A_2069, %swap3A_2070] {strides = array<i32>} : memref<6x16x1024xf32, #tpu.memory_space<vmem>>, vector<16xf32>,
        tpu.vector_store %arg8[%swap3A_2068, %swap3A_2069, %swap3A_2070], %get3A_2059 {add = true, strides = array<i32>} : memref<6x16x1024xf32, #tpu.memory_space<vmem>>, vector<16xf32>,
        %add3A_2072 = arith.constant 8 : i32
        %add3A_2073 = arith.addi %add3A_2072, %scan3A_1159 : i32
        %swap3A_2074 = arith.index_cast %rem3A_1036 : i32 to index
        %swap3A_2075 = arith.index_cast %add3A_2073 : i32 to index
        %swap3A_2076 = arith.constant 512 : index
        %swap3A_2077 = tpu.vector_load %arg8[%swap3A_2074, %swap3A_2075, %swap3A_2076] {strides = array<i32>} : memref<6x16x1024xf32, #tpu.memory_space<vmem>>, vector<16xf32>,
        tpu.vector_store %arg8[%swap3A_2074, %swap3A_2075, %swap3A_2076], %get3A_2059 {add = true, strides = array<i32>} : memref<6x16x1024xf32, #tpu.memory_space<vmem>>, vector<16xf32>,
        %add3A_2078 = arith.constant 12 : i32
        %add3A_2079 = arith.addi %add3A_2078, %scan3A_1159 : i32
        %swap3A_2080 = arith.index_cast %rem3A_1036 : i32 to index
        %swap3A_2081 = arith.index_cast %add3A_2079 : i32 to index
        %swap3A_2082 = arith.constant 512 : index
        %swap3A_2083 = tpu.vector_load %arg8[%swap3A_2080, %swap3A_2081, %swap3A_2082] {strides = array<i32>} : memref<6x16x1024xf32, #tpu.memory_space<vmem>>, vector<16xf32>,
        tpu.vector_store %arg8[%swap3A_2080, %swap3A_2081, %swap3A_2082], %get3A_2059 {add = true, strides = array<i32>} : memref<6x16x1024xf32, #tpu.memory_space<vmem>>, vector<16xf32>,
        %get3A_2084 = arith.index_cast %rem3A_1036 : i32 to index
        %get3A_2085 = arith.index_cast %scan3A_1159 : i32 to index
        %get3A_2086 = arith.constant 528 : index
        %get3A_2087 = tpu.vector_load %arg9[%get3A_2084, %get3A_2085, %get3A_2086] {strides = array<i32>} : memref<6x4x1024xf32, #tpu.memory_space<vmem>>, vector<16xf32>,
        %add3A_2088 = arith.constant 0 : i32
        %add3A_2089 = arith.addi %add3A_2088, %scan3A_1159 : i32
        %swap3A_2090 = arith.index_cast %rem3A_1036 : i32 to index
        %swap3A_2091 = arith.index_cast %add3A_2089 : i32 to index
        %swap3A_2092 = arith.constant 528 : index
        %swap3A_2093 = tpu.vector_load %arg8[%swap3A_2090, %swap3A_2091, %swap3A_2092] {strides = array<i32>} : memref<6x16x1024xf32, #tpu.memory_space<vmem>>, vector<16xf32>,
        tpu.vector_store %arg8[%swap3A_2090, %swap3A_2091, %swap3A_2092], %get3A_2087 {add = true, strides = array<i32>} : memref<6x16x1024xf32, #tpu.memory_space<vmem>>, vector<16xf32>,
        %add3A_2094 = arith.constant 4 : i32
        %add3A_2095 = arith.addi %add3A_2094, %scan3A_1159 : i32
        %swap3A_2096 = arith.index_cast %rem3A_1036 : i32 to index
        %swap3A_2097 = arith.index_cast %add3A_2095 : i32 to index
        %swap3A_2098 = arith.constant 528 : index
        %swap3A_2099 = tpu.vector_load %arg8[%swap3A_2096, %swap3A_2097, %swap3A_2098] {strides = array<i32>} : memref<6x16x1024xf32, #tpu.memory_space<vmem>>, vector<16xf32>,
        tpu.vector_store %arg8[%swap3A_2096, %swap3A_2097, %swap3A_2098], %get3A_2087 {add = true, strides = array<i32>} : memref<6x16x1024xf32, #tpu.memory_space<vmem>>, vector<16xf32>,
        %add3A_2100 = arith.constant 8 : i32
        %add3A_2101 = arith.addi %add3A_2100, %scan3A_1159 : i32
        %swap3A_2102 = arith.index_cast %rem3A_1036 : i32 to index
        %swap3A_2103 = arith.index_cast %add3A_2101 : i32 to index
        %swap3A_2104 = arith.constant 528 : index
        %swap3A_2105 = tpu.vector_load %arg8[%swap3A_2102, %swap3A_2103, %swap3A_2104] {strides = array<i32>} : memref<6x16x1024xf32, #tpu.memory_space<vmem>>, vector<16xf32>,
        tpu.vector_store %arg8[%swap3A_2102, %swap3A_2103, %swap3A_2104], %get3A_2087 {add = true, strides = array<i32>} : memref<6x16x1024xf32, #tpu.memory_space<vmem>>, vector<16xf32>,
        %add3A_2106 = arith.constant 12 : i32
        %add3A_2107 = arith.addi %add3A_2106, %scan3A_1159 : i32
        %swap3A_2108 = arith.index_cast %rem3A_1036 : i32 to index
        %swap3A_2109 = arith.index_cast %add3A_2107 : i32 to index
        %swap3A_2110 = arith.constant 528 : index
        %swap3A_2111 = tpu.vector_load %arg8[%swap3A_2108, %swap3A_2109, %swap3A_2110] {strides = array<i32>} : memref<6x16x1024xf32, #tpu.memory_space<vmem>>, vector<16xf32>,
        tpu.vector_store %arg8[%swap3A_2108, %swap3A_2109, %swap3A_2110], %get3A_2087 {add = true, strides = array<i32>} : memref<6x16x1024xf32, #tpu.memory_space<vmem>>, vector<16xf32>,
        %get3A_2112 = arith.index_cast %rem3A_1036 : i32 to index
        %get3A_2113 = arith.index_cast %scan3A_1159 : i32 to index
        %get3A_2114 = arith.constant 544 : index
        %get3A_2115 = tpu.vector_load %arg9[%get3A_2112, %get3A_2113, %get3A_2114] {strides = array<i32>} : memref<6x4x1024xf32, #tpu.memory_space<vmem>>, vector<16xf32>,
        %add3A_2116 = arith.constant 0 : i32
        %add3A_2117 = arith.addi %add3A_2116, %scan3A_1159 : i32
        %swap3A_2118 = arith.index_cast %rem3A_1036 : i32 to index
        %swap3A_2119 = arith.index_cast %add3A_2117 : i32 to index
        %swap3A_2120 = arith.constant 544 : index
        %swap3A_2121 = tpu.vector_load %arg8[%swap3A_2118, %swap3A_2119, %swap3A_2120] {strides = array<i32>} : memref<6x16x1024xf32, #tpu.memory_space<vmem>>, vector<16xf32>,
        tpu.vector_store %arg8[%swap3A_2118, %swap3A_2119, %swap3A_2120], %get3A_2115 {add = true, strides = array<i32>} : memref<6x16x1024xf32, #tpu.memory_space<vmem>>, vector<16xf32>,
        %add3A_2122 = arith.constant 4 : i32
        %add3A_2123 = arith.addi %add3A_2122, %scan3A_1159 : i32
        %swap3A_2124 = arith.index_cast %rem3A_1036 : i32 to index
        %swap3A_2125 = arith.index_cast %add3A_2123 : i32 to index
        %swap3A_2126 = arith.constant 544 : index
        %swap3A_2127 = tpu.vector_load %arg8[%swap3A_2124, %swap3A_2125, %swap3A_2126] {strides = array<i32>} : memref<6x16x1024xf32, #tpu.memory_space<vmem>>, vector<16xf32>,
        tpu.vector_store %arg8[%swap3A_2124, %swap3A_2125, %swap3A_2126], %get3A_2115 {add = true, strides = array<i32>} : memref<6x16x1024xf32, #tpu.memory_space<vmem>>, vector<16xf32>,
        %add3A_2128 = arith.constant 8 : i32
        %add3A_2129 = arith.addi %add3A_2128, %scan3A_1159 : i32
        %swap3A_2130 = arith.index_cast %rem3A_1036 : i32 to index
        %swap3A_2131 = arith.index_cast %add3A_2129 : i32 to index
        %swap3A_2132 = arith.constant 544 : index
        %swap3A_2133 = tpu.vector_load %arg8[%swap3A_2130, %swap3A_2131, %swap3A_2132] {strides = array<i32>} : memref<6x16x1024xf32, #tpu.memory_space<vmem>>, vector<16xf32>,
        tpu.vector_store %arg8[%swap3A_2130, %swap3A_2131, %swap3A_2132], %get3A_2115 {add = true, strides = array<i32>} : memref<6x16x1024xf32, #tpu.memory_space<vmem>>, vector<16xf32>,
        %add3A_2134 = arith.constant 12 : i32
        %add3A_2135 = arith.addi %add3A_2134, %scan3A_1159 : i32
        %swap3A_2136 = arith.index_cast %rem3A_1036 : i32 to index
        %swap3A_2137 = arith.index_cast %add3A_2135 : i32 to index
        %swap3A_2138 = arith.constant 544 : index
        %swap3A_2139 = tpu.vector_load %arg8[%swap3A_2136, %swap3A_2137, %swap3A_2138] {strides = array<i32>} : memref<6x16x1024xf32, #tpu.memory_space<vmem>>, vector<16xf32>,
        tpu.vector_store %arg8[%swap3A_2136, %swap3A_2137, %swap3A_2138], %get3A_2115 {add = true, strides = array<i32>} : memref<6x16x1024xf32, #tpu.memory_space<vmem>>, vector<16xf32>,
        %get3A_2140 = arith.index_cast %rem3A_1036 : i32 to index
        %get3A_2141 = arith.index_cast %scan3A_1159 : i32 to index
        %get3A_2142 = arith.constant 560 : index
        %get3A_2143 = tpu.vector_load %arg9[%get3A_2140, %get3A_2141, %get3A_2142] {strides = array<i32>} : memref<6x4x1024xf32, #tpu.memory_space<vmem>>, vector<16xf32>,
        %add3A_2144 = arith.constant 0 : i32
        %add3A_2145 = arith.addi %add3A_2144, %scan3A_1159 : i32
        %swap3A_2146 = arith.index_cast %rem3A_1036 : i32 to index
        %swap3A_2147 = arith.index_cast %add3A_2145 : i32 to index
        %swap3A_2148 = arith.constant 560 : index
        %swap3A_2149 = tpu.vector_load %arg8[%swap3A_2146, %swap3A_2147, %swap3A_2148] {strides = array<i32>} : memref<6x16x1024xf32, #tpu.memory_space<vmem>>, vector<16xf32>,
        tpu.vector_store %arg8[%swap3A_2146, %swap3A_2147, %swap3A_2148], %get3A_2143 {add = true, strides = array<i32>} : memref<6x16x1024xf32, #tpu.memory_space<vmem>>, vector<16xf32>,
        %add3A_2150 = arith.constant 4 : i32
        %add3A_2151 = arith.addi %add3A_2150, %scan3A_1159 : i32
        %swap3A_2152 = arith.index_cast %rem3A_1036 : i32 to index
        %swap3A_2153 = arith.index_cast %add3A_2151 : i32 to index
        %swap3A_2154 = arith.constant 560 : index
        %swap3A_2155 = tpu.vector_load %arg8[%swap3A_2152, %swap3A_2153, %swap3A_2154] {strides = array<i32>} : memref<6x16x1024xf32, #tpu.memory_space<vmem>>, vector<16xf32>,
        tpu.vector_store %arg8[%swap3A_2152, %swap3A_2153, %swap3A_2154], %get3A_2143 {add = true, strides = array<i32>} : memref<6x16x1024xf32, #tpu.memory_space<vmem>>, vector<16xf32>,
        %add3A_2156 = arith.constant 8 : i32
        %add3A_2157 = arith.addi %add3A_2156, %scan3A_1159 : i32
        %swap3A_2158 = arith.index_cast %rem3A_1036 : i32 to index
        %swap3A_2159 = arith.index_cast %add3A_2157 : i32 to index
        %swap3A_2160 = arith.constant 560 : index
        %swap3A_2161 = tpu.vector_load %arg8[%swap3A_2158, %swap3A_2159, %swap3A_2160] {strides = array<i32>} : memref<6x16x1024xf32, #tpu.memory_space<vmem>>, vector<16xf32>,
        tpu.vector_store %arg8[%swap3A_2158, %swap3A_2159, %swap3A_2160], %get3A_2143 {add = true, strides = array<i32>} : memref<6x16x1024xf32, #tpu.memory_space<vmem>>, vector<16xf32>,
        %add3A_2162 = arith.constant 12 : i32
        %add3A_2163 = arith.addi %add3A_2162, %scan3A_1159 : i32
        %swap3A_2164 = arith.index_cast %rem3A_1036 : i32 to index
        %swap3A_2165 = arith.index_cast %add3A_2163 : i32 to index
        %swap3A_2166 = arith.constant 560 : index
        %swap3A_2167 = tpu.vector_load %arg8[%swap3A_2164, %swap3A_2165, %swap3A_2166] {strides = array<i32>} : memref<6x16x1024xf32, #tpu.memory_space<vmem>>, vector<16xf32>,
        tpu.vector_store %arg8[%swap3A_2164, %swap3A_2165, %swap3A_2166], %get3A_2143 {add = true, strides = array<i32>} : memref<6x16x1024xf32, #tpu.memory_space<vmem>>, vector<16xf32>,
        %get3A_2168 = arith.index_cast %rem3A_1036 : i32 to index
        %get3A_2169 = arith.index_cast %scan3A_1159 : i32 to index
        %get3A_2170 = arith.constant 576 : index
        %get3A_2171 = tpu.vector_load %arg9[%get3A_2168, %get3A_2169, %get3A_2170] {strides = array<i32>} : memref<6x4x1024xf32, #tpu.memory_space<vmem>>, vector<16xf32>,
        %add3A_2172 = arith.constant 0 : i32
        %add3A_2173 = arith.addi %add3A_2172, %scan3A_1159 : i32
        %swap3A_2174 = arith.index_cast %rem3A_1036 : i32 to index
        %swap3A_2175 = arith.index_cast %add3A_2173 : i32 to index
        %swap3A_2176 = arith.constant 576 : index
        %swap3A_2177 = tpu.vector_load %arg8[%swap3A_2174, %swap3A_2175, %swap3A_2176] {strides = array<i32>} : memref<6x16x1024xf32, #tpu.memory_space<vmem>>, vector<16xf32>,
        tpu.vector_store %arg8[%swap3A_2174, %swap3A_2175, %swap3A_2176], %get3A_2171 {add = true, strides = array<i32>} : memref<6x16x1024xf32, #tpu.memory_space<vmem>>, vector<16xf32>,
        %add3A_2178 = arith.constant 4 : i32
        %add3A_2179 = arith.addi %add3A_2178, %scan3A_1159 : i32
        %swap3A_2180 = arith.index_cast %rem3A_1036 : i32 to index
        %swap3A_2181 = arith.index_cast %add3A_2179 : i32 to index
        %swap3A_2182 = arith.constant 576 : index
        %swap3A_2183 = tpu.vector_load %arg8[%swap3A_2180, %swap3A_2181, %swap3A_2182] {strides = array<i32>} : memref<6x16x1024xf32, #tpu.memory_space<vmem>>, vector<16xf32>,
        tpu.vector_store %arg8[%swap3A_2180, %swap3A_2181, %swap3A_2182], %get3A_2171 {add = true, strides = array<i32>} : memref<6x16x1024xf32, #tpu.memory_space<vmem>>, vector<16xf32>,
        %add3A_2184 = arith.constant 8 : i32
        %add3A_2185 = arith.addi %add3A_2184, %scan3A_1159 : i32
        %swap3A_2186 = arith.index_cast %rem3A_1036 : i32 to index
        %swap3A_2187 = arith.index_cast %add3A_2185 : i32 to index
        %swap3A_2188 = arith.constant 576 : index
        %swap3A_2189 = tpu.vector_load %arg8[%swap3A_2186, %swap3A_2187, %swap3A_2188] {strides = array<i32>} : memref<6x16x1024xf32, #tpu.memory_space<vmem>>, vector<16xf32>,
        tpu.vector_store %arg8[%swap3A_2186, %swap3A_2187, %swap3A_2188], %get3A_2171 {add = true, strides = array<i32>} : memref<6x16x1024xf32, #tpu.memory_space<vmem>>, vector<16xf32>,
        %add3A_2190 = arith.constant 12 : i32
        %add3A_2191 = arith.addi %add3A_2190, %scan3A_1159 : i32
        %swap3A_2192 = arith.index_cast %rem3A_1036 : i32 to index
        %swap3A_2193 = arith.index_cast %add3A_2191 : i32 to index
        %swap3A_2194 = arith.constant 576 : index
        %swap3A_2195 = tpu.vector_load %arg8[%swap3A_2192, %swap3A_2193, %swap3A_2194] {strides = array<i32>} : memref<6x16x1024xf32, #tpu.memory_space<vmem>>, vector<16xf32>,
        tpu.vector_store %arg8[%swap3A_2192, %swap3A_2193, %swap3A_2194], %get3A_2171 {add = true, strides = array<i32>} : memref<6x16x1024xf32, #tpu.memory_space<vmem>>, vector<16xf32>,
        %get3A_2196 = arith.index_cast %rem3A_1036 : i32 to index
        %get3A_2197 = arith.index_cast %scan3A_1159 : i32 to index
        %get3A_2198 = arith.constant 592 : index
        %get3A_2199 = tpu.vector_load %arg9[%get3A_2196, %get3A_2197, %get3A_2198] {strides = array<i32>} : memref<6x4x1024xf32, #tpu.memory_space<vmem>>, vector<16xf32>,
        %add3A_2200 = arith.constant 0 : i32
        %add3A_2201 = arith.addi %add3A_2200, %scan3A_1159 : i32
        %swap3A_2202 = arith.index_cast %rem3A_1036 : i32 to index
        %swap3A_2203 = arith.index_cast %add3A_2201 : i32 to index
        %swap3A_2204 = arith.constant 592 : index
        %swap3A_2205 = tpu.vector_load %arg8[%swap3A_2202, %swap3A_2203, %swap3A_2204] {strides = array<i32>} : memref<6x16x1024xf32, #tpu.memory_space<vmem>>, vector<16xf32>,
        tpu.vector_store %arg8[%swap3A_2202, %swap3A_2203, %swap3A_2204], %get3A_2199 {add = true, strides = array<i32>} : memref<6x16x1024xf32, #tpu.memory_space<vmem>>, vector<16xf32>,
        %add3A_2206 = arith.constant 4 : i32
        %add3A_2207 = arith.addi %add3A_2206, %scan3A_1159 : i32
        %swap3A_2208 = arith.index_cast %rem3A_1036 : i32 to index
        %swap3A_2209 = arith.index_cast %add3A_2207 : i32 to index
        %swap3A_2210 = arith.constant 592 : index
        %swap3A_2211 = tpu.vector_load %arg8[%swap3A_2208, %swap3A_2209, %swap3A_2210] {strides = array<i32>} : memref<6x16x1024xf32, #tpu.memory_space<vmem>>, vector<16xf32>,
        tpu.vector_store %arg8[%swap3A_2208, %swap3A_2209, %swap3A_2210], %get3A_2199 {add = true, strides = array<i32>} : memref<6x16x1024xf32, #tpu.memory_space<vmem>>, vector<16xf32>,
        %add3A_2212 = arith.constant 8 : i32
        %add3A_2213 = arith.addi %add3A_2212, %scan3A_1159 : i32
        %swap3A_2214 = arith.index_cast %rem3A_1036 : i32 to index
        %swap3A_2215 = arith.index_cast %add3A_2213 : i32 to index
        %swap3A_2216 = arith.constant 592 : index
        %swap3A_2217 = tpu.vector_load %arg8[%swap3A_2214, %swap3A_2215, %swap3A_2216] {strides = array<i32>} : memref<6x16x1024xf32, #tpu.memory_space<vmem>>, vector<16xf32>,
        tpu.vector_store %arg8[%swap3A_2214, %swap3A_2215, %swap3A_2216], %get3A_2199 {add = true, strides = array<i32>} : memref<6x16x1024xf32, #tpu.memory_space<vmem>>, vector<16xf32>,
        %add3A_2218 = arith.constant 12 : i32
        %add3A_2219 = arith.addi %add3A_2218, %scan3A_1159 : i32
        %swap3A_2220 = arith.index_cast %rem3A_1036 : i32 to index
        %swap3A_2221 = arith.index_cast %add3A_2219 : i32 to index
        %swap3A_2222 = arith.constant 592 : index
        %swap3A_2223 = tpu.vector_load %arg8[%swap3A_2220, %swap3A_2221, %swap3A_2222] {strides = array<i32>} : memref<6x16x1024xf32, #tpu.memory_space<vmem>>, vector<16xf32>,
        tpu.vector_store %arg8[%swap3A_2220, %swap3A_2221, %swap3A_2222], %get3A_2199 {add = true, strides = array<i32>} : memref<6x16x1024xf32, #tpu.memory_space<vmem>>, vector<16xf32>,
        %get3A_2224 = arith.index_cast %rem3A_1036 : i32 to index
        %get3A_2225 = arith.index_cast %scan3A_1159 : i32 to index
        %get3A_2226 = arith.constant 608 : index
        %get3A_2227 = tpu.vector_load %arg9[%get3A_2224, %get3A_2225, %get3A_2226] {strides = array<i32>} : memref<6x4x1024xf32, #tpu.memory_space<vmem>>, vector<16xf32>,
        %add3A_2228 = arith.constant 0 : i32
        %add3A_2229 = arith.addi %add3A_2228, %scan3A_1159 : i32
        %swap3A_2230 = arith.index_cast %rem3A_1036 : i32 to index
        %swap3A_2231 = arith.index_cast %add3A_2229 : i32 to index
        %swap3A_2232 = arith.constant 608 : index
        %swap3A_2233 = tpu.vector_load %arg8[%swap3A_2230, %swap3A_2231, %swap3A_2232] {strides = array<i32>} : memref<6x16x1024xf32, #tpu.memory_space<vmem>>, vector<16xf32>,
        tpu.vector_store %arg8[%swap3A_2230, %swap3A_2231, %swap3A_2232], %get3A_2227 {add = true, strides = array<i32>} : memref<6x16x1024xf32, #tpu.memory_space<vmem>>, vector<16xf32>,
        %add3A_2234 = arith.constant 4 : i32
        %add3A_2235 = arith.addi %add3A_2234, %scan3A_1159 : i32
        %swap3A_2236 = arith.index_cast %rem3A_1036 : i32 to index
        %swap3A_2237 = arith.index_cast %add3A_2235 : i32 to index
        %swap3A_2238 = arith.constant 608 : index
        %swap3A_2239 = tpu.vector_load %arg8[%swap3A_2236, %swap3A_2237, %swap3A_2238] {strides = array<i32>} : memref<6x16x1024xf32, #tpu.memory_space<vmem>>, vector<16xf32>,
        tpu.vector_store %arg8[%swap3A_2236, %swap3A_2237, %swap3A_2238], %get3A_2227 {add = true, strides = array<i32>} : memref<6x16x1024xf32, #tpu.memory_space<vmem>>, vector<16xf32>,
        %add3A_2240 = arith.constant 8 : i32
        %add3A_2241 = arith.addi %add3A_2240, %scan3A_1159 : i32
        %swap3A_2242 = arith.index_cast %rem3A_1036 : i32 to index
        %swap3A_2243 = arith.index_cast %add3A_2241 : i32 to index
        %swap3A_2244 = arith.constant 608 : index
        %swap3A_2245 = tpu.vector_load %arg8[%swap3A_2242, %swap3A_2243, %swap3A_2244] {strides = array<i32>} : memref<6x16x1024xf32, #tpu.memory_space<vmem>>, vector<16xf32>,
        tpu.vector_store %arg8[%swap3A_2242, %swap3A_2243, %swap3A_2244], %get3A_2227 {add = true, strides = array<i32>} : memref<6x16x1024xf32, #tpu.memory_space<vmem>>, vector<16xf32>,
        %add3A_2246 = arith.constant 12 : i32
        %add3A_2247 = arith.addi %add3A_2246, %scan3A_1159 : i32
        %swap3A_2248 = arith.index_cast %rem3A_1036 : i32 to index
        %swap3A_2249 = arith.index_cast %add3A_2247 : i32 to index
        %swap3A_2250 = arith.constant 608 : index
        %swap3A_2251 = tpu.vector_load %arg8[%swap3A_2248, %swap3A_2249, %swap3A_2250] {strides = array<i32>} : memref<6x16x1024xf32, #tpu.memory_space<vmem>>, vector<16xf32>,
        tpu.vector_store %arg8[%swap3A_2248, %swap3A_2249, %swap3A_2250], %get3A_2227 {add = true, strides = array<i32>} : memref<6x16x1024xf32, #tpu.memory_space<vmem>>, vector<16xf32>,
        %get3A_2252 = arith.index_cast %rem3A_1036 : i32 to index
        %get3A_2253 = arith.index_cast %scan3A_1159 : i32 to index
        %get3A_2254 = arith.constant 624 : index
        %get3A_2255 = tpu.vector_load %arg9[%get3A_2252, %get3A_2253, %get3A_2254] {strides = array<i32>} : memref<6x4x1024xf32, #tpu.memory_space<vmem>>, vector<16xf32>,
        %add3A_2256 = arith.constant 0 : i32
        %add3A_2257 = arith.addi %add3A_2256, %scan3A_1159 : i32
        %swap3A_2258 = arith.index_cast %rem3A_1036 : i32 to index
        %swap3A_2259 = arith.index_cast %add3A_2257 : i32 to index
        %swap3A_2260 = arith.constant 624 : index
        %swap3A_2261 = tpu.vector_load %arg8[%swap3A_2258, %swap3A_2259, %swap3A_2260] {strides = array<i32>} : memref<6x16x1024xf32, #tpu.memory_space<vmem>>, vector<16xf32>,
        tpu.vector_store %arg8[%swap3A_2258, %swap3A_2259, %swap3A_2260], %get3A_2255 {add = true, strides = array<i32>} : memref<6x16x1024xf32, #tpu.memory_space<vmem>>, vector<16xf32>,
        %add3A_2262 = arith.constant 4 : i32
        %add3A_2263 = arith.addi %add3A_2262, %scan3A_1159 : i32
        %swap3A_2264 = arith.index_cast %rem3A_1036 : i32 to index
        %swap3A_2265 = arith.index_cast %add3A_2263 : i32 to index
        %swap3A_2266 = arith.constant 624 : index
        %swap3A_2267 = tpu.vector_load %arg8[%swap3A_2264, %swap3A_2265, %swap3A_2266] {strides = array<i32>} : memref<6x16x1024xf32, #tpu.memory_space<vmem>>, vector<16xf32>,
        tpu.vector_store %arg8[%swap3A_2264, %swap3A_2265, %swap3A_2266], %get3A_2255 {add = true, strides = array<i32>} : memref<6x16x1024xf32, #tpu.memory_space<vmem>>, vector<16xf32>,
        %add3A_2268 = arith.constant 8 : i32
        %add3A_2269 = arith.addi %add3A_2268, %scan3A_1159 : i32
        %swap3A_2270 = arith.index_cast %rem3A_1036 : i32 to index
        %swap3A_2271 = arith.index_cast %add3A_2269 : i32 to index
        %swap3A_2272 = arith.constant 624 : index
        %swap3A_2273 = tpu.vector_load %arg8[%swap3A_2270, %swap3A_2271, %swap3A_2272] {strides = array<i32>} : memref<6x16x1024xf32, #tpu.memory_space<vmem>>, vector<16xf32>,
        tpu.vector_store %arg8[%swap3A_2270, %swap3A_2271, %swap3A_2272], %get3A_2255 {add = true, strides = array<i32>} : memref<6x16x1024xf32, #tpu.memory_space<vmem>>, vector<16xf32>,
        %add3A_2274 = arith.constant 12 : i32
        %add3A_2275 = arith.addi %add3A_2274, %scan3A_1159 : i32
        %swap3A_2276 = arith.index_cast %rem3A_1036 : i32 to index
        %swap3A_2277 = arith.index_cast %add3A_2275 : i32 to index
        %swap3A_2278 = arith.constant 624 : index
        %swap3A_2279 = tpu.vector_load %arg8[%swap3A_2276, %swap3A_2277, %swap3A_2278] {strides = array<i32>} : memref<6x16x1024xf32, #tpu.memory_space<vmem>>, vector<16xf32>,
        tpu.vector_store %arg8[%swap3A_2276, %swap3A_2277, %swap3A_2278], %get3A_2255 {add = true, strides = array<i32>} : memref<6x16x1024xf32, #tpu.memory_space<vmem>>, vector<16xf32>,
        %get3A_2280 = arith.index_cast %rem3A_1036 : i32 to index
        %get3A_2281 = arith.index_cast %scan3A_1159 : i32 to index
        %get3A_2282 = arith.constant 640 : index
        %get3A_2283 = tpu.vector_load %arg9[%get3A_2280, %get3A_2281, %get3A_2282] {strides = array<i32>} : memref<6x4x1024xf32, #tpu.memory_space<vmem>>, vector<16xf32>,
        %add3A_2284 = arith.constant 0 : i32
        %add3A_2285 = arith.addi %add3A_2284, %scan3A_1159 : i32
        %swap3A_2286 = arith.index_cast %rem3A_1036 : i32 to index
        %swap3A_2287 = arith.index_cast %add3A_2285 : i32 to index
        %swap3A_2288 = arith.constant 640 : index
        %swap3A_2289 = tpu.vector_load %arg8[%swap3A_2286, %swap3A_2287, %swap3A_2288] {strides = array<i32>} : memref<6x16x1024xf32, #tpu.memory_space<vmem>>, vector<16xf32>,
        tpu.vector_store %arg8[%swap3A_2286, %swap3A_2287, %swap3A_2288], %get3A_2283 {add = true, strides = array<i32>} : memref<6x16x1024xf32, #tpu.memory_space<vmem>>, vector<16xf32>,
        %add3A_2290 = arith.constant 4 : i32
        %add3A_2291 = arith.addi %add3A_2290, %scan3A_1159 : i32
        %swap3A_2292 = arith.index_cast %rem3A_1036 : i32 to index
        %swap3A_2293 = arith.index_cast %add3A_2291 : i32 to index
        %swap3A_2294 = arith.constant 640 : index
        %swap3A_2295 = tpu.vector_load %arg8[%swap3A_2292, %swap3A_2293, %swap3A_2294] {strides = array<i32>} : memref<6x16x1024xf32, #tpu.memory_space<vmem>>, vector<16xf32>,
        tpu.vector_store %arg8[%swap3A_2292, %swap3A_2293, %swap3A_2294], %get3A_2283 {add = true, strides = array<i32>} : memref<6x16x1024xf32, #tpu.memory_space<vmem>>, vector<16xf32>,
        %add3A_2296 = arith.constant 8 : i32
        %add3A_2297 = arith.addi %add3A_2296, %scan3A_1159 : i32
        %swap3A_2298 = arith.index_cast %rem3A_1036 : i32 to index
        %swap3A_2299 = arith.index_cast %add3A_2297 : i32 to index
        %swap3A_2300 = arith.constant 640 : index
        %swap3A_2301 = tpu.vector_load %arg8[%swap3A_2298, %swap3A_2299, %swap3A_2300] {strides = array<i32>} : memref<6x16x1024xf32, #tpu.memory_space<vmem>>, vector<16xf32>,
        tpu.vector_store %arg8[%swap3A_2298, %swap3A_2299, %swap3A_2300], %get3A_2283 {add = true, strides = array<i32>} : memref<6x16x1024xf32, #tpu.memory_space<vmem>>, vector<16xf32>,
        %add3A_2302 = arith.constant 12 : i32
        %add3A_2303 = arith.addi %add3A_2302, %scan3A_1159 : i32
        %swap3A_2304 = arith.index_cast %rem3A_1036 : i32 to index
        %swap3A_2305 = arith.index_cast %add3A_2303 : i32 to index
        %swap3A_2306 = arith.constant 640 : index
        %swap3A_2307 = tpu.vector_load %arg8[%swap3A_2304, %swap3A_2305, %swap3A_2306] {strides = array<i32>} : memref<6x16x1024xf32, #tpu.memory_space<vmem>>, vector<16xf32>,
        tpu.vector_store %arg8[%swap3A_2304, %swap3A_2305, %swap3A_2306], %get3A_2283 {add = true, strides = array<i32>} : memref<6x16x1024xf32, #tpu.memory_space<vmem>>, vector<16xf32>,
        %get3A_2308 = arith.index_cast %rem3A_1036 : i32 to index
        %get3A_2309 = arith.index_cast %scan3A_1159 : i32 to index
        %get3A_2310 = arith.constant 656 : index
        %get3A_2311 = tpu.vector_load %arg9[%get3A_2308, %get3A_2309, %get3A_2310] {strides = array<i32>} : memref<6x4x1024xf32, #tpu.memory_space<vmem>>, vector<16xf32>,
        %add3A_2312 = arith.constant 0 : i32
        %add3A_2313 = arith.addi %add3A_2312, %scan3A_1159 : i32
        %swap3A_2314 = arith.index_cast %rem3A_1036 : i32 to index
        %swap3A_2315 = arith.index_cast %add3A_2313 : i32 to index
        %swap3A_2316 = arith.constant 656 : index
        %swap3A_2317 = tpu.vector_load %arg8[%swap3A_2314, %swap3A_2315, %swap3A_2316] {strides = array<i32>} : memref<6x16x1024xf32, #tpu.memory_space<vmem>>, vector<16xf32>,
        tpu.vector_store %arg8[%swap3A_2314, %swap3A_2315, %swap3A_2316], %get3A_2311 {add = true, strides = array<i32>} : memref<6x16x1024xf32, #tpu.memory_space<vmem>>, vector<16xf32>,
        %add3A_2318 = arith.constant 4 : i32
        %add3A_2319 = arith.addi %add3A_2318, %scan3A_1159 : i32
        %swap3A_2320 = arith.index_cast %rem3A_1036 : i32 to index
        %swap3A_2321 = arith.index_cast %add3A_2319 : i32 to index
        %swap3A_2322 = arith.constant 656 : index
        %swap3A_2323 = tpu.vector_load %arg8[%swap3A_2320, %swap3A_2321, %swap3A_2322] {strides = array<i32>} : memref<6x16x1024xf32, #tpu.memory_space<vmem>>, vector<16xf32>,
        tpu.vector_store %arg8[%swap3A_2320, %swap3A_2321, %swap3A_2322], %get3A_2311 {add = true, strides = array<i32>} : memref<6x16x1024xf32, #tpu.memory_space<vmem>>, vector<16xf32>,
        %add3A_2324 = arith.constant 8 : i32
        %add3A_2325 = arith.addi %add3A_2324, %scan3A_1159 : i32
        %swap3A_2326 = arith.index_cast %rem3A_1036 : i32 to index
        %swap3A_2327 = arith.index_cast %add3A_2325 : i32 to index
        %swap3A_2328 = arith.constant 656 : index
        %swap3A_2329 = tpu.vector_load %arg8[%swap3A_2326, %swap3A_2327, %swap3A_2328] {strides = array<i32>} : memref<6x16x1024xf32, #tpu.memory_space<vmem>>, vector<16xf32>,
        tpu.vector_store %arg8[%swap3A_2326, %swap3A_2327, %swap3A_2328], %get3A_2311 {add = true, strides = array<i32>} : memref<6x16x1024xf32, #tpu.memory_space<vmem>>, vector<16xf32>,
        %add3A_2330 = arith.constant 12 : i32
        %add3A_2331 = arith.addi %add3A_2330, %scan3A_1159 : i32
        %swap3A_2332 = arith.index_cast %rem3A_1036 : i32 to index
        %swap3A_2333 = arith.index_cast %add3A_2331 : i32 to index
        %swap3A_2334 = arith.constant 656 : index
        %swap3A_2335 = tpu.vector_load %arg8[%swap3A_2332, %swap3A_2333, %swap3A_2334] {strides = array<i32>} : memref<6x16x1024xf32, #tpu.memory_space<vmem>>, vector<16xf32>,
        tpu.vector_store %arg8[%swap3A_2332, %swap3A_2333, %swap3A_2334], %get3A_2311 {add = true, strides = array<i32>} : memref<6x16x1024xf32, #tpu.memory_space<vmem>>, vector<16xf32>,
        %get3A_2336 = arith.index_cast %rem3A_1036 : i32 to index
        %get3A_2337 = arith.index_cast %scan3A_1159 : i32 to index
        %get3A_2338 = arith.constant 672 : index
        %get3A_2339 = tpu.vector_load %arg9[%get3A_2336, %get3A_2337, %get3A_2338] {strides = array<i32>} : memref<6x4x1024xf32, #tpu.memory_space<vmem>>, vector<16xf32>,
        %add3A_2340 = arith.constant 0 : i32
        %add3A_2341 = arith.addi %add3A_2340, %scan3A_1159 : i32
        %swap3A_2342 = arith.index_cast %rem3A_1036 : i32 to index
        %swap3A_2343 = arith.index_cast %add3A_2341 : i32 to index
        %swap3A_2344 = arith.constant 672 : index
        %swap3A_2345 = tpu.vector_load %arg8[%swap3A_2342, %swap3A_2343, %swap3A_2344] {strides = array<i32>} : memref<6x16x1024xf32, #tpu.memory_space<vmem>>, vector<16xf32>,
        tpu.vector_store %arg8[%swap3A_2342, %swap3A_2343, %swap3A_2344], %get3A_2339 {add = true, strides = array<i32>} : memref<6x16x1024xf32, #tpu.memory_space<vmem>>, vector<16xf32>,
        %add3A_2346 = arith.constant 4 : i32
        %add3A_2347 = arith.addi %add3A_2346, %scan3A_1159 : i32
        %swap3A_2348 = arith.index_cast %rem3A_1036 : i32 to index
        %swap3A_2349 = arith.index_cast %add3A_2347 : i32 to index
        %swap3A_2350 = arith.constant 672 : index
        %swap3A_2351 = tpu.vector_load %arg8[%swap3A_2348, %swap3A_2349, %swap3A_2350] {strides = array<i32>} : memref<6x16x1024xf32, #tpu.memory_space<vmem>>, vector<16xf32>,
        tpu.vector_store %arg8[%swap3A_2348, %swap3A_2349, %swap3A_2350], %get3A_2339 {add = true, strides = array<i32>} : memref<6x16x1024xf32, #tpu.memory_space<vmem>>, vector<16xf32>,
        %add3A_2352 = arith.constant 8 : i32
        %add3A_2353 = arith.addi %add3A_2352, %scan3A_1159 : i32
        %swap3A_2354 = arith.index_cast %rem3A_1036 : i32 to index
        %swap3A_2355 = arith.index_cast %add3A_2353 : i32 to index
        %swap3A_2356 = arith.constant 672 : index
        %swap3A_2357 = tpu.vector_load %arg8[%swap3A_2354, %swap3A_2355, %swap3A_2356] {strides = array<i32>} : memref<6x16x1024xf32, #tpu.memory_space<vmem>>, vector<16xf32>,
        tpu.vector_store %arg8[%swap3A_2354, %swap3A_2355, %swap3A_2356], %get3A_2339 {add = true, strides = array<i32>} : memref<6x16x1024xf32, #tpu.memory_space<vmem>>, vector<16xf32>,
        %add3A_2358 = arith.constant 12 : i32
        %add3A_2359 = arith.addi %add3A_2358, %scan3A_1159 : i32
        %swap3A_2360 = arith.index_cast %rem3A_1036 : i32 to index
        %swap3A_2361 = arith.index_cast %add3A_2359 : i32 to index
        %swap3A_2362 = arith.constant 672 : index
        %swap3A_2363 = tpu.vector_load %arg8[%swap3A_2360, %swap3A_2361, %swap3A_2362] {strides = array<i32>} : memref<6x16x1024xf32, #tpu.memory_space<vmem>>, vector<16xf32>,
        tpu.vector_store %arg8[%swap3A_2360, %swap3A_2361, %swap3A_2362], %get3A_2339 {add = true, strides = array<i32>} : memref<6x16x1024xf32, #tpu.memory_space<vmem>>, vector<16xf32>,
        %get3A_2364 = arith.index_cast %rem3A_1036 : i32 to index
        %get3A_2365 = arith.index_cast %scan3A_1159 : i32 to index
        %get3A_2366 = arith.constant 688 : index
        %get3A_2367 = tpu.vector_load %arg9[%get3A_2364, %get3A_2365, %get3A_2366] {strides = array<i32>} : memref<6x4x1024xf32, #tpu.memory_space<vmem>>, vector<16xf32>,
        %add3A_2368 = arith.constant 0 : i32
        %add3A_2369 = arith.addi %add3A_2368, %scan3A_1159 : i32
        %swap3A_2370 = arith.index_cast %rem3A_1036 : i32 to index
        %swap3A_2371 = arith.index_cast %add3A_2369 : i32 to index
        %swap3A_2372 = arith.constant 688 : index
        %swap3A_2373 = tpu.vector_load %arg8[%swap3A_2370, %swap3A_2371, %swap3A_2372] {strides = array<i32>} : memref<6x16x1024xf32, #tpu.memory_space<vmem>>, vector<16xf32>,
        tpu.vector_store %arg8[%swap3A_2370, %swap3A_2371, %swap3A_2372], %get3A_2367 {add = true, strides = array<i32>} : memref<6x16x1024xf32, #tpu.memory_space<vmem>>, vector<16xf32>,
        %add3A_2374 = arith.constant 4 : i32
        %add3A_2375 = arith.addi %add3A_2374, %scan3A_1159 : i32
        %swap3A_2376 = arith.index_cast %rem3A_1036 : i32 to index
        %swap3A_2377 = arith.index_cast %add3A_2375 : i32 to index
        %swap3A_2378 = arith.constant 688 : index
        %swap3A_2379 = tpu.vector_load %arg8[%swap3A_2376, %swap3A_2377, %swap3A_2378] {strides = array<i32>} : memref<6x16x1024xf32, #tpu.memory_space<vmem>>, vector<16xf32>,
        tpu.vector_store %arg8[%swap3A_2376, %swap3A_2377, %swap3A_2378], %get3A_2367 {add = true, strides = array<i32>} : memref<6x16x1024xf32, #tpu.memory_space<vmem>>, vector<16xf32>,
        %add3A_2380 = arith.constant 8 : i32
        %add3A_2381 = arith.addi %add3A_2380, %scan3A_1159 : i32
        %swap3A_2382 = arith.index_cast %rem3A_1036 : i32 to index
        %swap3A_2383 = arith.index_cast %add3A_2381 : i32 to index
        %swap3A_2384 = arith.constant 688 : index
        %swap3A_2385 = tpu.vector_load %arg8[%swap3A_2382, %swap3A_2383, %swap3A_2384] {strides = array<i32>} : memref<6x16x1024xf32, #tpu.memory_space<vmem>>, vector<16xf32>,
        tpu.vector_store %arg8[%swap3A_2382, %swap3A_2383, %swap3A_2384], %get3A_2367 {add = true, strides = array<i32>} : memref<6x16x1024xf32, #tpu.memory_space<vmem>>, vector<16xf32>,
        %add3A_2386 = arith.constant 12 : i32
        %add3A_2387 = arith.addi %add3A_2386, %scan3A_1159 : i32
        %swap3A_2388 = arith.index_cast %rem3A_1036 : i32 to index
        %swap3A_2389 = arith.index_cast %add3A_2387 : i32 to index
        %swap3A_2390 = arith.constant 688 : index
        %swap3A_2391 = tpu.vector_load %arg8[%swap3A_2388, %swap3A_2389, %swap3A_2390] {strides = array<i32>} : memref<6x16x1024xf32, #tpu.memory_space<vmem>>, vector<16xf32>,
        tpu.vector_store %arg8[%swap3A_2388, %swap3A_2389, %swap3A_2390], %get3A_2367 {add = true, strides = array<i32>} : memref<6x16x1024xf32, #tpu.memory_space<vmem>>, vector<16xf32>,
        %get3A_2392 = arith.index_cast %rem3A_1036 : i32 to index
        %get3A_2393 = arith.index_cast %scan3A_1159 : i32 to index
        %get3A_2394 = arith.constant 704 : index
        %get3A_2395 = tpu.vector_load %arg9[%get3A_2392, %get3A_2393, %get3A_2394] {strides = array<i32>} : memref<6x4x1024xf32, #tpu.memory_space<vmem>>, vector<16xf32>,
        %add3A_2396 = arith.constant 0 : i32
        %add3A_2397 = arith.addi %add3A_2396, %scan3A_1159 : i32
        %swap3A_2398 = arith.index_cast %rem3A_1036 : i32 to index
        %swap3A_2399 = arith.index_cast %add3A_2397 : i32 to index
        %swap3A_2400 = arith.constant 704 : index
        %swap3A_2401 = tpu.vector_load %arg8[%swap3A_2398, %swap3A_2399, %swap3A_2400] {strides = array<i32>} : memref<6x16x1024xf32, #tpu.memory_space<vmem>>, vector<16xf32>,
        tpu.vector_store %arg8[%swap3A_2398, %swap3A_2399, %swap3A_2400], %get3A_2395 {add = true, strides = array<i32>} : memref<6x16x1024xf32, #tpu.memory_space<vmem>>, vector<16xf32>,
        %add3A_2402 = arith.constant 4 : i32
        %add3A_2403 = arith.addi %add3A_2402, %scan3A_1159 : i32
        %swap3A_2404 = arith.index_cast %rem3A_1036 : i32 to index
        %swap3A_2405 = arith.index_cast %add3A_2403 : i32 to index
        %swap3A_2406 = arith.constant 704 : index
        %swap3A_2407 = tpu.vector_load %arg8[%swap3A_2404, %swap3A_2405, %swap3A_2406] {strides = array<i32>} : memref<6x16x1024xf32, #tpu.memory_space<vmem>>, vector<16xf32>,
        tpu.vector_store %arg8[%swap3A_2404, %swap3A_2405, %swap3A_2406], %get3A_2395 {add = true, strides = array<i32>} : memref<6x16x1024xf32, #tpu.memory_space<vmem>>, vector<16xf32>,
        %add3A_2408 = arith.constant 8 : i32
        %add3A_2409 = arith.addi %add3A_2408, %scan3A_1159 : i32
        %swap3A_2410 = arith.index_cast %rem3A_1036 : i32 to index
        %swap3A_2411 = arith.index_cast %add3A_2409 : i32 to index
        %swap3A_2412 = arith.constant 704 : index
        %swap3A_2413 = tpu.vector_load %arg8[%swap3A_2410, %swap3A_2411, %swap3A_2412] {strides = array<i32>} : memref<6x16x1024xf32, #tpu.memory_space<vmem>>, vector<16xf32>,
        tpu.vector_store %arg8[%swap3A_2410, %swap3A_2411, %swap3A_2412], %get3A_2395 {add = true, strides = array<i32>} : memref<6x16x1024xf32, #tpu.memory_space<vmem>>, vector<16xf32>,
        %add3A_2414 = arith.constant 12 : i32
        %add3A_2415 = arith.addi %add3A_2414, %scan3A_1159 : i32
        %swap3A_2416 = arith.index_cast %rem3A_1036 : i32 to index
        %swap3A_2417 = arith.index_cast %add3A_2415 : i32 to index
        %swap3A_2418 = arith.constant 704 : index
        %swap3A_2419 = tpu.vector_load %arg8[%swap3A_2416, %swap3A_2417, %swap3A_2418] {strides = array<i32>} : memref<6x16x1024xf32, #tpu.memory_space<vmem>>, vector<16xf32>,
        tpu.vector_store %arg8[%swap3A_2416, %swap3A_2417, %swap3A_2418], %get3A_2395 {add = true, strides = array<i32>} : memref<6x16x1024xf32, #tpu.memory_space<vmem>>, vector<16xf32>,
        %get3A_2420 = arith.index_cast %rem3A_1036 : i32 to index
        %get3A_2421 = arith.index_cast %scan3A_1159 : i32 to index
        %get3A_2422 = arith.constant 720 : index
        %get3A_2423 = tpu.vector_load %arg9[%get3A_2420, %get3A_2421, %get3A_2422] {strides = array<i32>} : memref<6x4x1024xf32, #tpu.memory_space<vmem>>, vector<16xf32>,
        %add3A_2424 = arith.constant 0 : i32
        %add3A_2425 = arith.addi %add3A_2424, %scan3A_1159 : i32
        %swap3A_2426 = arith.index_cast %rem3A_1036 : i32 to index
        %swap3A_2427 = arith.index_cast %add3A_2425 : i32 to index
        %swap3A_2428 = arith.constant 720 : index
        %swap3A_2429 = tpu.vector_load %arg8[%swap3A_2426, %swap3A_2427, %swap3A_2428] {strides = array<i32>} : memref<6x16x1024xf32, #tpu.memory_space<vmem>>, vector<16xf32>,
        tpu.vector_store %arg8[%swap3A_2426, %swap3A_2427, %swap3A_2428], %get3A_2423 {add = true, strides = array<i32>} : memref<6x16x1024xf32, #tpu.memory_space<vmem>>, vector<16xf32>,
        %add3A_2430 = arith.constant 4 : i32
        %add3A_2431 = arith.addi %add3A_2430, %scan3A_1159 : i32
        %swap3A_2432 = arith.index_cast %rem3A_1036 : i32 to index
        %swap3A_2433 = arith.index_cast %add3A_2431 : i32 to index
        %swap3A_2434 = arith.constant 720 : index
        %swap3A_2435 = tpu.vector_load %arg8[%swap3A_2432, %swap3A_2433, %swap3A_2434] {strides = array<i32>} : memref<6x16x1024xf32, #tpu.memory_space<vmem>>, vector<16xf32>,
        tpu.vector_store %arg8[%swap3A_2432, %swap3A_2433, %swap3A_2434], %get3A_2423 {add = true, strides = array<i32>} : memref<6x16x1024xf32, #tpu.memory_space<vmem>>, vector<16xf32>,
        %add3A_2436 = arith.constant 8 : i32
        %add3A_2437 = arith.addi %add3A_2436, %scan3A_1159 : i32
        %swap3A_2438 = arith.index_cast %rem3A_1036 : i32 to index
        %swap3A_2439 = arith.index_cast %add3A_2437 : i32 to index
        %swap3A_2440 = arith.constant 720 : index
        %swap3A_2441 = tpu.vector_load %arg8[%swap3A_2438, %swap3A_2439, %swap3A_2440] {strides = array<i32>} : memref<6x16x1024xf32, #tpu.memory_space<vmem>>, vector<16xf32>,
        tpu.vector_store %arg8[%swap3A_2438, %swap3A_2439, %swap3A_2440], %get3A_2423 {add = true, strides = array<i32>} : memref<6x16x1024xf32, #tpu.memory_space<vmem>>, vector<16xf32>,
        %add3A_2442 = arith.constant 12 : i32
        %add3A_2443 = arith.addi %add3A_2442, %scan3A_1159 : i32
        %swap3A_2444 = arith.index_cast %rem3A_1036 : i32 to index
        %swap3A_2445 = arith.index_cast %add3A_2443 : i32 to index
        %swap3A_2446 = arith.constant 720 : index
        %swap3A_2447 = tpu.vector_load %arg8[%swap3A_2444, %swap3A_2445, %swap3A_2446] {strides = array<i32>} : memref<6x16x1024xf32, #tpu.memory_space<vmem>>, vector<16xf32>,
        tpu.vector_store %arg8[%swap3A_2444, %swap3A_2445, %swap3A_2446], %get3A_2423 {add = true, strides = array<i32>} : memref<6x16x1024xf32, #tpu.memory_space<vmem>>, vector<16xf32>,
        %get3A_2448 = arith.index_cast %rem3A_1036 : i32 to index
        %get3A_2449 = arith.index_cast %scan3A_1159 : i32 to index
        %get3A_2450 = arith.constant 736 : index
        %get3A_2451 = tpu.vector_load %arg9[%get3A_2448, %get3A_2449, %get3A_2450] {strides = array<i32>} : memref<6x4x1024xf32, #tpu.memory_space<vmem>>, vector<16xf32>,
        %add3A_2452 = arith.constant 0 : i32
        %add3A_2453 = arith.addi %add3A_2452, %scan3A_1159 : i32
        %swap3A_2454 = arith.index_cast %rem3A_1036 : i32 to index
        %swap3A_2455 = arith.index_cast %add3A_2453 : i32 to index
        %swap3A_2456 = arith.constant 736 : index
        %swap3A_2457 = tpu.vector_load %arg8[%swap3A_2454, %swap3A_2455, %swap3A_2456] {strides = array<i32>} : memref<6x16x1024xf32, #tpu.memory_space<vmem>>, vector<16xf32>,
        tpu.vector_store %arg8[%swap3A_2454, %swap3A_2455, %swap3A_2456], %get3A_2451 {add = true, strides = array<i32>} : memref<6x16x1024xf32, #tpu.memory_space<vmem>>, vector<16xf32>,
        %add3A_2458 = arith.constant 4 : i32
        %add3A_2459 = arith.addi %add3A_2458, %scan3A_1159 : i32
        %swap3A_2460 = arith.index_cast %rem3A_1036 : i32 to index
        %swap3A_2461 = arith.index_cast %add3A_2459 : i32 to index
        %swap3A_2462 = arith.constant 736 : index
        %swap3A_2463 = tpu.vector_load %arg8[%swap3A_2460, %swap3A_2461, %swap3A_2462] {strides = array<i32>} : memref<6x16x1024xf32, #tpu.memory_space<vmem>>, vector<16xf32>,
        tpu.vector_store %arg8[%swap3A_2460, %swap3A_2461, %swap3A_2462], %get3A_2451 {add = true, strides = array<i32>} : memref<6x16x1024xf32, #tpu.memory_space<vmem>>, vector<16xf32>,
        %add3A_2464 = arith.constant 8 : i32
        %add3A_2465 = arith.addi %add3A_2464, %scan3A_1159 : i32
        %swap3A_2466 = arith.index_cast %rem3A_1036 : i32 to index
        %swap3A_2467 = arith.index_cast %add3A_2465 : i32 to index
        %swap3A_2468 = arith.constant 736 : index
        %swap3A_2469 = tpu.vector_load %arg8[%swap3A_2466, %swap3A_2467, %swap3A_2468] {strides = array<i32>} : memref<6x16x1024xf32, #tpu.memory_space<vmem>>, vector<16xf32>,
        tpu.vector_store %arg8[%swap3A_2466, %swap3A_2467, %swap3A_2468], %get3A_2451 {add = true, strides = array<i32>} : memref<6x16x1024xf32, #tpu.memory_space<vmem>>, vector<16xf32>,
        %add3A_2470 = arith.constant 12 : i32
        %add3A_2471 = arith.addi %add3A_2470, %scan3A_1159 : i32
        %swap3A_2472 = arith.index_cast %rem3A_1036 : i32 to index
        %swap3A_2473 = arith.index_cast %add3A_2471 : i32 to index
        %swap3A_2474 = arith.constant 736 : index
        %swap3A_2475 = tpu.vector_load %arg8[%swap3A_2472, %swap3A_2473, %swap3A_2474] {strides = array<i32>} : memref<6x16x1024xf32, #tpu.memory_space<vmem>>, vector<16xf32>,
        tpu.vector_store %arg8[%swap3A_2472, %swap3A_2473, %swap3A_2474], %get3A_2451 {add = true, strides = array<i32>} : memref<6x16x1024xf32, #tpu.memory_space<vmem>>, vector<16xf32>,
        %get3A_2476 = arith.index_cast %rem3A_1036 : i32 to index
        %get3A_2477 = arith.index_cast %scan3A_1159 : i32 to index
        %get3A_2478 = arith.constant 752 : index
        %get3A_2479 = tpu.vector_load %arg9[%get3A_2476, %get3A_2477, %get3A_2478] {strides = array<i32>} : memref<6x4x1024xf32, #tpu.memory_space<vmem>>, vector<16xf32>,
        %add3A_2480 = arith.constant 0 : i32
        %add3A_2481 = arith.addi %add3A_2480, %scan3A_1159 : i32
        %swap3A_2482 = arith.index_cast %rem3A_1036 : i32 to index
        %swap3A_2483 = arith.index_cast %add3A_2481 : i32 to index
        %swap3A_2484 = arith.constant 752 : index
        %swap3A_2485 = tpu.vector_load %arg8[%swap3A_2482, %swap3A_2483, %swap3A_2484] {strides = array<i32>} : memref<6x16x1024xf32, #tpu.memory_space<vmem>>, vector<16xf32>,
        tpu.vector_store %arg8[%swap3A_2482, %swap3A_2483, %swap3A_2484], %get3A_2479 {add = true, strides = array<i32>} : memref<6x16x1024xf32, #tpu.memory_space<vmem>>, vector<16xf32>,
        %add3A_2486 = arith.constant 4 : i32
        %add3A_2487 = arith.addi %add3A_2486, %scan3A_1159 : i32
        %swap3A_2488 = arith.index_cast %rem3A_1036 : i32 to index
        %swap3A_2489 = arith.index_cast %add3A_2487 : i32 to index
        %swap3A_2490 = arith.constant 752 : index
        %swap3A_2491 = tpu.vector_load %arg8[%swap3A_2488, %swap3A_2489, %swap3A_2490] {strides = array<i32>} : memref<6x16x1024xf32, #tpu.memory_space<vmem>>, vector<16xf32>,
        tpu.vector_store %arg8[%swap3A_2488, %swap3A_2489, %swap3A_2490], %get3A_2479 {add = true, strides = array<i32>} : memref<6x16x1024xf32, #tpu.memory_space<vmem>>, vector<16xf32>,
        %add3A_2492 = arith.constant 8 : i32
        %add3A_2493 = arith.addi %add3A_2492, %scan3A_1159 : i32
        %swap3A_2494 = arith.index_cast %rem3A_1036 : i32 to index
        %swap3A_2495 = arith.index_cast %add3A_2493 : i32 to index
        %swap3A_2496 = arith.constant 752 : index
        %swap3A_2497 = tpu.vector_load %arg8[%swap3A_2494, %swap3A_2495, %swap3A_2496] {strides = array<i32>} : memref<6x16x1024xf32, #tpu.memory_space<vmem>>, vector<16xf32>,
        tpu.vector_store %arg8[%swap3A_2494, %swap3A_2495, %swap3A_2496], %get3A_2479 {add = true, strides = array<i32>} : memref<6x16x1024xf32, #tpu.memory_space<vmem>>, vector<16xf32>,
        %add3A_2498 = arith.constant 12 : i32
        %add3A_2499 = arith.addi %add3A_2498, %scan3A_1159 : i32
        %swap3A_2500 = arith.index_cast %rem3A_1036 : i32 to index
        %swap3A_2501 = arith.index_cast %add3A_2499 : i32 to index
        %swap3A_2502 = arith.constant 752 : index
        %swap3A_2503 = tpu.vector_load %arg8[%swap3A_2500, %swap3A_2501, %swap3A_2502] {strides = array<i32>} : memref<6x16x1024xf32, #tpu.memory_space<vmem>>, vector<16xf32>,
        tpu.vector_store %arg8[%swap3A_2500, %swap3A_2501, %swap3A_2502], %get3A_2479 {add = true, strides = array<i32>} : memref<6x16x1024xf32, #tpu.memory_space<vmem>>, vector<16xf32>,
        %get3A_2504 = arith.index_cast %rem3A_1036 : i32 to index
        %get3A_2505 = arith.index_cast %scan3A_1159 : i32 to index
        %get3A_2506 = arith.constant 768 : index
        %get3A_2507 = tpu.vector_load %arg9[%get3A_2504, %get3A_2505, %get3A_2506] {strides = array<i32>} : memref<6x4x1024xf32, #tpu.memory_space<vmem>>, vector<16xf32>,
        %add3A_2508 = arith.constant 0 : i32
        %add3A_2509 = arith.addi %add3A_2508, %scan3A_1159 : i32
        %swap3A_2510 = arith.index_cast %rem3A_1036 : i32 to index
        %swap3A_2511 = arith.index_cast %add3A_2509 : i32 to index
        %swap3A_2512 = arith.constant 768 : index
        %swap3A_2513 = tpu.vector_load %arg8[%swap3A_2510, %swap3A_2511, %swap3A_2512] {strides = array<i32>} : memref<6x16x1024xf32, #tpu.memory_space<vmem>>, vector<16xf32>,
        tpu.vector_store %arg8[%swap3A_2510, %swap3A_2511, %swap3A_2512], %get3A_2507 {add = true, strides = array<i32>} : memref<6x16x1024xf32, #tpu.memory_space<vmem>>, vector<16xf32>,
        %add3A_2514 = arith.constant 4 : i32
        %add3A_2515 = arith.addi %add3A_2514, %scan3A_1159 : i32
        %swap3A_2516 = arith.index_cast %rem3A_1036 : i32 to index
        %swap3A_2517 = arith.index_cast %add3A_2515 : i32 to index
        %swap3A_2518 = arith.constant 768 : index
        %swap3A_2519 = tpu.vector_load %arg8[%swap3A_2516, %swap3A_2517, %swap3A_2518] {strides = array<i32>} : memref<6x16x1024xf32, #tpu.memory_space<vmem>>, vector<16xf32>,
        tpu.vector_store %arg8[%swap3A_2516, %swap3A_2517, %swap3A_2518], %get3A_2507 {add = true, strides = array<i32>} : memref<6x16x1024xf32, #tpu.memory_space<vmem>>, vector<16xf32>,
        %add3A_2520 = arith.constant 8 : i32
        %add3A_2521 = arith.addi %add3A_2520, %scan3A_1159 : i32
        %swap3A_2522 = arith.index_cast %rem3A_1036 : i32 to index
        %swap3A_2523 = arith.index_cast %add3A_2521 : i32 to index
        %swap3A_2524 = arith.constant 768 : index
        %swap3A_2525 = tpu.vector_load %arg8[%swap3A_2522, %swap3A_2523, %swap3A_2524] {strides = array<i32>} : memref<6x16x1024xf32, #tpu.memory_space<vmem>>, vector<16xf32>,
        tpu.vector_store %arg8[%swap3A_2522, %swap3A_2523, %swap3A_2524], %get3A_2507 {add = true, strides = array<i32>} : memref<6x16x1024xf32, #tpu.memory_space<vmem>>, vector<16xf32>,
        %add3A_2526 = arith.constant 12 : i32
        %add3A_2527 = arith.addi %add3A_2526, %scan3A_1159 : i32
        %swap3A_2528 = arith.index_cast %rem3A_1036 : i32 to index
        %swap3A_2529 = arith.index_cast %add3A_2527 : i32 to index
        %swap3A_2530 = arith.constant 768 : index
        %swap3A_2531 = tpu.vector_load %arg8[%swap3A_2528, %swap3A_2529, %swap3A_2530] {strides = array<i32>} : memref<6x16x1024xf32, #tpu.memory_space<vmem>>, vector<16xf32>,
        tpu.vector_store %arg8[%swap3A_2528, %swap3A_2529, %swap3A_2530], %get3A_2507 {add = true, strides = array<i32>} : memref<6x16x1024xf32, #tpu.memory_space<vmem>>, vector<16xf32>,
        %get3A_2532 = arith.index_cast %rem3A_1036 : i32 to index
        %get3A_2533 = arith.index_cast %scan3A_1159 : i32 to index
        %get3A_2534 = arith.constant 784 : index
        %get3A_2535 = tpu.vector_load %arg9[%get3A_2532, %get3A_2533, %get3A_2534] {strides = array<i32>} : memref<6x4x1024xf32, #tpu.memory_space<vmem>>, vector<16xf32>,
        %add3A_2536 = arith.constant 0 : i32
        %add3A_2537 = arith.addi %add3A_2536, %scan3A_1159 : i32
        %swap3A_2538 = arith.index_cast %rem3A_1036 : i32 to index
        %swap3A_2539 = arith.index_cast %add3A_2537 : i32 to index
        %swap3A_2540 = arith.constant 784 : index
        %swap3A_2541 = tpu.vector_load %arg8[%swap3A_2538, %swap3A_2539, %swap3A_2540] {strides = array<i32>} : memref<6x16x1024xf32, #tpu.memory_space<vmem>>, vector<16xf32>,
        tpu.vector_store %arg8[%swap3A_2538, %swap3A_2539, %swap3A_2540], %get3A_2535 {add = true, strides = array<i32>} : memref<6x16x1024xf32, #tpu.memory_space<vmem>>, vector<16xf32>,
        %add3A_2542 = arith.constant 4 : i32
        %add3A_2543 = arith.addi %add3A_2542, %scan3A_1159 : i32
        %swap3A_2544 = arith.index_cast %rem3A_1036 : i32 to index
        %swap3A_2545 = arith.index_cast %add3A_2543 : i32 to index
        %swap3A_2546 = arith.constant 784 : index
        %swap3A_2547 = tpu.vector_load %arg8[%swap3A_2544, %swap3A_2545, %swap3A_2546] {strides = array<i32>} : memref<6x16x1024xf32, #tpu.memory_space<vmem>>, vector<16xf32>,
        tpu.vector_store %arg8[%swap3A_2544, %swap3A_2545, %swap3A_2546], %get3A_2535 {add = true, strides = array<i32>} : memref<6x16x1024xf32, #tpu.memory_space<vmem>>, vector<16xf32>,
        %add3A_2548 = arith.constant 8 : i32
        %add3A_2549 = arith.addi %add3A_2548, %scan3A_1159 : i32
        %swap3A_2550 = arith.index_cast %rem3A_1036 : i32 to index
        %swap3A_2551 = arith.index_cast %add3A_2549 : i32 to index
        %swap3A_2552 = arith.constant 784 : index
        %swap3A_2553 = tpu.vector_load %arg8[%swap3A_2550, %swap3A_2551, %swap3A_2552] {strides = array<i32>} : memref<6x16x1024xf32, #tpu.memory_space<vmem>>, vector<16xf32>,
        tpu.vector_store %arg8[%swap3A_2550, %swap3A_2551, %swap3A_2552], %get3A_2535 {add = true, strides = array<i32>} : memref<6x16x1024xf32, #tpu.memory_space<vmem>>, vector<16xf32>,
        %add3A_2554 = arith.constant 12 : i32
        %add3A_2555 = arith.addi %add3A_2554, %scan3A_1159 : i32
        %swap3A_2556 = arith.index_cast %rem3A_1036 : i32 to index
        %swap3A_2557 = arith.index_cast %add3A_2555 : i32 to index
        %swap3A_2558 = arith.constant 784 : index
        %swap3A_2559 = tpu.vector_load %arg8[%swap3A_2556, %swap3A_2557, %swap3A_2558] {strides = array<i32>} : memref<6x16x1024xf32, #tpu.memory_space<vmem>>, vector<16xf32>,
        tpu.vector_store %arg8[%swap3A_2556, %swap3A_2557, %swap3A_2558], %get3A_2535 {add = true, strides = array<i32>} : memref<6x16x1024xf32, #tpu.memory_space<vmem>>, vector<16xf32>,
        %get3A_2560 = arith.index_cast %rem3A_1036 : i32 to index
        %get3A_2561 = arith.index_cast %scan3A_1159 : i32 to index
        %get3A_2562 = arith.constant 800 : index
        %get3A_2563 = tpu.vector_load %arg9[%get3A_2560, %get3A_2561, %get3A_2562] {strides = array<i32>} : memref<6x4x1024xf32, #tpu.memory_space<vmem>>, vector<16xf32>,
        %add3A_2564 = arith.constant 0 : i32
        %add3A_2565 = arith.addi %add3A_2564, %scan3A_1159 : i32
        %swap3A_2566 = arith.index_cast %rem3A_1036 : i32 to index
        %swap3A_2567 = arith.index_cast %add3A_2565 : i32 to index
        %swap3A_2568 = arith.constant 800 : index
        %swap3A_2569 = tpu.vector_load %arg8[%swap3A_2566, %swap3A_2567, %swap3A_2568] {strides = array<i32>} : memref<6x16x1024xf32, #tpu.memory_space<vmem>>, vector<16xf32>,
        tpu.vector_store %arg8[%swap3A_2566, %swap3A_2567, %swap3A_2568], %get3A_2563 {add = true, strides = array<i32>} : memref<6x16x1024xf32, #tpu.memory_space<vmem>>, vector<16xf32>,
        %add3A_2570 = arith.constant 4 : i32
        %add3A_2571 = arith.addi %add3A_2570, %scan3A_1159 : i32
        %swap3A_2572 = arith.index_cast %rem3A_1036 : i32 to index
        %swap3A_2573 = arith.index_cast %add3A_2571 : i32 to index
        %swap3A_2574 = arith.constant 800 : index
        %swap3A_2575 = tpu.vector_load %arg8[%swap3A_2572, %swap3A_2573, %swap3A_2574] {strides = array<i32>} : memref<6x16x1024xf32, #tpu.memory_space<vmem>>, vector<16xf32>,
        tpu.vector_store %arg8[%swap3A_2572, %swap3A_2573, %swap3A_2574], %get3A_2563 {add = true, strides = array<i32>} : memref<6x16x1024xf32, #tpu.memory_space<vmem>>, vector<16xf32>,
        %add3A_2576 = arith.constant 8 : i32
        %add3A_2577 = arith.addi %add3A_2576, %scan3A_1159 : i32
        %swap3A_2578 = arith.index_cast %rem3A_1036 : i32 to index
        %swap3A_2579 = arith.index_cast %add3A_2577 : i32 to index
        %swap3A_2580 = arith.constant 800 : index
        %swap3A_2581 = tpu.vector_load %arg8[%swap3A_2578, %swap3A_2579, %swap3A_2580] {strides = array<i32>} : memref<6x16x1024xf32, #tpu.memory_space<vmem>>, vector<16xf32>,
        tpu.vector_store %arg8[%swap3A_2578, %swap3A_2579, %swap3A_2580], %get3A_2563 {add = true, strides = array<i32>} : memref<6x16x1024xf32, #tpu.memory_space<vmem>>, vector<16xf32>,
        %add3A_2582 = arith.constant 12 : i32
        %add3A_2583 = arith.addi %add3A_2582, %scan3A_1159 : i32
        %swap3A_2584 = arith.index_cast %rem3A_1036 : i32 to index
        %swap3A_2585 = arith.index_cast %add3A_2583 : i32 to index
        %swap3A_2586 = arith.constant 800 : index
        %swap3A_2587 = tpu.vector_load %arg8[%swap3A_2584, %swap3A_2585, %swap3A_2586] {strides = array<i32>} : memref<6x16x1024xf32, #tpu.memory_space<vmem>>, vector<16xf32>,
        tpu.vector_store %arg8[%swap3A_2584, %swap3A_2585, %swap3A_2586], %get3A_2563 {add = true, strides = array<i32>} : memref<6x16x1024xf32, #tpu.memory_space<vmem>>, vector<16xf32>,
        %get3A_2588 = arith.index_cast %rem3A_1036 : i32 to index
        %get3A_2589 = arith.index_cast %scan3A_1159 : i32 to index
        %get3A_2590 = arith.constant 816 : index
        %get3A_2591 = tpu.vector_load %arg9[%get3A_2588, %get3A_2589, %get3A_2590] {strides = array<i32>} : memref<6x4x1024xf32, #tpu.memory_space<vmem>>, vector<16xf32>,
        %add3A_2592 = arith.constant 0 : i32
        %add3A_2593 = arith.addi %add3A_2592, %scan3A_1159 : i32
        %swap3A_2594 = arith.index_cast %rem3A_1036 : i32 to index
        %swap3A_2595 = arith.index_cast %add3A_2593 : i32 to index
        %swap3A_2596 = arith.constant 816 : index
        %swap3A_2597 = tpu.vector_load %arg8[%swap3A_2594, %swap3A_2595, %swap3A_2596] {strides = array<i32>} : memref<6x16x1024xf32, #tpu.memory_space<vmem>>, vector<16xf32>,
        tpu.vector_store %arg8[%swap3A_2594, %swap3A_2595, %swap3A_2596], %get3A_2591 {add = true, strides = array<i32>} : memref<6x16x1024xf32, #tpu.memory_space<vmem>>, vector<16xf32>,
        %add3A_2598 = arith.constant 4 : i32
        %add3A_2599 = arith.addi %add3A_2598, %scan3A_1159 : i32
        %swap3A_2600 = arith.index_cast %rem3A_1036 : i32 to index
        %swap3A_2601 = arith.index_cast %add3A_2599 : i32 to index
        %swap3A_2602 = arith.constant 816 : index
        %swap3A_2603 = tpu.vector_load %arg8[%swap3A_2600, %swap3A_2601, %swap3A_2602] {strides = array<i32>} : memref<6x16x1024xf32, #tpu.memory_space<vmem>>, vector<16xf32>,
        tpu.vector_store %arg8[%swap3A_2600, %swap3A_2601, %swap3A_2602], %get3A_2591 {add = true, strides = array<i32>} : memref<6x16x1024xf32, #tpu.memory_space<vmem>>, vector<16xf32>,
        %add3A_2604 = arith.constant 8 : i32
        %add3A_2605 = arith.addi %add3A_2604, %scan3A_1159 : i32
        %swap3A_2606 = arith.index_cast %rem3A_1036 : i32 to index
        %swap3A_2607 = arith.index_cast %add3A_2605 : i32 to index
        %swap3A_2608 = arith.constant 816 : index
        %swap3A_2609 = tpu.vector_load %arg8[%swap3A_2606, %swap3A_2607, %swap3A_2608] {strides = array<i32>} : memref<6x16x1024xf32, #tpu.memory_space<vmem>>, vector<16xf32>,
        tpu.vector_store %arg8[%swap3A_2606, %swap3A_2607, %swap3A_2608], %get3A_2591 {add = true, strides = array<i32>} : memref<6x16x1024xf32, #tpu.memory_space<vmem>>, vector<16xf32>,
        %add3A_2610 = arith.constant 12 : i32
        %add3A_2611 = arith.addi %add3A_2610, %scan3A_1159 : i32
        %swap3A_2612 = arith.index_cast %rem3A_1036 : i32 to index
        %swap3A_2613 = arith.index_cast %add3A_2611 : i32 to index
        %swap3A_2614 = arith.constant 816 : index
        %swap3A_2615 = tpu.vector_load %arg8[%swap3A_2612, %swap3A_2613, %swap3A_2614] {strides = array<i32>} : memref<6x16x1024xf32, #tpu.memory_space<vmem>>, vector<16xf32>,
        tpu.vector_store %arg8[%swap3A_2612, %swap3A_2613, %swap3A_2614], %get3A_2591 {add = true, strides = array<i32>} : memref<6x16x1024xf32, #tpu.memory_space<vmem>>, vector<16xf32>,
        %get3A_2616 = arith.index_cast %rem3A_1036 : i32 to index
        %get3A_2617 = arith.index_cast %scan3A_1159 : i32 to index
        %get3A_2618 = arith.constant 832 : index
        %get3A_2619 = tpu.vector_load %arg9[%get3A_2616, %get3A_2617, %get3A_2618] {strides = array<i32>} : memref<6x4x1024xf32, #tpu.memory_space<vmem>>, vector<16xf32>,
        %add3A_2620 = arith.constant 0 : i32
        %add3A_2621 = arith.addi %add3A_2620, %scan3A_1159 : i32
        %swap3A_2622 = arith.index_cast %rem3A_1036 : i32 to index
        %swap3A_2623 = arith.index_cast %add3A_2621 : i32 to index
        %swap3A_2624 = arith.constant 832 : index
        %swap3A_2625 = tpu.vector_load %arg8[%swap3A_2622, %swap3A_2623, %swap3A_2624] {strides = array<i32>} : memref<6x16x1024xf32, #tpu.memory_space<vmem>>, vector<16xf32>,
        tpu.vector_store %arg8[%swap3A_2622, %swap3A_2623, %swap3A_2624], %get3A_2619 {add = true, strides = array<i32>} : memref<6x16x1024xf32, #tpu.memory_space<vmem>>, vector<16xf32>,
        %add3A_2626 = arith.constant 4 : i32
        %add3A_2627 = arith.addi %add3A_2626, %scan3A_1159 : i32
        %swap3A_2628 = arith.index_cast %rem3A_1036 : i32 to index
        %swap3A_2629 = arith.index_cast %add3A_2627 : i32 to index
        %swap3A_2630 = arith.constant 832 : index
        %swap3A_2631 = tpu.vector_load %arg8[%swap3A_2628, %swap3A_2629, %swap3A_2630] {strides = array<i32>} : memref<6x16x1024xf32, #tpu.memory_space<vmem>>, vector<16xf32>,
        tpu.vector_store %arg8[%swap3A_2628, %swap3A_2629, %swap3A_2630], %get3A_2619 {add = true, strides = array<i32>} : memref<6x16x1024xf32, #tpu.memory_space<vmem>>, vector<16xf32>,
        %add3A_2632 = arith.constant 8 : i32
        %add3A_2633 = arith.addi %add3A_2632, %scan3A_1159 : i32
        %swap3A_2634 = arith.index_cast %rem3A_1036 : i32 to index
        %swap3A_2635 = arith.index_cast %add3A_2633 : i32 to index
        %swap3A_2636 = arith.constant 832 : index
        %swap3A_2637 = tpu.vector_load %arg8[%swap3A_2634, %swap3A_2635, %swap3A_2636] {strides = array<i32>} : memref<6x16x1024xf32, #tpu.memory_space<vmem>>, vector<16xf32>,
        tpu.vector_store %arg8[%swap3A_2634, %swap3A_2635, %swap3A_2636], %get3A_2619 {add = true, strides = array<i32>} : memref<6x16x1024xf32, #tpu.memory_space<vmem>>, vector<16xf32>,
        %add3A_2638 = arith.constant 12 : i32
        %add3A_2639 = arith.addi %add3A_2638, %scan3A_1159 : i32
        %swap3A_2640 = arith.index_cast %rem3A_1036 : i32 to index
        %swap3A_2641 = arith.index_cast %add3A_2639 : i32 to index
        %swap3A_2642 = arith.constant 832 : index
        %swap3A_2643 = tpu.vector_load %arg8[%swap3A_2640, %swap3A_2641, %swap3A_2642] {strides = array<i32>} : memref<6x16x1024xf32, #tpu.memory_space<vmem>>, vector<16xf32>,
        tpu.vector_store %arg8[%swap3A_2640, %swap3A_2641, %swap3A_2642], %get3A_2619 {add = true, strides = array<i32>} : memref<6x16x1024xf32, #tpu.memory_space<vmem>>, vector<16xf32>,
        %get3A_2644 = arith.index_cast %rem3A_1036 : i32 to index
        %get3A_2645 = arith.index_cast %scan3A_1159 : i32 to index
        %get3A_2646 = arith.constant 848 : index
        %get3A_2647 = tpu.vector_load %arg9[%get3A_2644, %get3A_2645, %get3A_2646] {strides = array<i32>} : memref<6x4x1024xf32, #tpu.memory_space<vmem>>, vector<16xf32>,
        %add3A_2648 = arith.constant 0 : i32
        %add3A_2649 = arith.addi %add3A_2648, %scan3A_1159 : i32
        %swap3A_2650 = arith.index_cast %rem3A_1036 : i32 to index
        %swap3A_2651 = arith.index_cast %add3A_2649 : i32 to index
        %swap3A_2652 = arith.constant 848 : index
        %swap3A_2653 = tpu.vector_load %arg8[%swap3A_2650, %swap3A_2651, %swap3A_2652] {strides = array<i32>} : memref<6x16x1024xf32, #tpu.memory_space<vmem>>, vector<16xf32>,
        tpu.vector_store %arg8[%swap3A_2650, %swap3A_2651, %swap3A_2652], %get3A_2647 {add = true, strides = array<i32>} : memref<6x16x1024xf32, #tpu.memory_space<vmem>>, vector<16xf32>,
        %add3A_2654 = arith.constant 4 : i32
        %add3A_2655 = arith.addi %add3A_2654, %scan3A_1159 : i32
        %swap3A_2656 = arith.index_cast %rem3A_1036 : i32 to index
        %swap3A_2657 = arith.index_cast %add3A_2655 : i32 to index
        %swap3A_2658 = arith.constant 848 : index
        %swap3A_2659 = tpu.vector_load %arg8[%swap3A_2656, %swap3A_2657, %swap3A_2658] {strides = array<i32>} : memref<6x16x1024xf32, #tpu.memory_space<vmem>>, vector<16xf32>,
        tpu.vector_store %arg8[%swap3A_2656, %swap3A_2657, %swap3A_2658], %get3A_2647 {add = true, strides = array<i32>} : memref<6x16x1024xf32, #tpu.memory_space<vmem>>, vector<16xf32>,
        %add3A_2660 = arith.constant 8 : i32
        %add3A_2661 = arith.addi %add3A_2660, %scan3A_1159 : i32
        %swap3A_2662 = arith.index_cast %rem3A_1036 : i32 to index
        %swap3A_2663 = arith.index_cast %add3A_2661 : i32 to index
        %swap3A_2664 = arith.constant 848 : index
        %swap3A_2665 = tpu.vector_load %arg8[%swap3A_2662, %swap3A_2663, %swap3A_2664] {strides = array<i32>} : memref<6x16x1024xf32, #tpu.memory_space<vmem>>, vector<16xf32>,
        tpu.vector_store %arg8[%swap3A_2662, %swap3A_2663, %swap3A_2664], %get3A_2647 {add = true, strides = array<i32>} : memref<6x16x1024xf32, #tpu.memory_space<vmem>>, vector<16xf32>,
        %add3A_2666 = arith.constant 12 : i32
        %add3A_2667 = arith.addi %add3A_2666, %scan3A_1159 : i32
        %swap3A_2668 = arith.index_cast %rem3A_1036 : i32 to index
        %swap3A_2669 = arith.index_cast %add3A_2667 : i32 to index
        %swap3A_2670 = arith.constant 848 : index
        %swap3A_2671 = tpu.vector_load %arg8[%swap3A_2668, %swap3A_2669, %swap3A_2670] {strides = array<i32>} : memref<6x16x1024xf32, #tpu.memory_space<vmem>>, vector<16xf32>,
        tpu.vector_store %arg8[%swap3A_2668, %swap3A_2669, %swap3A_2670], %get3A_2647 {add = true, strides = array<i32>} : memref<6x16x1024xf32, #tpu.memory_space<vmem>>, vector<16xf32>,
        %get3A_2672 = arith.index_cast %rem3A_1036 : i32 to index
        %get3A_2673 = arith.index_cast %scan3A_1159 : i32 to index
        %get3A_2674 = arith.constant 864 : index
        %get3A_2675 = tpu.vector_load %arg9[%get3A_2672, %get3A_2673, %get3A_2674] {strides = array<i32>} : memref<6x4x1024xf32, #tpu.memory_space<vmem>>, vector<16xf32>,
        %add3A_2676 = arith.constant 0 : i32
        %add3A_2677 = arith.addi %add3A_2676, %scan3A_1159 : i32
        %swap3A_2678 = arith.index_cast %rem3A_1036 : i32 to index
        %swap3A_2679 = arith.index_cast %add3A_2677 : i32 to index
        %swap3A_2680 = arith.constant 864 : index
        %swap3A_2681 = tpu.vector_load %arg8[%swap3A_2678, %swap3A_2679, %swap3A_2680] {strides = array<i32>} : memref<6x16x1024xf32, #tpu.memory_space<vmem>>, vector<16xf32>,
        tpu.vector_store %arg8[%swap3A_2678, %swap3A_2679, %swap3A_2680], %get3A_2675 {add = true, strides = array<i32>} : memref<6x16x1024xf32, #tpu.memory_space<vmem>>, vector<16xf32>,
        %add3A_2682 = arith.constant 4 : i32
        %add3A_2683 = arith.addi %add3A_2682, %scan3A_1159 : i32
        %swap3A_2684 = arith.index_cast %rem3A_1036 : i32 to index
        %swap3A_2685 = arith.index_cast %add3A_2683 : i32 to index
        %swap3A_2686 = arith.constant 864 : index
        %swap3A_2687 = tpu.vector_load %arg8[%swap3A_2684, %swap3A_2685, %swap3A_2686] {strides = array<i32>} : memref<6x16x1024xf32, #tpu.memory_space<vmem>>, vector<16xf32>,
        tpu.vector_store %arg8[%swap3A_2684, %swap3A_2685, %swap3A_2686], %get3A_2675 {add = true, strides = array<i32>} : memref<6x16x1024xf32, #tpu.memory_space<vmem>>, vector<16xf32>,
        %add3A_2688 = arith.constant 8 : i32
        %add3A_2689 = arith.addi %add3A_2688, %scan3A_1159 : i32
        %swap3A_2690 = arith.index_cast %rem3A_1036 : i32 to index
        %swap3A_2691 = arith.index_cast %add3A_2689 : i32 to index
        %swap3A_2692 = arith.constant 864 : index
        %swap3A_2693 = tpu.vector_load %arg8[%swap3A_2690, %swap3A_2691, %swap3A_2692] {strides = array<i32>} : memref<6x16x1024xf32, #tpu.memory_space<vmem>>, vector<16xf32>,
        tpu.vector_store %arg8[%swap3A_2690, %swap3A_2691, %swap3A_2692], %get3A_2675 {add = true, strides = array<i32>} : memref<6x16x1024xf32, #tpu.memory_space<vmem>>, vector<16xf32>,
        %add3A_2694 = arith.constant 12 : i32
        %add3A_2695 = arith.addi %add3A_2694, %scan3A_1159 : i32
        %swap3A_2696 = arith.index_cast %rem3A_1036 : i32 to index
        %swap3A_2697 = arith.index_cast %add3A_2695 : i32 to index
        %swap3A_2698 = arith.constant 864 : index
        %swap3A_2699 = tpu.vector_load %arg8[%swap3A_2696, %swap3A_2697, %swap3A_2698] {strides = array<i32>} : memref<6x16x1024xf32, #tpu.memory_space<vmem>>, vector<16xf32>,
        tpu.vector_store %arg8[%swap3A_2696, %swap3A_2697, %swap3A_2698], %get3A_2675 {add = true, strides = array<i32>} : memref<6x16x1024xf32, #tpu.memory_space<vmem>>, vector<16xf32>,
        %get3A_2700 = arith.index_cast %rem3A_1036 : i32 to index
        %get3A_2701 = arith.index_cast %scan3A_1159 : i32 to index
        %get3A_2702 = arith.constant 880 : index
        %get3A_2703 = tpu.vector_load %arg9[%get3A_2700, %get3A_2701, %get3A_2702] {strides = array<i32>} : memref<6x4x1024xf32, #tpu.memory_space<vmem>>, vector<16xf32>,
        %add3A_2704 = arith.constant 0 : i32
        %add3A_2705 = arith.addi %add3A_2704, %scan3A_1159 : i32
        %swap3A_2706 = arith.index_cast %rem3A_1036 : i32 to index
        %swap3A_2707 = arith.index_cast %add3A_2705 : i32 to index
        %swap3A_2708 = arith.constant 880 : index
        %swap3A_2709 = tpu.vector_load %arg8[%swap3A_2706, %swap3A_2707, %swap3A_2708] {strides = array<i32>} : memref<6x16x1024xf32, #tpu.memory_space<vmem>>, vector<16xf32>,
        tpu.vector_store %arg8[%swap3A_2706, %swap3A_2707, %swap3A_2708], %get3A_2703 {add = true, strides = array<i32>} : memref<6x16x1024xf32, #tpu.memory_space<vmem>>, vector<16xf32>,
        %add3A_2710 = arith.constant 4 : i32
        %add3A_2711 = arith.addi %add3A_2710, %scan3A_1159 : i32
        %swap3A_2712 = arith.index_cast %rem3A_1036 : i32 to index
        %swap3A_2713 = arith.index_cast %add3A_2711 : i32 to index
        %swap3A_2714 = arith.constant 880 : index
        %swap3A_2715 = tpu.vector_load %arg8[%swap3A_2712, %swap3A_2713, %swap3A_2714] {strides = array<i32>} : memref<6x16x1024xf32, #tpu.memory_space<vmem>>, vector<16xf32>,
        tpu.vector_store %arg8[%swap3A_2712, %swap3A_2713, %swap3A_2714], %get3A_2703 {add = true, strides = array<i32>} : memref<6x16x1024xf32, #tpu.memory_space<vmem>>, vector<16xf32>,
        %add3A_2716 = arith.constant 8 : i32
        %add3A_2717 = arith.addi %add3A_2716, %scan3A_1159 : i32
        %swap3A_2718 = arith.index_cast %rem3A_1036 : i32 to index
        %swap3A_2719 = arith.index_cast %add3A_2717 : i32 to index
        %swap3A_2720 = arith.constant 880 : index
        %swap3A_2721 = tpu.vector_load %arg8[%swap3A_2718, %swap3A_2719, %swap3A_2720] {strides = array<i32>} : memref<6x16x1024xf32, #tpu.memory_space<vmem>>, vector<16xf32>,
        tpu.vector_store %arg8[%swap3A_2718, %swap3A_2719, %swap3A_2720], %get3A_2703 {add = true, strides = array<i32>} : memref<6x16x1024xf32, #tpu.memory_space<vmem>>, vector<16xf32>,
        %add3A_2722 = arith.constant 12 : i32
        %add3A_2723 = arith.addi %add3A_2722, %scan3A_1159 : i32
        %swap3A_2724 = arith.index_cast %rem3A_1036 : i32 to index
        %swap3A_2725 = arith.index_cast %add3A_2723 : i32 to index
        %swap3A_2726 = arith.constant 880 : index
        %swap3A_2727 = tpu.vector_load %arg8[%swap3A_2724, %swap3A_2725, %swap3A_2726] {strides = array<i32>} : memref<6x16x1024xf32, #tpu.memory_space<vmem>>, vector<16xf32>,
        tpu.vector_store %arg8[%swap3A_2724, %swap3A_2725, %swap3A_2726], %get3A_2703 {add = true, strides = array<i32>} : memref<6x16x1024xf32, #tpu.memory_space<vmem>>, vector<16xf32>,
        %get3A_2728 = arith.index_cast %rem3A_1036 : i32 to index
        %get3A_2729 = arith.index_cast %scan3A_1159 : i32 to index
        %get3A_2730 = arith.constant 896 : index
        %get3A_2731 = tpu.vector_load %arg9[%get3A_2728, %get3A_2729, %get3A_2730] {strides = array<i32>} : memref<6x4x1024xf32, #tpu.memory_space<vmem>>, vector<16xf32>,
        %add3A_2732 = arith.constant 0 : i32
        %add3A_2733 = arith.addi %add3A_2732, %scan3A_1159 : i32
        %swap3A_2734 = arith.index_cast %rem3A_1036 : i32 to index
        %swap3A_2735 = arith.index_cast %add3A_2733 : i32 to index
        %swap3A_2736 = arith.constant 896 : index
        %swap3A_2737 = tpu.vector_load %arg8[%swap3A_2734, %swap3A_2735, %swap3A_2736] {strides = array<i32>} : memref<6x16x1024xf32, #tpu.memory_space<vmem>>, vector<16xf32>,
        tpu.vector_store %arg8[%swap3A_2734, %swap3A_2735, %swap3A_2736], %get3A_2731 {add = true, strides = array<i32>} : memref<6x16x1024xf32, #tpu.memory_space<vmem>>, vector<16xf32>,
        %add3A_2738 = arith.constant 4 : i32
        %add3A_2739 = arith.addi %add3A_2738, %scan3A_1159 : i32
        %swap3A_2740 = arith.index_cast %rem3A_1036 : i32 to index
        %swap3A_2741 = arith.index_cast %add3A_2739 : i32 to index
        %swap3A_2742 = arith.constant 896 : index
        %swap3A_2743 = tpu.vector_load %arg8[%swap3A_2740, %swap3A_2741, %swap3A_2742] {strides = array<i32>} : memref<6x16x1024xf32, #tpu.memory_space<vmem>>, vector<16xf32>,
        tpu.vector_store %arg8[%swap3A_2740, %swap3A_2741, %swap3A_2742], %get3A_2731 {add = true, strides = array<i32>} : memref<6x16x1024xf32, #tpu.memory_space<vmem>>, vector<16xf32>,
        %add3A_2744 = arith.constant 8 : i32
        %add3A_2745 = arith.addi %add3A_2744, %scan3A_1159 : i32
        %swap3A_2746 = arith.index_cast %rem3A_1036 : i32 to index
        %swap3A_2747 = arith.index_cast %add3A_2745 : i32 to index
        %swap3A_2748 = arith.constant 896 : index
        %swap3A_2749 = tpu.vector_load %arg8[%swap3A_2746, %swap3A_2747, %swap3A_2748] {strides = array<i32>} : memref<6x16x1024xf32, #tpu.memory_space<vmem>>, vector<16xf32>,
        tpu.vector_store %arg8[%swap3A_2746, %swap3A_2747, %swap3A_2748], %get3A_2731 {add = true, strides = array<i32>} : memref<6x16x1024xf32, #tpu.memory_space<vmem>>, vector<16xf32>,
        %add3A_2750 = arith.constant 12 : i32
        %add3A_2751 = arith.addi %add3A_2750, %scan3A_1159 : i32
        %swap3A_2752 = arith.index_cast %rem3A_1036 : i32 to index
        %swap3A_2753 = arith.index_cast %add3A_2751 : i32 to index
        %swap3A_2754 = arith.constant 896 : index
        %swap3A_2755 = tpu.vector_load %arg8[%swap3A_2752, %swap3A_2753, %swap3A_2754] {strides = array<i32>} : memref<6x16x1024xf32, #tpu.memory_space<vmem>>, vector<16xf32>,
        tpu.vector_store %arg8[%swap3A_2752, %swap3A_2753, %swap3A_2754], %get3A_2731 {add = true, strides = array<i32>} : memref<6x16x1024xf32, #tpu.memory_space<vmem>>, vector<16xf32>,
        %get3A_2756 = arith.index_cast %rem3A_1036 : i32 to index
        %get3A_2757 = arith.index_cast %scan3A_1159 : i32 to index
        %get3A_2758 = arith.constant 912 : index
        %get3A_2759 = tpu.vector_load %arg9[%get3A_2756, %get3A_2757, %get3A_2758] {strides = array<i32>} : memref<6x4x1024xf32, #tpu.memory_space<vmem>>, vector<16xf32>,
        %add3A_2760 = arith.constant 0 : i32
        %add3A_2761 = arith.addi %add3A_2760, %scan3A_1159 : i32
        %swap3A_2762 = arith.index_cast %rem3A_1036 : i32 to index
        %swap3A_2763 = arith.index_cast %add3A_2761 : i32 to index
        %swap3A_2764 = arith.constant 912 : index
        %swap3A_2765 = tpu.vector_load %arg8[%swap3A_2762, %swap3A_2763, %swap3A_2764] {strides = array<i32>} : memref<6x16x1024xf32, #tpu.memory_space<vmem>>, vector<16xf32>,
        tpu.vector_store %arg8[%swap3A_2762, %swap3A_2763, %swap3A_2764], %get3A_2759 {add = true, strides = array<i32>} : memref<6x16x1024xf32, #tpu.memory_space<vmem>>, vector<16xf32>,
        %add3A_2766 = arith.constant 4 : i32
        %add3A_2767 = arith.addi %add3A_2766, %scan3A_1159 : i32
        %swap3A_2768 = arith.index_cast %rem3A_1036 : i32 to index
        %swap3A_2769 = arith.index_cast %add3A_2767 : i32 to index
        %swap3A_2770 = arith.constant 912 : index
        %swap3A_2771 = tpu.vector_load %arg8[%swap3A_2768, %swap3A_2769, %swap3A_2770] {strides = array<i32>} : memref<6x16x1024xf32, #tpu.memory_space<vmem>>, vector<16xf32>,
        tpu.vector_store %arg8[%swap3A_2768, %swap3A_2769, %swap3A_2770], %get3A_2759 {add = true, strides = array<i32>} : memref<6x16x1024xf32, #tpu.memory_space<vmem>>, vector<16xf32>,
        %add3A_2772 = arith.constant 8 : i32
        %add3A_2773 = arith.addi %add3A_2772, %scan3A_1159 : i32
        %swap3A_2774 = arith.index_cast %rem3A_1036 : i32 to index
        %swap3A_2775 = arith.index_cast %add3A_2773 : i32 to index
        %swap3A_2776 = arith.constant 912 : index
        %swap3A_2777 = tpu.vector_load %arg8[%swap3A_2774, %swap3A_2775, %swap3A_2776] {strides = array<i32>} : memref<6x16x1024xf32, #tpu.memory_space<vmem>>, vector<16xf32>,
        tpu.vector_store %arg8[%swap3A_2774, %swap3A_2775, %swap3A_2776], %get3A_2759 {add = true, strides = array<i32>} : memref<6x16x1024xf32, #tpu.memory_space<vmem>>, vector<16xf32>,
        %add3A_2778 = arith.constant 12 : i32
        %add3A_2779 = arith.addi %add3A_2778, %scan3A_1159 : i32
        %swap3A_2780 = arith.index_cast %rem3A_1036 : i32 to index
        %swap3A_2781 = arith.index_cast %add3A_2779 : i32 to index
        %swap3A_2782 = arith.constant 912 : index
        %swap3A_2783 = tpu.vector_load %arg8[%swap3A_2780, %swap3A_2781, %swap3A_2782] {strides = array<i32>} : memref<6x16x1024xf32, #tpu.memory_space<vmem>>, vector<16xf32>,
        tpu.vector_store %arg8[%swap3A_2780, %swap3A_2781, %swap3A_2782], %get3A_2759 {add = true, strides = array<i32>} : memref<6x16x1024xf32, #tpu.memory_space<vmem>>, vector<16xf32>,
        %get3A_2784 = arith.index_cast %rem3A_1036 : i32 to index
        %get3A_2785 = arith.index_cast %scan3A_1159 : i32 to index
        %get3A_2786 = arith.constant 928 : index
        %get3A_2787 = tpu.vector_load %arg9[%get3A_2784, %get3A_2785, %get3A_2786] {strides = array<i32>} : memref<6x4x1024xf32, #tpu.memory_space<vmem>>, vector<16xf32>,
        %add3A_2788 = arith.constant 0 : i32
        %add3A_2789 = arith.addi %add3A_2788, %scan3A_1159 : i32
        %swap3A_2790 = arith.index_cast %rem3A_1036 : i32 to index
        %swap3A_2791 = arith.index_cast %add3A_2789 : i32 to index
        %swap3A_2792 = arith.constant 928 : index
        %swap3A_2793 = tpu.vector_load %arg8[%swap3A_2790, %swap3A_2791, %swap3A_2792] {strides = array<i32>} : memref<6x16x1024xf32, #tpu.memory_space<vmem>>, vector<16xf32>,
        tpu.vector_store %arg8[%swap3A_2790, %swap3A_2791, %swap3A_2792], %get3A_2787 {add = true, strides = array<i32>} : memref<6x16x1024xf32, #tpu.memory_space<vmem>>, vector<16xf32>,
        %add3A_2794 = arith.constant 4 : i32
        %add3A_2795 = arith.addi %add3A_2794, %scan3A_1159 : i32
        %swap3A_2796 = arith.index_cast %rem3A_1036 : i32 to index
        %swap3A_2797 = arith.index_cast %add3A_2795 : i32 to index
        %swap3A_2798 = arith.constant 928 : index
        %swap3A_2799 = tpu.vector_load %arg8[%swap3A_2796, %swap3A_2797, %swap3A_2798] {strides = array<i32>} : memref<6x16x1024xf32, #tpu.memory_space<vmem>>, vector<16xf32>,
        tpu.vector_store %arg8[%swap3A_2796, %swap3A_2797, %swap3A_2798], %get3A_2787 {add = true, strides = array<i32>} : memref<6x16x1024xf32, #tpu.memory_space<vmem>>, vector<16xf32>,
        %add3A_2800 = arith.constant 8 : i32
        %add3A_2801 = arith.addi %add3A_2800, %scan3A_1159 : i32
        %swap3A_2802 = arith.index_cast %rem3A_1036 : i32 to index
        %swap3A_2803 = arith.index_cast %add3A_2801 : i32 to index
        %swap3A_2804 = arith.constant 928 : index
        %swap3A_2805 = tpu.vector_load %arg8[%swap3A_2802, %swap3A_2803, %swap3A_2804] {strides = array<i32>} : memref<6x16x1024xf32, #tpu.memory_space<vmem>>, vector<16xf32>,
        tpu.vector_store %arg8[%swap3A_2802, %swap3A_2803, %swap3A_2804], %get3A_2787 {add = true, strides = array<i32>} : memref<6x16x1024xf32, #tpu.memory_space<vmem>>, vector<16xf32>,
        %add3A_2806 = arith.constant 12 : i32
        %add3A_2807 = arith.addi %add3A_2806, %scan3A_1159 : i32
        %swap3A_2808 = arith.index_cast %rem3A_1036 : i32 to index
        %swap3A_2809 = arith.index_cast %add3A_2807 : i32 to index
        %swap3A_2810 = arith.constant 928 : index
        %swap3A_2811 = tpu.vector_load %arg8[%swap3A_2808, %swap3A_2809, %swap3A_2810] {strides = array<i32>} : memref<6x16x1024xf32, #tpu.memory_space<vmem>>, vector<16xf32>,
        tpu.vector_store %arg8[%swap3A_2808, %swap3A_2809, %swap3A_2810], %get3A_2787 {add = true, strides = array<i32>} : memref<6x16x1024xf32, #tpu.memory_space<vmem>>, vector<16xf32>,
        %get3A_2812 = arith.index_cast %rem3A_1036 : i32 to index
        %get3A_2813 = arith.index_cast %scan3A_1159 : i32 to index
        %get3A_2814 = arith.constant 944 : index
        %get3A_2815 = tpu.vector_load %arg9[%get3A_2812, %get3A_2813, %get3A_2814] {strides = array<i32>} : memref<6x4x1024xf32, #tpu.memory_space<vmem>>, vector<16xf32>,
        %add3A_2816 = arith.constant 0 : i32
        %add3A_2817 = arith.addi %add3A_2816, %scan3A_1159 : i32
        %swap3A_2818 = arith.index_cast %rem3A_1036 : i32 to index
        %swap3A_2819 = arith.index_cast %add3A_2817 : i32 to index
        %swap3A_2820 = arith.constant 944 : index
        %swap3A_2821 = tpu.vector_load %arg8[%swap3A_2818, %swap3A_2819, %swap3A_2820] {strides = array<i32>} : memref<6x16x1024xf32, #tpu.memory_space<vmem>>, vector<16xf32>,
        tpu.vector_store %arg8[%swap3A_2818, %swap3A_2819, %swap3A_2820], %get3A_2815 {add = true, strides = array<i32>} : memref<6x16x1024xf32, #tpu.memory_space<vmem>>, vector<16xf32>,
        %add3A_2822 = arith.constant 4 : i32
        %add3A_2823 = arith.addi %add3A_2822, %scan3A_1159 : i32
        %swap3A_2824 = arith.index_cast %rem3A_1036 : i32 to index
        %swap3A_2825 = arith.index_cast %add3A_2823 : i32 to index
        %swap3A_2826 = arith.constant 944 : index
        %swap3A_2827 = tpu.vector_load %arg8[%swap3A_2824, %swap3A_2825, %swap3A_2826] {strides = array<i32>} : memref<6x16x1024xf32, #tpu.memory_space<vmem>>, vector<16xf32>,
        tpu.vector_store %arg8[%swap3A_2824, %swap3A_2825, %swap3A_2826], %get3A_2815 {add = true, strides = array<i32>} : memref<6x16x1024xf32, #tpu.memory_space<vmem>>, vector<16xf32>,
        %add3A_2828 = arith.constant 8 : i32
        %add3A_2829 = arith.addi %add3A_2828, %scan3A_1159 : i32
        %swap3A_2830 = arith.index_cast %rem3A_1036 : i32 to index
        %swap3A_2831 = arith.index_cast %add3A_2829 : i32 to index
        %swap3A_2832 = arith.constant 944 : index
        %swap3A_2833 = tpu.vector_load %arg8[%swap3A_2830, %swap3A_2831, %swap3A_2832] {strides = array<i32>} : memref<6x16x1024xf32, #tpu.memory_space<vmem>>, vector<16xf32>,
        tpu.vector_store %arg8[%swap3A_2830, %swap3A_2831, %swap3A_2832], %get3A_2815 {add = true, strides = array<i32>} : memref<6x16x1024xf32, #tpu.memory_space<vmem>>, vector<16xf32>,
        %add3A_2834 = arith.constant 12 : i32
        %add3A_2835 = arith.addi %add3A_2834, %scan3A_1159 : i32
        %swap3A_2836 = arith.index_cast %rem3A_1036 : i32 to index
        %swap3A_2837 = arith.index_cast %add3A_2835 : i32 to index
        %swap3A_2838 = arith.constant 944 : index
        %swap3A_2839 = tpu.vector_load %arg8[%swap3A_2836, %swap3A_2837, %swap3A_2838] {strides = array<i32>} : memref<6x16x1024xf32, #tpu.memory_space<vmem>>, vector<16xf32>,
        tpu.vector_store %arg8[%swap3A_2836, %swap3A_2837, %swap3A_2838], %get3A_2815 {add = true, strides = array<i32>} : memref<6x16x1024xf32, #tpu.memory_space<vmem>>, vector<16xf32>,
        %get3A_2840 = arith.index_cast %rem3A_1036 : i32 to index
        %get3A_2841 = arith.index_cast %scan3A_1159 : i32 to index
        %get3A_2842 = arith.constant 960 : index
        %get3A_2843 = tpu.vector_load %arg9[%get3A_2840, %get3A_2841, %get3A_2842] {strides = array<i32>} : memref<6x4x1024xf32, #tpu.memory_space<vmem>>, vector<16xf32>,
        %add3A_2844 = arith.constant 0 : i32
        %add3A_2845 = arith.addi %add3A_2844, %scan3A_1159 : i32
        %swap3A_2846 = arith.index_cast %rem3A_1036 : i32 to index
        %swap3A_2847 = arith.index_cast %add3A_2845 : i32 to index
        %swap3A_2848 = arith.constant 960 : index
        %swap3A_2849 = tpu.vector_load %arg8[%swap3A_2846, %swap3A_2847, %swap3A_2848] {strides = array<i32>} : memref<6x16x1024xf32, #tpu.memory_space<vmem>>, vector<16xf32>,
        tpu.vector_store %arg8[%swap3A_2846, %swap3A_2847, %swap3A_2848], %get3A_2843 {add = true, strides = array<i32>} : memref<6x16x1024xf32, #tpu.memory_space<vmem>>, vector<16xf32>,
        %add3A_2850 = arith.constant 4 : i32
        %add3A_2851 = arith.addi %add3A_2850, %scan3A_1159 : i32
        %swap3A_2852 = arith.index_cast %rem3A_1036 : i32 to index
        %swap3A_2853 = arith.index_cast %add3A_2851 : i32 to index
        %swap3A_2854 = arith.constant 960 : index
        %swap3A_2855 = tpu.vector_load %arg8[%swap3A_2852, %swap3A_2853, %swap3A_2854] {strides = array<i32>} : memref<6x16x1024xf32, #tpu.memory_space<vmem>>, vector<16xf32>,
        tpu.vector_store %arg8[%swap3A_2852, %swap3A_2853, %swap3A_2854], %get3A_2843 {add = true, strides = array<i32>} : memref<6x16x1024xf32, #tpu.memory_space<vmem>>, vector<16xf32>,
        %add3A_2856 = arith.constant 8 : i32
        %add3A_2857 = arith.addi %add3A_2856, %scan3A_1159 : i32
        %swap3A_2858 = arith.index_cast %rem3A_1036 : i32 to index
        %swap3A_2859 = arith.index_cast %add3A_2857 : i32 to index
        %swap3A_2860 = arith.constant 960 : index
        %swap3A_2861 = tpu.vector_load %arg8[%swap3A_2858, %swap3A_2859, %swap3A_2860] {strides = array<i32>} : memref<6x16x1024xf32, #tpu.memory_space<vmem>>, vector<16xf32>,
        tpu.vector_store %arg8[%swap3A_2858, %swap3A_2859, %swap3A_2860], %get3A_2843 {add = true, strides = array<i32>} : memref<6x16x1024xf32, #tpu.memory_space<vmem>>, vector<16xf32>,
        %add3A_2862 = arith.constant 12 : i32
        %add3A_2863 = arith.addi %add3A_2862, %scan3A_1159 : i32
        %swap3A_2864 = arith.index_cast %rem3A_1036 : i32 to index
        %swap3A_2865 = arith.index_cast %add3A_2863 : i32 to index
        %swap3A_2866 = arith.constant 960 : index
        %swap3A_2867 = tpu.vector_load %arg8[%swap3A_2864, %swap3A_2865, %swap3A_2866] {strides = array<i32>} : memref<6x16x1024xf32, #tpu.memory_space<vmem>>, vector<16xf32>,
        tpu.vector_store %arg8[%swap3A_2864, %swap3A_2865, %swap3A_2866], %get3A_2843 {add = true, strides = array<i32>} : memref<6x16x1024xf32, #tpu.memory_space<vmem>>, vector<16xf32>,
        %get3A_2868 = arith.index_cast %rem3A_1036 : i32 to index
        %get3A_2869 = arith.index_cast %scan3A_1159 : i32 to index
        %get3A_2870 = arith.constant 976 : index
        %get3A_2871 = tpu.vector_load %arg9[%get3A_2868, %get3A_2869, %get3A_2870] {strides = array<i32>} : memref<6x4x1024xf32, #tpu.memory_space<vmem>>, vector<16xf32>,
        %add3A_2872 = arith.constant 0 : i32
        %add3A_2873 = arith.addi %add3A_2872, %scan3A_1159 : i32
        %swap3A_2874 = arith.index_cast %rem3A_1036 : i32 to index
        %swap3A_2875 = arith.index_cast %add3A_2873 : i32 to index
        %swap3A_2876 = arith.constant 976 : index
        %swap3A_2877 = tpu.vector_load %arg8[%swap3A_2874, %swap3A_2875, %swap3A_2876] {strides = array<i32>} : memref<6x16x1024xf32, #tpu.memory_space<vmem>>, vector<16xf32>,
        tpu.vector_store %arg8[%swap3A_2874, %swap3A_2875, %swap3A_2876], %get3A_2871 {add = true, strides = array<i32>} : memref<6x16x1024xf32, #tpu.memory_space<vmem>>, vector<16xf32>,
        %add3A_2878 = arith.constant 4 : i32
        %add3A_2879 = arith.addi %add3A_2878, %scan3A_1159 : i32
        %swap3A_2880 = arith.index_cast %rem3A_1036 : i32 to index
        %swap3A_2881 = arith.index_cast %add3A_2879 : i32 to index
        %swap3A_2882 = arith.constant 976 : index
        %swap3A_2883 = tpu.vector_load %arg8[%swap3A_2880, %swap3A_2881, %swap3A_2882] {strides = array<i32>} : memref<6x16x1024xf32, #tpu.memory_space<vmem>>, vector<16xf32>,
        tpu.vector_store %arg8[%swap3A_2880, %swap3A_2881, %swap3A_2882], %get3A_2871 {add = true, strides = array<i32>} : memref<6x16x1024xf32, #tpu.memory_space<vmem>>, vector<16xf32>,
        %add3A_2884 = arith.constant 8 : i32
        %add3A_2885 = arith.addi %add3A_2884, %scan3A_1159 : i32
        %swap3A_2886 = arith.index_cast %rem3A_1036 : i32 to index
        %swap3A_2887 = arith.index_cast %add3A_2885 : i32 to index
        %swap3A_2888 = arith.constant 976 : index
        %swap3A_2889 = tpu.vector_load %arg8[%swap3A_2886, %swap3A_2887, %swap3A_2888] {strides = array<i32>} : memref<6x16x1024xf32, #tpu.memory_space<vmem>>, vector<16xf32>,
        tpu.vector_store %arg8[%swap3A_2886, %swap3A_2887, %swap3A_2888], %get3A_2871 {add = true, strides = array<i32>} : memref<6x16x1024xf32, #tpu.memory_space<vmem>>, vector<16xf32>,
        %add3A_2890 = arith.constant 12 : i32
        %add3A_2891 = arith.addi %add3A_2890, %scan3A_1159 : i32
        %swap3A_2892 = arith.index_cast %rem3A_1036 : i32 to index
        %swap3A_2893 = arith.index_cast %add3A_2891 : i32 to index
        %swap3A_2894 = arith.constant 976 : index
        %swap3A_2895 = tpu.vector_load %arg8[%swap3A_2892, %swap3A_2893, %swap3A_2894] {strides = array<i32>} : memref<6x16x1024xf32, #tpu.memory_space<vmem>>, vector<16xf32>,
        tpu.vector_store %arg8[%swap3A_2892, %swap3A_2893, %swap3A_2894], %get3A_2871 {add = true, strides = array<i32>} : memref<6x16x1024xf32, #tpu.memory_space<vmem>>, vector<16xf32>,
        %get3A_2896 = arith.index_cast %rem3A_1036 : i32 to index
        %get3A_2897 = arith.index_cast %scan3A_1159 : i32 to index
        %get3A_2898 = arith.constant 992 : index
        %get3A_2899 = tpu.vector_load %arg9[%get3A_2896, %get3A_2897, %get3A_2898] {strides = array<i32>} : memref<6x4x1024xf32, #tpu.memory_space<vmem>>, vector<16xf32>,
        %add3A_2900 = arith.constant 0 : i32
        %add3A_2901 = arith.addi %add3A_2900, %scan3A_1159 : i32
        %swap3A_2902 = arith.index_cast %rem3A_1036 : i32 to index
        %swap3A_2903 = arith.index_cast %add3A_2901 : i32 to index
        %swap3A_2904 = arith.constant 992 : index
        %swap3A_2905 = tpu.vector_load %arg8[%swap3A_2902, %swap3A_2903, %swap3A_2904] {strides = array<i32>} : memref<6x16x1024xf32, #tpu.memory_space<vmem>>, vector<16xf32>,
        tpu.vector_store %arg8[%swap3A_2902, %swap3A_2903, %swap3A_2904], %get3A_2899 {add = true, strides = array<i32>} : memref<6x16x1024xf32, #tpu.memory_space<vmem>>, vector<16xf32>,
        %add3A_2906 = arith.constant 4 : i32
        %add3A_2907 = arith.addi %add3A_2906, %scan3A_1159 : i32
        %swap3A_2908 = arith.index_cast %rem3A_1036 : i32 to index
        %swap3A_2909 = arith.index_cast %add3A_2907 : i32 to index
        %swap3A_2910 = arith.constant 992 : index
        %swap3A_2911 = tpu.vector_load %arg8[%swap3A_2908, %swap3A_2909, %swap3A_2910] {strides = array<i32>} : memref<6x16x1024xf32, #tpu.memory_space<vmem>>, vector<16xf32>,
        tpu.vector_store %arg8[%swap3A_2908, %swap3A_2909, %swap3A_2910], %get3A_2899 {add = true, strides = array<i32>} : memref<6x16x1024xf32, #tpu.memory_space<vmem>>, vector<16xf32>,
        %add3A_2912 = arith.constant 8 : i32
        %add3A_2913 = arith.addi %add3A_2912, %scan3A_1159 : i32
        %swap3A_2914 = arith.index_cast %rem3A_1036 : i32 to index
        %swap3A_2915 = arith.index_cast %add3A_2913 : i32 to index
        %swap3A_2916 = arith.constant 992 : index
        %swap3A_2917 = tpu.vector_load %arg8[%swap3A_2914, %swap3A_2915, %swap3A_2916] {strides = array<i32>} : memref<6x16x1024xf32, #tpu.memory_space<vmem>>, vector<16xf32>,
        tpu.vector_store %arg8[%swap3A_2914, %swap3A_2915, %swap3A_2916], %get3A_2899 {add = true, strides = array<i32>} : memref<6x16x1024xf32, #tpu.memory_space<vmem>>, vector<16xf32>,
        %add3A_2918 = arith.constant 12 : i32
        %add3A_2919 = arith.addi %add3A_2918, %scan3A_1159 : i32
        %swap3A_2920 = arith.index_cast %rem3A_1036 : i32 to index
        %swap3A_2921 = arith.index_cast %add3A_2919 : i32 to index
        %swap3A_2922 = arith.constant 992 : index
        %swap3A_2923 = tpu.vector_load %arg8[%swap3A_2920, %swap3A_2921, %swap3A_2922] {strides = array<i32>} : memref<6x16x1024xf32, #tpu.memory_space<vmem>>, vector<16xf32>,
        tpu.vector_store %arg8[%swap3A_2920, %swap3A_2921, %swap3A_2922], %get3A_2899 {add = true, strides = array<i32>} : memref<6x16x1024xf32, #tpu.memory_space<vmem>>, vector<16xf32>,
        %get3A_2924 = arith.index_cast %rem3A_1036 : i32 to index
        %get3A_2925 = arith.index_cast %scan3A_1159 : i32 to index
        %get3A_2926 = arith.constant 1008 : index
        %get3A_2927 = tpu.vector_load %arg9[%get3A_2924, %get3A_2925, %get3A_2926] {strides = array<i32>} : memref<6x4x1024xf32, #tpu.memory_space<vmem>>, vector<16xf32>,
        %add3A_2928 = arith.constant 0 : i32
        %add3A_2929 = arith.addi %add3A_2928, %scan3A_1159 : i32
        %swap3A_2930 = arith.index_cast %rem3A_1036 : i32 to index
        %swap3A_2931 = arith.index_cast %add3A_2929 : i32 to index
        %swap3A_2932 = arith.constant 1008 : index
        %swap3A_2933 = tpu.vector_load %arg8[%swap3A_2930, %swap3A_2931, %swap3A_2932] {strides = array<i32>} : memref<6x16x1024xf32, #tpu.memory_space<vmem>>, vector<16xf32>,
        tpu.vector_store %arg8[%swap3A_2930, %swap3A_2931, %swap3A_2932], %get3A_2927 {add = true, strides = array<i32>} : memref<6x16x1024xf32, #tpu.memory_space<vmem>>, vector<16xf32>,
        %add3A_2934 = arith.constant 4 : i32
        %add3A_2935 = arith.addi %add3A_2934, %scan3A_1159 : i32
        %swap3A_2936 = arith.index_cast %rem3A_1036 : i32 to index
        %swap3A_2937 = arith.index_cast %add3A_2935 : i32 to index
        %swap3A_2938 = arith.constant 1008 : index
        %swap3A_2939 = tpu.vector_load %arg8[%swap3A_2936, %swap3A_2937, %swap3A_2938] {strides = array<i32>} : memref<6x16x1024xf32, #tpu.memory_space<vmem>>, vector<16xf32>,
        tpu.vector_store %arg8[%swap3A_2936, %swap3A_2937, %swap3A_2938], %get3A_2927 {add = true, strides = array<i32>} : memref<6x16x1024xf32, #tpu.memory_space<vmem>>, vector<16xf32>,
        %add3A_2940 = arith.constant 8 : i32
        %add3A_2941 = arith.addi %add3A_2940, %scan3A_1159 : i32
        %swap3A_2942 = arith.index_cast %rem3A_1036 : i32 to index
        %swap3A_2943 = arith.index_cast %add3A_2941 : i32 to index
        %swap3A_2944 = arith.constant 1008 : index
        %swap3A_2945 = tpu.vector_load %arg8[%swap3A_2942, %swap3A_2943, %swap3A_2944] {strides = array<i32>} : memref<6x16x1024xf32, #tpu.memory_space<vmem>>, vector<16xf32>,
        tpu.vector_store %arg8[%swap3A_2942, %swap3A_2943, %swap3A_2944], %get3A_2927 {add = true, strides = array<i32>} : memref<6x16x1024xf32, #tpu.memory_space<vmem>>, vector<16xf32>,
        %add3A_2946 = arith.constant 12 : i32
        %add3A_2947 = arith.addi %add3A_2946, %scan3A_1159 : i32
        %swap3A_2948 = arith.index_cast %rem3A_1036 : i32 to index
        %swap3A_2949 = arith.index_cast %add3A_2947 : i32 to index
        %swap3A_2950 = arith.constant 1008 : index
        %swap3A_2951 = tpu.vector_load %arg8[%swap3A_2948, %swap3A_2949, %swap3A_2950] {strides = array<i32>} : memref<6x16x1024xf32, #tpu.memory_space<vmem>>, vector<16xf32>,
        tpu.vector_store %arg8[%swap3A_2948, %swap3A_2949, %swap3A_2950], %get3A_2927 {add = true, strides = array<i32>} : memref<6x16x1024xf32, #tpu.memory_space<vmem>>, vector<16xf32>,
      }
      %scan3A_1074 = arith.constant 4 : i32
      %mul3A_1075 = arith.constant 4 : i32
      %mul3A_1076 = arith.muli %scan3A_1035, %mul3A_1075 : i32
      %mul3A_1077 = arith.constant 4 : i32
      %mul3A_1078 = arith.muli %scan3A_1035, %mul3A_1077 : i32
      %mul3A_1079 = arith.constant 4 : i32
      %mul3A_1080 = arith.muli %scan3A_1035, %mul3A_1079 : i32
      %mul3A_1081 = arith.constant 4 : i32
      %mul3A_1082 = arith.muli %scan3A_1035, %mul3A_1081 : i32
      %dma_start3A_1083 = arith.constant 0 : i32
      %dma_start3A_1084 = arith.constant 0 : i32
      %dma_start3A_1085 = arith.constant 0 : i32
      %dma_start3A_1086 = tpu.memref_slice %arg8[%rem3A_1036, %dma_start3A_1084, %dma_start3A_1085] : memref<6x16x1024xf32, #tpu.memory_space<vmem>> -> memref<1x4x1024xf32, #tpu.memory_space<vmem>>
      %dma_start3A_1087 = tpu.memref_squeeze %dma_start3A_1086 : memref<1x4x1024xf32, #tpu.memory_space<vmem>> -> memref<4x1024xf32, #tpu.memory_space<vmem>>
      %dma_start3A_1088 = arith.constant 0 : i32
      %dma_start3A_1089 = tpu.memref_slice %arg5[%dma_start3A_1083, %add3A, %mul3A_1076, %dma_start3A_1088] : memref<4x32x64x1024xf32, #tpu.memory_space<hbm>> -> memref<1x1x4x1024xf32, #tpu.memory_space<hbm>>
      %dma_start3A_1090 = tpu.memref_squeeze %dma_start3A_1089 : memref<1x1x4x1024xf32, #tpu.memory_space<hbm>> -> memref<4x1024xf32, #tpu.memory_space<hbm>>
      %dma_start3A_1091 = tpu.memref_slice %arg11[%rem3A_1036] : memref<6x!tpu.dma_semaphore, #tpu.memory_space<semaphore_mem>> -> memref<1x!tpu.dma_semaphore, #tpu.memory_space<semaphore_mem>>
      %dma_start3A_1092 = tpu.memref_squeeze %dma_start3A_1091 : memref<1x!tpu.dma_semaphore, #tpu.memory_space<semaphore_mem>> -> memref<!tpu.dma_semaphore, #tpu.memory_space<semaphore_mem>>
      %dma_start3A_1093 = arith.constant 0 : i32
      %dma_start3A_1094 = tpu.memref_slice %arg5[%dma_start3A_1083, %add3A, %mul3A_1076, %dma_start3A_1093] : memref<4x32x64x1024xf32, #tpu.memory_space<hbm>> -> memref<1x1x4x1024xf32, #tpu.memory_space<hbm>>
      %dma_start3A_1095 = tpu.memref_squeeze %dma_start3A_1094 : memref<1x1x4x1024xf32, #tpu.memory_space<hbm>> -> memref<4x1024xf32, #tpu.memory_space<hbm>>
      %dma_start3A_1096 = arith.constant 0 : i32
      %dma_start3A_1097 = arith.constant 0 : i32
      %dma_start3A_1098 = tpu.memref_slice %arg8[%rem3A_1036, %dma_start3A_1096, %dma_start3A_1097] : memref<6x16x1024xf32, #tpu.memory_space<vmem>> -> memref<1x4x1024xf32, #tpu.memory_space<vmem>>
      %dma_start3A_1099 = tpu.memref_squeeze %dma_start3A_1098 : memref<1x4x1024xf32, #tpu.memory_space<vmem>> -> memref<4x1024xf32, #tpu.memory_space<vmem>>
      tpu.enqueue_dma source(%dma_start3A_1099 : memref<4x1024xf32, #tpu.memory_space<vmem>>) target(%dma_start3A_1095 : memref<4x1024xf32, #tpu.memory_space<hbm>>) target_semaphore(%dma_start3A_1092 : memref<!tpu.dma_semaphore, #tpu.memory_space<semaphore_mem>>)
      %dma_start3A_1100 = arith.constant 1 : i32
      %dma_start3A_1101 = arith.constant 4 : i32
      %dma_start3A_1102 = arith.constant 0 : i32
      %dma_start3A_1103 = tpu.memref_slice %arg8[%rem3A_1036, %dma_start3A_1101, %dma_start3A_1102] : memref<6x16x1024xf32, #tpu.memory_space<vmem>> -> memref<1x4x1024xf32, #tpu.memory_space<vmem>>
      %dma_start3A_1104 = tpu.memref_squeeze %dma_start3A_1103 : memref<1x4x1024xf32, #tpu.memory_space<vmem>> -> memref<4x1024xf32, #tpu.memory_space<vmem>>
      %dma_start3A_1105 = arith.constant 0 : i32
      %dma_start3A_1106 = tpu.memref_slice %arg5[%dma_start3A_1100, %add3A, %mul3A_1078, %dma_start3A_1105] : memref<4x32x64x1024xf32, #tpu.memory_space<hbm>> -> memref<1x1x4x1024xf32, #tpu.memory_space<hbm>>
      %dma_start3A_1107 = tpu.memref_squeeze %dma_start3A_1106 : memref<1x1x4x1024xf32, #tpu.memory_space<hbm>> -> memref<4x1024xf32, #tpu.memory_space<hbm>>
      %dma_start3A_1108 = tpu.memref_slice %arg11[%rem3A_1036] : memref<6x!tpu.dma_semaphore, #tpu.memory_space<semaphore_mem>> -> memref<1x!tpu.dma_semaphore, #tpu.memory_space<semaphore_mem>>
      %dma_start3A_1109 = tpu.memref_squeeze %dma_start3A_1108 : memref<1x!tpu.dma_semaphore, #tpu.memory_space<semaphore_mem>> -> memref<!tpu.dma_semaphore, #tpu.memory_space<semaphore_mem>>
      %dma_start3A_1110 = arith.constant 0 : i32
      %dma_start3A_1111 = tpu.memref_slice %arg5[%dma_start3A_1100, %add3A, %mul3A_1078, %dma_start3A_1110] : memref<4x32x64x1024xf32, #tpu.memory_space<hbm>> -> memref<1x1x4x1024xf32, #tpu.memory_space<hbm>>
      %dma_start3A_1112 = tpu.memref_squeeze %dma_start3A_1111 : memref<1x1x4x1024xf32, #tpu.memory_space<hbm>> -> memref<4x1024xf32, #tpu.memory_space<hbm>>
      %dma_start3A_1113 = arith.constant 4 : i32
      %dma_start3A_1114 = arith.constant 0 : i32
      %dma_start3A_1115 = tpu.memref_slice %arg8[%rem3A_1036, %dma_start3A_1113, %dma_start3A_1114] : memref<6x16x1024xf32, #tpu.memory_space<vmem>> -> memref<1x4x1024xf32, #tpu.memory_space<vmem>>
      %dma_start3A_1116 = tpu.memref_squeeze %dma_start3A_1115 : memref<1x4x1024xf32, #tpu.memory_space<vmem>> -> memref<4x1024xf32, #tpu.memory_space<vmem>>
      tpu.enqueue_dma source(%dma_start3A_1116 : memref<4x1024xf32, #tpu.memory_space<vmem>>) target(%dma_start3A_1112 : memref<4x1024xf32, #tpu.memory_space<hbm>>) target_semaphore(%dma_start3A_1109 : memref<!tpu.dma_semaphore, #tpu.memory_space<semaphore_mem>>)
      %dma_start3A_1117 = arith.constant 2 : i32
      %dma_start3A_1118 = arith.constant 8 : i32
      %dma_start3A_1119 = arith.constant 0 : i32
      %dma_start3A_1120 = tpu.memref_slice %arg8[%rem3A_1036, %dma_start3A_1118, %dma_start3A_1119] : memref<6x16x1024xf32, #tpu.memory_space<vmem>> -> memref<1x4x1024xf32, #tpu.memory_space<vmem>>
      %dma_start3A_1121 = tpu.memref_squeeze %dma_start3A_1120 : memref<1x4x1024xf32, #tpu.memory_space<vmem>> -> memref<4x1024xf32, #tpu.memory_space<vmem>>
      %dma_start3A_1122 = arith.constant 0 : i32
      %dma_start3A_1123 = tpu.memref_slice %arg5[%dma_start3A_1117, %add3A, %mul3A_1080, %dma_start3A_1122] : memref<4x32x64x1024xf32, #tpu.memory_space<hbm>> -> memref<1x1x4x1024xf32, #tpu.memory_space<hbm>>
      %dma_start3A_1124 = tpu.memref_squeeze %dma_start3A_1123 : memref<1x1x4x1024xf32, #tpu.memory_space<hbm>> -> memref<4x1024xf32, #tpu.memory_space<hbm>>
      %dma_start3A_1125 = tpu.memref_slice %arg11[%rem3A_1036] : memref<6x!tpu.dma_semaphore, #tpu.memory_space<semaphore_mem>> -> memref<1x!tpu.dma_semaphore, #tpu.memory_space<semaphore_mem>>
      %dma_start3A_1126 = tpu.memref_squeeze %dma_start3A_1125 : memref<1x!tpu.dma_semaphore, #tpu.memory_space<semaphore_mem>> -> memref<!tpu.dma_semaphore, #tpu.memory_space<semaphore_mem>>
      %dma_start3A_1127 = arith.constant 0 : i32
      %dma_start3A_1128 = tpu.memref_slice %arg5[%dma_start3A_1117, %add3A, %mul3A_1080, %dma_start3A_1127] : memref<4x32x64x1024xf32, #tpu.memory_space<hbm>> -> memref<1x1x4x1024xf32, #tpu.memory_space<hbm>>
      %dma_start3A_1129 = tpu.memref_squeeze %dma_start3A_1128 : memref<1x1x4x1024xf32, #tpu.memory_space<hbm>> -> memref<4x1024xf32, #tpu.memory_space<hbm>>
      %dma_start3A_1130 = arith.constant 8 : i32
      %dma_start3A_1131 = arith.constant 0 : i32
      %dma_start3A_1132 = tpu.memref_slice %arg8[%rem3A_1036, %dma_start3A_1130, %dma_start3A_1131] : memref<6x16x1024xf32, #tpu.memory_space<vmem>> -> memref<1x4x1024xf32, #tpu.memory_space<vmem>>
      %dma_start3A_1133 = tpu.memref_squeeze %dma_start3A_1132 : memref<1x4x1024xf32, #tpu.memory_space<vmem>> -> memref<4x1024xf32, #tpu.memory_space<vmem>>
      tpu.enqueue_dma source(%dma_start3A_1133 : memref<4x1024xf32, #tpu.memory_space<vmem>>) target(%dma_start3A_1129 : memref<4x1024xf32, #tpu.memory_space<hbm>>) target_semaphore(%dma_start3A_1126 : memref<!tpu.dma_semaphore, #tpu.memory_space<semaphore_mem>>)
      %dma_start3A_1134 = arith.constant 3 : i32
      %dma_start3A_1135 = arith.constant 12 : i32
      %dma_start3A_1136 = arith.constant 0 : i32
      %dma_start3A_1137 = tpu.memref_slice %arg8[%rem3A_1036, %dma_start3A_1135, %dma_start3A_1136] : memref<6x16x1024xf32, #tpu.memory_space<vmem>> -> memref<1x4x1024xf32, #tpu.memory_space<vmem>>
      %dma_start3A_1138 = tpu.memref_squeeze %dma_start3A_1137 : memref<1x4x1024xf32, #tpu.memory_space<vmem>> -> memref<4x1024xf32, #tpu.memory_space<vmem>>
      %dma_start3A_1139 = arith.constant 0 : i32
      %dma_start3A_1140 = tpu.memref_slice %arg5[%dma_start3A_1134, %add3A, %mul3A_1082, %dma_start3A_1139] : memref<4x32x64x1024xf32, #tpu.memory_space<hbm>> -> memref<1x1x4x1024xf32, #tpu.memory_space<hbm>>
      %dma_start3A_1141 = tpu.memref_squeeze %dma_start3A_1140 : memref<1x1x4x1024xf32, #tpu.memory_space<hbm>> -> memref<4x1024xf32, #tpu.memory_space<hbm>>
      %dma_start3A_1142 = tpu.memref_slice %arg11[%rem3A_1036] : memref<6x!tpu.dma_semaphore, #tpu.memory_space<semaphore_mem>> -> memref<1x!tpu.dma_semaphore, #tpu.memory_space<semaphore_mem>>
      %dma_start3A_1143 = tpu.memref_squeeze %dma_start3A_1142 : memref<1x!tpu.dma_semaphore, #tpu.memory_space<semaphore_mem>> -> memref<!tpu.dma_semaphore, #tpu.memory_space<semaphore_mem>>
      %dma_start3A_1144 = arith.constant 0 : i32
      %dma_start3A_1145 = tpu.memref_slice %arg5[%dma_start3A_1134, %add3A, %mul3A_1082, %dma_start3A_1144] : memref<4x32x64x1024xf32, #tpu.memory_space<hbm>> -> memref<1x1x4x1024xf32, #tpu.memory_space<hbm>>
      %dma_start3A_1146 = tpu.memref_squeeze %dma_start3A_1145 : memref<1x1x4x1024xf32, #tpu.memory_space<hbm>> -> memref<4x1024xf32, #tpu.memory_space<hbm>>
      %dma_start3A_1147 = arith.constant 12 : i32
      %dma_start3A_1148 = arith.constant 0 : i32
      %dma_start3A_1149 = tpu.memref_slice %arg8[%rem3A_1036, %dma_start3A_1147, %dma_start3A_1148] : memref<6x16x1024xf32, #tpu.memory_space<vmem>> -> memref<1x4x1024xf32, #tpu.memory_space<vmem>>
      %dma_start3A_1150 = tpu.memref_squeeze %dma_start3A_1149 : memref<1x4x1024xf32, #tpu.memory_space<vmem>> -> memref<4x1024xf32, #tpu.memory_space<vmem>>
      tpu.enqueue_dma source(%dma_start3A_1150 : memref<4x1024xf32, #tpu.memory_space<vmem>>) target(%dma_start3A_1146 : memref<4x1024xf32, #tpu.memory_space<hbm>>) target_semaphore(%dma_start3A_1143 : memref<!tpu.dma_semaphore, #tpu.memory_space<semaphore_mem>>)
      %add3A_1151 = arith.constant 6 : i32
      %add3A_1152 = arith.addi %scan3A_1035, %add3A_1151 : i32
      %sub3A_1153 = arith.constant 1 : i32
      %sub3A_1154 = arith.subi %add3A_1152, %sub3A_1153 : i32
      %lt3A = arith.constant 16 : i32
      %lt3A_1155 = arith.cmpi slt, %sub3A_1154, %lt3A : i32
      %convert_element_type3A_1156 = arith.extui %lt3A_1155 : i1 to i32
      %cond3A_1157 = arith.constant 0 : i32
      %cond3A_1158 = arith.cmpi ne, %convert_element_type3A_1156, %cond3A_1157 : i32
      scf.if %cond3A_1158 {
        %add3A_1159 = arith.constant 6 : i32
        %add3A_1160 = arith.addi %scan3A_1035, %add3A_1159 : i32
        %sub3A_1161 = arith.constant 1 : i32
        %sub3A_1162 = arith.subi %add3A_1160, %sub3A_1161 : i32
        %rem3A_1163 = arith.constant 6 : i32
        %rem3A_1164 = arith.remsi %sub3A_1162, %rem3A_1163 : i32
        %ge3A = arith.constant 1 : i32
        %ge3A_1165 = arith.cmpi sge, %scan3A_1035, %ge3A : i32
        %convert_element_type3A_1166 = arith.extui %ge3A_1165 : i1 to i32
        %cond3A_1167 = arith.constant 0 : i32
        %cond3A_1168 = arith.cmpi ne, %convert_element_type3A_1166, %cond3A_1167 : i32
        scf.if %cond3A_1168 {
          %sub3A_1198 = arith.constant 1 : i32
          %sub3A_1199 = arith.subi %scan3A_1035, %sub3A_1198 : i32
          %mul3A_1200 = arith.constant 4 : i32
          %mul3A_1201 = arith.muli %sub3A_1199, %mul3A_1200 : i32
          %mul3A_1202 = arith.constant 4 : i32
          %mul3A_1203 = arith.muli %sub3A_1199, %mul3A_1202 : i32
          %mul3A_1204 = arith.constant 4 : i32
          %mul3A_1205 = arith.muli %sub3A_1199, %mul3A_1204 : i32
          %mul3A_1206 = arith.constant 4 : i32
          %mul3A_1207 = arith.muli %sub3A_1199, %mul3A_1206 : i32
          %dma_wait3A_1208 = arith.constant 0 : i32
          %dma_wait3A_1209 = arith.constant 0 : i32
          %dma_wait3A_1210 = arith.constant 0 : i32
          %dma_wait3A_1211 = tpu.memref_slice %arg8[%rem3A_1164, %dma_wait3A_1209, %dma_wait3A_1210] : memref<6x16x1024xf32, #tpu.memory_space<vmem>> -> memref<1x4x1024xf32, #tpu.memory_space<vmem>>
          %dma_wait3A_1212 = tpu.memref_squeeze %dma_wait3A_1211 : memref<1x4x1024xf32, #tpu.memory_space<vmem>> -> memref<4x1024xf32, #tpu.memory_space<vmem>>
          %dma_wait3A_1213 = arith.constant 0 : i32
          %dma_wait3A_1214 = tpu.memref_slice %arg5[%dma_wait3A_1208, %add3A, %mul3A_1201, %dma_wait3A_1213] : memref<4x32x64x1024xf32, #tpu.memory_space<hbm>> -> memref<1x1x4x1024xf32, #tpu.memory_space<hbm>>
          %dma_wait3A_1215 = tpu.memref_squeeze %dma_wait3A_1214 : memref<1x1x4x1024xf32, #tpu.memory_space<hbm>> -> memref<4x1024xf32, #tpu.memory_space<hbm>>
          %dma_wait3A_1216 = tpu.memref_slice %arg11[%rem3A_1164] : memref<6x!tpu.dma_semaphore, #tpu.memory_space<semaphore_mem>> -> memref<1x!tpu.dma_semaphore, #tpu.memory_space<semaphore_mem>>
          %dma_wait3A_1217 = tpu.memref_squeeze %dma_wait3A_1216 : memref<1x!tpu.dma_semaphore, #tpu.memory_space<semaphore_mem>> -> memref<!tpu.dma_semaphore, #tpu.memory_space<semaphore_mem>>
          %dma_wait3A_1218 = arith.constant 0 : i32
          %dma_wait3A_1219 = tpu.memref_slice %arg5[%dma_wait3A_1208, %add3A, %mul3A_1201, %dma_wait3A_1218] : memref<4x32x64x1024xf32, #tpu.memory_space<hbm>> -> memref<1x1x4x1024xf32, #tpu.memory_space<hbm>>
          %dma_wait3A_1220 = tpu.memref_squeeze %dma_wait3A_1219 : memref<1x1x4x1024xf32, #tpu.memory_space<hbm>> -> memref<4x1024xf32, #tpu.memory_space<hbm>>
          %dma_wait3A_1221 = arith.constant 0 : i32
          %dma_wait3A_1222 = arith.constant 0 : i32
          %dma_wait3A_1223 = tpu.memref_slice %arg8[%rem3A_1164, %dma_wait3A_1221, %dma_wait3A_1222] : memref<6x16x1024xf32, #tpu.memory_space<vmem>> -> memref<1x4x1024xf32, #tpu.memory_space<vmem>>
          %dma_wait3A_1224 = tpu.memref_squeeze %dma_wait3A_1223 : memref<1x4x1024xf32, #tpu.memory_space<vmem>> -> memref<4x1024xf32, #tpu.memory_space<vmem>>
          tpu.wait_dma2 semaphore(%dma_wait3A_1217 : memref<!tpu.dma_semaphore, #tpu.memory_space<semaphore_mem>>) src(%dma_wait3A_1224 : memref<4x1024xf32, #tpu.memory_space<vmem>>) dst(%dma_wait3A_1220 : memref<4x1024xf32, #tpu.memory_space<hbm>>)
          %dma_wait3A_1225 = arith.constant 1 : i32
          %dma_wait3A_1226 = arith.constant 4 : i32
          %dma_wait3A_1227 = arith.constant 0 : i32
          %dma_wait3A_1228 = tpu.memref_slice %arg8[%rem3A_1164, %dma_wait3A_1226, %dma_wait3A_1227] : memref<6x16x1024xf32, #tpu.memory_space<vmem>> -> memref<1x4x1024xf32, #tpu.memory_space<vmem>>
          %dma_wait3A_1229 = tpu.memref_squeeze %dma_wait3A_1228 : memref<1x4x1024xf32, #tpu.memory_space<vmem>> -> memref<4x1024xf32, #tpu.memory_space<vmem>>
          %dma_wait3A_1230 = arith.constant 0 : i32
          %dma_wait3A_1231 = tpu.memref_slice %arg5[%dma_wait3A_1225, %add3A, %mul3A_1203, %dma_wait3A_1230] : memref<4x32x64x1024xf32, #tpu.memory_space<hbm>> -> memref<1x1x4x1024xf32, #tpu.memory_space<hbm>>
          %dma_wait3A_1232 = tpu.memref_squeeze %dma_wait3A_1231 : memref<1x1x4x1024xf32, #tpu.memory_space<hbm>> -> memref<4x1024xf32, #tpu.memory_space<hbm>>
          %dma_wait3A_1233 = tpu.memref_slice %arg11[%rem3A_1164] : memref<6x!tpu.dma_semaphore, #tpu.memory_space<semaphore_mem>> -> memref<1x!tpu.dma_semaphore, #tpu.memory_space<semaphore_mem>>
          %dma_wait3A_1234 = tpu.memref_squeeze %dma_wait3A_1233 : memref<1x!tpu.dma_semaphore, #tpu.memory_space<semaphore_mem>> -> memref<!tpu.dma_semaphore, #tpu.memory_space<semaphore_mem>>
          %dma_wait3A_1235 = arith.constant 0 : i32
          %dma_wait3A_1236 = tpu.memref_slice %arg5[%dma_wait3A_1225, %add3A, %mul3A_1203, %dma_wait3A_1235] : memref<4x32x64x1024xf32, #tpu.memory_space<hbm>> -> memref<1x1x4x1024xf32, #tpu.memory_space<hbm>>
          %dma_wait3A_1237 = tpu.memref_squeeze %dma_wait3A_1236 : memref<1x1x4x1024xf32, #tpu.memory_space<hbm>> -> memref<4x1024xf32, #tpu.memory_space<hbm>>
          %dma_wait3A_1238 = arith.constant 4 : i32
          %dma_wait3A_1239 = arith.constant 0 : i32
          %dma_wait3A_1240 = tpu.memref_slice %arg8[%rem3A_1164, %dma_wait3A_1238, %dma_wait3A_1239] : memref<6x16x1024xf32, #tpu.memory_space<vmem>> -> memref<1x4x1024xf32, #tpu.memory_space<vmem>>
          %dma_wait3A_1241 = tpu.memref_squeeze %dma_wait3A_1240 : memref<1x4x1024xf32, #tpu.memory_space<vmem>> -> memref<4x1024xf32, #tpu.memory_space<vmem>>
          tpu.wait_dma2 semaphore(%dma_wait3A_1234 : memref<!tpu.dma_semaphore, #tpu.memory_space<semaphore_mem>>) src(%dma_wait3A_1241 : memref<4x1024xf32, #tpu.memory_space<vmem>>) dst(%dma_wait3A_1237 : memref<4x1024xf32, #tpu.memory_space<hbm>>)
          %dma_wait3A_1242 = arith.constant 2 : i32
          %dma_wait3A_1243 = arith.constant 8 : i32
          %dma_wait3A_1244 = arith.constant 0 : i32
          %dma_wait3A_1245 = tpu.memref_slice %arg8[%rem3A_1164, %dma_wait3A_1243, %dma_wait3A_1244] : memref<6x16x1024xf32, #tpu.memory_space<vmem>> -> memref<1x4x1024xf32, #tpu.memory_space<vmem>>
          %dma_wait3A_1246 = tpu.memref_squeeze %dma_wait3A_1245 : memref<1x4x1024xf32, #tpu.memory_space<vmem>> -> memref<4x1024xf32, #tpu.memory_space<vmem>>
          %dma_wait3A_1247 = arith.constant 0 : i32
          %dma_wait3A_1248 = tpu.memref_slice %arg5[%dma_wait3A_1242, %add3A, %mul3A_1205, %dma_wait3A_1247] : memref<4x32x64x1024xf32, #tpu.memory_space<hbm>> -> memref<1x1x4x1024xf32, #tpu.memory_space<hbm>>
          %dma_wait3A_1249 = tpu.memref_squeeze %dma_wait3A_1248 : memref<1x1x4x1024xf32, #tpu.memory_space<hbm>> -> memref<4x1024xf32, #tpu.memory_space<hbm>>
          %dma_wait3A_1250 = tpu.memref_slice %arg11[%rem3A_1164] : memref<6x!tpu.dma_semaphore, #tpu.memory_space<semaphore_mem>> -> memref<1x!tpu.dma_semaphore, #tpu.memory_space<semaphore_mem>>
          %dma_wait3A_1251 = tpu.memref_squeeze %dma_wait3A_1250 : memref<1x!tpu.dma_semaphore, #tpu.memory_space<semaphore_mem>> -> memref<!tpu.dma_semaphore, #tpu.memory_space<semaphore_mem>>
          %dma_wait3A_1252 = arith.constant 0 : i32
          %dma_wait3A_1253 = tpu.memref_slice %arg5[%dma_wait3A_1242, %add3A, %mul3A_1205, %dma_wait3A_1252] : memref<4x32x64x1024xf32, #tpu.memory_space<hbm>> -> memref<1x1x4x1024xf32, #tpu.memory_space<hbm>>
          %dma_wait3A_1254 = tpu.memref_squeeze %dma_wait3A_1253 : memref<1x1x4x1024xf32, #tpu.memory_space<hbm>> -> memref<4x1024xf32, #tpu.memory_space<hbm>>
          %dma_wait3A_1255 = arith.constant 8 : i32
          %dma_wait3A_1256 = arith.constant 0 : i32
          %dma_wait3A_1257 = tpu.memref_slice %arg8[%rem3A_1164, %dma_wait3A_1255, %dma_wait3A_1256] : memref<6x16x1024xf32, #tpu.memory_space<vmem>> -> memref<1x4x1024xf32, #tpu.memory_space<vmem>>
          %dma_wait3A_1258 = tpu.memref_squeeze %dma_wait3A_1257 : memref<1x4x1024xf32, #tpu.memory_space<vmem>> -> memref<4x1024xf32, #tpu.memory_space<vmem>>
          tpu.wait_dma2 semaphore(%dma_wait3A_1251 : memref<!tpu.dma_semaphore, #tpu.memory_space<semaphore_mem>>) src(%dma_wait3A_1258 : memref<4x1024xf32, #tpu.memory_space<vmem>>) dst(%dma_wait3A_1254 : memref<4x1024xf32, #tpu.memory_space<hbm>>)
          %dma_wait3A_1259 = arith.constant 3 : i32
          %dma_wait3A_1260 = arith.constant 12 : i32
          %dma_wait3A_1261 = arith.constant 0 : i32
          %dma_wait3A_1262 = tpu.memref_slice %arg8[%rem3A_1164, %dma_wait3A_1260, %dma_wait3A_1261] : memref<6x16x1024xf32, #tpu.memory_space<vmem>> -> memref<1x4x1024xf32, #tpu.memory_space<vmem>>
          %dma_wait3A_1263 = tpu.memref_squeeze %dma_wait3A_1262 : memref<1x4x1024xf32, #tpu.memory_space<vmem>> -> memref<4x1024xf32, #tpu.memory_space<vmem>>
          %dma_wait3A_1264 = arith.constant 0 : i32
          %dma_wait3A_1265 = tpu.memref_slice %arg5[%dma_wait3A_1259, %add3A, %mul3A_1207, %dma_wait3A_1264] : memref<4x32x64x1024xf32, #tpu.memory_space<hbm>> -> memref<1x1x4x1024xf32, #tpu.memory_space<hbm>>
          %dma_wait3A_1266 = tpu.memref_squeeze %dma_wait3A_1265 : memref<1x1x4x1024xf32, #tpu.memory_space<hbm>> -> memref<4x1024xf32, #tpu.memory_space<hbm>>
          %dma_wait3A_1267 = tpu.memref_slice %arg11[%rem3A_1164] : memref<6x!tpu.dma_semaphore, #tpu.memory_space<semaphore_mem>> -> memref<1x!tpu.dma_semaphore, #tpu.memory_space<semaphore_mem>>
          %dma_wait3A_1268 = tpu.memref_squeeze %dma_wait3A_1267 : memref<1x!tpu.dma_semaphore, #tpu.memory_space<semaphore_mem>> -> memref<!tpu.dma_semaphore, #tpu.memory_space<semaphore_mem>>
          %dma_wait3A_1269 = arith.constant 0 : i32
          %dma_wait3A_1270 = tpu.memref_slice %arg5[%dma_wait3A_1259, %add3A, %mul3A_1207, %dma_wait3A_1269] : memref<4x32x64x1024xf32, #tpu.memory_space<hbm>> -> memref<1x1x4x1024xf32, #tpu.memory_space<hbm>>
          %dma_wait3A_1271 = tpu.memref_squeeze %dma_wait3A_1270 : memref<1x1x4x1024xf32, #tpu.memory_space<hbm>> -> memref<4x1024xf32, #tpu.memory_space<hbm>>
          %dma_wait3A_1272 = arith.constant 12 : i32
          %dma_wait3A_1273 = arith.constant 0 : i32
          %dma_wait3A_1274 = tpu.memref_slice %arg8[%rem3A_1164, %dma_wait3A_1272, %dma_wait3A_1273] : memref<6x16x1024xf32, #tpu.memory_space<vmem>> -> memref<1x4x1024xf32, #tpu.memory_space<vmem>>
          %dma_wait3A_1275 = tpu.memref_squeeze %dma_wait3A_1274 : memref<1x4x1024xf32, #tpu.memory_space<vmem>> -> memref<4x1024xf32, #tpu.memory_space<vmem>>
          tpu.wait_dma2 semaphore(%dma_wait3A_1268 : memref<!tpu.dma_semaphore, #tpu.memory_space<semaphore_mem>>) src(%dma_wait3A_1275 : memref<4x1024xf32, #tpu.memory_space<vmem>>) dst(%dma_wait3A_1271 : memref<4x1024xf32, #tpu.memory_space<hbm>>)
        } else {
        }
        %dma_start3A_1169 = arith.constant 0 : i32
        %dma_start3A_1170 = arith.constant 0 : i32
        %dma_start3A_1171 = tpu.memref_slice %arg8[%rem3A_1164, %dma_start3A_1169, %dma_start3A_1170] : memref<6x16x1024xf32, #tpu.memory_space<vmem>> -> memref<1x16x1024xf32, #tpu.memory_space<vmem>>
        %dma_start3A_1172 = tpu.memref_squeeze %dma_start3A_1171 : memref<1x16x1024xf32, #tpu.memory_space<vmem>> -> memref<16x1024xf32, #tpu.memory_space<vmem>>
        %dma_start3A_1173 = arith.constant 0 : i32
        %dma_start3A_1174 = tpu.memref_slice %arg6[%sub3A_1162, %dma_start3A_1173] : memref<16x16xi32, #tpu.memory_space<vmem>> -> memref<1x16xi32, #tpu.memory_space<vmem>>
        %dma_start3A_1175 = tpu.memref_squeeze %dma_start3A_1174 : memref<1x16xi32, #tpu.memory_space<vmem>> -> memref<16xi32, #tpu.memory_space<vmem>>
        %dma_start3A_1176 = arith.constant 0 : i32
        %dma_start3A_1177 = arith.constant 0 : i32
        %dma_start3A_1178 = tpu.memref_slice %arg3[%dma_start3A_1176, %dma_start3A_1177] : memref<100000x1024xf32, #tpu.memory_space<hbm>> -> memref<100000x1024xf32, #tpu.memory_space<hbm>>
        %dma_start3A_1179 = tpu.memref_slice %arg10[%rem3A_1164] : memref<6x!tpu.dma_semaphore, #tpu.memory_space<semaphore_mem>> -> memref<1x!tpu.dma_semaphore, #tpu.memory_space<semaphore_mem>>
        %dma_start3A_1180 = tpu.memref_squeeze %dma_start3A_1179 : memref<1x!tpu.dma_semaphore, #tpu.memory_space<semaphore_mem>> -> memref<!tpu.dma_semaphore, #tpu.memory_space<semaphore_mem>>
        tpu.enqueue_indirect_dma source(%dma_start3A_1178 : memref<100000x1024xf32, #tpu.memory_space<hbm>>) target(%dma_start3A_1172 : memref<16x1024xf32, #tpu.memory_space<vmem>>) offsets(%dma_start3A_1175 : memref<16xi32, #tpu.memory_space<vmem>>) semaphore(%dma_start3A_1180 : memref<!tpu.dma_semaphore, #tpu.memory_space<semaphore_mem>>)
        %mul3A_1181 = arith.constant 4 : i32
        %mul3A_1182 = arith.muli %sub3A_1162, %mul3A_1181 : i32
        %add3A_1183 = arith.addi %mul3A_2, %mul3A_1182 : i32
        %dma_start3A_1184 = arith.constant 0 : i32
        %dma_start3A_1185 = arith.constant 0 : i32
        %dma_start3A_1186 = tpu.memref_slice %arg9[%rem3A_1164, %dma_start3A_1184, %dma_start3A_1185] : memref<6x4x1024xf32, #tpu.memory_space<vmem>> -> memref<1x4x1024xf32, #tpu.memory_space<vmem>>
        %dma_start3A_1187 = tpu.memref_squeeze %dma_start3A_1186 : memref<1x4x1024xf32, #tpu.memory_space<vmem>> -> memref<4x1024xf32, #tpu.memory_space<vmem>>
        %dma_start3A_1188 = arith.constant 0 : i32
        %dma_start3A_1189 = tpu.memref_slice %arg4[%add3A_1183, %dma_start3A_1188] : memref<2048x1024xf32, #tpu.memory_space<hbm>> -> memref<4x1024xf32, #tpu.memory_space<hbm>>
        %dma_start3A_1190 = tpu.memref_slice %arg12[%rem3A_1164] : memref<6x!tpu.dma_semaphore, #tpu.memory_space<semaphore_mem>> -> memref<1x!tpu.dma_semaphore, #tpu.memory_space<semaphore_mem>>
        %dma_start3A_1191 = tpu.memref_squeeze %dma_start3A_1190 : memref<1x!tpu.dma_semaphore, #tpu.memory_space<semaphore_mem>> -> memref<!tpu.dma_semaphore, #tpu.memory_space<semaphore_mem>>
        %dma_start3A_1192 = arith.constant 0 : i32
        %dma_start3A_1193 = arith.constant 0 : i32
        %dma_start3A_1194 = tpu.memref_slice %arg9[%rem3A_1164, %dma_start3A_1192, %dma_start3A_1193] : memref<6x4x1024xf32, #tpu.memory_space<vmem>> -> memref<1x4x1024xf32, #tpu.memory_space<vmem>>
        %dma_start3A_1195 = tpu.memref_squeeze %dma_start3A_1194 : memref<1x4x1024xf32, #tpu.memory_space<vmem>> -> memref<4x1024xf32, #tpu.memory_space<vmem>>
        %dma_start3A_1196 = arith.constant 0 : i32
        %dma_start3A_1197 = tpu.memref_slice %arg4[%add3A_1183, %dma_start3A_1196] : memref<2048x1024xf32, #tpu.memory_space<hbm>> -> memref<4x1024xf32, #tpu.memory_space<hbm>>
        tpu.enqueue_dma source(%dma_start3A_1197 : memref<4x1024xf32, #tpu.memory_space<hbm>>) target(%dma_start3A_1195 : memref<4x1024xf32, #tpu.memory_space<vmem>>) target_semaphore(%dma_start3A_1191 : memref<!tpu.dma_semaphore, #tpu.memory_space<semaphore_mem>>)
      } else {
      }
    }
    %scan3A_531 = arith.constant 16 : i32
    %dma_wait3A = arith.constant 4 : i32
    %dma_wait3A_532 = arith.constant 0 : i32
    %dma_wait3A_533 = arith.constant 4 : i32
    %dma_wait3A_534 = arith.constant 0 : i32
    %dma_wait3A_535 = arith.constant 0 : i32
    %dma_wait3A_536 = tpu.memref_slice %arg8[%dma_wait3A, %dma_wait3A_534, %dma_wait3A_535] : memref<6x16x1024xf32, #tpu.memory_space<vmem>> -> memref<1x4x1024xf32, #tpu.memory_space<vmem>>
    %dma_wait3A_537 = tpu.memref_squeeze %dma_wait3A_536 : memref<1x4x1024xf32, #tpu.memory_space<vmem>> -> memref<4x1024xf32, #tpu.memory_space<vmem>>
    %dma_wait3A_538 = arith.constant 40 : i32
    %dma_wait3A_539 = arith.constant 0 : i32
    %dma_wait3A_540 = tpu.memref_slice %arg5[%dma_wait3A_532, %add3A, %dma_wait3A_538, %dma_wait3A_539] : memref<4x32x64x1024xf32, #tpu.memory_space<hbm>> -> memref<1x1x4x1024xf32, #tpu.memory_space<hbm>>
    %dma_wait3A_541 = tpu.memref_squeeze %dma_wait3A_540 : memref<1x1x4x1024xf32, #tpu.memory_space<hbm>> -> memref<4x1024xf32, #tpu.memory_space<hbm>>
    %dma_wait3A_542 = tpu.memref_slice %arg11[%dma_wait3A_533] : memref<6x!tpu.dma_semaphore, #tpu.memory_space<semaphore_mem>> -> memref<1x!tpu.dma_semaphore, #tpu.memory_space<semaphore_mem>>
    %dma_wait3A_543 = tpu.memref_squeeze %dma_wait3A_542 : memref<1x!tpu.dma_semaphore, #tpu.memory_space<semaphore_mem>> -> memref<!tpu.dma_semaphore, #tpu.memory_space<semaphore_mem>>
    %dma_wait3A_544 = arith.constant 40 : i32
    %dma_wait3A_545 = arith.constant 0 : i32
    %dma_wait3A_546 = tpu.memref_slice %arg5[%dma_wait3A_532, %add3A, %dma_wait3A_544, %dma_wait3A_545] : memref<4x32x64x1024xf32, #tpu.memory_space<hbm>> -> memref<1x1x4x1024xf32, #tpu.memory_space<hbm>>
    %dma_wait3A_547 = tpu.memref_squeeze %dma_wait3A_546 : memref<1x1x4x1024xf32, #tpu.memory_space<hbm>> -> memref<4x1024xf32, #tpu.memory_space<hbm>>
    %dma_wait3A_548 = arith.constant 0 : i32
    %dma_wait3A_549 = arith.constant 0 : i32
    %dma_wait3A_550 = tpu.memref_slice %arg8[%dma_wait3A, %dma_wait3A_548, %dma_wait3A_549] : memref<6x16x1024xf32, #tpu.memory_space<vmem>> -> memref<1x4x1024xf32, #tpu.memory_space<vmem>>
    %dma_wait3A_551 = tpu.memref_squeeze %dma_wait3A_550 : memref<1x4x1024xf32, #tpu.memory_space<vmem>> -> memref<4x1024xf32, #tpu.memory_space<vmem>>
    tpu.wait_dma2 semaphore(%dma_wait3A_543 : memref<!tpu.dma_semaphore, #tpu.memory_space<semaphore_mem>>) src(%dma_wait3A_551 : memref<4x1024xf32, #tpu.memory_space<vmem>>) dst(%dma_wait3A_547 : memref<4x1024xf32, #tpu.memory_space<hbm>>)
    %dma_wait3A_552 = arith.constant 4 : i32
    %dma_wait3A_553 = arith.constant 1 : i32
    %dma_wait3A_554 = arith.constant 4 : i32
    %dma_wait3A_555 = arith.constant 4 : i32
    %dma_wait3A_556 = arith.constant 0 : i32
    %dma_wait3A_557 = tpu.memref_slice %arg8[%dma_wait3A_552, %dma_wait3A_555, %dma_wait3A_556] : memref<6x16x1024xf32, #tpu.memory_space<vmem>> -> memref<1x4x1024xf32, #tpu.memory_space<vmem>>
    %dma_wait3A_558 = tpu.memref_squeeze %dma_wait3A_557 : memref<1x4x1024xf32, #tpu.memory_space<vmem>> -> memref<4x1024xf32, #tpu.memory_space<vmem>>
    %dma_wait3A_559 = arith.constant 40 : i32
    %dma_wait3A_560 = arith.constant 0 : i32
    %dma_wait3A_561 = tpu.memref_slice %arg5[%dma_wait3A_553, %add3A, %dma_wait3A_559, %dma_wait3A_560] : memref<4x32x64x1024xf32, #tpu.memory_space<hbm>> -> memref<1x1x4x1024xf32, #tpu.memory_space<hbm>>
    %dma_wait3A_562 = tpu.memref_squeeze %dma_wait3A_561 : memref<1x1x4x1024xf32, #tpu.memory_space<hbm>> -> memref<4x1024xf32, #tpu.memory_space<hbm>>
    %dma_wait3A_563 = tpu.memref_slice %arg11[%dma_wait3A_554] : memref<6x!tpu.dma_semaphore, #tpu.memory_space<semaphore_mem>> -> memref<1x!tpu.dma_semaphore, #tpu.memory_space<semaphore_mem>>
    %dma_wait3A_564 = tpu.memref_squeeze %dma_wait3A_563 : memref<1x!tpu.dma_semaphore, #tpu.memory_space<semaphore_mem>> -> memref<!tpu.dma_semaphore, #tpu.memory_space<semaphore_mem>>
    %dma_wait3A_565 = arith.constant 40 : i32
    %dma_wait3A_566 = arith.constant 0 : i32
    %dma_wait3A_567 = tpu.memref_slice %arg5[%dma_wait3A_553, %add3A, %dma_wait3A_565, %dma_wait3A_566] : memref<4x32x64x1024xf32, #tpu.memory_space<hbm>> -> memref<1x1x4x1024xf32, #tpu.memory_space<hbm>>
    %dma_wait3A_568 = tpu.memref_squeeze %dma_wait3A_567 : memref<1x1x4x1024xf32, #tpu.memory_space<hbm>> -> memref<4x1024xf32, #tpu.memory_space<hbm>>
    %dma_wait3A_569 = arith.constant 4 : i32
    %dma_wait3A_570 = arith.constant 0 : i32
    %dma_wait3A_571 = tpu.memref_slice %arg8[%dma_wait3A_552, %dma_wait3A_569, %dma_wait3A_570] : memref<6x16x1024xf32, #tpu.memory_space<vmem>> -> memref<1x4x1024xf32, #tpu.memory_space<vmem>>
    %dma_wait3A_572 = tpu.memref_squeeze %dma_wait3A_571 : memref<1x4x1024xf32, #tpu.memory_space<vmem>> -> memref<4x1024xf32, #tpu.memory_space<vmem>>
    tpu.wait_dma2 semaphore(%dma_wait3A_564 : memref<!tpu.dma_semaphore, #tpu.memory_space<semaphore_mem>>) src(%dma_wait3A_572 : memref<4x1024xf32, #tpu.memory_space<vmem>>) dst(%dma_wait3A_568 : memref<4x1024xf32, #tpu.memory_space<hbm>>)
    %dma_wait3A_573 = arith.constant 4 : i32
    %dma_wait3A_574 = arith.constant 2 : i32
    %dma_wait3A_575 = arith.constant 4 : i32
    %dma_wait3A_576 = arith.constant 8 : i32
    %dma_wait3A_577 = arith.constant 0 : i32
    %dma_wait3A_578 = tpu.memref_slice %arg8[%dma_wait3A_573, %dma_wait3A_576, %dma_wait3A_577] : memref<6x16x1024xf32, #tpu.memory_space<vmem>> -> memref<1x4x1024xf32, #tpu.memory_space<vmem>>
    %dma_wait3A_579 = tpu.memref_squeeze %dma_wait3A_578 : memref<1x4x1024xf32, #tpu.memory_space<vmem>> -> memref<4x1024xf32, #tpu.memory_space<vmem>>
    %dma_wait3A_580 = arith.constant 40 : i32
    %dma_wait3A_581 = arith.constant 0 : i32
    %dma_wait3A_582 = tpu.memref_slice %arg5[%dma_wait3A_574, %add3A, %dma_wait3A_580, %dma_wait3A_581] : memref<4x32x64x1024xf32, #tpu.memory_space<hbm>> -> memref<1x1x4x1024xf32, #tpu.memory_space<hbm>>
    %dma_wait3A_583 = tpu.memref_squeeze %dma_wait3A_582 : memref<1x1x4x1024xf32, #tpu.memory_space<hbm>> -> memref<4x1024xf32, #tpu.memory_space<hbm>>
    %dma_wait3A_584 = tpu.memref_slice %arg11[%dma_wait3A_575] : memref<6x!tpu.dma_semaphore, #tpu.memory_space<semaphore_mem>> -> memref<1x!tpu.dma_semaphore, #tpu.memory_space<semaphore_mem>>
    %dma_wait3A_585 = tpu.memref_squeeze %dma_wait3A_584 : memref<1x!tpu.dma_semaphore, #tpu.memory_space<semaphore_mem>> -> memref<!tpu.dma_semaphore, #tpu.memory_space<semaphore_mem>>
    %dma_wait3A_586 = arith.constant 40 : i32
    %dma_wait3A_587 = arith.constant 0 : i32
    %dma_wait3A_588 = tpu.memref_slice %arg5[%dma_wait3A_574, %add3A, %dma_wait3A_586, %dma_wait3A_587] : memref<4x32x64x1024xf32, #tpu.memory_space<hbm>> -> memref<1x1x4x1024xf32, #tpu.memory_space<hbm>>
    %dma_wait3A_589 = tpu.memref_squeeze %dma_wait3A_588 : memref<1x1x4x1024xf32, #tpu.memory_space<hbm>> -> memref<4x1024xf32, #tpu.memory_space<hbm>>
    %dma_wait3A_590 = arith.constant 8 : i32
    %dma_wait3A_591 = arith.constant 0 : i32
    %dma_wait3A_592 = tpu.memref_slice %arg8[%dma_wait3A_573, %dma_wait3A_590, %dma_wait3A_591] : memref<6x16x1024xf32, #tpu.memory_space<vmem>> -> memref<1x4x1024xf32, #tpu.memory_space<vmem>>
    %dma_wait3A_593 = tpu.memref_squeeze %dma_wait3A_592 : memref<1x4x1024xf32, #tpu.memory_space<vmem>> -> memref<4x1024xf32, #tpu.memory_space<vmem>>
    tpu.wait_dma2 semaphore(%dma_wait3A_585 : memref<!tpu.dma_semaphore, #tpu.memory_space<semaphore_mem>>) src(%dma_wait3A_593 : memref<4x1024xf32, #tpu.memory_space<vmem>>) dst(%dma_wait3A_589 : memref<4x1024xf32, #tpu.memory_space<hbm>>)
    %dma_wait3A_594 = arith.constant 4 : i32
    %dma_wait3A_595 = arith.constant 3 : i32
    %dma_wait3A_596 = arith.constant 4 : i32
    %dma_wait3A_597 = arith.constant 12 : i32
    %dma_wait3A_598 = arith.constant 0 : i32
    %dma_wait3A_599 = tpu.memref_slice %arg8[%dma_wait3A_594, %dma_wait3A_597, %dma_wait3A_598] : memref<6x16x1024xf32, #tpu.memory_space<vmem>> -> memref<1x4x1024xf32, #tpu.memory_space<vmem>>
    %dma_wait3A_600 = tpu.memref_squeeze %dma_wait3A_599 : memref<1x4x1024xf32, #tpu.memory_space<vmem>> -> memref<4x1024xf32, #tpu.memory_space<vmem>>
    %dma_wait3A_601 = arith.constant 40 : i32
    %dma_wait3A_602 = arith.constant 0 : i32
    %dma_wait3A_603 = tpu.memref_slice %arg5[%dma_wait3A_595, %add3A, %dma_wait3A_601, %dma_wait3A_602] : memref<4x32x64x1024xf32, #tpu.memory_space<hbm>> -> memref<1x1x4x1024xf32, #tpu.memory_space<hbm>>
    %dma_wait3A_604 = tpu.memref_squeeze %dma_wait3A_603 : memref<1x1x4x1024xf32, #tpu.memory_space<hbm>> -> memref<4x1024xf32, #tpu.memory_space<hbm>>
    %dma_wait3A_605 = tpu.memref_slice %arg11[%dma_wait3A_596] : memref<6x!tpu.dma_semaphore, #tpu.memory_space<semaphore_mem>> -> memref<1x!tpu.dma_semaphore, #tpu.memory_space<semaphore_mem>>
    %dma_wait3A_606 = tpu.memref_squeeze %dma_wait3A_605 : memref<1x!tpu.dma_semaphore, #tpu.memory_space<semaphore_mem>> -> memref<!tpu.dma_semaphore, #tpu.memory_space<semaphore_mem>>
    %dma_wait3A_607 = arith.constant 40 : i32
    %dma_wait3A_608 = arith.constant 0 : i32
    %dma_wait3A_609 = tpu.memref_slice %arg5[%dma_wait3A_595, %add3A, %dma_wait3A_607, %dma_wait3A_608] : memref<4x32x64x1024xf32, #tpu.memory_space<hbm>> -> memref<1x1x4x1024xf32, #tpu.memory_space<hbm>>
    %dma_wait3A_610 = tpu.memref_squeeze %dma_wait3A_609 : memref<1x1x4x1024xf32, #tpu.memory_space<hbm>> -> memref<4x1024xf32, #tpu.memory_space<hbm>>
    %dma_wait3A_611 = arith.constant 12 : i32
    %dma_wait3A_612 = arith.constant 0 : i32
    %dma_wait3A_613 = tpu.memref_slice %arg8[%dma_wait3A_594, %dma_wait3A_611, %dma_wait3A_612] : memref<6x16x1024xf32, #tpu.memory_space<vmem>> -> memref<1x4x1024xf32, #tpu.memory_space<vmem>>
    %dma_wait3A_614 = tpu.memref_squeeze %dma_wait3A_613 : memref<1x4x1024xf32, #tpu.memory_space<vmem>> -> memref<4x1024xf32, #tpu.memory_space<vmem>>
    tpu.wait_dma2 semaphore(%dma_wait3A_606 : memref<!tpu.dma_semaphore, #tpu.memory_space<semaphore_mem>>) src(%dma_wait3A_614 : memref<4x1024xf32, #tpu.memory_space<vmem>>) dst(%dma_wait3A_610 : memref<4x1024xf32, #tpu.memory_space<hbm>>)
    %dma_wait3A_615 = arith.constant 5 : i32
    %dma_wait3A_616 = arith.constant 0 : i32
    %dma_wait3A_617 = arith.constant 5 : i32
    %dma_wait3A_618 = arith.constant 0 : i32
    %dma_wait3A_619 = arith.constant 0 : i32
    %dma_wait3A_620 = tpu.memref_slice %arg8[%dma_wait3A_615, %dma_wait3A_618, %dma_wait3A_619] : memref<6x16x1024xf32, #tpu.memory_space<vmem>> -> memref<1x4x1024xf32, #tpu.memory_space<vmem>>
    %dma_wait3A_621 = tpu.memref_squeeze %dma_wait3A_620 : memref<1x4x1024xf32, #tpu.memory_space<vmem>> -> memref<4x1024xf32, #tpu.memory_space<vmem>>
    %dma_wait3A_622 = arith.constant 44 : i32
    %dma_wait3A_623 = arith.constant 0 : i32
    %dma_wait3A_624 = tpu.memref_slice %arg5[%dma_wait3A_616, %add3A, %dma_wait3A_622, %dma_wait3A_623] : memref<4x32x64x1024xf32, #tpu.memory_space<hbm>> -> memref<1x1x4x1024xf32, #tpu.memory_space<hbm>>
    %dma_wait3A_625 = tpu.memref_squeeze %dma_wait3A_624 : memref<1x1x4x1024xf32, #tpu.memory_space<hbm>> -> memref<4x1024xf32, #tpu.memory_space<hbm>>
    %dma_wait3A_626 = tpu.memref_slice %arg11[%dma_wait3A_617] : memref<6x!tpu.dma_semaphore, #tpu.memory_space<semaphore_mem>> -> memref<1x!tpu.dma_semaphore, #tpu.memory_space<semaphore_mem>>
    %dma_wait3A_627 = tpu.memref_squeeze %dma_wait3A_626 : memref<1x!tpu.dma_semaphore, #tpu.memory_space<semaphore_mem>> -> memref<!tpu.dma_semaphore, #tpu.memory_space<semaphore_mem>>
    %dma_wait3A_628 = arith.constant 44 : i32
    %dma_wait3A_629 = arith.constant 0 : i32
    %dma_wait3A_630 = tpu.memref_slice %arg5[%dma_wait3A_616, %add3A, %dma_wait3A_628, %dma_wait3A_629] : memref<4x32x64x1024xf32, #tpu.memory_space<hbm>> -> memref<1x1x4x1024xf32, #tpu.memory_space<hbm>>
    %dma_wait3A_631 = tpu.memref_squeeze %dma_wait3A_630 : memref<1x1x4x1024xf32, #tpu.memory_space<hbm>> -> memref<4x1024xf32, #tpu.memory_space<hbm>>
    %dma_wait3A_632 = arith.constant 0 : i32
    %dma_wait3A_633 = arith.constant 0 : i32
    %dma_wait3A_634 = tpu.memref_slice %arg8[%dma_wait3A_615, %dma_wait3A_632, %dma_wait3A_633] : memref<6x16x1024xf32, #tpu.memory_space<vmem>> -> memref<1x4x1024xf32, #tpu.memory_space<vmem>>
    %dma_wait3A_635 = tpu.memref_squeeze %dma_wait3A_634 : memref<1x4x1024xf32, #tpu.memory_space<vmem>> -> memref<4x1024xf32, #tpu.memory_space<vmem>>
    tpu.wait_dma2 semaphore(%dma_wait3A_627 : memref<!tpu.dma_semaphore, #tpu.memory_space<semaphore_mem>>) src(%dma_wait3A_635 : memref<4x1024xf32, #tpu.memory_space<vmem>>) dst(%dma_wait3A_631 : memref<4x1024xf32, #tpu.memory_space<hbm>>)
    %dma_wait3A_636 = arith.constant 5 : i32
    %dma_wait3A_637 = arith.constant 1 : i32
    %dma_wait3A_638 = arith.constant 5 : i32
    %dma_wait3A_639 = arith.constant 4 : i32
    %dma_wait3A_640 = arith.constant 0 : i32
    %dma_wait3A_641 = tpu.memref_slice %arg8[%dma_wait3A_636, %dma_wait3A_639, %dma_wait3A_640] : memref<6x16x1024xf32, #tpu.memory_space<vmem>> -> memref<1x4x1024xf32, #tpu.memory_space<vmem>>
    %dma_wait3A_642 = tpu.memref_squeeze %dma_wait3A_641 : memref<1x4x1024xf32, #tpu.memory_space<vmem>> -> memref<4x1024xf32, #tpu.memory_space<vmem>>
    %dma_wait3A_643 = arith.constant 44 : i32
    %dma_wait3A_644 = arith.constant 0 : i32
    %dma_wait3A_645 = tpu.memref_slice %arg5[%dma_wait3A_637, %add3A, %dma_wait3A_643, %dma_wait3A_644] : memref<4x32x64x1024xf32, #tpu.memory_space<hbm>> -> memref<1x1x4x1024xf32, #tpu.memory_space<hbm>>
    %dma_wait3A_646 = tpu.memref_squeeze %dma_wait3A_645 : memref<1x1x4x1024xf32, #tpu.memory_space<hbm>> -> memref<4x1024xf32, #tpu.memory_space<hbm>>
    %dma_wait3A_647 = tpu.memref_slice %arg11[%dma_wait3A_638] : memref<6x!tpu.dma_semaphore, #tpu.memory_space<semaphore_mem>> -> memref<1x!tpu.dma_semaphore, #tpu.memory_space<semaphore_mem>>
    %dma_wait3A_648 = tpu.memref_squeeze %dma_wait3A_647 : memref<1x!tpu.dma_semaphore, #tpu.memory_space<semaphore_mem>> -> memref<!tpu.dma_semaphore, #tpu.memory_space<semaphore_mem>>
    %dma_wait3A_649 = arith.constant 44 : i32
    %dma_wait3A_650 = arith.constant 0 : i32
    %dma_wait3A_651 = tpu.memref_slice %arg5[%dma_wait3A_637, %add3A, %dma_wait3A_649, %dma_wait3A_650] : memref<4x32x64x1024xf32, #tpu.memory_space<hbm>> -> memref<1x1x4x1024xf32, #tpu.memory_space<hbm>>
    %dma_wait3A_652 = tpu.memref_squeeze %dma_wait3A_651 : memref<1x1x4x1024xf32, #tpu.memory_space<hbm>> -> memref<4x1024xf32, #tpu.memory_space<hbm>>
    %dma_wait3A_653 = arith.constant 4 : i32
    %dma_wait3A_654 = arith.constant 0 : i32
    %dma_wait3A_655 = tpu.memref_slice %arg8[%dma_wait3A_636, %dma_wait3A_653, %dma_wait3A_654] : memref<6x16x1024xf32, #tpu.memory_space<vmem>> -> memref<1x4x1024xf32, #tpu.memory_space<vmem>>
    %dma_wait3A_656 = tpu.memref_squeeze %dma_wait3A_655 : memref<1x4x1024xf32, #tpu.memory_space<vmem>> -> memref<4x1024xf32, #tpu.memory_space<vmem>>
    tpu.wait_dma2 semaphore(%dma_wait3A_648 : memref<!tpu.dma_semaphore, #tpu.memory_space<semaphore_mem>>) src(%dma_wait3A_656 : memref<4x1024xf32, #tpu.memory_space<vmem>>) dst(%dma_wait3A_652 : memref<4x1024xf32, #tpu.memory_space<hbm>>)
    %dma_wait3A_657 = arith.constant 5 : i32
    %dma_wait3A_658 = arith.constant 2 : i32
    %dma_wait3A_659 = arith.constant 5 : i32
    %dma_wait3A_660 = arith.constant 8 : i32
    %dma_wait3A_661 = arith.constant 0 : i32
    %dma_wait3A_662 = tpu.memref_slice %arg8[%dma_wait3A_657, %dma_wait3A_660, %dma_wait3A_661] : memref<6x16x1024xf32, #tpu.memory_space<vmem>> -> memref<1x4x1024xf32, #tpu.memory_space<vmem>>
    %dma_wait3A_663 = tpu.memref_squeeze %dma_wait3A_662 : memref<1x4x1024xf32, #tpu.memory_space<vmem>> -> memref<4x1024xf32, #tpu.memory_space<vmem>>
    %dma_wait3A_664 = arith.constant 44 : i32
    %dma_wait3A_665 = arith.constant 0 : i32
    %dma_wait3A_666 = tpu.memref_slice %arg5[%dma_wait3A_658, %add3A, %dma_wait3A_664, %dma_wait3A_665] : memref<4x32x64x1024xf32, #tpu.memory_space<hbm>> -> memref<1x1x4x1024xf32, #tpu.memory_space<hbm>>
    %dma_wait3A_667 = tpu.memref_squeeze %dma_wait3A_666 : memref<1x1x4x1024xf32, #tpu.memory_space<hbm>> -> memref<4x1024xf32, #tpu.memory_space<hbm>>
    %dma_wait3A_668 = tpu.memref_slice %arg11[%dma_wait3A_659] : memref<6x!tpu.dma_semaphore, #tpu.memory_space<semaphore_mem>> -> memref<1x!tpu.dma_semaphore, #tpu.memory_space<semaphore_mem>>
    %dma_wait3A_669 = tpu.memref_squeeze %dma_wait3A_668 : memref<1x!tpu.dma_semaphore, #tpu.memory_space<semaphore_mem>> -> memref<!tpu.dma_semaphore, #tpu.memory_space<semaphore_mem>>
    %dma_wait3A_670 = arith.constant 44 : i32
    %dma_wait3A_671 = arith.constant 0 : i32
    %dma_wait3A_672 = tpu.memref_slice %arg5[%dma_wait3A_658, %add3A, %dma_wait3A_670, %dma_wait3A_671] : memref<4x32x64x1024xf32, #tpu.memory_space<hbm>> -> memref<1x1x4x1024xf32, #tpu.memory_space<hbm>>
    %dma_wait3A_673 = tpu.memref_squeeze %dma_wait3A_672 : memref<1x1x4x1024xf32, #tpu.memory_space<hbm>> -> memref<4x1024xf32, #tpu.memory_space<hbm>>
    %dma_wait3A_674 = arith.constant 8 : i32
    %dma_wait3A_675 = arith.constant 0 : i32
    %dma_wait3A_676 = tpu.memref_slice %arg8[%dma_wait3A_657, %dma_wait3A_674, %dma_wait3A_675] : memref<6x16x1024xf32, #tpu.memory_space<vmem>> -> memref<1x4x1024xf32, #tpu.memory_space<vmem>>
    %dma_wait3A_677 = tpu.memref_squeeze %dma_wait3A_676 : memref<1x4x1024xf32, #tpu.memory_space<vmem>> -> memref<4x1024xf32, #tpu.memory_space<vmem>>
    tpu.wait_dma2 semaphore(%dma_wait3A_669 : memref<!tpu.dma_semaphore, #tpu.memory_space<semaphore_mem>>) src(%dma_wait3A_677 : memref<4x1024xf32, #tpu.memory_space<vmem>>) dst(%dma_wait3A_673 : memref<4x1024xf32, #tpu.memory_space<hbm>>)
    %dma_wait3A_678 = arith.constant 5 : i32
    %dma_wait3A_679 = arith.constant 3 : i32
    %dma_wait3A_680 = arith.constant 5 : i32
    %dma_wait3A_681 = arith.constant 12 : i32
    %dma_wait3A_682 = arith.constant 0 : i32
    %dma_wait3A_683 = tpu.memref_slice %arg8[%dma_wait3A_678, %dma_wait3A_681, %dma_wait3A_682] : memref<6x16x1024xf32, #tpu.memory_space<vmem>> -> memref<1x4x1024xf32, #tpu.memory_space<vmem>>
    %dma_wait3A_684 = tpu.memref_squeeze %dma_wait3A_683 : memref<1x4x1024xf32, #tpu.memory_space<vmem>> -> memref<4x1024xf32, #tpu.memory_space<vmem>>
    %dma_wait3A_685 = arith.constant 44 : i32
    %dma_wait3A_686 = arith.constant 0 : i32
    %dma_wait3A_687 = tpu.memref_slice %arg5[%dma_wait3A_679, %add3A, %dma_wait3A_685, %dma_wait3A_686] : memref<4x32x64x1024xf32, #tpu.memory_space<hbm>> -> memref<1x1x4x1024xf32, #tpu.memory_space<hbm>>
    %dma_wait3A_688 = tpu.memref_squeeze %dma_wait3A_687 : memref<1x1x4x1024xf32, #tpu.memory_space<hbm>> -> memref<4x1024xf32, #tpu.memory_space<hbm>>
    %dma_wait3A_689 = tpu.memref_slice %arg11[%dma_wait3A_680] : memref<6x!tpu.dma_semaphore, #tpu.memory_space<semaphore_mem>> -> memref<1x!tpu.dma_semaphore, #tpu.memory_space<semaphore_mem>>
    %dma_wait3A_690 = tpu.memref_squeeze %dma_wait3A_689 : memref<1x!tpu.dma_semaphore, #tpu.memory_space<semaphore_mem>> -> memref<!tpu.dma_semaphore, #tpu.memory_space<semaphore_mem>>
    %dma_wait3A_691 = arith.constant 44 : i32
    %dma_wait3A_692 = arith.constant 0 : i32
    %dma_wait3A_693 = tpu.memref_slice %arg5[%dma_wait3A_679, %add3A, %dma_wait3A_691, %dma_wait3A_692] : memref<4x32x64x1024xf32, #tpu.memory_space<hbm>> -> memref<1x1x4x1024xf32, #tpu.memory_space<hbm>>
    %dma_wait3A_694 = tpu.memref_squeeze %dma_wait3A_693 : memref<1x1x4x1024xf32, #tpu.memory_space<hbm>> -> memref<4x1024xf32, #tpu.memory_space<hbm>>
    %dma_wait3A_695 = arith.constant 12 : i32
    %dma_wait3A_696 = arith.constant 0 : i32
    %dma_wait3A_697 = tpu.memref_slice %arg8[%dma_wait3A_678, %dma_wait3A_695, %dma_wait3A_696] : memref<6x16x1024xf32, #tpu.memory_space<vmem>> -> memref<1x4x1024xf32, #tpu.memory_space<vmem>>
    %dma_wait3A_698 = tpu.memref_squeeze %dma_wait3A_697 : memref<1x4x1024xf32, #tpu.memory_space<vmem>> -> memref<4x1024xf32, #tpu.memory_space<vmem>>
    tpu.wait_dma2 semaphore(%dma_wait3A_690 : memref<!tpu.dma_semaphore, #tpu.memory_space<semaphore_mem>>) src(%dma_wait3A_698 : memref<4x1024xf32, #tpu.memory_space<vmem>>) dst(%dma_wait3A_694 : memref<4x1024xf32, #tpu.memory_space<hbm>>)
    %dma_wait3A_699 = arith.constant 0 : i32
    %dma_wait3A_700 = arith.constant 0 : i32
    %dma_wait3A_701 = arith.constant 0 : i32
    %dma_wait3A_702 = arith.constant 0 : i32
    %dma_wait3A_703 = arith.constant 0 : i32
    %dma_wait3A_704 = tpu.memref_slice %arg8[%dma_wait3A_699, %dma_wait3A_702, %dma_wait3A_703] : memref<6x16x1024xf32, #tpu.memory_space<vmem>> -> memref<1x4x1024xf32, #tpu.memory_space<vmem>>
    %dma_wait3A_705 = tpu.memref_squeeze %dma_wait3A_704 : memref<1x4x1024xf32, #tpu.memory_space<vmem>> -> memref<4x1024xf32, #tpu.memory_space<vmem>>
    %dma_wait3A_706 = arith.constant 48 : i32
    %dma_wait3A_707 = arith.constant 0 : i32
    %dma_wait3A_708 = tpu.memref_slice %arg5[%dma_wait3A_700, %add3A, %dma_wait3A_706, %dma_wait3A_707] : memref<4x32x64x1024xf32, #tpu.memory_space<hbm>> -> memref<1x1x4x1024xf32, #tpu.memory_space<hbm>>
    %dma_wait3A_709 = tpu.memref_squeeze %dma_wait3A_708 : memref<1x1x4x1024xf32, #tpu.memory_space<hbm>> -> memref<4x1024xf32, #tpu.memory_space<hbm>>
    %dma_wait3A_710 = tpu.memref_slice %arg11[%dma_wait3A_701] : memref<6x!tpu.dma_semaphore, #tpu.memory_space<semaphore_mem>> -> memref<1x!tpu.dma_semaphore, #tpu.memory_space<semaphore_mem>>
    %dma_wait3A_711 = tpu.memref_squeeze %dma_wait3A_710 : memref<1x!tpu.dma_semaphore, #tpu.memory_space<semaphore_mem>> -> memref<!tpu.dma_semaphore, #tpu.memory_space<semaphore_mem>>
    %dma_wait3A_712 = arith.constant 48 : i32
    %dma_wait3A_713 = arith.constant 0 : i32
    %dma_wait3A_714 = tpu.memref_slice %arg5[%dma_wait3A_700, %add3A, %dma_wait3A_712, %dma_wait3A_713] : memref<4x32x64x1024xf32, #tpu.memory_space<hbm>> -> memref<1x1x4x1024xf32, #tpu.memory_space<hbm>>
    %dma_wait3A_715 = tpu.memref_squeeze %dma_wait3A_714 : memref<1x1x4x1024xf32, #tpu.memory_space<hbm>> -> memref<4x1024xf32, #tpu.memory_space<hbm>>
    %dma_wait3A_716 = arith.constant 0 : i32
    %dma_wait3A_717 = arith.constant 0 : i32
    %dma_wait3A_718 = tpu.memref_slice %arg8[%dma_wait3A_699, %dma_wait3A_716, %dma_wait3A_717] : memref<6x16x1024xf32, #tpu.memory_space<vmem>> -> memref<1x4x1024xf32, #tpu.memory_space<vmem>>
    %dma_wait3A_719 = tpu.memref_squeeze %dma_wait3A_718 : memref<1x4x1024xf32, #tpu.memory_space<vmem>> -> memref<4x1024xf32, #tpu.memory_space<vmem>>
    tpu.wait_dma2 semaphore(%dma_wait3A_711 : memref<!tpu.dma_semaphore, #tpu.memory_space<semaphore_mem>>) src(%dma_wait3A_719 : memref<4x1024xf32, #tpu.memory_space<vmem>>) dst(%dma_wait3A_715 : memref<4x1024xf32, #tpu.memory_space<hbm>>)
    %dma_wait3A_720 = arith.constant 0 : i32
    %dma_wait3A_721 = arith.constant 1 : i32
    %dma_wait3A_722 = arith.constant 0 : i32
    %dma_wait3A_723 = arith.constant 4 : i32
    %dma_wait3A_724 = arith.constant 0 : i32
    %dma_wait3A_725 = tpu.memref_slice %arg8[%dma_wait3A_720, %dma_wait3A_723, %dma_wait3A_724] : memref<6x16x1024xf32, #tpu.memory_space<vmem>> -> memref<1x4x1024xf32, #tpu.memory_space<vmem>>
    %dma_wait3A_726 = tpu.memref_squeeze %dma_wait3A_725 : memref<1x4x1024xf32, #tpu.memory_space<vmem>> -> memref<4x1024xf32, #tpu.memory_space<vmem>>
    %dma_wait3A_727 = arith.constant 48 : i32
    %dma_wait3A_728 = arith.constant 0 : i32
    %dma_wait3A_729 = tpu.memref_slice %arg5[%dma_wait3A_721, %add3A, %dma_wait3A_727, %dma_wait3A_728] : memref<4x32x64x1024xf32, #tpu.memory_space<hbm>> -> memref<1x1x4x1024xf32, #tpu.memory_space<hbm>>
    %dma_wait3A_730 = tpu.memref_squeeze %dma_wait3A_729 : memref<1x1x4x1024xf32, #tpu.memory_space<hbm>> -> memref<4x1024xf32, #tpu.memory_space<hbm>>
    %dma_wait3A_731 = tpu.memref_slice %arg11[%dma_wait3A_722] : memref<6x!tpu.dma_semaphore, #tpu.memory_space<semaphore_mem>> -> memref<1x!tpu.dma_semaphore, #tpu.memory_space<semaphore_mem>>
    %dma_wait3A_732 = tpu.memref_squeeze %dma_wait3A_731 : memref<1x!tpu.dma_semaphore, #tpu.memory_space<semaphore_mem>> -> memref<!tpu.dma_semaphore, #tpu.memory_space<semaphore_mem>>
    %dma_wait3A_733 = arith.constant 48 : i32
    %dma_wait3A_734 = arith.constant 0 : i32
    %dma_wait3A_735 = tpu.memref_slice %arg5[%dma_wait3A_721, %add3A, %dma_wait3A_733, %dma_wait3A_734] : memref<4x32x64x1024xf32, #tpu.memory_space<hbm>> -> memref<1x1x4x1024xf32, #tpu.memory_space<hbm>>
    %dma_wait3A_736 = tpu.memref_squeeze %dma_wait3A_735 : memref<1x1x4x1024xf32, #tpu.memory_space<hbm>> -> memref<4x1024xf32, #tpu.memory_space<hbm>>
    %dma_wait3A_737 = arith.constant 4 : i32
    %dma_wait3A_738 = arith.constant 0 : i32
    %dma_wait3A_739 = tpu.memref_slice %arg8[%dma_wait3A_720, %dma_wait3A_737, %dma_wait3A_738] : memref<6x16x1024xf32, #tpu.memory_space<vmem>> -> memref<1x4x1024xf32, #tpu.memory_space<vmem>>
    %dma_wait3A_740 = tpu.memref_squeeze %dma_wait3A_739 : memref<1x4x1024xf32, #tpu.memory_space<vmem>> -> memref<4x1024xf32, #tpu.memory_space<vmem>>
    tpu.wait_dma2 semaphore(%dma_wait3A_732 : memref<!tpu.dma_semaphore, #tpu.memory_space<semaphore_mem>>) src(%dma_wait3A_740 : memref<4x1024xf32, #tpu.memory_space<vmem>>) dst(%dma_wait3A_736 : memref<4x1024xf32, #tpu.memory_space<hbm>>)
    %dma_wait3A_741 = arith.constant 0 : i32
    %dma_wait3A_742 = arith.constant 2 : i32
    %dma_wait3A_743 = arith.constant 0 : i32
    %dma_wait3A_744 = arith.constant 8 : i32
    %dma_wait3A_745 = arith.constant 0 : i32
    %dma_wait3A_746 = tpu.memref_slice %arg8[%dma_wait3A_741, %dma_wait3A_744, %dma_wait3A_745] : memref<6x16x1024xf32, #tpu.memory_space<vmem>> -> memref<1x4x1024xf32, #tpu.memory_space<vmem>>
    %dma_wait3A_747 = tpu.memref_squeeze %dma_wait3A_746 : memref<1x4x1024xf32, #tpu.memory_space<vmem>> -> memref<4x1024xf32, #tpu.memory_space<vmem>>
    %dma_wait3A_748 = arith.constant 48 : i32
    %dma_wait3A_749 = arith.constant 0 : i32
    %dma_wait3A_750 = tpu.memref_slice %arg5[%dma_wait3A_742, %add3A, %dma_wait3A_748, %dma_wait3A_749] : memref<4x32x64x1024xf32, #tpu.memory_space<hbm>> -> memref<1x1x4x1024xf32, #tpu.memory_space<hbm>>
    %dma_wait3A_751 = tpu.memref_squeeze %dma_wait3A_750 : memref<1x1x4x1024xf32, #tpu.memory_space<hbm>> -> memref<4x1024xf32, #tpu.memory_space<hbm>>
    %dma_wait3A_752 = tpu.memref_slice %arg11[%dma_wait3A_743] : memref<6x!tpu.dma_semaphore, #tpu.memory_space<semaphore_mem>> -> memref<1x!tpu.dma_semaphore, #tpu.memory_space<semaphore_mem>>
    %dma_wait3A_753 = tpu.memref_squeeze %dma_wait3A_752 : memref<1x!tpu.dma_semaphore, #tpu.memory_space<semaphore_mem>> -> memref<!tpu.dma_semaphore, #tpu.memory_space<semaphore_mem>>
    %dma_wait3A_754 = arith.constant 48 : i32
    %dma_wait3A_755 = arith.constant 0 : i32
    %dma_wait3A_756 = tpu.memref_slice %arg5[%dma_wait3A_742, %add3A, %dma_wait3A_754, %dma_wait3A_755] : memref<4x32x64x1024xf32, #tpu.memory_space<hbm>> -> memref<1x1x4x1024xf32, #tpu.memory_space<hbm>>
    %dma_wait3A_757 = tpu.memref_squeeze %dma_wait3A_756 : memref<1x1x4x1024xf32, #tpu.memory_space<hbm>> -> memref<4x1024xf32, #tpu.memory_space<hbm>>
    %dma_wait3A_758 = arith.constant 8 : i32
    %dma_wait3A_759 = arith.constant 0 : i32
    %dma_wait3A_760 = tpu.memref_slice %arg8[%dma_wait3A_741, %dma_wait3A_758, %dma_wait3A_759] : memref<6x16x1024xf32, #tpu.memory_space<vmem>> -> memref<1x4x1024xf32, #tpu.memory_space<vmem>>
    %dma_wait3A_761 = tpu.memref_squeeze %dma_wait3A_760 : memref<1x4x1024xf32, #tpu.memory_space<vmem>> -> memref<4x1024xf32, #tpu.memory_space<vmem>>
    tpu.wait_dma2 semaphore(%dma_wait3A_753 : memref<!tpu.dma_semaphore, #tpu.memory_space<semaphore_mem>>) src(%dma_wait3A_761 : memref<4x1024xf32, #tpu.memory_space<vmem>>) dst(%dma_wait3A_757 : memref<4x1024xf32, #tpu.memory_space<hbm>>)
    %dma_wait3A_762 = arith.constant 0 : i32
    %dma_wait3A_763 = arith.constant 3 : i32
    %dma_wait3A_764 = arith.constant 0 : i32
    %dma_wait3A_765 = arith.constant 12 : i32
    %dma_wait3A_766 = arith.constant 0 : i32
    %dma_wait3A_767 = tpu.memref_slice %arg8[%dma_wait3A_762, %dma_wait3A_765, %dma_wait3A_766] : memref<6x16x1024xf32, #tpu.memory_space<vmem>> -> memref<1x4x1024xf32, #tpu.memory_space<vmem>>
    %dma_wait3A_768 = tpu.memref_squeeze %dma_wait3A_767 : memref<1x4x1024xf32, #tpu.memory_space<vmem>> -> memref<4x1024xf32, #tpu.memory_space<vmem>>
    %dma_wait3A_769 = arith.constant 48 : i32
    %dma_wait3A_770 = arith.constant 0 : i32
    %dma_wait3A_771 = tpu.memref_slice %arg5[%dma_wait3A_763, %add3A, %dma_wait3A_769, %dma_wait3A_770] : memref<4x32x64x1024xf32, #tpu.memory_space<hbm>> -> memref<1x1x4x1024xf32, #tpu.memory_space<hbm>>
    %dma_wait3A_772 = tpu.memref_squeeze %dma_wait3A_771 : memref<1x1x4x1024xf32, #tpu.memory_space<hbm>> -> memref<4x1024xf32, #tpu.memory_space<hbm>>
    %dma_wait3A_773 = tpu.memref_slice %arg11[%dma_wait3A_764] : memref<6x!tpu.dma_semaphore, #tpu.memory_space<semaphore_mem>> -> memref<1x!tpu.dma_semaphore, #tpu.memory_space<semaphore_mem>>
    %dma_wait3A_774 = tpu.memref_squeeze %dma_wait3A_773 : memref<1x!tpu.dma_semaphore, #tpu.memory_space<semaphore_mem>> -> memref<!tpu.dma_semaphore, #tpu.memory_space<semaphore_mem>>
    %dma_wait3A_775 = arith.constant 48 : i32
    %dma_wait3A_776 = arith.constant 0 : i32
    %dma_wait3A_777 = tpu.memref_slice %arg5[%dma_wait3A_763, %add3A, %dma_wait3A_775, %dma_wait3A_776] : memref<4x32x64x1024xf32, #tpu.memory_space<hbm>> -> memref<1x1x4x1024xf32, #tpu.memory_space<hbm>>
    %dma_wait3A_778 = tpu.memref_squeeze %dma_wait3A_777 : memref<1x1x4x1024xf32, #tpu.memory_space<hbm>> -> memref<4x1024xf32, #tpu.memory_space<hbm>>
    %dma_wait3A_779 = arith.constant 12 : i32
    %dma_wait3A_780 = arith.constant 0 : i32
    %dma_wait3A_781 = tpu.memref_slice %arg8[%dma_wait3A_762, %dma_wait3A_779, %dma_wait3A_780] : memref<6x16x1024xf32, #tpu.memory_space<vmem>> -> memref<1x4x1024xf32, #tpu.memory_space<vmem>>
    %dma_wait3A_782 = tpu.memref_squeeze %dma_wait3A_781 : memref<1x4x1024xf32, #tpu.memory_space<vmem>> -> memref<4x1024xf32, #tpu.memory_space<vmem>>
    tpu.wait_dma2 semaphore(%dma_wait3A_774 : memref<!tpu.dma_semaphore, #tpu.memory_space<semaphore_mem>>) src(%dma_wait3A_782 : memref<4x1024xf32, #tpu.memory_space<vmem>>) dst(%dma_wait3A_778 : memref<4x1024xf32, #tpu.memory_space<hbm>>)
    %dma_wait3A_783 = arith.constant 1 : i32
    %dma_wait3A_784 = arith.constant 0 : i32
    %dma_wait3A_785 = arith.constant 1 : i32
    %dma_wait3A_786 = arith.constant 0 : i32
    %dma_wait3A_787 = arith.constant 0 : i32
    %dma_wait3A_788 = tpu.memref_slice %arg8[%dma_wait3A_783, %dma_wait3A_786, %dma_wait3A_787] : memref<6x16x1024xf32, #tpu.memory_space<vmem>> -> memref<1x4x1024xf32, #tpu.memory_space<vmem>>
    %dma_wait3A_789 = tpu.memref_squeeze %dma_wait3A_788 : memref<1x4x1024xf32, #tpu.memory_space<vmem>> -> memref<4x1024xf32, #tpu.memory_space<vmem>>
    %dma_wait3A_790 = arith.constant 52 : i32
    %dma_wait3A_791 = arith.constant 0 : i32
    %dma_wait3A_792 = tpu.memref_slice %arg5[%dma_wait3A_784, %add3A, %dma_wait3A_790, %dma_wait3A_791] : memref<4x32x64x1024xf32, #tpu.memory_space<hbm>> -> memref<1x1x4x1024xf32, #tpu.memory_space<hbm>>
    %dma_wait3A_793 = tpu.memref_squeeze %dma_wait3A_792 : memref<1x1x4x1024xf32, #tpu.memory_space<hbm>> -> memref<4x1024xf32, #tpu.memory_space<hbm>>
    %dma_wait3A_794 = tpu.memref_slice %arg11[%dma_wait3A_785] : memref<6x!tpu.dma_semaphore, #tpu.memory_space<semaphore_mem>> -> memref<1x!tpu.dma_semaphore, #tpu.memory_space<semaphore_mem>>
    %dma_wait3A_795 = tpu.memref_squeeze %dma_wait3A_794 : memref<1x!tpu.dma_semaphore, #tpu.memory_space<semaphore_mem>> -> memref<!tpu.dma_semaphore, #tpu.memory_space<semaphore_mem>>
    %dma_wait3A_796 = arith.constant 52 : i32
    %dma_wait3A_797 = arith.constant 0 : i32
    %dma_wait3A_798 = tpu.memref_slice %arg5[%dma_wait3A_784, %add3A, %dma_wait3A_796, %dma_wait3A_797] : memref<4x32x64x1024xf32, #tpu.memory_space<hbm>> -> memref<1x1x4x1024xf32, #tpu.memory_space<hbm>>
    %dma_wait3A_799 = tpu.memref_squeeze %dma_wait3A_798 : memref<1x1x4x1024xf32, #tpu.memory_space<hbm>> -> memref<4x1024xf32, #tpu.memory_space<hbm>>
    %dma_wait3A_800 = arith.constant 0 : i32
    %dma_wait3A_801 = arith.constant 0 : i32
    %dma_wait3A_802 = tpu.memref_slice %arg8[%dma_wait3A_783, %dma_wait3A_800, %dma_wait3A_801] : memref<6x16x1024xf32, #tpu.memory_space<vmem>> -> memref<1x4x1024xf32, #tpu.memory_space<vmem>>
    %dma_wait3A_803 = tpu.memref_squeeze %dma_wait3A_802 : memref<1x4x1024xf32, #tpu.memory_space<vmem>> -> memref<4x1024xf32, #tpu.memory_space<vmem>>
    tpu.wait_dma2 semaphore(%dma_wait3A_795 : memref<!tpu.dma_semaphore, #tpu.memory_space<semaphore_mem>>) src(%dma_wait3A_803 : memref<4x1024xf32, #tpu.memory_space<vmem>>) dst(%dma_wait3A_799 : memref<4x1024xf32, #tpu.memory_space<hbm>>)
    %dma_wait3A_804 = arith.constant 1 : i32
    %dma_wait3A_805 = arith.constant 1 : i32
    %dma_wait3A_806 = arith.constant 1 : i32
    %dma_wait3A_807 = arith.constant 4 : i32
    %dma_wait3A_808 = arith.constant 0 : i32
    %dma_wait3A_809 = tpu.memref_slice %arg8[%dma_wait3A_804, %dma_wait3A_807, %dma_wait3A_808] : memref<6x16x1024xf32, #tpu.memory_space<vmem>> -> memref<1x4x1024xf32, #tpu.memory_space<vmem>>
    %dma_wait3A_810 = tpu.memref_squeeze %dma_wait3A_809 : memref<1x4x1024xf32, #tpu.memory_space<vmem>> -> memref<4x1024xf32, #tpu.memory_space<vmem>>
    %dma_wait3A_811 = arith.constant 52 : i32
    %dma_wait3A_812 = arith.constant 0 : i32
    %dma_wait3A_813 = tpu.memref_slice %arg5[%dma_wait3A_805, %add3A, %dma_wait3A_811, %dma_wait3A_812] : memref<4x32x64x1024xf32, #tpu.memory_space<hbm>> -> memref<1x1x4x1024xf32, #tpu.memory_space<hbm>>
    %dma_wait3A_814 = tpu.memref_squeeze %dma_wait3A_813 : memref<1x1x4x1024xf32, #tpu.memory_space<hbm>> -> memref<4x1024xf32, #tpu.memory_space<hbm>>
    %dma_wait3A_815 = tpu.memref_slice %arg11[%dma_wait3A_806] : memref<6x!tpu.dma_semaphore, #tpu.memory_space<semaphore_mem>> -> memref<1x!tpu.dma_semaphore, #tpu.memory_space<semaphore_mem>>
    %dma_wait3A_816 = tpu.memref_squeeze %dma_wait3A_815 : memref<1x!tpu.dma_semaphore, #tpu.memory_space<semaphore_mem>> -> memref<!tpu.dma_semaphore, #tpu.memory_space<semaphore_mem>>
    %dma_wait3A_817 = arith.constant 52 : i32
    %dma_wait3A_818 = arith.constant 0 : i32
    %dma_wait3A_819 = tpu.memref_slice %arg5[%dma_wait3A_805, %add3A, %dma_wait3A_817, %dma_wait3A_818] : memref<4x32x64x1024xf32, #tpu.memory_space<hbm>> -> memref<1x1x4x1024xf32, #tpu.memory_space<hbm>>
    %dma_wait3A_820 = tpu.memref_squeeze %dma_wait3A_819 : memref<1x1x4x1024xf32, #tpu.memory_space<hbm>> -> memref<4x1024xf32, #tpu.memory_space<hbm>>
    %dma_wait3A_821 = arith.constant 4 : i32
    %dma_wait3A_822 = arith.constant 0 : i32
    %dma_wait3A_823 = tpu.memref_slice %arg8[%dma_wait3A_804, %dma_wait3A_821, %dma_wait3A_822] : memref<6x16x1024xf32, #tpu.memory_space<vmem>> -> memref<1x4x1024xf32, #tpu.memory_space<vmem>>
    %dma_wait3A_824 = tpu.memref_squeeze %dma_wait3A_823 : memref<1x4x1024xf32, #tpu.memory_space<vmem>> -> memref<4x1024xf32, #tpu.memory_space<vmem>>
    tpu.wait_dma2 semaphore(%dma_wait3A_816 : memref<!tpu.dma_semaphore, #tpu.memory_space<semaphore_mem>>) src(%dma_wait3A_824 : memref<4x1024xf32, #tpu.memory_space<vmem>>) dst(%dma_wait3A_820 : memref<4x1024xf32, #tpu.memory_space<hbm>>)
    %dma_wait3A_825 = arith.constant 1 : i32
    %dma_wait3A_826 = arith.constant 2 : i32
    %dma_wait3A_827 = arith.constant 1 : i32
    %dma_wait3A_828 = arith.constant 8 : i32
    %dma_wait3A_829 = arith.constant 0 : i32
    %dma_wait3A_830 = tpu.memref_slice %arg8[%dma_wait3A_825, %dma_wait3A_828, %dma_wait3A_829] : memref<6x16x1024xf32, #tpu.memory_space<vmem>> -> memref<1x4x1024xf32, #tpu.memory_space<vmem>>
    %dma_wait3A_831 = tpu.memref_squeeze %dma_wait3A_830 : memref<1x4x1024xf32, #tpu.memory_space<vmem>> -> memref<4x1024xf32, #tpu.memory_space<vmem>>
    %dma_wait3A_832 = arith.constant 52 : i32
    %dma_wait3A_833 = arith.constant 0 : i32
    %dma_wait3A_834 = tpu.memref_slice %arg5[%dma_wait3A_826, %add3A, %dma_wait3A_832, %dma_wait3A_833] : memref<4x32x64x1024xf32, #tpu.memory_space<hbm>> -> memref<1x1x4x1024xf32, #tpu.memory_space<hbm>>
    %dma_wait3A_835 = tpu.memref_squeeze %dma_wait3A_834 : memref<1x1x4x1024xf32, #tpu.memory_space<hbm>> -> memref<4x1024xf32, #tpu.memory_space<hbm>>
    %dma_wait3A_836 = tpu.memref_slice %arg11[%dma_wait3A_827] : memref<6x!tpu.dma_semaphore, #tpu.memory_space<semaphore_mem>> -> memref<1x!tpu.dma_semaphore, #tpu.memory_space<semaphore_mem>>
    %dma_wait3A_837 = tpu.memref_squeeze %dma_wait3A_836 : memref<1x!tpu.dma_semaphore, #tpu.memory_space<semaphore_mem>> -> memref<!tpu.dma_semaphore, #tpu.memory_space<semaphore_mem>>
    %dma_wait3A_838 = arith.constant 52 : i32
    %dma_wait3A_839 = arith.constant 0 : i32
    %dma_wait3A_840 = tpu.memref_slice %arg5[%dma_wait3A_826, %add3A, %dma_wait3A_838, %dma_wait3A_839] : memref<4x32x64x1024xf32, #tpu.memory_space<hbm>> -> memref<1x1x4x1024xf32, #tpu.memory_space<hbm>>
    %dma_wait3A_841 = tpu.memref_squeeze %dma_wait3A_840 : memref<1x1x4x1024xf32, #tpu.memory_space<hbm>> -> memref<4x1024xf32, #tpu.memory_space<hbm>>
    %dma_wait3A_842 = arith.constant 8 : i32
    %dma_wait3A_843 = arith.constant 0 : i32
    %dma_wait3A_844 = tpu.memref_slice %arg8[%dma_wait3A_825, %dma_wait3A_842, %dma_wait3A_843] : memref<6x16x1024xf32, #tpu.memory_space<vmem>> -> memref<1x4x1024xf32, #tpu.memory_space<vmem>>
    %dma_wait3A_845 = tpu.memref_squeeze %dma_wait3A_844 : memref<1x4x1024xf32, #tpu.memory_space<vmem>> -> memref<4x1024xf32, #tpu.memory_space<vmem>>
    tpu.wait_dma2 semaphore(%dma_wait3A_837 : memref<!tpu.dma_semaphore, #tpu.memory_space<semaphore_mem>>) src(%dma_wait3A_845 : memref<4x1024xf32, #tpu.memory_space<vmem>>) dst(%dma_wait3A_841 : memref<4x1024xf32, #tpu.memory_space<hbm>>)
    %dma_wait3A_846 = arith.constant 1 : i32
    %dma_wait3A_847 = arith.constant 3 : i32
    %dma_wait3A_848 = arith.constant 1 : i32
    %dma_wait3A_849 = arith.constant 12 : i32
    %dma_wait3A_850 = arith.constant 0 : i32
    %dma_wait3A_851 = tpu.memref_slice %arg8[%dma_wait3A_846, %dma_wait3A_849, %dma_wait3A_850] : memref<6x16x1024xf32, #tpu.memory_space<vmem>> -> memref<1x4x1024xf32, #tpu.memory_space<vmem>>
    %dma_wait3A_852 = tpu.memref_squeeze %dma_wait3A_851 : memref<1x4x1024xf32, #tpu.memory_space<vmem>> -> memref<4x1024xf32, #tpu.memory_space<vmem>>
    %dma_wait3A_853 = arith.constant 52 : i32
    %dma_wait3A_854 = arith.constant 0 : i32
    %dma_wait3A_855 = tpu.memref_slice %arg5[%dma_wait3A_847, %add3A, %dma_wait3A_853, %dma_wait3A_854] : memref<4x32x64x1024xf32, #tpu.memory_space<hbm>> -> memref<1x1x4x1024xf32, #tpu.memory_space<hbm>>
    %dma_wait3A_856 = tpu.memref_squeeze %dma_wait3A_855 : memref<1x1x4x1024xf32, #tpu.memory_space<hbm>> -> memref<4x1024xf32, #tpu.memory_space<hbm>>
    %dma_wait3A_857 = tpu.memref_slice %arg11[%dma_wait3A_848] : memref<6x!tpu.dma_semaphore, #tpu.memory_space<semaphore_mem>> -> memref<1x!tpu.dma_semaphore, #tpu.memory_space<semaphore_mem>>
    %dma_wait3A_858 = tpu.memref_squeeze %dma_wait3A_857 : memref<1x!tpu.dma_semaphore, #tpu.memory_space<semaphore_mem>> -> memref<!tpu.dma_semaphore, #tpu.memory_space<semaphore_mem>>
    %dma_wait3A_859 = arith.constant 52 : i32
    %dma_wait3A_860 = arith.constant 0 : i32
    %dma_wait3A_861 = tpu.memref_slice %arg5[%dma_wait3A_847, %add3A, %dma_wait3A_859, %dma_wait3A_860] : memref<4x32x64x1024xf32, #tpu.memory_space<hbm>> -> memref<1x1x4x1024xf32, #tpu.memory_space<hbm>>
    %dma_wait3A_862 = tpu.memref_squeeze %dma_wait3A_861 : memref<1x1x4x1024xf32, #tpu.memory_space<hbm>> -> memref<4x1024xf32, #tpu.memory_space<hbm>>
    %dma_wait3A_863 = arith.constant 12 : i32
    %dma_wait3A_864 = arith.constant 0 : i32
    %dma_wait3A_865 = tpu.memref_slice %arg8[%dma_wait3A_846, %dma_wait3A_863, %dma_wait3A_864] : memref<6x16x1024xf32, #tpu.memory_space<vmem>> -> memref<1x4x1024xf32, #tpu.memory_space<vmem>>
    %dma_wait3A_866 = tpu.memref_squeeze %dma_wait3A_865 : memref<1x4x1024xf32, #tpu.memory_space<vmem>> -> memref<4x1024xf32, #tpu.memory_space<vmem>>
    tpu.wait_dma2 semaphore(%dma_wait3A_858 : memref<!tpu.dma_semaphore, #tpu.memory_space<semaphore_mem>>) src(%dma_wait3A_866 : memref<4x1024xf32, #tpu.memory_space<vmem>>) dst(%dma_wait3A_862 : memref<4x1024xf32, #tpu.memory_space<hbm>>)
    %dma_wait3A_867 = arith.constant 2 : i32
    %dma_wait3A_868 = arith.constant 0 : i32
    %dma_wait3A_869 = arith.constant 2 : i32
    %dma_wait3A_870 = arith.constant 0 : i32
    %dma_wait3A_871 = arith.constant 0 : i32
    %dma_wait3A_872 = tpu.memref_slice %arg8[%dma_wait3A_867, %dma_wait3A_870, %dma_wait3A_871] : memref<6x16x1024xf32, #tpu.memory_space<vmem>> -> memref<1x4x1024xf32, #tpu.memory_space<vmem>>
    %dma_wait3A_873 = tpu.memref_squeeze %dma_wait3A_872 : memref<1x4x1024xf32, #tpu.memory_space<vmem>> -> memref<4x1024xf32, #tpu.memory_space<vmem>>
    %dma_wait3A_874 = arith.constant 56 : i32
    %dma_wait3A_875 = arith.constant 0 : i32
    %dma_wait3A_876 = tpu.memref_slice %arg5[%dma_wait3A_868, %add3A, %dma_wait3A_874, %dma_wait3A_875] : memref<4x32x64x1024xf32, #tpu.memory_space<hbm>> -> memref<1x1x4x1024xf32, #tpu.memory_space<hbm>>
    %dma_wait3A_877 = tpu.memref_squeeze %dma_wait3A_876 : memref<1x1x4x1024xf32, #tpu.memory_space<hbm>> -> memref<4x1024xf32, #tpu.memory_space<hbm>>
    %dma_wait3A_878 = tpu.memref_slice %arg11[%dma_wait3A_869] : memref<6x!tpu.dma_semaphore, #tpu.memory_space<semaphore_mem>> -> memref<1x!tpu.dma_semaphore, #tpu.memory_space<semaphore_mem>>
    %dma_wait3A_879 = tpu.memref_squeeze %dma_wait3A_878 : memref<1x!tpu.dma_semaphore, #tpu.memory_space<semaphore_mem>> -> memref<!tpu.dma_semaphore, #tpu.memory_space<semaphore_mem>>
    %dma_wait3A_880 = arith.constant 56 : i32
    %dma_wait3A_881 = arith.constant 0 : i32
    %dma_wait3A_882 = tpu.memref_slice %arg5[%dma_wait3A_868, %add3A, %dma_wait3A_880, %dma_wait3A_881] : memref<4x32x64x1024xf32, #tpu.memory_space<hbm>> -> memref<1x1x4x1024xf32, #tpu.memory_space<hbm>>
    %dma_wait3A_883 = tpu.memref_squeeze %dma_wait3A_882 : memref<1x1x4x1024xf32, #tpu.memory_space<hbm>> -> memref<4x1024xf32, #tpu.memory_space<hbm>>
    %dma_wait3A_884 = arith.constant 0 : i32
    %dma_wait3A_885 = arith.constant 0 : i32
    %dma_wait3A_886 = tpu.memref_slice %arg8[%dma_wait3A_867, %dma_wait3A_884, %dma_wait3A_885] : memref<6x16x1024xf32, #tpu.memory_space<vmem>> -> memref<1x4x1024xf32, #tpu.memory_space<vmem>>
    %dma_wait3A_887 = tpu.memref_squeeze %dma_wait3A_886 : memref<1x4x1024xf32, #tpu.memory_space<vmem>> -> memref<4x1024xf32, #tpu.memory_space<vmem>>
    tpu.wait_dma2 semaphore(%dma_wait3A_879 : memref<!tpu.dma_semaphore, #tpu.memory_space<semaphore_mem>>) src(%dma_wait3A_887 : memref<4x1024xf32, #tpu.memory_space<vmem>>) dst(%dma_wait3A_883 : memref<4x1024xf32, #tpu.memory_space<hbm>>)
    %dma_wait3A_888 = arith.constant 2 : i32
    %dma_wait3A_889 = arith.constant 1 : i32
    %dma_wait3A_890 = arith.constant 2 : i32
    %dma_wait3A_891 = arith.constant 4 : i32
    %dma_wait3A_892 = arith.constant 0 : i32
    %dma_wait3A_893 = tpu.memref_slice %arg8[%dma_wait3A_888, %dma_wait3A_891, %dma_wait3A_892] : memref<6x16x1024xf32, #tpu.memory_space<vmem>> -> memref<1x4x1024xf32, #tpu.memory_space<vmem>>
    %dma_wait3A_894 = tpu.memref_squeeze %dma_wait3A_893 : memref<1x4x1024xf32, #tpu.memory_space<vmem>> -> memref<4x1024xf32, #tpu.memory_space<vmem>>
    %dma_wait3A_895 = arith.constant 56 : i32
    %dma_wait3A_896 = arith.constant 0 : i32
    %dma_wait3A_897 = tpu.memref_slice %arg5[%dma_wait3A_889, %add3A, %dma_wait3A_895, %dma_wait3A_896] : memref<4x32x64x1024xf32, #tpu.memory_space<hbm>> -> memref<1x1x4x1024xf32, #tpu.memory_space<hbm>>
    %dma_wait3A_898 = tpu.memref_squeeze %dma_wait3A_897 : memref<1x1x4x1024xf32, #tpu.memory_space<hbm>> -> memref<4x1024xf32, #tpu.memory_space<hbm>>
    %dma_wait3A_899 = tpu.memref_slice %arg11[%dma_wait3A_890] : memref<6x!tpu.dma_semaphore, #tpu.memory_space<semaphore_mem>> -> memref<1x!tpu.dma_semaphore, #tpu.memory_space<semaphore_mem>>
    %dma_wait3A_900 = tpu.memref_squeeze %dma_wait3A_899 : memref<1x!tpu.dma_semaphore, #tpu.memory_space<semaphore_mem>> -> memref<!tpu.dma_semaphore, #tpu.memory_space<semaphore_mem>>
    %dma_wait3A_901 = arith.constant 56 : i32
    %dma_wait3A_902 = arith.constant 0 : i32
    %dma_wait3A_903 = tpu.memref_slice %arg5[%dma_wait3A_889, %add3A, %dma_wait3A_901, %dma_wait3A_902] : memref<4x32x64x1024xf32, #tpu.memory_space<hbm>> -> memref<1x1x4x1024xf32, #tpu.memory_space<hbm>>
    %dma_wait3A_904 = tpu.memref_squeeze %dma_wait3A_903 : memref<1x1x4x1024xf32, #tpu.memory_space<hbm>> -> memref<4x1024xf32, #tpu.memory_space<hbm>>
    %dma_wait3A_905 = arith.constant 4 : i32
    %dma_wait3A_906 = arith.constant 0 : i32
    %dma_wait3A_907 = tpu.memref_slice %arg8[%dma_wait3A_888, %dma_wait3A_905, %dma_wait3A_906] : memref<6x16x1024xf32, #tpu.memory_space<vmem>> -> memref<1x4x1024xf32, #tpu.memory_space<vmem>>
    %dma_wait3A_908 = tpu.memref_squeeze %dma_wait3A_907 : memref<1x4x1024xf32, #tpu.memory_space<vmem>> -> memref<4x1024xf32, #tpu.memory_space<vmem>>
    tpu.wait_dma2 semaphore(%dma_wait3A_900 : memref<!tpu.dma_semaphore, #tpu.memory_space<semaphore_mem>>) src(%dma_wait3A_908 : memref<4x1024xf32, #tpu.memory_space<vmem>>) dst(%dma_wait3A_904 : memref<4x1024xf32, #tpu.memory_space<hbm>>)
    %dma_wait3A_909 = arith.constant 2 : i32
    %dma_wait3A_910 = arith.constant 2 : i32
    %dma_wait3A_911 = arith.constant 2 : i32
    %dma_wait3A_912 = arith.constant 8 : i32
    %dma_wait3A_913 = arith.constant 0 : i32
    %dma_wait3A_914 = tpu.memref_slice %arg8[%dma_wait3A_909, %dma_wait3A_912, %dma_wait3A_913] : memref<6x16x1024xf32, #tpu.memory_space<vmem>> -> memref<1x4x1024xf32, #tpu.memory_space<vmem>>
    %dma_wait3A_915 = tpu.memref_squeeze %dma_wait3A_914 : memref<1x4x1024xf32, #tpu.memory_space<vmem>> -> memref<4x1024xf32, #tpu.memory_space<vmem>>
    %dma_wait3A_916 = arith.constant 56 : i32
    %dma_wait3A_917 = arith.constant 0 : i32
    %dma_wait3A_918 = tpu.memref_slice %arg5[%dma_wait3A_910, %add3A, %dma_wait3A_916, %dma_wait3A_917] : memref<4x32x64x1024xf32, #tpu.memory_space<hbm>> -> memref<1x1x4x1024xf32, #tpu.memory_space<hbm>>
    %dma_wait3A_919 = tpu.memref_squeeze %dma_wait3A_918 : memref<1x1x4x1024xf32, #tpu.memory_space<hbm>> -> memref<4x1024xf32, #tpu.memory_space<hbm>>
    %dma_wait3A_920 = tpu.memref_slice %arg11[%dma_wait3A_911] : memref<6x!tpu.dma_semaphore, #tpu.memory_space<semaphore_mem>> -> memref<1x!tpu.dma_semaphore, #tpu.memory_space<semaphore_mem>>
    %dma_wait3A_921 = tpu.memref_squeeze %dma_wait3A_920 : memref<1x!tpu.dma_semaphore, #tpu.memory_space<semaphore_mem>> -> memref<!tpu.dma_semaphore, #tpu.memory_space<semaphore_mem>>
    %dma_wait3A_922 = arith.constant 56 : i32
    %dma_wait3A_923 = arith.constant 0 : i32
    %dma_wait3A_924 = tpu.memref_slice %arg5[%dma_wait3A_910, %add3A, %dma_wait3A_922, %dma_wait3A_923] : memref<4x32x64x1024xf32, #tpu.memory_space<hbm>> -> memref<1x1x4x1024xf32, #tpu.memory_space<hbm>>
    %dma_wait3A_925 = tpu.memref_squeeze %dma_wait3A_924 : memref<1x1x4x1024xf32, #tpu.memory_space<hbm>> -> memref<4x1024xf32, #tpu.memory_space<hbm>>
    %dma_wait3A_926 = arith.constant 8 : i32
    %dma_wait3A_927 = arith.constant 0 : i32
    %dma_wait3A_928 = tpu.memref_slice %arg8[%dma_wait3A_909, %dma_wait3A_926, %dma_wait3A_927] : memref<6x16x1024xf32, #tpu.memory_space<vmem>> -> memref<1x4x1024xf32, #tpu.memory_space<vmem>>
    %dma_wait3A_929 = tpu.memref_squeeze %dma_wait3A_928 : memref<1x4x1024xf32, #tpu.memory_space<vmem>> -> memref<4x1024xf32, #tpu.memory_space<vmem>>
    tpu.wait_dma2 semaphore(%dma_wait3A_921 : memref<!tpu.dma_semaphore, #tpu.memory_space<semaphore_mem>>) src(%dma_wait3A_929 : memref<4x1024xf32, #tpu.memory_space<vmem>>) dst(%dma_wait3A_925 : memref<4x1024xf32, #tpu.memory_space<hbm>>)
    %dma_wait3A_930 = arith.constant 2 : i32
    %dma_wait3A_931 = arith.constant 3 : i32
    %dma_wait3A_932 = arith.constant 2 : i32
    %dma_wait3A_933 = arith.constant 12 : i32
    %dma_wait3A_934 = arith.constant 0 : i32
    %dma_wait3A_935 = tpu.memref_slice %arg8[%dma_wait3A_930, %dma_wait3A_933, %dma_wait3A_934] : memref<6x16x1024xf32, #tpu.memory_space<vmem>> -> memref<1x4x1024xf32, #tpu.memory_space<vmem>>
    %dma_wait3A_936 = tpu.memref_squeeze %dma_wait3A_935 : memref<1x4x1024xf32, #tpu.memory_space<vmem>> -> memref<4x1024xf32, #tpu.memory_space<vmem>>
    %dma_wait3A_937 = arith.constant 56 : i32
    %dma_wait3A_938 = arith.constant 0 : i32
    %dma_wait3A_939 = tpu.memref_slice %arg5[%dma_wait3A_931, %add3A, %dma_wait3A_937, %dma_wait3A_938] : memref<4x32x64x1024xf32, #tpu.memory_space<hbm>> -> memref<1x1x4x1024xf32, #tpu.memory_space<hbm>>
    %dma_wait3A_940 = tpu.memref_squeeze %dma_wait3A_939 : memref<1x1x4x1024xf32, #tpu.memory_space<hbm>> -> memref<4x1024xf32, #tpu.memory_space<hbm>>
    %dma_wait3A_941 = tpu.memref_slice %arg11[%dma_wait3A_932] : memref<6x!tpu.dma_semaphore, #tpu.memory_space<semaphore_mem>> -> memref<1x!tpu.dma_semaphore, #tpu.memory_space<semaphore_mem>>
    %dma_wait3A_942 = tpu.memref_squeeze %dma_wait3A_941 : memref<1x!tpu.dma_semaphore, #tpu.memory_space<semaphore_mem>> -> memref<!tpu.dma_semaphore, #tpu.memory_space<semaphore_mem>>
    %dma_wait3A_943 = arith.constant 56 : i32
    %dma_wait3A_944 = arith.constant 0 : i32
    %dma_wait3A_945 = tpu.memref_slice %arg5[%dma_wait3A_931, %add3A, %dma_wait3A_943, %dma_wait3A_944] : memref<4x32x64x1024xf32, #tpu.memory_space<hbm>> -> memref<1x1x4x1024xf32, #tpu.memory_space<hbm>>
    %dma_wait3A_946 = tpu.memref_squeeze %dma_wait3A_945 : memref<1x1x4x1024xf32, #tpu.memory_space<hbm>> -> memref<4x1024xf32, #tpu.memory_space<hbm>>
    %dma_wait3A_947 = arith.constant 12 : i32
    %dma_wait3A_948 = arith.constant 0 : i32
    %dma_wait3A_949 = tpu.memref_slice %arg8[%dma_wait3A_930, %dma_wait3A_947, %dma_wait3A_948] : memref<6x16x1024xf32, #tpu.memory_space<vmem>> -> memref<1x4x1024xf32, #tpu.memory_space<vmem>>
    %dma_wait3A_950 = tpu.memref_squeeze %dma_wait3A_949 : memref<1x4x1024xf32, #tpu.memory_space<vmem>> -> memref<4x1024xf32, #tpu.memory_space<vmem>>
    tpu.wait_dma2 semaphore(%dma_wait3A_942 : memref<!tpu.dma_semaphore, #tpu.memory_space<semaphore_mem>>) src(%dma_wait3A_950 : memref<4x1024xf32, #tpu.memory_space<vmem>>) dst(%dma_wait3A_946 : memref<4x1024xf32, #tpu.memory_space<hbm>>)
    %dma_wait3A_951 = arith.constant 3 : i32
    %dma_wait3A_952 = arith.constant 0 : i32
    %dma_wait3A_953 = arith.constant 3 : i32
    %dma_wait3A_954 = arith.constant 0 : i32
    %dma_wait3A_955 = arith.constant 0 : i32
    %dma_wait3A_956 = tpu.memref_slice %arg8[%dma_wait3A_951, %dma_wait3A_954, %dma_wait3A_955] : memref<6x16x1024xf32, #tpu.memory_space<vmem>> -> memref<1x4x1024xf32, #tpu.memory_space<vmem>>
    %dma_wait3A_957 = tpu.memref_squeeze %dma_wait3A_956 : memref<1x4x1024xf32, #tpu.memory_space<vmem>> -> memref<4x1024xf32, #tpu.memory_space<vmem>>
    %dma_wait3A_958 = arith.constant 60 : i32
    %dma_wait3A_959 = arith.constant 0 : i32
    %dma_wait3A_960 = tpu.memref_slice %arg5[%dma_wait3A_952, %add3A, %dma_wait3A_958, %dma_wait3A_959] : memref<4x32x64x1024xf32, #tpu.memory_space<hbm>> -> memref<1x1x4x1024xf32, #tpu.memory_space<hbm>>
    %dma_wait3A_961 = tpu.memref_squeeze %dma_wait3A_960 : memref<1x1x4x1024xf32, #tpu.memory_space<hbm>> -> memref<4x1024xf32, #tpu.memory_space<hbm>>
    %dma_wait3A_962 = tpu.memref_slice %arg11[%dma_wait3A_953] : memref<6x!tpu.dma_semaphore, #tpu.memory_space<semaphore_mem>> -> memref<1x!tpu.dma_semaphore, #tpu.memory_space<semaphore_mem>>
    %dma_wait3A_963 = tpu.memref_squeeze %dma_wait3A_962 : memref<1x!tpu.dma_semaphore, #tpu.memory_space<semaphore_mem>> -> memref<!tpu.dma_semaphore, #tpu.memory_space<semaphore_mem>>
    %dma_wait3A_964 = arith.constant 60 : i32
    %dma_wait3A_965 = arith.constant 0 : i32
    %dma_wait3A_966 = tpu.memref_slice %arg5[%dma_wait3A_952, %add3A, %dma_wait3A_964, %dma_wait3A_965] : memref<4x32x64x1024xf32, #tpu.memory_space<hbm>> -> memref<1x1x4x1024xf32, #tpu.memory_space<hbm>>
    %dma_wait3A_967 = tpu.memref_squeeze %dma_wait3A_966 : memref<1x1x4x1024xf32, #tpu.memory_space<hbm>> -> memref<4x1024xf32, #tpu.memory_space<hbm>>
    %dma_wait3A_968 = arith.constant 0 : i32
    %dma_wait3A_969 = arith.constant 0 : i32
    %dma_wait3A_970 = tpu.memref_slice %arg8[%dma_wait3A_951, %dma_wait3A_968, %dma_wait3A_969] : memref<6x16x1024xf32, #tpu.memory_space<vmem>> -> memref<1x4x1024xf32, #tpu.memory_space<vmem>>
    %dma_wait3A_971 = tpu.memref_squeeze %dma_wait3A_970 : memref<1x4x1024xf32, #tpu.memory_space<vmem>> -> memref<4x1024xf32, #tpu.memory_space<vmem>>
    tpu.wait_dma2 semaphore(%dma_wait3A_963 : memref<!tpu.dma_semaphore, #tpu.memory_space<semaphore_mem>>) src(%dma_wait3A_971 : memref<4x1024xf32, #tpu.memory_space<vmem>>) dst(%dma_wait3A_967 : memref<4x1024xf32, #tpu.memory_space<hbm>>)
    %dma_wait3A_972 = arith.constant 3 : i32
    %dma_wait3A_973 = arith.constant 1 : i32
    %dma_wait3A_974 = arith.constant 3 : i32
    %dma_wait3A_975 = arith.constant 4 : i32
    %dma_wait3A_976 = arith.constant 0 : i32
    %dma_wait3A_977 = tpu.memref_slice %arg8[%dma_wait3A_972, %dma_wait3A_975, %dma_wait3A_976] : memref<6x16x1024xf32, #tpu.memory_space<vmem>> -> memref<1x4x1024xf32, #tpu.memory_space<vmem>>
    %dma_wait3A_978 = tpu.memref_squeeze %dma_wait3A_977 : memref<1x4x1024xf32, #tpu.memory_space<vmem>> -> memref<4x1024xf32, #tpu.memory_space<vmem>>
    %dma_wait3A_979 = arith.constant 60 : i32
    %dma_wait3A_980 = arith.constant 0 : i32
    %dma_wait3A_981 = tpu.memref_slice %arg5[%dma_wait3A_973, %add3A, %dma_wait3A_979, %dma_wait3A_980] : memref<4x32x64x1024xf32, #tpu.memory_space<hbm>> -> memref<1x1x4x1024xf32, #tpu.memory_space<hbm>>
    %dma_wait3A_982 = tpu.memref_squeeze %dma_wait3A_981 : memref<1x1x4x1024xf32, #tpu.memory_space<hbm>> -> memref<4x1024xf32, #tpu.memory_space<hbm>>
    %dma_wait3A_983 = tpu.memref_slice %arg11[%dma_wait3A_974] : memref<6x!tpu.dma_semaphore, #tpu.memory_space<semaphore_mem>> -> memref<1x!tpu.dma_semaphore, #tpu.memory_space<semaphore_mem>>
    %dma_wait3A_984 = tpu.memref_squeeze %dma_wait3A_983 : memref<1x!tpu.dma_semaphore, #tpu.memory_space<semaphore_mem>> -> memref<!tpu.dma_semaphore, #tpu.memory_space<semaphore_mem>>
    %dma_wait3A_985 = arith.constant 60 : i32
    %dma_wait3A_986 = arith.constant 0 : i32
    %dma_wait3A_987 = tpu.memref_slice %arg5[%dma_wait3A_973, %add3A, %dma_wait3A_985, %dma_wait3A_986] : memref<4x32x64x1024xf32, #tpu.memory_space<hbm>> -> memref<1x1x4x1024xf32, #tpu.memory_space<hbm>>
    %dma_wait3A_988 = tpu.memref_squeeze %dma_wait3A_987 : memref<1x1x4x1024xf32, #tpu.memory_space<hbm>> -> memref<4x1024xf32, #tpu.memory_space<hbm>>
    %dma_wait3A_989 = arith.constant 4 : i32
    %dma_wait3A_990 = arith.constant 0 : i32
    %dma_wait3A_991 = tpu.memref_slice %arg8[%dma_wait3A_972, %dma_wait3A_989, %dma_wait3A_990] : memref<6x16x1024xf32, #tpu.memory_space<vmem>> -> memref<1x4x1024xf32, #tpu.memory_space<vmem>>
    %dma_wait3A_992 = tpu.memref_squeeze %dma_wait3A_991 : memref<1x4x1024xf32, #tpu.memory_space<vmem>> -> memref<4x1024xf32, #tpu.memory_space<vmem>>
    tpu.wait_dma2 semaphore(%dma_wait3A_984 : memref<!tpu.dma_semaphore, #tpu.memory_space<semaphore_mem>>) src(%dma_wait3A_992 : memref<4x1024xf32, #tpu.memory_space<vmem>>) dst(%dma_wait3A_988 : memref<4x1024xf32, #tpu.memory_space<hbm>>)
    %dma_wait3A_993 = arith.constant 3 : i32
    %dma_wait3A_994 = arith.constant 2 : i32
    %dma_wait3A_995 = arith.constant 3 : i32
    %dma_wait3A_996 = arith.constant 8 : i32
    %dma_wait3A_997 = arith.constant 0 : i32
    %dma_wait3A_998 = tpu.memref_slice %arg8[%dma_wait3A_993, %dma_wait3A_996, %dma_wait3A_997] : memref<6x16x1024xf32, #tpu.memory_space<vmem>> -> memref<1x4x1024xf32, #tpu.memory_space<vmem>>
    %dma_wait3A_999 = tpu.memref_squeeze %dma_wait3A_998 : memref<1x4x1024xf32, #tpu.memory_space<vmem>> -> memref<4x1024xf32, #tpu.memory_space<vmem>>
    %dma_wait3A_1000 = arith.constant 60 : i32
    %dma_wait3A_1001 = arith.constant 0 : i32
    %dma_wait3A_1002 = tpu.memref_slice %arg5[%dma_wait3A_994, %add3A, %dma_wait3A_1000, %dma_wait3A_1001] : memref<4x32x64x1024xf32, #tpu.memory_space<hbm>> -> memref<1x1x4x1024xf32, #tpu.memory_space<hbm>>
    %dma_wait3A_1003 = tpu.memref_squeeze %dma_wait3A_1002 : memref<1x1x4x1024xf32, #tpu.memory_space<hbm>> -> memref<4x1024xf32, #tpu.memory_space<hbm>>
    %dma_wait3A_1004 = tpu.memref_slice %arg11[%dma_wait3A_995] : memref<6x!tpu.dma_semaphore, #tpu.memory_space<semaphore_mem>> -> memref<1x!tpu.dma_semaphore, #tpu.memory_space<semaphore_mem>>
    %dma_wait3A_1005 = tpu.memref_squeeze %dma_wait3A_1004 : memref<1x!tpu.dma_semaphore, #tpu.memory_space<semaphore_mem>> -> memref<!tpu.dma_semaphore, #tpu.memory_space<semaphore_mem>>
    %dma_wait3A_1006 = arith.constant 60 : i32
    %dma_wait3A_1007 = arith.constant 0 : i32
    %dma_wait3A_1008 = tpu.memref_slice %arg5[%dma_wait3A_994, %add3A, %dma_wait3A_1006, %dma_wait3A_1007] : memref<4x32x64x1024xf32, #tpu.memory_space<hbm>> -> memref<1x1x4x1024xf32, #tpu.memory_space<hbm>>
    %dma_wait3A_1009 = tpu.memref_squeeze %dma_wait3A_1008 : memref<1x1x4x1024xf32, #tpu.memory_space<hbm>> -> memref<4x1024xf32, #tpu.memory_space<hbm>>
    %dma_wait3A_1010 = arith.constant 8 : i32
    %dma_wait3A_1011 = arith.constant 0 : i32
    %dma_wait3A_1012 = tpu.memref_slice %arg8[%dma_wait3A_993, %dma_wait3A_1010, %dma_wait3A_1011] : memref<6x16x1024xf32, #tpu.memory_space<vmem>> -> memref<1x4x1024xf32, #tpu.memory_space<vmem>>
    %dma_wait3A_1013 = tpu.memref_squeeze %dma_wait3A_1012 : memref<1x4x1024xf32, #tpu.memory_space<vmem>> -> memref<4x1024xf32, #tpu.memory_space<vmem>>
    tpu.wait_dma2 semaphore(%dma_wait3A_1005 : memref<!tpu.dma_semaphore, #tpu.memory_space<semaphore_mem>>) src(%dma_wait3A_1013 : memref<4x1024xf32, #tpu.memory_space<vmem>>) dst(%dma_wait3A_1009 : memref<4x1024xf32, #tpu.memory_space<hbm>>)
    %dma_wait3A_1014 = arith.constant 3 : i32
    %dma_wait3A_1015 = arith.constant 3 : i32
    %dma_wait3A_1016 = arith.constant 3 : i32
    %dma_wait3A_1017 = arith.constant 12 : i32
    %dma_wait3A_1018 = arith.constant 0 : i32
    %dma_wait3A_1019 = tpu.memref_slice %arg8[%dma_wait3A_1014, %dma_wait3A_1017, %dma_wait3A_1018] : memref<6x16x1024xf32, #tpu.memory_space<vmem>> -> memref<1x4x1024xf32, #tpu.memory_space<vmem>>
    %dma_wait3A_1020 = tpu.memref_squeeze %dma_wait3A_1019 : memref<1x4x1024xf32, #tpu.memory_space<vmem>> -> memref<4x1024xf32, #tpu.memory_space<vmem>>
    %dma_wait3A_1021 = arith.constant 60 : i32
    %dma_wait3A_1022 = arith.constant 0 : i32
    %dma_wait3A_1023 = tpu.memref_slice %arg5[%dma_wait3A_1015, %add3A, %dma_wait3A_1021, %dma_wait3A_1022] : memref<4x32x64x1024xf32, #tpu.memory_space<hbm>> -> memref<1x1x4x1024xf32, #tpu.memory_space<hbm>>
    %dma_wait3A_1024 = tpu.memref_squeeze %dma_wait3A_1023 : memref<1x1x4x1024xf32, #tpu.memory_space<hbm>> -> memref<4x1024xf32, #tpu.memory_space<hbm>>
    %dma_wait3A_1025 = tpu.memref_slice %arg11[%dma_wait3A_1016] : memref<6x!tpu.dma_semaphore, #tpu.memory_space<semaphore_mem>> -> memref<1x!tpu.dma_semaphore, #tpu.memory_space<semaphore_mem>>
    %dma_wait3A_1026 = tpu.memref_squeeze %dma_wait3A_1025 : memref<1x!tpu.dma_semaphore, #tpu.memory_space<semaphore_mem>> -> memref<!tpu.dma_semaphore, #tpu.memory_space<semaphore_mem>>
    %dma_wait3A_1027 = arith.constant 60 : i32
    %dma_wait3A_1028 = arith.constant 0 : i32
    %dma_wait3A_1029 = tpu.memref_slice %arg5[%dma_wait3A_1015, %add3A, %dma_wait3A_1027, %dma_wait3A_1028] : memref<4x32x64x1024xf32, #tpu.memory_space<hbm>> -> memref<1x1x4x1024xf32, #tpu.memory_space<hbm>>
    %dma_wait3A_1030 = tpu.memref_squeeze %dma_wait3A_1029 : memref<1x1x4x1024xf32, #tpu.memory_space<hbm>> -> memref<4x1024xf32, #tpu.memory_space<hbm>>
    %dma_wait3A_1031 = arith.constant 12 : i32
    %dma_wait3A_1032 = arith.constant 0 : i32
    %dma_wait3A_1033 = tpu.memref_slice %arg8[%dma_wait3A_1014, %dma_wait3A_1031, %dma_wait3A_1032] : memref<6x16x1024xf32, #tpu.memory_space<vmem>> -> memref<1x4x1024xf32, #tpu.memory_space<vmem>>
    %dma_wait3A_1034 = tpu.memref_squeeze %dma_wait3A_1033 : memref<1x4x1024xf32, #tpu.memory_space<vmem>> -> memref<4x1024xf32, #tpu.memory_space<vmem>>
    tpu.wait_dma2 semaphore(%dma_wait3A_1026 : memref<!tpu.dma_semaphore, #tpu.memory_space<semaphore_mem>>) src(%dma_wait3A_1034 : memref<4x1024xf32, #tpu.memory_space<vmem>>) dst(%dma_wait3A_1030 : memref<4x1024xf32, #tpu.memory_space<hbm>>)
    return
  }
}

</mosaic_0001>

<sc_bundles>
// kernel: kernel.3.cloned.1.call-start
scs
__scs_entry_jumppad:
0x0: {  	(pc) =	sbr.rel $0x88, $3  }
0x1: {  	(tag) =	ssettag $0x0;
	lr =	simm.s32 $0x1  }
0x2: {  	[smem:$0x3F9F] =	sst lr;
	_ =	strace $0xD0000000  }
0x3: {  	_ = 	snop  }
0x4: {  	_ = 	snop  }
0x5: {  	_ = 	snop  }
0x6: {  	_ = 	snop  }
0x7: {  	_ = 	snop  }
__scs_overlays_trampoline_lowered:
0x8: {  	[smem:$0x3FAE] =	sst s0  }
0x9: {  	[smem:$0x3FAF] =	sst s1  }
0xa: {  	[smem:$0x3FB0] =	sst s2  }
0xb: {  	[smem:$0x3FB1] =	sst s3  }
0xc: {  	[smem:$0x3FB2] =	sst s4  }
0xd: {  	[smem:$0x3FB3] =	sst s5  }
0xe: {  	[smem:$0x3FB4] =	sst s6  }
0xf: {  	[smem:$0x3FB5] =	sst s7  }
0x10: {  	[smem:$0x3FB6] =	sst s8  }
0x11: {  	[smem:$0x3FB7] =	sst s9;
	s0 =	simm.s32 @!p0 $0x0  }
0x12: {  	s1 =	sld [smem:$0x3F9D];
	s0 =	simm.s32 @p0 $0x1  }
0x13: {  	[smem:$0x3FB8] =	sst s0;
	s0 =	simm.s32 @!p1 $0x0  }
0x14: {  	s2 =	sld [smem:$0x3F9C];
	s0 =	simm.s32 @p1 $0x1  }
0x15: {  	[smem:$0x3FB9] =	sst s0;
	s0 =	simm.s32 @!p2 $0x0  }
0x16: {  	s3 =	sld [smem:$0x3FDB];
	s0 =	simm.s32 @p2 $0x1  }
0x17: {  	s4 =	simm.s32 $0x1BF5;
	[smem:$0x3FBB] =	sst s0  }
0x18: {  	s0 =	sld [smem:$0x3F9E];
	_ =	swait.ge [sflag:s4], $0x0  }
0x19: {  	s7 =	sld [smem:$0x3F9F]  }
0x1a: {  	s8 =	sadd.s32 $0xFFFFE003, lr  }
0x1b: {  	s9 =	sadd.s32 $0xFFFFFEF7, lr;
	s5 =	simm.s32 $0xFFFFFFFF;
	p2 =	slt.u32 s8, $0xFFFFF086  }
0x1c: {  	p1 =	slt.u32 s9, $0xF7A;
	s5 =	simm.s32 @!p2 $0x0  }
0x1d: {  	s5 =	simm.s32 @p1 $0x1;
	p0 =	seq.s32 s7, s2  }
0x1e: {  	s7 =	smul.u32 @!p0 $0xF7A, s2;
	p2 =	seq.s32 @!p0 s5, $0x0  }
0x1f: {  	s9 =	smul.u32 $0xF7A, s1;
	s8 =	simm.s32 @!p0 $0x1BF5;
	p2 =	por !p2, p0  }
0x20: {  	[sflag:s8] =	ssyncset.s32 @!p0 $0xFFFFF086;
	s6 =	sadd.s32 @!p0 s3, s7;
	s7 =	simm.s32 @!p0 $0x108  }
0x21: {  	s3 =	sadd.s32 s3, s9;
	s6 =	sadd.s32 @!p0 $0x88, s6;
	s7 =	simm.s32 @p2 $0x1082  }
0x22: {  	[simem:s7], [sflag:s8] =	dma.local @!p0 [hbm:s6], $0xF7A  }
0x23: {  	s9 =	sor.u32 $0xD0000000, s2;
	s6 =	simm.s32 $0x108;
	_ =	swait.ge @!p0 [sflag:s8], $0x0  }
0x24: {  	s3 =	sadd.s32 $0x88, s3;
	s6 =	simm.s32 @!p1 $0x1082;
	[sflag:s4] =	ssyncset.s32 $0xFFFFF086  }
0x25: {  	[simem:s6], [sflag:s4] =	dma.local [hbm:s3], $0xF7A  }
0x26: {  	[smem:$0x3F9F] =	sst s1;
	(tag) =	ssettag s2;
	_ =	strace s9  }
0x27: {  	s1 =	sld [smem:$0x3FAF]  }
0x28: {  	s2 =	sld [smem:$0x3FB0]  }
0x29: {  	s4 =	sld [smem:$0x3FB2]  }
0x2a: {  	p0 =	seq.s32 s5, $0x0;
	s5 =	sld [smem:$0x3FB3]  }
0x2b: {  	s6 =	sld [smem:$0x3FB4]  }
0x2c: {  	s7 =	sld [smem:$0x3FB5]  }
0x2d: {  	s3 =	simm.s32 $0x108;
	s8 =	sld [smem:$0x3FB6]  }
0x2e: {  	s3 =	simm.s32 @!p0 $0x1082;
	s9 =	sld [smem:$0x3FB7]  }
0x2f: {  	lr =	sadd.s32 s0, s3;
	s0 =	sld [smem:$0x3FAE]  }
0x30: {  	s3 =	sld [smem:$0x3FB1]  }
0x31: {  	[smem:$0x3FBA] =	sst s10  }
0x32: {  	s10 =	sld [smem:$0x3FB8];
	_ =	sdelay $0x3  }
0x33: {  	p0 =	seq.s32 s10, $0x1;
	s10 =	sld [smem:$0x3FBA];
	_ =	sdelay $0x3  }
0x34: {  	[smem:$0x3FBA] =	sst s10  }
0x35: {  	s10 =	sld [smem:$0x3FB9];
	_ =	sdelay $0x3  }
0x36: {  	p1 =	seq.s32 s10, $0x1;
	s10 =	sld [smem:$0x3FBA];
	_ =	sdelay $0x3  }
0x37: {  	[smem:$0x3FBA] =	sst s10  }
0x38: {  	s10 =	sld [smem:$0x3FBB]  }
0x39: {  	_ = 	snop;
	(pc) =	sbr.ind lr, $3  }
0x3a: {  	_ = 	snop  }
0x3b: {  	_ = 	snop  }
0x3c: {  	p2 =	seq.s32 s10, $0x1;
	s10 =	sld [smem:$0x3FBA]  }
0x3d: {  	_ =	shalt  }
0x3e: {  	_ =	shalt  }
0x3f: {  	_ =	shalt  }
0x40: {  	_ =	shalt  }
0x41: {  	_ =	shalt  }
0x42: {  	_ =	shalt  }
0x43: {  	_ =	shalt  }
0x44: {  	_ =	shalt  }
0x45: {  	_ =	shalt  }
0x46: {  	_ =	shalt  }
0x47: {  	_ =	shalt  }
0x48: {  	_ =	shalt  }
0x49: {  	_ =	shalt  }
0x4a: {  	_ =	shalt  }
0x4b: {  	_ =	shalt  }
0x4c: {  	_ =	shalt  }
0x4d: {  	_ =	shalt  }
0x4e: {  	_ =	shalt  }
0x4f: {  	_ =	shalt  }
0x50: {  	_ =	shalt  }
0x51: {  	_ =	shalt  }
0x52: {  	_ =	shalt  }
0x53: {  	_ =	shalt  }
0x54: {  	_ =	shalt  }
0x55: {  	_ =	shalt  }
0x56: {  	_ =	shalt  }
0x57: {  	_ =	shalt  }
0x58: {  	_ =	shalt  }
0x59: {  	_ =	shalt  }
0x5a: {  	_ =	shalt  }
0x5b: {  	_ =	shalt  }
0x5c: {  	_ =	shalt  }
0x5d: {  	_ =	shalt  }
0x5e: {  	_ =	shalt  }
0x5f: {  	_ =	shalt  }
0x60: {  	_ =	shalt  }
0x61: {  	_ =	shalt  }
0x62: {  	_ =	shalt  }
0x63: {  	_ =	shalt  }
0x64: {  	_ =	shalt  }
0x65: {  	_ =	shalt  }
0x66: {  	_ =	shalt  }
0x67: {  	_ =	shalt  }
0x68: {  	_ =	shalt  }
0x69: {  	_ =	shalt  }
0x6a: {  	_ =	shalt  }
0x6b: {  	_ =	shalt  }
0x6c: {  	_ =	shalt  }
0x6d: {  	_ =	shalt  }
0x6e: {  	_ =	shalt  }
0x6f: {  	_ =	shalt  }
0x70: {  	_ =	shalt  }
0x71: {  	_ =	shalt  }
0x72: {  	_ =	shalt  }
0x73: {  	_ =	shalt  }
0x74: {  	_ =	shalt  }
0x75: {  	_ =	shalt  }
0x76: {  	_ =	shalt  }
0x77: {  	_ =	shalt  }
0x78: {  	_ =	shalt  }
0x79: {  	_ =	shalt  }
0x7a: {  	_ =	shalt  }
0x7b: {  	_ =	shalt  }
0x7c: {  	_ =	shalt  }
0x7d: {  	_ =	shalt  }
0x7e: {  	_ =	shalt  }
0x7f: {  	_ =	shalt  }
0x80: {  	_ =	shalt  }
0x81: {  	_ =	shalt  }
0x82: {  	_ =	shalt  }
0x83: {  	_ =	shalt  }
0x84: {  	_ =	shalt  }
0x85: {  	_ =	shalt  }
0x86: {  	_ =	shalt  }
0x87: {  	_ =	shalt  }
.Lfunc_end0:
.L_simem_size_0:
called_computation_lowered:
.L_overlay_start_0:
0x88: {  	s2 =	sld [smem:$0x3FD9]  }
0x89: {  	s3 =	sld [smem:$0x3FFE];
	_ =	sdelay $0x1  }
0x8a: {  	s1 =	srdreg.scid  }
0x8b: {  	s0 =	sand.u32 $0x1, s1  }
0x8c: {  	s17 =	sshll.u32 s0, $0xA;
	s2 =	sadd.s32 s3, s2  }
0x8d: {  	s2 =	sadd.s32 s2, s17  }
0x8e: {  	[smem:$0x3FC6] =	sst s2  }
0x8f: {  	_ = 	snop  }
0x90: {  	s2 =	sld [smem:$0x3FC8]  }
0x91: {  	s18 =	sld [smem:$0x3FD0];
	(tm) =	ssettm $0x1  }
0x92: {  	s4 =	sld [smem:$0x3FFB];
	_ =	sdelay $0x3  }
0x93: {  	_ =	strace s4  }
0x94: {  	s4 =	sld [smem:$0x3FFC];
	_ =	sdelay $0x3  }
0x95: {  	_ =	strace s4  }
0x96: {  	s4 =	sld [smem:$0x3FFD];
	_ =	sdelay $0x3  }
0x97: {  	_ =	strace s4  }
0x98: {  	_ =	strace $0x8FFFFFFF  }
0x99: {  	s19 =	sld [smem:$0x3FDB];
	_ =	sdelay $0x1  }
0x9a: {  	s5 =	simm.s32 $_scs_section_size  }
0x9b: {  	s6 =	simm.s32 $_size__tile_overlayer_lowered;
	s7 =	simm.s32 $_tile_overlayer_lowered  }
0x9c: {  	s22 =	simm.s32 $0x1BFF;
	s21 =	sshll.u32 s7, $0x1;
	s4 =	sadd.s32 s5, s19  }
0x9d: {  	s8 =	simm.s32 $0x0;
	s20 =	sshll.u32 s6, $0x1;
	s6 =	sadd.s32 s21, s4  }
0x9e: {  	[timem:s8], [sflag:s22] =	dma.local [hbm:s6], s20  }
0x9f: {  	_ =	swait.ge [sflag:s22], s20  }
0xa0: {  	s5 =	ssub.s32 $0x0, s20;
	[sflag:s22] =	ssyncset.done $0x0  }
0xa1: {  	[sflag:s22] =	ssyncadd.s32 s5;
	_ =	sdelay $0x1  }
0xa2: {  	s23 =	simm.s32 $0x1B8B  }
0xa3: {  	_ =	swait.ge [sflag:s23], $0x1  }
0xa4: {  	[sflag:s23] =	ssyncset.done $0x0  }
0xa5: {  	s25 =	simm.s32 $0x1B8E;
	s24 =	sld [smem:$0x3FFE];
	[sflag:s23] =	ssyncadd.s32 $0xFFFFFFFF  }
0xa6: {  	s26 =	simm.s32 $execute0_lowered;
	[smem:$0x3FD2] =	sst s25  }
0xa7: {  	s6 =	sshll.u32 s26, $0x1;
	_ =	strace $0x80000046;
	[dreg:$0x1] =	wrdreg $0xFFFFFFFF  }
0xa8: {  	s28 =	simm.s32 $_size_execute0_lowered;
	s4 =	sadd.s32 s4, s6;
	[dreg:$0x0] =	wrdreg $0x0  }
0xa9: {  	s6 =	sshll.u32 s28, $0x1;
	[dreg:$0x2] =	wrdreg s4  }
0xaa: {  	[dreg:$0x3] =	wrdreg s6  }
0xab: {  	[dreg:$0x4] =	wrdreg $0xC0  }
0xac: {  	_ =	task [dreg:s8], $0x5FFFF  }
0xad: {  	[dreg:$0x1] =	wrdreg $0xFFFFFFFF  }
0xae: {  	[dreg:$0x0] =	wrdreg $0x60  }
0xaf: {  	[dreg:$0x2] =	wrdreg s24  }
0xb0: {  	[dreg:$0x3] =	wrdreg s2  }
0xb1: {  	[dreg:$0x4] =	wrdreg s18  }
0xb2: {  	[dreg:$0x5] =	wrdreg $0x9  }
0xb3: {  	_ =	task.clear_ibuf [dreg:s8], $0x6FFFF;
	_ =	strace $0x90000046  }
0xb4: {  	s29 =	simm.s32 $0x9;
	_ =	strace $0x80000048  }
0xb5: {  	_ =	swait.ge [sflag:s29], $0x1  }
0xb6: {  	[sflag:s29] =	ssyncadd.s32 $0xFFFFFFFF  }
0xb7: {  	_ =	strace $0x90000048  }
0xb8: {  	_ =	sfence  }
0xb9: {  	s30 =	sld [smem:$0x0];
	_ =	sdelay $0x2  }
0xba: {  	s31 =	sshll.u32 s1, $0xD;
	s1 =	sshrl.u32 s1, $0x2  }
0xbb: {  	s3 =	sand.u32 $0x4000, s31;
	s1 =	sadd.s32 s1, s30  }
0xbc: {  	s0 =	sor.u32 s3, s0;
	s1 =	sshll.u32 s1, $0x11  }
0xbd: {  	s0 =	sor.u32 s1, s0  }
0xbe: {  	s0 =	sadd.s32 $0x8F2B, s0  }
0xbf: {  	[sflag:s0] =	ssyncadd.remote.s32 $0x1  }
0xc0: {  	_ =	sfence.sel $0xFFFF  }
0xc1: {  	[dreg:$0x0] =	wrdreg $0xFFFFFFFF;
	(pc) =	sbr.abs _section_cstart, $3  }
0xc2: {  	[dreg:$0x1] =	wrdreg $0xFFFFFFFF  }
0xc3: {  	_ =	task.clear_ibuf [dreg:s8], $0x2FFFF;
	_ =	strace $0x9FFFFFFF  }
0xc4: {  	(tm) =	ssettm $0x7FFFFFFF  }
0xc5: {  	_ =	shalt  }
tec
execute0_lowered:
.L_overlay_start_1:
0x0: {  	(tag) =	ssettag $0x1  }
0x1: {  	s0 =	rddreg [dreg:$0x0]  }
0x2: {  	s2 =	rddreg [dreg:$0x1]  }
0x3: {  	s1 =	srdreg.scid;
	s4 =	stileid.u32  }
0x4: {  	s3 =	rddreg [dreg:$0x2];
	s30 =	simm.s32 $0x200;
	s31 =	simm.s32 $0x400  }
0x5: {  	s21 =	simm.s32 $0x9;
	s22 =	simm.s32 $0xA;
	s1 =	sand.u32 $0x1, s1  }
0x6: {  	s5 =	sshll.u32 s4, $0x1;
	s4 =	simm.s32 $0x0;
	s10 =	sadd.s32 $0x200, s2  }
0x7: {  	s11 =	sadd.s32 $0x300, s2;
	s16 =	sadd.s32 $0x40000, s3;
	s6 =	sor.u32 s1, s5  }
0x8: {  	[smem:$0x7FF] =	sst s4;
	s1 =	ssub.s32 $0x2, s1;
	s5 =	sshll.u32 s6, $0x8  }
0x9: {  	_ =	strace $0x80000047;
	s8 =	sshrl.u32 s1, $0x1;
	s7 =	sadd.s32 s5, s0  }
0xa: {  	s6 =	sshll.u32 s6, $0xD;
	s5 =	sadd.s32 $0x2400, s0;
	s24 =	sadd.s32 $0x400, s7  }
0xb: {  	s23 =	ssub.s32 s1, s8;
	s25 =	sadd.s32 s5, s6;
	[dreg:$0x4] =	wrdreg s24  }
0xc: {  	s17 =	sadd.s32 $0x80000, s3;
	s0 =	smax.u32 s23, $0x1;
	[dreg:$0x5] =	wrdreg s25  }
.Ltmp0:
0xd: {  	s26 =	sadd.s32 $0x40, s25;
	[dreg:$0xa] =	wrdreg s0;
	(pc) =	sbr.rel .LBB2_1-.Ltmp0, $4  }
0xe: {  	s18 =	sadd.s32 $0xC0000, s3;
	s28 =	sadd.s32 $0x400, s25;
	[dreg:$0x6] =	wrdreg s26  }
0xf: {  	v2 =	vlaneseq.u32;
	s8 =	sadd.s32 $0x100, s2;
	s29 =	sadd.s32 $0x440, s25;
	[dreg:$0x7] =	wrdreg s28  }
0x10: {  	vm0 =	vmmov $0xffff;
	v3 =	vimm.s32 $0x0;
	v1 =	vshrl.u32 v2, $0x3;
	s23 =	simm.s32 $0x0;
	s1 =	sadd.s32 $0x800, s25;
	[dreg:$0x8] =	wrdreg s29  }
0x11: {  	v0 =	vand.u32 $0x7, v2;
	v2 =	vor.u32 $0x8, v2;
	v1 =	vmul.u32 $0x8, v1;
	s0 =	simm.s32 $0x8;
	[dreg:$0x9] =	wrdreg s1;
	s26 =	simm.s32 $0x800  }
.LBB2_10:
0x12: {  	s1 =	simm.s32 $0xB  }
0x13: {  	_ =	swait.ge [sflag:s1], $0x1000  }
0x14: {  	[sflag:s1] =	ssyncset.done $0x0  }
0x15: {  	[sflag:s1] =	ssyncadd.s32 $0xFFFFF000  }
0x16: {  	_ =	swait.ge [sflag:s1], $0x1000  }
0x17: {  	[sflag:s1] =	ssyncset.done $0x0  }
0x18: {  	[sflag:s1] =	ssyncadd.s32 $0xFFFFF000  }
0x19: {  	_ =	swait.ge [sflag:s1], $0x1000  }
0x1a: {  	[sflag:s1] =	ssyncset.done $0x0  }
0x1b: {  	[sflag:s1] =	ssyncadd.s32 $0xFFFFF000  }
0x1c: {  	_ =	swait.ge [sflag:s1], $0x1000  }
0x1d: {  	[sflag:s1] =	ssyncset.done $0x0  }
0x1e: {  	s25 =	simm.s32 $0xC;
	[sflag:s1] =	ssyncadd.s32 $0xFFFFF000  }
0x1f: {  	_ =	swait.ge [sflag:s25], $0x1000  }
0x20: {  	[sflag:s25] =	ssyncset.done $0x0  }
0x21: {  	[sflag:s25] =	ssyncadd.s32 $0xFFFFF000  }
0x22: {  	_ =	swait.ge [sflag:s25], $0x1000  }
0x23: {  	[sflag:s25] =	ssyncset.done $0x0  }
0x24: {  	[sflag:s25] =	ssyncadd.s32 $0xFFFFF000  }
0x25: {  	_ =	swait.ge [sflag:s25], $0x1000  }
0x26: {  	[sflag:s25] =	ssyncset.done $0x0  }
0x27: {  	[sflag:s25] =	ssyncadd.s32 $0xFFFFF000  }
0x28: {  	_ =	swait.ge [sflag:s25], $0x1000  }
0x29: {  	[sflag:s25] =	ssyncset.done $0x0  }
0x2a: {  	s28 =	simm.s32 $0x7;
	[sflag:s25] =	ssyncadd.s32 $0xFFFFF000  }
0x2b: {  	_ =	swait.ge [sflag:s28], $0x1000  }
0x2c: {  	[sflag:s28] =	ssyncset.done $0x0  }
0x2d: {  	[sflag:s28] =	ssyncadd.s32 $0xFFFFF000  }
0x2e: {  	_ =	swait.ge [sflag:s28], $0x1000  }
0x2f: {  	[sflag:s28] =	ssyncset.done $0x0  }
0x30: {  	[sflag:s28] =	ssyncadd.s32 $0xFFFFF000  }
0x31: {  	_ =	swait.ge [sflag:s28], $0x1000  }
0x32: {  	[sflag:s28] =	ssyncset.done $0x0  }
0x33: {  	[sflag:s28] =	ssyncadd.s32 $0xFFFFF000  }
0x34: {  	_ =	swait.ge [sflag:s28], $0x1000  }
0x35: {  	[sflag:s28] =	ssyncset.done $0x0  }
0x36: {  	[sflag:s28] =	ssyncadd.s32 $0xFFFFF000  }
0x37: {  	_ =	swait.ge [sflag:s0], $0x1000  }
0x38: {  	[sflag:s0] =	ssyncset.done $0x0  }
0x39: {  	[sflag:s0] =	ssyncadd.s32 $0xFFFFF000  }
0x3a: {  	_ =	swait.ge [sflag:s0], $0x1000  }
0x3b: {  	[sflag:s0] =	ssyncset.done $0x0  }
0x3c: {  	[sflag:s0] =	ssyncadd.s32 $0xFFFFF000  }
0x3d: {  	_ =	swait.ge [sflag:s0], $0x1000  }
0x3e: {  	[sflag:s0] =	ssyncset.done $0x0  }
0x3f: {  	[sflag:s0] =	ssyncadd.s32 $0xFFFFF000  }
0x40: {  	_ =	swait.ge [sflag:s0], $0x1000  }
0x41: {  	[sflag:s0] =	ssyncset.done $0x0  }
0x42: {  	[sflag:s0] =	ssyncadd.s32 $0xFFFFF000  }
0x43: {  	_ =	swait.ge [sflag:s21], $0x1000  }
0x44: {  	[sflag:s21] =	ssyncset.done $0x0  }
0x45: {  	[sflag:s21] =	ssyncadd.s32 $0xFFFFF000  }
0x46: {  	_ =	swait.ge [sflag:s21], $0x1000  }
0x47: {  	[sflag:s21] =	ssyncset.done $0x0  }
0x48: {  	[sflag:s21] =	ssyncadd.s32 $0xFFFFF000  }
0x49: {  	_ =	swait.ge [sflag:s21], $0x1000  }
0x4a: {  	[sflag:s21] =	ssyncset.done $0x0  }
0x4b: {  	[sflag:s21] =	ssyncadd.s32 $0xFFFFF000  }
0x4c: {  	_ =	swait.ge [sflag:s21], $0x1000  }
0x4d: {  	[sflag:s21] =	ssyncset.done $0x0  }
0x4e: {  	[sflag:s21] =	ssyncadd.s32 $0xFFFFF000  }
0x4f: {  	_ =	swait.ge [sflag:s22], $0x1000  }
0x50: {  	[sflag:s22] =	ssyncset.done $0x0  }
0x51: {  	[sflag:s22] =	ssyncadd.s32 $0xFFFFF000  }
0x52: {  	_ =	swait.ge [sflag:s22], $0x1000  }
0x53: {  	[sflag:s22] =	ssyncset.done $0x0  }
0x54: {  	[sflag:s22] =	ssyncadd.s32 $0xFFFFF000  }
0x55: {  	_ =	swait.ge [sflag:s22], $0x1000  }
0x56: {  	[sflag:s22] =	ssyncset.done $0x0  }
0x57: {  	[sflag:s22] =	ssyncadd.s32 $0xFFFFF000  }
0x58: {  	_ =	swait.ge [sflag:s22], $0x1000  }
0x59: {  	s23 =	sadd.s32 $0x1, s23;
	s29 =	rddreg [dreg:$0xa]  }
0x5a: {  	p0 =	sne.s32 s23, s29  }
.Ltmp1:
0x5b: {  	_ = 	snop;
	(pc) =	sbr.rel @!p0 .LBB2_11-.Ltmp1, $3  }
0x5c: {  	_ =	sdelay $0x1  }
0x5d: {  	[sflag:s22] =	ssyncset.done $0x0  }
0x5e: {  	[sflag:s22] =	ssyncadd.s32 $0xFFFFF000  }
.LBB2_1:
0x5f: {  	s1 =	rddreg [dreg:$0x4];
	s14 =	simm.s32 $0x13  }
0x60: {  	[tilespmem:s4], [sflag:$0x13] =	stream.linear.gather [hbm4b:s1+s4], $0x800, $0x38;
	[tilespmem:$0x1E900] =	vst v63  }
0x61: {  	_ =	swait.ge [sflag:s14], $0x800  }
0x62: {  	[sflag:s14] =	ssyncset.done $0x0  }
0x63: {  	[sflag:s14] =	ssyncadd.s32 $0xFFFFF800  }
0x64: {  	v4 =	vld [tilespmem:$0x0];
	_ =	sdelay $0x4  }
0x65: {  	v5 =	vshll.u32 v4, $0x3  }
0x66: {  	v4 =	vand.u32 $0x7, v4;
	v5 =	vand.u32 $0xFFFFFFC0, v5  }
0x67: {  	v4 =	vor.u32 v4, v5  }
0x68: {  	v5 =	vperm.xlane v4, v0;
	_ =	sdelay $0x1  }
0x69: {  	v5 =	vadd.s32 v1, v5;
	_ =	sdelay $0x3  }
0x6a: {  	s15 =	simm.s32 $0x900  }
0x6b: {  	[tilespmem:s15], [sflag:$0x1] =	stream.indirect_vreg.gather [hbm4b:s2+s4], $0x80, v5, vm0, $0xb8;
	[tilespmem:$0x1E900] =	vst v63  }
0x6c: {  	s19 =	simm.s32 $0x1100;
	v4 =	vperm.xlane v4, v2  }
0x6d: {  	[tilespmem:s19], [sflag:$0x1] =	stream.indirect_vreg.gather [hbm4b:s8+s4], $0x80, v5, vm0, $0xb8;
	[tilespmem:$0x1E900] =	vst v63  }
0x6e: {  	s20 =	simm.s32 $0x1900;
	v4 =	vadd.s32 v1, v4  }
0x6f: {  	[tilespmem:s20], [sflag:$0x1] =	stream.indirect_vreg.gather [hbm4b:s10+s4], $0x80, v5, vm0, $0xb8;
	[tilespmem:$0x1E900] =	vst v63  }
0x70: {  	s24 =	simm.s32 $0x2100  }
0x71: {  	[tilespmem:s24], [sflag:$0x1] =	stream.indirect_vreg.gather [hbm4b:s11+s4], $0x80, v5, vm0, $0xb8;
	[tilespmem:$0x1E900] =	vst v63  }
0x72: {  	s25 =	simm.s32 $0x2900  }
0x73: {  	[tilespmem:s25], [sflag:$0x1] =	stream.indirect_vreg.gather [hbm4b:s2+s4], $0x80, v4, vm0, $0xb8;
	[tilespmem:$0x1E900] =	vst v63  }
0x74: {  	s28 =	simm.s32 $0x3100  }
0x75: {  	[tilespmem:s28], [sflag:$0x1] =	stream.indirect_vreg.gather [hbm4b:s8+s4], $0x80, v4, vm0, $0xb8;
	[tilespmem:$0x1E900] =	vst v63  }
0x76: {  	s29 =	simm.s32 $0x3900  }
0x77: {  	[tilespmem:s29], [sflag:$0x1] =	stream.indirect_vreg.gather [hbm4b:s10+s4], $0x80, v4, vm0, $0xb8;
	[tilespmem:$0x1E900] =	vst v63  }
0x78: {  	s7 =	simm.s32 $0x4100  }
0x79: {  	[tilespmem:s7], [sflag:$0x1] =	stream.indirect_vreg.gather [hbm4b:s11+s4], $0x80, v4, vm0, $0xb8;
	[tilespmem:$0x1E900] =	vst v63  }
0x7a: {  	s9 =	rddreg [dreg:$0x5];
	s7 =	simm.s32 $0x18900  }
0x7b: {  	[tilespmem:s7], [sflag:$0xD] =	stream.strided.gather [hbm4b:s9+s30], $0x1000, s31, s30, $0x38;
	[tilespmem:$0x1E900] =	vst v63  }
0x7c: {  	v4 =	vld [tilespmem:$0x80];
	_ =	sdelay $0x4  }
0x7d: {  	v5 =	vshll.u32 v4, $0x3  }
0x7e: {  	v4 =	vand.u32 $0x7, v4;
	v5 =	vand.u32 $0xFFFFFFC0, v5  }
0x7f: {  	v4 =	vor.u32 v4, v5  }
0x80: {  	v5 =	vperm.xlane v4, v0;
	_ =	sdelay $0x1  }
0x81: {  	v5 =	vadd.s32 v1, v5;
	_ =	sdelay $0x3  }
0x82: {  	s12 =	simm.s32 $0x4900  }
0x83: {  	[tilespmem:s12], [sflag:$0x2] =	stream.indirect_vreg.gather [hbm4b:s2+s4], $0x80, v5, vm0, $0xb8;
	[tilespmem:$0x1E900] =	vst v63  }
0x84: {  	s13 =	simm.s32 $0x5100;
	v4 =	vperm.xlane v4, v2  }
0x85: {  	[tilespmem:s13], [sflag:$0x2] =	stream.indirect_vreg.gather [hbm4b:s8+s4], $0x80, v5, vm0, $0xb8;
	[tilespmem:$0x1E900] =	vst v63  }
0x86: {  	s14 =	simm.s32 $0x5900;
	v4 =	vadd.s32 v1, v4  }
0x87: {  	[tilespmem:s14], [sflag:$0x2] =	stream.indirect_vreg.gather [hbm4b:s10+s4], $0x80, v5, vm0, $0xb8;
	[tilespmem:$0x1E900] =	vst v63  }
0x88: {  	s15 =	simm.s32 $0x6100  }
0x89: {  	[tilespmem:s15], [sflag:$0x2] =	stream.indirect_vreg.gather [hbm4b:s11+s4], $0x80, v5, vm0, $0xb8;
	[tilespmem:$0x1E900] =	vst v63  }
0x8a: {  	s19 =	simm.s32 $0x6900  }
0x8b: {  	[tilespmem:s19], [sflag:$0x2] =	stream.indirect_vreg.gather [hbm4b:s2+s4], $0x80, v4, vm0, $0xb8;
	[tilespmem:$0x1E900] =	vst v63  }
0x8c: {  	s20 =	simm.s32 $0x7100  }
0x8d: {  	[tilespmem:s20], [sflag:$0x2] =	stream.indirect_vreg.gather [hbm4b:s8+s4], $0x80, v4, vm0, $0xb8;
	[tilespmem:$0x1E900] =	vst v63  }
0x8e: {  	s24 =	simm.s32 $0x7900  }
0x8f: {  	[tilespmem:s24], [sflag:$0x2] =	stream.indirect_vreg.gather [hbm4b:s10+s4], $0x80, v4, vm0, $0xb8;
	[tilespmem:$0x1E900] =	vst v63  }
0x90: {  	s25 =	simm.s32 $0x8100  }
0x91: {  	[tilespmem:s25], [sflag:$0x2] =	stream.indirect_vreg.gather [hbm4b:s11+s4], $0x80, v4, vm0, $0xb8;
	[tilespmem:$0x1E900] =	vst v63  }
0x92: {  	s28 =	rddreg [dreg:$0x6];
	s29 =	simm.s32 $0x19900  }
0x93: {  	[tilespmem:s29], [sflag:$0xE] =	stream.strided.gather [hbm4b:s28+s30], $0x1000, s31, s30, $0x38;
	[tilespmem:$0x1E900] =	vst v63  }
0x94: {  	v4 =	vld [tilespmem:$0x100];
	_ =	sdelay $0x4  }
0x95: {  	v5 =	vshll.u32 v4, $0x3  }
0x96: {  	v4 =	vand.u32 $0x7, v4;
	v5 =	vand.u32 $0xFFFFFFC0, v5  }
0x97: {  	v4 =	vor.u32 v4, v5  }
0x98: {  	v5 =	vperm.xlane v4, v0;
	_ =	sdelay $0x1  }
0x99: {  	v5 =	vadd.s32 v1, v5;
	_ =	sdelay $0x3  }
0x9a: {  	s9 =	simm.s32 $0x8900  }
0x9b: {  	[tilespmem:s9], [sflag:$0x3] =	stream.indirect_vreg.gather [hbm4b:s2+s4], $0x80, v5, vm0, $0xb8;
	[tilespmem:$0x1E900] =	vst v63  }
0x9c: {  	s12 =	simm.s32 $0x9100;
	v4 =	vperm.xlane v4, v2  }
0x9d: {  	[tilespmem:s12], [sflag:$0x3] =	stream.indirect_vreg.gather [hbm4b:s8+s4], $0x80, v5, vm0, $0xb8;
	[tilespmem:$0x1E900] =	vst v63  }
0x9e: {  	s13 =	simm.s32 $0x9900;
	v4 =	vadd.s32 v1, v4  }
0x9f: {  	[tilespmem:s13], [sflag:$0x3] =	stream.indirect_vreg.gather [hbm4b:s10+s4], $0x80, v5, vm0, $0xb8;
	[tilespmem:$0x1E900] =	vst v63  }
0xa0: {  	s14 =	simm.s32 $0xA100  }
0xa1: {  	[tilespmem:s14], [sflag:$0x3] =	stream.indirect_vreg.gather [hbm4b:s11+s4], $0x80, v5, vm0, $0xb8;
	[tilespmem:$0x1E900] =	vst v63  }
0xa2: {  	s15 =	simm.s32 $0xA900  }
0xa3: {  	[tilespmem:s15], [sflag:$0x3] =	stream.indirect_vreg.gather [hbm4b:s2+s4], $0x80, v4, vm0, $0xb8;
	[tilespmem:$0x1E900] =	vst v63  }
0xa4: {  	s19 =	simm.s32 $0xB100  }
0xa5: {  	[tilespmem:s19], [sflag:$0x3] =	stream.indirect_vreg.gather [hbm4b:s8+s4], $0x80, v4, vm0, $0xb8;
	[tilespmem:$0x1E900] =	vst v63  }
0xa6: {  	s20 =	simm.s32 $0xB900  }
0xa7: {  	[tilespmem:s20], [sflag:$0x3] =	stream.indirect_vreg.gather [hbm4b:s10+s4], $0x80, v4, vm0, $0xb8;
	[tilespmem:$0x1E900] =	vst v63  }
0xa8: {  	s24 =	simm.s32 $0xC100  }
0xa9: {  	[tilespmem:s24], [sflag:$0x3] =	stream.indirect_vreg.gather [hbm4b:s11+s4], $0x80, v4, vm0, $0xb8;
	[tilespmem:$0x1E900] =	vst v63  }
0xaa: {  	s25 =	rddreg [dreg:$0x7];
	s28 =	simm.s32 $0x1A900  }
0xab: {  	[tilespmem:s28], [sflag:$0xF] =	stream.strided.gather [hbm4b:s25+s30], $0x1000, s31, s30, $0x38;
	[tilespmem:$0x1E900] =	vst v63  }
0xac: {  	v4 =	vld [tilespmem:$0x180];
	_ =	sdelay $0x4  }
0xad: {  	v5 =	vshll.u32 v4, $0x3  }
0xae: {  	v4 =	vand.u32 $0x7, v4;
	v5 =	vand.u32 $0xFFFFFFC0, v5  }
0xaf: {  	v4 =	vor.u32 v4, v5  }
0xb0: {  	v5 =	vperm.xlane v4, v0;
	_ =	sdelay $0x1  }
0xb1: {  	v5 =	vadd.s32 v1, v5;
	_ =	sdelay $0x3  }
0xb2: {  	s29 =	simm.s32 $0xC900  }
0xb3: {  	[tilespmem:s29], [sflag:$0x4] =	stream.indirect_vreg.gather [hbm4b:s2+s4], $0x80, v5, vm0, $0xb8;
	[tilespmem:$0x1E900] =	vst v63  }
0xb4: {  	s7 =	simm.s32 $0xD100;
	v4 =	vperm.xlane v4, v2  }
0xb5: {  	[tilespmem:s7], [sflag:$0x4] =	stream.indirect_vreg.gather [hbm4b:s8+s4], $0x80, v5, vm0, $0xb8;
	[tilespmem:$0x1E900] =	vst v63  }
0xb6: {  	s9 =	simm.s32 $0xD900;
	v4 =	vadd.s32 v1, v4  }
0xb7: {  	[tilespmem:s9], [sflag:$0x4] =	stream.indirect_vreg.gather [hbm4b:s10+s4], $0x80, v5, vm0, $0xb8;
	[tilespmem:$0x1E900] =	vst v63  }
0xb8: {  	s12 =	simm.s32 $0xE100  }
0xb9: {  	[tilespmem:s12], [sflag:$0x4] =	stream.indirect_vreg.gather [hbm4b:s11+s4], $0x80, v5, vm0, $0xb8;
	[tilespmem:$0x1E900] =	vst v63  }
0xba: {  	s13 =	simm.s32 $0xE900  }
0xbb: {  	[tilespmem:s13], [sflag:$0x4] =	stream.indirect_vreg.gather [hbm4b:s2+s4], $0x80, v4, vm0, $0xb8;
	[tilespmem:$0x1E900] =	vst v63  }
0xbc: {  	s14 =	simm.s32 $0xF100  }
0xbd: {  	[tilespmem:s14], [sflag:$0x4] =	stream.indirect_vreg.gather [hbm4b:s8+s4], $0x80, v4, vm0, $0xb8;
	[tilespmem:$0x1E900] =	vst v63  }
0xbe: {  	s15 =	simm.s32 $0xF900  }
0xbf: {  	[tilespmem:s15], [sflag:$0x4] =	stream.indirect_vreg.gather [hbm4b:s10+s4], $0x80, v4, vm0, $0xb8;
	[tilespmem:$0x1E900] =	vst v63  }
0xc0: {  	s19 =	simm.s32 $0x10100  }
0xc1: {  	[tilespmem:s19], [sflag:$0x4] =	stream.indirect_vreg.gather [hbm4b:s11+s4], $0x80, v4, vm0, $0xb8;
	[tilespmem:$0x1E900] =	vst v63  }
0xc2: {  	s20 =	rddreg [dreg:$0x8];
	s24 =	simm.s32 $0x1B900  }
0xc3: {  	[tilespmem:s24], [sflag:$0x10] =	stream.strided.gather [hbm4b:s20+s30], $0x1000, s31, s30, $0x38;
	[tilespmem:$0x1E900] =	vst v63  }
0xc4: {  	v4 =	vld [tilespmem:$0x200];
	_ =	sdelay $0x4  }
0xc5: {  	v5 =	vshll.u32 v4, $0x3  }
0xc6: {  	v4 =	vand.u32 $0x7, v4;
	v5 =	vand.u32 $0xFFFFFFC0, v5  }
0xc7: {  	v4 =	vor.u32 v4, v5  }
0xc8: {  	v5 =	vperm.xlane v4, v0;
	_ =	sdelay $0x1  }
0xc9: {  	v5 =	vadd.s32 v1, v5;
	_ =	sdelay $0x3  }
0xca: {  	s25 =	simm.s32 $0x10900  }
0xcb: {  	[tilespmem:s25], [sflag:$0x5] =	stream.indirect_vreg.gather [hbm4b:s2+s4], $0x80, v5, vm0, $0xb8;
	[tilespmem:$0x1E900] =	vst v63  }
0xcc: {  	s28 =	simm.s32 $0x11100;
	v4 =	vperm.xlane v4, v2  }
0xcd: {  	[tilespmem:s28], [sflag:$0x5] =	stream.indirect_vreg.gather [hbm4b:s8+s4], $0x80, v5, vm0, $0xb8;
	[tilespmem:$0x1E900] =	vst v63  }
0xce: {  	s29 =	simm.s32 $0x11900;
	v4 =	vadd.s32 v1, v4  }
0xcf: {  	[tilespmem:s29], [sflag:$0x5] =	stream.indirect_vreg.gather [hbm4b:s10+s4], $0x80, v5, vm0, $0xb8;
	[tilespmem:$0x1E900] =	vst v63  }
0xd0: {  	s7 =	simm.s32 $0x12100  }
0xd1: {  	[tilespmem:s7], [sflag:$0x5] =	stream.indirect_vreg.gather [hbm4b:s11+s4], $0x80, v5, vm0, $0xb8;
	[tilespmem:$0x1E900] =	vst v63  }
0xd2: {  	s9 =	simm.s32 $0x12900  }
0xd3: {  	[tilespmem:s9], [sflag:$0x5] =	stream.indirect_vreg.gather [hbm4b:s2+s4], $0x80, v4, vm0, $0xb8;
	[tilespmem:$0x1E900] =	vst v63  }
0xd4: {  	s12 =	simm.s32 $0x13100  }
0xd5: {  	[tilespmem:s12], [sflag:$0x5] =	stream.indirect_vreg.gather [hbm4b:s8+s4], $0x80, v4, vm0, $0xb8;
	[tilespmem:$0x1E900] =	vst v63  }
0xd6: {  	s13 =	simm.s32 $0x13900  }
0xd7: {  	[tilespmem:s13], [sflag:$0x5] =	stream.indirect_vreg.gather [hbm4b:s10+s4], $0x80, v4, vm0, $0xb8;
	[tilespmem:$0x1E900] =	vst v63  }
0xd8: {  	s14 =	simm.s32 $0x14100  }
0xd9: {  	[tilespmem:s14], [sflag:$0x5] =	stream.indirect_vreg.gather [hbm4b:s11+s4], $0x80, v4, vm0, $0xb8;
	[tilespmem:$0x1E900] =	vst v63  }
0xda: {  	s15 =	rddreg [dreg:$0x9];
	s19 =	simm.s32 $0x1C900  }
0xdb: {  	[tilespmem:s19], [sflag:$0x11] =	stream.strided.gather [hbm4b:s15+s30], $0x1000, s31, s30, $0x38;
	[tilespmem:$0x1E900] =	vst v63  }
0xdc: {  	v4 =	vld [tilespmem:$0x0]  }
0xdd: {  	v5 =	vld [tilespmem:$0x80]  }
0xde: {  	v6 =	vld [tilespmem:$0x100]  }
0xdf: {  	v7 =	vld [tilespmem:$0x180]  }
0xe0: {  	v8 =	vld [tilespmem:$0x200]  }
0xe1: {  	v29 =	vld [tilespmem:$0x380]  }
0xe2: {  	vm11 =	veq.s32 v4, $0x1;
	v4 =	vld [tilespmem:$0x280]  }
0xe3: {  	vm12 =	veq.s32 v5, $0x1;
	v5 =	vld [tilespmem:$0x300];
	v9 =	vsel vm11, $0x1, v3  }
0xe4: {  	v31 =	vld [tilespmem:$0x400];
	vm13 =	veq.s32 v6, $0x1;
	v28 =	vsel vm12, $0x1, v3;
	(xrf0) =	vadd.scan.msk.s32 $0xffff, v9  }
0xe5: {  	v33 =	vld [tilespmem:$0x480];
	vm2 =	veq.s32 v7, $0x1;
	v30 =	vsel vm13, $0x1, v3;
	(xrf0) =	vadd.scan.msk.s32 $0xffff, v28  }
0xe6: {  	v38 =	vld [tilespmem:$0x600];
	vm14 =	veq.s32 v8, $0x1;
	v32 =	vsel vm2, $0x1, v3;
	(xrf0) =	vadd.scan.msk.s32 $0xffff, v30  }
0xe7: {  	v34 =	vsel vm14, $0x1, v3;
	(xrf0) =	vadd.scan.msk.s32 $0xffff, v32;
	vm6 =	veq.s32 v4, $0x1;
	v4 =	vld [tilespmem:$0x500]  }
0xe8: {  	vm4 =	veq.s32 v5, $0x1;
	v5 =	vld [tilespmem:$0x580];
	(xrf0) =	vadd.scan.msk.s32 $0xffff, v34;
	v35 =	vsel vm6, $0x1, v3  }
0xe9: {  	v40 =	vld [tilespmem:$0x680];
	vm1 =	veq.s32 v29, $0x1;
	v36 =	vsel vm4, $0x1, v3;
	(xrf0) =	vadd.scan.msk.s32 $0xffff, v35  }
0xea: {  	v37 =	vimm.s32 $0x0;
	v43 =	vld [tilespmem:$0x700];
	vm3 =	veq.s32 v31, $0x1;
	v39 =	vsel vm1, $0x1, v3;
	v10, _, _ =	vpop (xrf0);
	(xrf0) =	vadd.scan.msk.s32 $0xffff, v36  }
0xeb: {  	vm5 =	veq.s32 v33, $0x1;
	vm9 =	veq.s32 v38, $0x1;
	v42 =	vsel vm3, $0x1, v3;
	v41, _, _ =	vpop (xrf0);
	(xrf0) =	vadd.scan.msk.s32 $0xffff, v39  }
0xec: {  	v45 =	vsel vm5, $0x1, v3;
	(v2sf) =	vpush v10, $0xF;
	v44, _, _ =	vpop (xrf0);
	(xrf0) =	vadd.scan.msk.s32 $0xffff, v42;
	vm7 =	veq.s32 v4, $0x1;
	v4 =	vld [tilespmem:$0x780]  }
0xed: {  	(v2sf) =	vpush v41, $0xF;
	vm8 =	veq.s32 v5, $0x1;
	v46, _, _ =	vpop (xrf0);
	(xrf0) =	vadd.scan.msk.s32 $0xffff, v45;
	v5 =	vsel vm7, $0x1, v3  }
0xee: {  	vm10 =	veq.s32 v40, $0x1;
	(v2sf) =	vpush v44, $0xF;
	v47, _, _ =	vpop (xrf0);
	(xrf0) =	vadd.scan.msk.s32 $0xffff, v5;
	v5 =	vsel vm8, $0x1, v3  }
0xef: {  	vm15 =	veq.s32 v43, $0x1;
	(v2sf) =	vpush v46, $0xF;
	v48, _, _ =	vpop (xrf0);
	(xrf0) =	vadd.scan.msk.s32 $0xffff, v5;
	v5 =	vsel vm9, $0x1, v3  }
0xf0: {  	v6 =	vsel vm1, $0xFFFFFFFF, v37;
	(v2sf) =	vpush v47, $0xF;
	v49, _, _ =	vpop (xrf0);
	(xrf0) =	vadd.scan.msk.s32 $0xffff, v5;
	v5 =	vsel vm10, $0x1, v3  }
0xf1: {  	(v2sf) =	vpush v48, $0xF;
	v50, _, _ =	vpop (xrf0);
	(xrf0) =	vadd.scan.msk.s32 $0xffff, v5;
	v5 =	vsel vm15, $0x1, v3;
	vm1 =	veq.s32 v4, $0x1  }
0xf2: {  	(v2sf) =	vpush v49, $0xF;
	v4, _, _ =	vpop (xrf0);
	(xrf0) =	vadd.scan.msk.s32 $0xffff, v5;
	v5 =	vsel vm1, $0x1, v3  }
0xf3: {  	(v2sf) =	vpush v50, $0xF  }
0xf4: {  	(v2sf) =	vpush v4, $0xF;
	v4, _, _ =	vpop (xrf0);
	(xrf0) =	vadd.scan.msk.s32 $0xffff, v5  }
0xf5: {  	(v2sf) =	vpush v4, $0xF;
	v5, _, _ =	vpop (xrf0)  }
0xf6: {  	v4, _, _ =	vpop (xrf0);
	(v2sf) =	vpush v5, $0xF  }
0xf7: {  	v5, _, _ =	vpop (xrf0);
	(v2sf) =	vpush v4, $0xF  }
0xf8: {  	v4, _, _ =	vpop (xrf0);
	(v2sf) =	vpush v5, $0xF  }
0xf9: {  	v5, _, _ =	vpop (xrf0);
	(v2sf) =	vpush v4, $0xF  }
0xfa: {  	v4 =	vsel vm11, $0x3F800000, v3;
	(v2sf) =	vpush v5, $0xF;
	v5, _, _ =	vpop (xrf0)  }
0xfb: {  	v51 =	vsel vm12, $0x3F800000, v3;
	s20 =	spop (v2sf);
	v4 =	vsub.f32 $1.000000000e+00, v4;
	(v2sf) =	vpush v5, $0xF  }
0xfc: {  	[tilespmem:$0x1FFF0] =	vst v6;
	v6 =	vsub.f32 $1.000000000e+00, v51;
	v5 =	vsel vm13, $0x3F800000, v3;
	s24 =	spop (v2sf)  }
0xfd: {  	v52 =	vsel vm2, $0x3F800000, v3;
	s1 =	sadd.s32 s20, s24;
	s25 =	spop (v2sf);
	[tilespmem:$0x800] =	vst v4;
	v4 =	vsub.f32 $1.000000000e+00, v5  }
0xfe: {  	v53 =	vsub.f32 $1.000000000e+00, v52;
	[tilespmem:$0x810] =	vst v6;
	v5 =	vsel vm14, $0x3F800000, v3;
	s1 =	sadd.s32 s25, s1;
	s28 =	spop (v2sf)  }
0xff: {  	v58 =	vsel vm5, $0x3F800000, v3;
	v56 =	vld [tilespmem:$0x1FFF0];
	s1 =	sadd.s32 s28, s1;
	s29 =	spop (v2sf);
	[tilespmem:$0x820] =	vst v4;
	v4 =	vsub.f32 $1.000000000e+00, v5  }
0x100: {  	v59 =	vsub.f32 $1.000000000e+00, v58;
	[tilespmem:$0x830] =	vst v53;
	v5 =	vsel vm4, $0x3F800000, v3;
	s1 =	sadd.s32 s29, s1;
	s9 =	spop (v2sf)  }
0x101: {  	v62 =	vsel vm10, $0x3F800000, v3;
	s1 =	sadd.s32 s9, s1;
	s12 =	spop (v2sf);
	[tilespmem:$0x840] =	vst v4;
	v4 =	vsub.f32 $1.000000000e+00, v5  }
0x102: {  	v63 =	vsub.f32 $1.000000000e+00, v62;
	[tilespmem:$0x890] =	vst v59;
	v5 =	vsel vm3, $0x3F800000, v3;
	s1 =	sadd.s32 s12, s1;
	s13 =	spop (v2sf)  }
0x103: {  	v54 =	vsel vm6, $0x3F800000, v3;
	s1 =	sadd.s32 s13, s1;
	s14 =	spop (v2sf);
	[tilespmem:$0x860] =	vst v4;
	v4 =	vsub.f32 $1.000000000e+00, v5  }
0x104: {  	[tilespmem:$0x8D0] =	vst v63;
	v55 =	vsub.f32 $1.000000000e+00, v54;
	vm2 =	vnez.u8 v56;
	v5 =	vsel vm7, $0x3F800000, v3;
	s1 =	sadd.s32 s14, s1;
	s15 =	spop (v2sf)  }
0x105: {  	v7 =	vsel vm2, $0x3F800000, v3;
	s1 =	sadd.s32 s15, s1;
	[tilespmem:$0x880] =	vst v4;
	v4 =	vsub.f32 $1.000000000e+00, v5;
	s19 =	spop (v2sf)  }
0x106: {  	[tilespmem:$0x850] =	vst v55;
	v57 =	vsub.f32 $1.000000000e+00, v7;
	v5 =	vsel vm9, $0x3F800000, v3;
	s1 =	sadd.s32 s19, s1;
	s20 =	spop (v2sf)  }
0x107: {  	v60 =	vsel vm8, $0x3F800000, v3;
	[tilespmem:$0x8A0] =	vst v4;
	v4 =	vsub.f32 $1.000000000e+00, v5;
	s1 =	sadd.s32 s20, s1;
	s24 =	spop (v2sf)  }
.Ltmp2:
0x108: {  	[tilespmem:$0x870] =	vst v57;
	v61 =	vsub.f32 $1.000000000e+00, v60;
	v5 =	vsel vm15, $0x3F800000, v3;
	s1 =	sadd.s32 s24, s1;
	s25 =	spop (v2sf);
	(pc) =	sbr.rel .LBB2_2-.Ltmp2, $4  }
0x109: {  	[tilespmem:$0x8C0] =	vst v4;
	v4 =	vsub.f32 $1.000000000e+00, v5;
	v5 =	vsel vm1, $0x3F800000, v3;
	s1 =	sadd.s32 s25, s1;
	s28 =	spop (v2sf)  }
0x10a: {  	[tilespmem:$0x8B0] =	vst v61;
	v5 =	vsub.f32 $1.000000000e+00, v5;
	s1 =	sadd.s32 s28, s1;
	s29 =	spop (v2sf)  }
0x10b: {  	[tilespmem:$0x8E0] =	vst v4;
	s1 =	sadd.s32 s29, s1  }
0x10c: {  	s24 =	simm.s32 $0x0;
	s25 =	simm.s32 $0x0;
	[tilespmem:$0x8F0] =	vst v5;
	p0 =	slt.s32 s1, $0x1  }
.LBB2_9:
0x10d: {  	s25 =	sadd.s32 $0x1, s25  }
0x10e: {  	p1 =	sne.s32 s25, $0x10  }
.Ltmp3:
0x10f: {  	_ = 	snop;
	(pc) =	sbr.rel @!p1 .LBB2_10-.Ltmp3, $2  }
0x110: {  	_ =	sdelay $0x2  }
0x111: {  	s24 =	sadd.s32 $0x10, s24  }
.LBB2_2:
0x112: {  	s1 =	smul.u32 $0xAB, s25;
	_ =	sdelay $0x1  }
0x113: {  	s1 =	sshrl.u32 s1, $0xA  }
0x114: {  	s1 =	sand.u32 $0x3F, s1  }
0x115: {  	s1 =	smul.u32 $0x6, s1;
	_ =	sdelay $0x1  }
0x116: {  	s1 =	ssub.s32 s25, s1  }
0x117: {  	s12 =	sand.u32 $0xFF, s1  }
0x118: {  	s1 =	sadd.s32 $0x1, s12  }
0x119: {  	_ =	swait.ge [sflag:s1], $0x4000  }
.Ltmp4:
0x11a: {  	[sflag:s1] =	ssyncset.done $0x0;
	(pc) =	sbr.rel @p0 .LBB2_5-.Ltmp4, $4  }
0x11b: {  	s29 =	sadd.s32 $0xD, s12;
	[sflag:s1] =	ssyncadd.s32 $0xFFFFC000  }
0x11c: {  	_ =	swait.ge [sflag:s29], $0x1000  }
0x11d: {  	s7 =	sshll.u32 s12, $0xE;
	[sflag:s29] =	ssyncset.done $0x0  }
0x11e: {  	s13 =	sor.u32 $0x900, s7;
	[sflag:s29] =	ssyncadd.s32 $0xFFFFF000  }
0x11f: {  	s1 =	simm.s32 $0x0;
	s9 =	smov.u32 s24;
	s14 =	simm.s32 $0x0  }
.LBB2_4:
0x120: {  	v4 =	vmov s9  }
0x121: {  	s15 =	sand.u32 $0x2000, s14  }
0x122: {  	s19 =	sand.u32 $0x380, s1;
	s15 =	sadd.s32 s15, s13  }
0x123: {  	s15 =	sadd.s32 s19, s15  }
0x124: {  	v5 =	vld [tilespmem:s15+$0x0]  }
0x125: {  	v4 =	vld.idx.msk [tilespmem:v4+s26+$0x0], $0xffff  }
0x126: {  	v6 =	vld [tilespmem:s15+$0x10]  }
0x127: {  	v7 =	vld [tilespmem:s15+$0x20]  }
0x128: {  	v8 =	vld [tilespmem:s15+$0x30]  }
0x129: {  	v9 =	vld [tilespmem:s15+$0x40]  }
0x12a: {  	v10 =	vld [tilespmem:s15+$0x50];
	v5 =	vmul.f32 v5, v4  }
0x12b: {  	v11 =	vld [tilespmem:s15+$0x60];
	v6 =	vmul.f32 v6, v4  }
0x12c: {  	v29 =	vld [tilespmem:s15+$0x70];
	[tilespmem:s15+$0x0] =	vst v5;
	v5 =	vmul.f32 v7, v4  }
0x12d: {  	v31 =	vld [tilespmem:s15+$0x400];
	v30 =	vmul.f32 v8, v4;
	[tilespmem:s15+$0x10] =	vst v6  }
0x12e: {  	v32 =	vld [tilespmem:s15+$0x410];
	[tilespmem:s15+$0x20] =	vst v5;
	v5 =	vmul.f32 v9, v4  }
0x12f: {  	v34 =	vld [tilespmem:s15+$0x420];
	v33 =	vmul.f32 v10, v4;
	[tilespmem:s15+$0x30] =	vst v30  }
0x130: {  	v35 =	vld [tilespmem:s15+$0x430];
	[tilespmem:s15+$0x40] =	vst v5;
	v5 =	vmul.f32 v11, v4  }
0x131: {  	v37 =	vld [tilespmem:s15+$0x440];
	v36 =	vmul.f32 v29, v4;
	[tilespmem:s15+$0x50] =	vst v33  }
0x132: {  	v38 =	vld [tilespmem:s15+$0x450];
	[tilespmem:s15+$0x60] =	vst v5;
	v5 =	vmul.f32 v31, v4  }
0x133: {  	v40 =	vld [tilespmem:s15+$0x460];
	v39 =	vmul.f32 v32, v4;
	[tilespmem:s15+$0x70] =	vst v36  }
0x134: {  	v41 =	vld [tilespmem:s15+$0x470];
	[tilespmem:s15+$0x400] =	vst v5;
	v5 =	vmul.f32 v34, v4  }
0x135: {  	v43 =	vld [tilespmem:s15+$0x800];
	v42 =	vmul.f32 v35, v4;
	[tilespmem:s15+$0x410] =	vst v39  }
0x136: {  	v44 =	vld [tilespmem:s15+$0x810];
	[tilespmem:s15+$0x420] =	vst v5;
	v5 =	vmul.f32 v37, v4  }
0x137: {  	v46 =	vld [tilespmem:s15+$0x820];
	v45 =	vmul.f32 v38, v4;
	[tilespmem:s15+$0x430] =	vst v42  }
0x138: {  	v47 =	vld [tilespmem:s15+$0x830];
	[tilespmem:s15+$0x440] =	vst v5;
	v5 =	vmul.f32 v40, v4  }
0x139: {  	v49 =	vld [tilespmem:s15+$0x840];
	v48 =	vmul.f32 v41, v4;
	[tilespmem:s15+$0x450] =	vst v45  }
0x13a: {  	v50 =	vld [tilespmem:s15+$0x850];
	[tilespmem:s15+$0x460] =	vst v5;
	v5 =	vmul.f32 v43, v4  }
0x13b: {  	v52 =	vld [tilespmem:s15+$0x860];
	v51 =	vmul.f32 v44, v4;
	[tilespmem:s15+$0x470] =	vst v48  }
0x13c: {  	v53 =	vld [tilespmem:s15+$0x870];
	[tilespmem:s15+$0x800] =	vst v5;
	v5 =	vmul.f32 v46, v4  }
0x13d: {  	v55 =	vld [tilespmem:s15+$0xC00];
	v54 =	vmul.f32 v47, v4;
	[tilespmem:s15+$0x810] =	vst v51  }
0x13e: {  	v56 =	vld [tilespmem:s15+$0xC10];
	[tilespmem:s15+$0x820] =	vst v5;
	v5 =	vmul.f32 v49, v4  }
0x13f: {  	v58 =	vld [tilespmem:s15+$0xC20];
	v57 =	vmul.f32 v50, v4;
	[tilespmem:s15+$0x830] =	vst v54  }
0x140: {  	v59 =	vld [tilespmem:s15+$0xC30];
	[tilespmem:s15+$0x840] =	vst v5;
	v5 =	vmul.f32 v52, v4  }
0x141: {  	v61 =	vld [tilespmem:s15+$0xC40];
	v60 =	vmul.f32 v53, v4;
	[tilespmem:s15+$0x850] =	vst v57  }
0x142: {  	v62 =	vld [tilespmem:s15+$0xC50];
	[tilespmem:s15+$0x860] =	vst v5;
	v5 =	vmul.f32 v55, v4  }
0x143: {  	v12 =	vld [tilespmem:s15+$0xC60];
	v63 =	vmul.f32 v56, v4;
	[tilespmem:s15+$0x870] =	vst v60  }
0x144: {  	v13 =	vld [tilespmem:s15+$0xC70];
	[tilespmem:s15+$0xC00] =	vst v5;
	v5 =	vmul.f32 v58, v4  }
0x145: {  	v15 =	vld [tilespmem:s15+$0x1000];
	v14 =	vmul.f32 v59, v4;
	[tilespmem:s15+$0xC10] =	vst v63  }
0x146: {  	v16 =	vld [tilespmem:s15+$0x1010];
	[tilespmem:s15+$0xC20] =	vst v5;
	v5 =	vmul.f32 v61, v4  }
0x147: {  	v18 =	vld [tilespmem:s15+$0x1020];
	v17 =	vmul.f32 v62, v4;
	[tilespmem:s15+$0xC30] =	vst v14  }
0x148: {  	v19 =	vld [tilespmem:s15+$0x1030];
	[tilespmem:s15+$0xC40] =	vst v5;
	v5 =	vmul.f32 v12, v4  }
0x149: {  	v21 =	vld [tilespmem:s15+$0x1040];
	v20 =	vmul.f32 v13, v4;
	[tilespmem:s15+$0xC50] =	vst v17  }
0x14a: {  	v22 =	vld [tilespmem:s15+$0x1050];
	[tilespmem:s15+$0xC60] =	vst v5;
	v5 =	vmul.f32 v15, v4  }
0x14b: {  	v24 =	vld [tilespmem:s15+$0x1060];
	v23 =	vmul.f32 v16, v4;
	[tilespmem:s15+$0xC70] =	vst v20  }
0x14c: {  	v25 =	vld [tilespmem:s15+$0x1070];
	[tilespmem:s15+$0x1000] =	vst v5;
	v5 =	vmul.f32 v18, v4  }
0x14d: {  	v27 =	vld [tilespmem:s15+$0x1400];
	v26 =	vmul.f32 v19, v4;
	[tilespmem:s15+$0x1010] =	vst v23  }
0x14e: {  	v28 =	vld [tilespmem:s15+$0x1410];
	[tilespmem:s15+$0x1020] =	vst v5;
	v5 =	vmul.f32 v21, v4  }
0x14f: {  	v29 =	vmul.f32 v22, v4;
	[tilespmem:s15+$0x1030] =	vst v26;
	v30 =	vld [tilespmem:s15+$0x1420]  }
0x150: {  	v31 =	vld [tilespmem:s15+$0x1430];
	[tilespmem:s15+$0x1040] =	vst v5;
	v5 =	vmul.f32 v24, v4  }
0x151: {  	v32 =	vmul.f32 v25, v4;
	[tilespmem:s15+$0x1050] =	vst v29;
	v33 =	vld [tilespmem:s15+$0x1440]  }
0x152: {  	v34 =	vld [tilespmem:s15+$0x1450];
	[tilespmem:s15+$0x1060] =	vst v5;
	v5 =	vmul.f32 v27, v4  }
0x153: {  	v35 =	vmul.f32 v28, v4;
	[tilespmem:s15+$0x1070] =	vst v32;
	v36 =	vld [tilespmem:s15+$0x1460]  }
0x154: {  	v37 =	vld [tilespmem:s15+$0x1470];
	[tilespmem:s15+$0x1400] =	vst v5;
	v5 =	vmul.f32 v30, v4  }
0x155: {  	[tilespmem:s15+$0x1410] =	vst v35;
	v39 =	vld [tilespmem:s15+$0x1800];
	v38 =	vmul.f32 v31, v4  }
0x156: {  	v40 =	vld [tilespmem:s15+$0x1810];
	[tilespmem:s15+$0x1420] =	vst v5;
	v5 =	vmul.f32 v33, v4  }
0x157: {  	v42 =	vld [tilespmem:s15+$0x1820];
	[tilespmem:s15+$0x1430] =	vst v38;
	v41 =	vmul.f32 v34, v4  }
0x158: {  	v43 =	vld [tilespmem:s15+$0x1830];
	[tilespmem:s15+$0x1440] =	vst v5;
	v5 =	vmul.f32 v36, v4  }
0x159: {  	v45 =	vld [tilespmem:s15+$0x1840];
	[tilespmem:s15+$0x1450] =	vst v41;
	v44 =	vmul.f32 v37, v4  }
0x15a: {  	v46 =	vld [tilespmem:s15+$0x1850];
	[tilespmem:s15+$0x1460] =	vst v5;
	v5 =	vmul.f32 v39, v4  }
0x15b: {  	v48 =	vld [tilespmem:s15+$0x1860];
	[tilespmem:s15+$0x1470] =	vst v44;
	v47 =	vmul.f32 v40, v4  }
0x15c: {  	v49 =	vld [tilespmem:s15+$0x1870];
	[tilespmem:s15+$0x1800] =	vst v5;
	v5 =	vmul.f32 v42, v4  }
0x15d: {  	v51 =	vld [tilespmem:s15+$0x1C00];
	[tilespmem:s15+$0x1810] =	vst v47;
	v50 =	vmul.f32 v43, v4  }
0x15e: {  	v52 =	vld [tilespmem:s15+$0x1C10];
	[tilespmem:s15+$0x1820] =	vst v5;
	v5 =	vmul.f32 v45, v4  }
0x15f: {  	v54 =	vld [tilespmem:s15+$0x1C20];
	[tilespmem:s15+$0x1830] =	vst v50;
	v53 =	vmul.f32 v46, v4  }
0x160: {  	v55 =	vld [tilespmem:s15+$0x1C30];
	[tilespmem:s15+$0x1840] =	vst v5;
	v5 =	vmul.f32 v48, v4  }
0x161: {  	v57 =	vld [tilespmem:s15+$0x1C40];
	[tilespmem:s15+$0x1850] =	vst v53;
	v56 =	vmul.f32 v49, v4  }
0x162: {  	v58 =	vld [tilespmem:s15+$0x1C50];
	[tilespmem:s15+$0x1860] =	vst v5;
	v5 =	vmul.f32 v51, v4  }
0x163: {  	v60 =	vld [tilespmem:s15+$0x1C60];
	[tilespmem:s15+$0x1870] =	vst v56;
	v59 =	vmul.f32 v52, v4  }
0x164: {  	v61 =	vld [tilespmem:s15+$0x1C70];
	[tilespmem:s15+$0x1C00] =	vst v5;
	v5 =	vmul.f32 v54, v4  }
0x165: {  	[tilespmem:s15+$0x1C10] =	vst v59;
	v62 =	vmul.f32 v55, v4  }
0x166: {  	p1 =	sne.s32 s14, $0x3C00;
	[tilespmem:s15+$0x1C20] =	vst v5;
	v5 =	vmul.f32 v57, v4  }
.Ltmp5:
0x167: {  	[tilespmem:s15+$0x1C30] =	vst v62;
	v63 =	vmul.f32 v58, v4;
	(pc) =	sbr.rel @p1 .LBB2_4-.Ltmp5, $4  }
0x168: {  	[tilespmem:s15+$0x1C40] =	vst v5;
	v5 =	vmul.f32 v60, v4  }
0x169: {  	[tilespmem:s15+$0x1C50] =	vst v63;
	v4 =	vmul.f32 v61, v4  }
0x16a: {  	[tilespmem:s15+$0x1C60] =	vst v5  }
0x16b: {  	s1 =	sadd.s32 $0x80, s1;
	s9 =	sadd.s32 $0x1, s9;
	s14 =	sadd.s32 $0x400, s14;
	[tilespmem:s15+$0x1C70] =	vst v4  }
.LBB2_5:
0x16c: {  	s1 =	sshrl.u32 s7, $0x2  }
0x16d: {  	s1 =	sadd.s32 $0x18900, s1  }
0x16e: {  	v4 =	vmov s1;
	_ =	sdelay $0x2  }
0x16f: {  	s15 =	sshll.u32 s25, $0x6;
	s14 =	sor.u32 $0x2900, s7;
	s19 =	simm.s32 $0x0  }
.LBB2_6:
0x170: {  	s9 =	sshll.u32 s19, $0x7  }
0x171: {  	v5 =	vld.idx.msk [tilespmem:v4+s9+$0x0 ss:$0x1], $0xffff;
	_ =	sdelay $0x3  }
0x172: {  	s20 =	sadd.s32 s9, s13;
	s1 =	sor.u32 $0x200, s9  }
0x173: {  	s28 =	sadd.s32 s1, s13;
	[tilespmem:s20+$0x0] =	vst.add.f32.msk $0xffff, v5  }
0x174: {  	s29 =	sadd.s32 s9, s14;
	[tilespmem:s28+$0x0] =	vst.add.f32.msk $0xffff, v5  }
0x175: {  	s1 =	sadd.s32 s1, s14;
	[tilespmem:s29+$0x0] =	vst.add.f32.msk $0xffff, v5  }
0x176: {  	[tilespmem:s1+$0x0] =	vst.add.f32.msk $0xffff, v5  }
0x177: {  	v5 =	vld.idx.msk [tilespmem:v4+s9+$0x10 ss:$0x1], $0xffff;
	_ =	sdelay $0x4  }
0x178: {  	[tilespmem:s20+$0x10] =	vst.add.f32.msk $0xffff, v5  }
0x179: {  	[tilespmem:s28+$0x10] =	vst.add.f32.msk $0xffff, v5  }
0x17a: {  	[tilespmem:s29+$0x10] =	vst.add.f32.msk $0xffff, v5  }
0x17b: {  	[tilespmem:s1+$0x10] =	vst.add.f32.msk $0xffff, v5  }
0x17c: {  	v5 =	vld.idx.msk [tilespmem:v4+s9+$0x20 ss:$0x1], $0xffff;
	_ =	sdelay $0x4  }
0x17d: {  	[tilespmem:s20+$0x20] =	vst.add.f32.msk $0xffff, v5  }
0x17e: {  	[tilespmem:s28+$0x20] =	vst.add.f32.msk $0xffff, v5  }
0x17f: {  	[tilespmem:s29+$0x20] =	vst.add.f32.msk $0xffff, v5  }
0x180: {  	[tilespmem:s1+$0x20] =	vst.add.f32.msk $0xffff, v5  }
0x181: {  	v5 =	vld.idx.msk [tilespmem:v4+s9+$0x30 ss:$0x1], $0xffff;
	_ =	sdelay $0x4  }
0x182: {  	[tilespmem:s20+$0x30] =	vst.add.f32.msk $0xffff, v5  }
0x183: {  	[tilespmem:s28+$0x30] =	vst.add.f32.msk $0xffff, v5  }
0x184: {  	[tilespmem:s29+$0x30] =	vst.add.f32.msk $0xffff, v5  }
0x185: {  	[tilespmem:s1+$0x30] =	vst.add.f32.msk $0xffff, v5  }
0x186: {  	v5 =	vld.idx.msk [tilespmem:v4+s9+$0x40 ss:$0x1], $0xffff;
	_ =	sdelay $0x4  }
0x187: {  	[tilespmem:s20+$0x40] =	vst.add.f32.msk $0xffff, v5  }
0x188: {  	[tilespmem:s28+$0x40] =	vst.add.f32.msk $0xffff, v5  }
0x189: {  	[tilespmem:s29+$0x40] =	vst.add.f32.msk $0xffff, v5  }
0x18a: {  	[tilespmem:s1+$0x40] =	vst.add.f32.msk $0xffff, v5  }
0x18b: {  	v5 =	vld.idx.msk [tilespmem:v4+s9+$0x50 ss:$0x1], $0xffff;
	_ =	sdelay $0x4  }
0x18c: {  	[tilespmem:s20+$0x50] =	vst.add.f32.msk $0xffff, v5  }
0x18d: {  	[tilespmem:s28+$0x50] =	vst.add.f32.msk $0xffff, v5  }
0x18e: {  	[tilespmem:s29+$0x50] =	vst.add.f32.msk $0xffff, v5  }
0x18f: {  	[tilespmem:s1+$0x50] =	vst.add.f32.msk $0xffff, v5  }
0x190: {  	v5 =	vld.idx.msk [tilespmem:v4+s9+$0x60 ss:$0x1], $0xffff;
	_ =	sdelay $0x4  }
0x191: {  	[tilespmem:s20+$0x60] =	vst.add.f32.msk $0xffff, v5  }
0x192: {  	[tilespmem:s28+$0x60] =	vst.add.f32.msk $0xffff, v5  }
0x193: {  	[tilespmem:s29+$0x60] =	vst.add.f32.msk $0xffff, v5  }
0x194: {  	[tilespmem:s1+$0x60] =	vst.add.f32.msk $0xffff, v5  }
0x195: {  	v5 =	vld.idx.msk [tilespmem:v4+s9+$0x70 ss:$0x1], $0xffff;
	_ =	sdelay $0x4  }
0x196: {  	[tilespmem:s20+$0x70] =	vst.add.f32.msk $0xffff, v5  }
0x197: {  	[tilespmem:s28+$0x70] =	vst.add.f32.msk $0xffff, v5  }
0x198: {  	[tilespmem:s29+$0x70] =	vst.add.f32.msk $0xffff, v5  }
0x199: {  	[tilespmem:s1+$0x70] =	vst.add.f32.msk $0xffff, v5  }
0x19a: {  	v5 =	vld.idx.msk [tilespmem:v4+s9+$0x200 ss:$0x1], $0xffff;
	_ =	sdelay $0x4  }
0x19b: {  	[tilespmem:s20+$0x400] =	vst.add.f32.msk $0xffff, v5  }
0x19c: {  	[tilespmem:s28+$0x400] =	vst.add.f32.msk $0xffff, v5  }
0x19d: {  	[tilespmem:s29+$0x400] =	vst.add.f32.msk $0xffff, v5  }
0x19e: {  	[tilespmem:s1+$0x400] =	vst.add.f32.msk $0xffff, v5  }
0x19f: {  	v5 =	vld.idx.msk [tilespmem:v4+s9+$0x210 ss:$0x1], $0xffff;
	_ =	sdelay $0x4  }
0x1a0: {  	[tilespmem:s20+$0x410] =	vst.add.f32.msk $0xffff, v5  }
0x1a1: {  	[tilespmem:s28+$0x410] =	vst.add.f32.msk $0xffff, v5  }
0x1a2: {  	[tilespmem:s29+$0x410] =	vst.add.f32.msk $0xffff, v5  }
0x1a3: {  	[tilespmem:s1+$0x410] =	vst.add.f32.msk $0xffff, v5  }
0x1a4: {  	v5 =	vld.idx.msk [tilespmem:v4+s9+$0x220 ss:$0x1], $0xffff;
	_ =	sdelay $0x4  }
0x1a5: {  	[tilespmem:s20+$0x420] =	vst.add.f32.msk $0xffff, v5  }
0x1a6: {  	[tilespmem:s28+$0x420] =	vst.add.f32.msk $0xffff, v5  }
0x1a7: {  	[tilespmem:s29+$0x420] =	vst.add.f32.msk $0xffff, v5  }
0x1a8: {  	[tilespmem:s1+$0x420] =	vst.add.f32.msk $0xffff, v5  }
0x1a9: {  	v5 =	vld.idx.msk [tilespmem:v4+s9+$0x230 ss:$0x1], $0xffff;
	_ =	sdelay $0x4  }
0x1aa: {  	[tilespmem:s20+$0x430] =	vst.add.f32.msk $0xffff, v5  }
0x1ab: {  	[tilespmem:s28+$0x430] =	vst.add.f32.msk $0xffff, v5  }
0x1ac: {  	[tilespmem:s29+$0x430] =	vst.add.f32.msk $0xffff, v5  }
0x1ad: {  	[tilespmem:s1+$0x430] =	vst.add.f32.msk $0xffff, v5  }
0x1ae: {  	v5 =	vld.idx.msk [tilespmem:v4+s9+$0x240 ss:$0x1], $0xffff;
	_ =	sdelay $0x4  }
0x1af: {  	[tilespmem:s20+$0x440] =	vst.add.f32.msk $0xffff, v5  }
0x1b0: {  	[tilespmem:s28+$0x440] =	vst.add.f32.msk $0xffff, v5  }
0x1b1: {  	[tilespmem:s29+$0x440] =	vst.add.f32.msk $0xffff, v5  }
0x1b2: {  	[tilespmem:s1+$0x440] =	vst.add.f32.msk $0xffff, v5  }
0x1b3: {  	v5 =	vld.idx.msk [tilespmem:v4+s9+$0x250 ss:$0x1], $0xffff;
	_ =	sdelay $0x4  }
0x1b4: {  	[tilespmem:s20+$0x450] =	vst.add.f32.msk $0xffff, v5  }
0x1b5: {  	[tilespmem:s28+$0x450] =	vst.add.f32.msk $0xffff, v5  }
0x1b6: {  	[tilespmem:s29+$0x450] =	vst.add.f32.msk $0xffff, v5  }
0x1b7: {  	[tilespmem:s1+$0x450] =	vst.add.f32.msk $0xffff, v5  }
0x1b8: {  	v5 =	vld.idx.msk [tilespmem:v4+s9+$0x260 ss:$0x1], $0xffff;
	_ =	sdelay $0x4  }
0x1b9: {  	[tilespmem:s20+$0x460] =	vst.add.f32.msk $0xffff, v5  }
0x1ba: {  	[tilespmem:s28+$0x460] =	vst.add.f32.msk $0xffff, v5  }
0x1bb: {  	[tilespmem:s29+$0x460] =	vst.add.f32.msk $0xffff, v5  }
0x1bc: {  	[tilespmem:s1+$0x460] =	vst.add.f32.msk $0xffff, v5  }
0x1bd: {  	v5 =	vld.idx.msk [tilespmem:v4+s9+$0x270 ss:$0x1], $0xffff;
	_ =	sdelay $0x4  }
0x1be: {  	[tilespmem:s20+$0x470] =	vst.add.f32.msk $0xffff, v5  }
0x1bf: {  	[tilespmem:s28+$0x470] =	vst.add.f32.msk $0xffff, v5  }
0x1c0: {  	[tilespmem:s29+$0x470] =	vst.add.f32.msk $0xffff, v5  }
0x1c1: {  	[tilespmem:s1+$0x470] =	vst.add.f32.msk $0xffff, v5  }
0x1c2: {  	v5 =	vld.idx.msk [tilespmem:v4+s9+$0x400 ss:$0x1], $0xffff;
	_ =	sdelay $0x4  }
0x1c3: {  	[tilespmem:s20+$0x800] =	vst.add.f32.msk $0xffff, v5  }
0x1c4: {  	[tilespmem:s28+$0x800] =	vst.add.f32.msk $0xffff, v5  }
0x1c5: {  	[tilespmem:s29+$0x800] =	vst.add.f32.msk $0xffff, v5  }
0x1c6: {  	[tilespmem:s1+$0x800] =	vst.add.f32.msk $0xffff, v5  }
0x1c7: {  	v5 =	vld.idx.msk [tilespmem:v4+s9+$0x410 ss:$0x1], $0xffff;
	_ =	sdelay $0x4  }
0x1c8: {  	[tilespmem:s20+$0x810] =	vst.add.f32.msk $0xffff, v5  }
0x1c9: {  	[tilespmem:s28+$0x810] =	vst.add.f32.msk $0xffff, v5  }
0x1ca: {  	[tilespmem:s29+$0x810] =	vst.add.f32.msk $0xffff, v5  }
0x1cb: {  	[tilespmem:s1+$0x810] =	vst.add.f32.msk $0xffff, v5  }
0x1cc: {  	v5 =	vld.idx.msk [tilespmem:v4+s9+$0x420 ss:$0x1], $0xffff;
	_ =	sdelay $0x4  }
0x1cd: {  	[tilespmem:s20+$0x820] =	vst.add.f32.msk $0xffff, v5  }
0x1ce: {  	[tilespmem:s28+$0x820] =	vst.add.f32.msk $0xffff, v5  }
0x1cf: {  	[tilespmem:s29+$0x820] =	vst.add.f32.msk $0xffff, v5  }
0x1d0: {  	[tilespmem:s1+$0x820] =	vst.add.f32.msk $0xffff, v5  }
0x1d1: {  	v5 =	vld.idx.msk [tilespmem:v4+s9+$0x430 ss:$0x1], $0xffff;
	_ =	sdelay $0x4  }
0x1d2: {  	[tilespmem:s20+$0x830] =	vst.add.f32.msk $0xffff, v5  }
0x1d3: {  	[tilespmem:s28+$0x830] =	vst.add.f32.msk $0xffff, v5  }
0x1d4: {  	[tilespmem:s29+$0x830] =	vst.add.f32.msk $0xffff, v5  }
0x1d5: {  	[tilespmem:s1+$0x830] =	vst.add.f32.msk $0xffff, v5  }
0x1d6: {  	v5 =	vld.idx.msk [tilespmem:v4+s9+$0x440 ss:$0x1], $0xffff;
	_ =	sdelay $0x4  }
0x1d7: {  	[tilespmem:s20+$0x840] =	vst.add.f32.msk $0xffff, v5  }
0x1d8: {  	[tilespmem:s28+$0x840] =	vst.add.f32.msk $0xffff, v5  }
0x1d9: {  	[tilespmem:s29+$0x840] =	vst.add.f32.msk $0xffff, v5  }
0x1da: {  	[tilespmem:s1+$0x840] =	vst.add.f32.msk $0xffff, v5  }
0x1db: {  	v5 =	vld.idx.msk [tilespmem:v4+s9+$0x450 ss:$0x1], $0xffff;
	_ =	sdelay $0x4  }
0x1dc: {  	[tilespmem:s20+$0x850] =	vst.add.f32.msk $0xffff, v5  }
0x1dd: {  	[tilespmem:s28+$0x850] =	vst.add.f32.msk $0xffff, v5  }
0x1de: {  	[tilespmem:s29+$0x850] =	vst.add.f32.msk $0xffff, v5  }
0x1df: {  	[tilespmem:s1+$0x850] =	vst.add.f32.msk $0xffff, v5  }
0x1e0: {  	v5 =	vld.idx.msk [tilespmem:v4+s9+$0x460 ss:$0x1], $0xffff;
	_ =	sdelay $0x4  }
0x1e1: {  	[tilespmem:s20+$0x860] =	vst.add.f32.msk $0xffff, v5  }
0x1e2: {  	[tilespmem:s28+$0x860] =	vst.add.f32.msk $0xffff, v5  }
0x1e3: {  	[tilespmem:s29+$0x860] =	vst.add.f32.msk $0xffff, v5  }
0x1e4: {  	[tilespmem:s1+$0x860] =	vst.add.f32.msk $0xffff, v5  }
0x1e5: {  	v5 =	vld.idx.msk [tilespmem:v4+s9+$0x470 ss:$0x1], $0xffff;
	_ =	sdelay $0x4  }
0x1e6: {  	[tilespmem:s20+$0x870] =	vst.add.f32.msk $0xffff, v5  }
0x1e7: {  	[tilespmem:s28+$0x870] =	vst.add.f32.msk $0xffff, v5  }
0x1e8: {  	[tilespmem:s29+$0x870] =	vst.add.f32.msk $0xffff, v5  }
0x1e9: {  	[tilespmem:s1+$0x870] =	vst.add.f32.msk $0xffff, v5  }
0x1ea: {  	v5 =	vld.idx.msk [tilespmem:v4+s9+$0x600 ss:$0x1], $0xffff;
	_ =	sdelay $0x4  }
0x1eb: {  	[tilespmem:s20+$0xC00] =	vst.add.f32.msk $0xffff, v5  }
0x1ec: {  	[tilespmem:s28+$0xC00] =	vst.add.f32.msk $0xffff, v5  }
0x1ed: {  	[tilespmem:s29+$0xC00] =	vst.add.f32.msk $0xffff, v5  }
0x1ee: {  	[tilespmem:s1+$0xC00] =	vst.add.f32.msk $0xffff, v5  }
0x1ef: {  	v5 =	vld.idx.msk [tilespmem:v4+s9+$0x610 ss:$0x1], $0xffff;
	_ =	sdelay $0x4  }
0x1f0: {  	[tilespmem:s20+$0xC10] =	vst.add.f32.msk $0xffff, v5  }
0x1f1: {  	[tilespmem:s28+$0xC10] =	vst.add.f32.msk $0xffff, v5  }
0x1f2: {  	[tilespmem:s29+$0xC10] =	vst.add.f32.msk $0xffff, v5  }
0x1f3: {  	[tilespmem:s1+$0xC10] =	vst.add.f32.msk $0xffff, v5  }
0x1f4: {  	v5 =	vld.idx.msk [tilespmem:v4+s9+$0x620 ss:$0x1], $0xffff;
	_ =	sdelay $0x4  }
0x1f5: {  	[tilespmem:s20+$0xC20] =	vst.add.f32.msk $0xffff, v5  }
0x1f6: {  	[tilespmem:s28+$0xC20] =	vst.add.f32.msk $0xffff, v5  }
0x1f7: {  	[tilespmem:s29+$0xC20] =	vst.add.f32.msk $0xffff, v5  }
0x1f8: {  	[tilespmem:s1+$0xC20] =	vst.add.f32.msk $0xffff, v5  }
0x1f9: {  	v5 =	vld.idx.msk [tilespmem:v4+s9+$0x630 ss:$0x1], $0xffff;
	_ =	sdelay $0x4  }
0x1fa: {  	[tilespmem:s20+$0xC30] =	vst.add.f32.msk $0xffff, v5  }
0x1fb: {  	[tilespmem:s28+$0xC30] =	vst.add.f32.msk $0xffff, v5  }
0x1fc: {  	[tilespmem:s29+$0xC30] =	vst.add.f32.msk $0xffff, v5  }
0x1fd: {  	[tilespmem:s1+$0xC30] =	vst.add.f32.msk $0xffff, v5  }
0x1fe: {  	v5 =	vld.idx.msk [tilespmem:v4+s9+$0x640 ss:$0x1], $0xffff;
	_ =	sdelay $0x4  }
0x1ff: {  	[tilespmem:s20+$0xC40] =	vst.add.f32.msk $0xffff, v5  }
0x200: {  	[tilespmem:s28+$0xC40] =	vst.add.f32.msk $0xffff, v5  }
0x201: {  	[tilespmem:s29+$0xC40] =	vst.add.f32.msk $0xffff, v5  }
0x202: {  	[tilespmem:s1+$0xC40] =	vst.add.f32.msk $0xffff, v5  }
0x203: {  	v5 =	vld.idx.msk [tilespmem:v4+s9+$0x650 ss:$0x1], $0xffff;
	_ =	sdelay $0x4  }
0x204: {  	[tilespmem:s20+$0xC50] =	vst.add.f32.msk $0xffff, v5  }
0x205: {  	[tilespmem:s28+$0xC50] =	vst.add.f32.msk $0xffff, v5  }
0x206: {  	[tilespmem:s29+$0xC50] =	vst.add.f32.msk $0xffff, v5  }
0x207: {  	[tilespmem:s1+$0xC50] =	vst.add.f32.msk $0xffff, v5  }
0x208: {  	v5 =	vld.idx.msk [tilespmem:v4+s9+$0x660 ss:$0x1], $0xffff;
	_ =	sdelay $0x4  }
0x209: {  	[tilespmem:s20+$0xC60] =	vst.add.f32.msk $0xffff, v5  }
0x20a: {  	[tilespmem:s28+$0xC60] =	vst.add.f32.msk $0xffff, v5  }
0x20b: {  	[tilespmem:s29+$0xC60] =	vst.add.f32.msk $0xffff, v5  }
0x20c: {  	[tilespmem:s1+$0xC60] =	vst.add.f32.msk $0xffff, v5  }
0x20d: {  	v5 =	vld.idx.msk [tilespmem:v4+s9+$0x670 ss:$0x1], $0xffff;
	_ =	sdelay $0x4  }
0x20e: {  	[tilespmem:s20+$0xC70] =	vst.add.f32.msk $0xffff, v5  }
0x20f: {  	[tilespmem:s28+$0xC70] =	vst.add.f32.msk $0xffff, v5  }
0x210: {  	[tilespmem:s29+$0xC70] =	vst.add.f32.msk $0xffff, v5  }
0x211: {  	[tilespmem:s1+$0xC70] =	vst.add.f32.msk $0xffff, v5  }
0x212: {  	v5 =	vld.idx.msk [tilespmem:v4+s9+$0x800 ss:$0x1], $0xffff;
	_ =	sdelay $0x4  }
0x213: {  	[tilespmem:s20+$0x1000] =	vst.add.f32.msk $0xffff, v5  }
0x214: {  	[tilespmem:s28+$0x1000] =	vst.add.f32.msk $0xffff, v5  }
0x215: {  	[tilespmem:s29+$0x1000] =	vst.add.f32.msk $0xffff, v5  }
0x216: {  	[tilespmem:s1+$0x1000] =	vst.add.f32.msk $0xffff, v5  }
0x217: {  	v5 =	vld.idx.msk [tilespmem:v4+s9+$0x810 ss:$0x1], $0xffff;
	_ =	sdelay $0x4  }
0x218: {  	[tilespmem:s20+$0x1010] =	vst.add.f32.msk $0xffff, v5  }
0x219: {  	[tilespmem:s28+$0x1010] =	vst.add.f32.msk $0xffff, v5  }
0x21a: {  	[tilespmem:s29+$0x1010] =	vst.add.f32.msk $0xffff, v5  }
0x21b: {  	[tilespmem:s1+$0x1010] =	vst.add.f32.msk $0xffff, v5  }
0x21c: {  	v5 =	vld.idx.msk [tilespmem:v4+s9+$0x820 ss:$0x1], $0xffff;
	_ =	sdelay $0x4  }
0x21d: {  	[tilespmem:s20+$0x1020] =	vst.add.f32.msk $0xffff, v5  }
0x21e: {  	[tilespmem:s28+$0x1020] =	vst.add.f32.msk $0xffff, v5  }
0x21f: {  	[tilespmem:s29+$0x1020] =	vst.add.f32.msk $0xffff, v5  }
0x220: {  	[tilespmem:s1+$0x1020] =	vst.add.f32.msk $0xffff, v5  }
0x221: {  	v5 =	vld.idx.msk [tilespmem:v4+s9+$0x830 ss:$0x1], $0xffff;
	_ =	sdelay $0x4  }
0x222: {  	[tilespmem:s20+$0x1030] =	vst.add.f32.msk $0xffff, v5  }
0x223: {  	[tilespmem:s28+$0x1030] =	vst.add.f32.msk $0xffff, v5  }
0x224: {  	[tilespmem:s29+$0x1030] =	vst.add.f32.msk $0xffff, v5  }
0x225: {  	[tilespmem:s1+$0x1030] =	vst.add.f32.msk $0xffff, v5  }
0x226: {  	v5 =	vld.idx.msk [tilespmem:v4+s9+$0x840 ss:$0x1], $0xffff;
	_ =	sdelay $0x4  }
0x227: {  	[tilespmem:s20+$0x1040] =	vst.add.f32.msk $0xffff, v5  }
0x228: {  	[tilespmem:s28+$0x1040] =	vst.add.f32.msk $0xffff, v5  }
0x229: {  	[tilespmem:s29+$0x1040] =	vst.add.f32.msk $0xffff, v5  }
0x22a: {  	[tilespmem:s1+$0x1040] =	vst.add.f32.msk $0xffff, v5  }
0x22b: {  	v5 =	vld.idx.msk [tilespmem:v4+s9+$0x850 ss:$0x1], $0xffff;
	_ =	sdelay $0x4  }
0x22c: {  	[tilespmem:s20+$0x1050] =	vst.add.f32.msk $0xffff, v5  }
0x22d: {  	[tilespmem:s28+$0x1050] =	vst.add.f32.msk $0xffff, v5  }
0x22e: {  	[tilespmem:s29+$0x1050] =	vst.add.f32.msk $0xffff, v5  }
0x22f: {  	[tilespmem:s1+$0x1050] =	vst.add.f32.msk $0xffff, v5  }
0x230: {  	v5 =	vld.idx.msk [tilespmem:v4+s9+$0x860 ss:$0x1], $0xffff;
	_ =	sdelay $0x4  }
0x231: {  	[tilespmem:s20+$0x1060] =	vst.add.f32.msk $0xffff, v5  }
0x232: {  	[tilespmem:s28+$0x1060] =	vst.add.f32.msk $0xffff, v5  }
0x233: {  	[tilespmem:s29+$0x1060] =	vst.add.f32.msk $0xffff, v5  }
0x234: {  	[tilespmem:s1+$0x1060] =	vst.add.f32.msk $0xffff, v5  }
0x235: {  	v5 =	vld.idx.msk [tilespmem:v4+s9+$0x870 ss:$0x1], $0xffff;
	_ =	sdelay $0x4  }
0x236: {  	[tilespmem:s20+$0x1070] =	vst.add.f32.msk $0xffff, v5  }
0x237: {  	[tilespmem:s28+$0x1070] =	vst.add.f32.msk $0xffff, v5  }
0x238: {  	[tilespmem:s29+$0x1070] =	vst.add.f32.msk $0xffff, v5  }
0x239: {  	[tilespmem:s1+$0x1070] =	vst.add.f32.msk $0xffff, v5  }
0x23a: {  	v5 =	vld.idx.msk [tilespmem:v4+s9+$0xA00 ss:$0x1], $0xffff;
	_ =	sdelay $0x4  }
0x23b: {  	[tilespmem:s20+$0x1400] =	vst.add.f32.msk $0xffff, v5  }
0x23c: {  	[tilespmem:s28+$0x1400] =	vst.add.f32.msk $0xffff, v5  }
0x23d: {  	[tilespmem:s29+$0x1400] =	vst.add.f32.msk $0xffff, v5  }
0x23e: {  	[tilespmem:s1+$0x1400] =	vst.add.f32.msk $0xffff, v5  }
0x23f: {  	v5 =	vld.idx.msk [tilespmem:v4+s9+$0xA10 ss:$0x1], $0xffff;
	_ =	sdelay $0x4  }
0x240: {  	[tilespmem:s20+$0x1410] =	vst.add.f32.msk $0xffff, v5  }
0x241: {  	[tilespmem:s28+$0x1410] =	vst.add.f32.msk $0xffff, v5  }
0x242: {  	[tilespmem:s29+$0x1410] =	vst.add.f32.msk $0xffff, v5  }
0x243: {  	[tilespmem:s1+$0x1410] =	vst.add.f32.msk $0xffff, v5  }
0x244: {  	v5 =	vld.idx.msk [tilespmem:v4+s9+$0xA20 ss:$0x1], $0xffff;
	_ =	sdelay $0x4  }
0x245: {  	[tilespmem:s20+$0x1420] =	vst.add.f32.msk $0xffff, v5  }
0x246: {  	[tilespmem:s28+$0x1420] =	vst.add.f32.msk $0xffff, v5  }
0x247: {  	[tilespmem:s29+$0x1420] =	vst.add.f32.msk $0xffff, v5  }
0x248: {  	[tilespmem:s1+$0x1420] =	vst.add.f32.msk $0xffff, v5  }
0x249: {  	v5 =	vld.idx.msk [tilespmem:v4+s9+$0xA30 ss:$0x1], $0xffff;
	_ =	sdelay $0x4  }
0x24a: {  	[tilespmem:s20+$0x1430] =	vst.add.f32.msk $0xffff, v5  }
0x24b: {  	[tilespmem:s28+$0x1430] =	vst.add.f32.msk $0xffff, v5  }
0x24c: {  	[tilespmem:s29+$0x1430] =	vst.add.f32.msk $0xffff, v5  }
0x24d: {  	[tilespmem:s1+$0x1430] =	vst.add.f32.msk $0xffff, v5  }
0x24e: {  	v5 =	vld.idx.msk [tilespmem:v4+s9+$0xA40 ss:$0x1], $0xffff;
	_ =	sdelay $0x4  }
0x24f: {  	[tilespmem:s20+$0x1440] =	vst.add.f32.msk $0xffff, v5  }
0x250: {  	[tilespmem:s28+$0x1440] =	vst.add.f32.msk $0xffff, v5  }
0x251: {  	[tilespmem:s29+$0x1440] =	vst.add.f32.msk $0xffff, v5  }
0x252: {  	[tilespmem:s1+$0x1440] =	vst.add.f32.msk $0xffff, v5  }
0x253: {  	v5 =	vld.idx.msk [tilespmem:v4+s9+$0xA50 ss:$0x1], $0xffff;
	_ =	sdelay $0x4  }
0x254: {  	[tilespmem:s20+$0x1450] =	vst.add.f32.msk $0xffff, v5  }
0x255: {  	[tilespmem:s28+$0x1450] =	vst.add.f32.msk $0xffff, v5  }
0x256: {  	[tilespmem:s29+$0x1450] =	vst.add.f32.msk $0xffff, v5  }
0x257: {  	[tilespmem:s1+$0x1450] =	vst.add.f32.msk $0xffff, v5  }
0x258: {  	v5 =	vld.idx.msk [tilespmem:v4+s9+$0xA60 ss:$0x1], $0xffff;
	_ =	sdelay $0x4  }
0x259: {  	[tilespmem:s20+$0x1460] =	vst.add.f32.msk $0xffff, v5  }
0x25a: {  	[tilespmem:s28+$0x1460] =	vst.add.f32.msk $0xffff, v5  }
0x25b: {  	[tilespmem:s29+$0x1460] =	vst.add.f32.msk $0xffff, v5  }
0x25c: {  	[tilespmem:s1+$0x1460] =	vst.add.f32.msk $0xffff, v5  }
0x25d: {  	v5 =	vld.idx.msk [tilespmem:v4+s9+$0xA70 ss:$0x1], $0xffff;
	_ =	sdelay $0x4  }
0x25e: {  	[tilespmem:s20+$0x1470] =	vst.add.f32.msk $0xffff, v5  }
0x25f: {  	[tilespmem:s28+$0x1470] =	vst.add.f32.msk $0xffff, v5  }
0x260: {  	[tilespmem:s29+$0x1470] =	vst.add.f32.msk $0xffff, v5  }
0x261: {  	[tilespmem:s1+$0x1470] =	vst.add.f32.msk $0xffff, v5  }
0x262: {  	v5 =	vld.idx.msk [tilespmem:v4+s9+$0xC00 ss:$0x1], $0xffff;
	_ =	sdelay $0x4  }
0x263: {  	[tilespmem:s20+$0x1800] =	vst.add.f32.msk $0xffff, v5  }
0x264: {  	[tilespmem:s28+$0x1800] =	vst.add.f32.msk $0xffff, v5  }
0x265: {  	[tilespmem:s29+$0x1800] =	vst.add.f32.msk $0xffff, v5  }
0x266: {  	[tilespmem:s1+$0x1800] =	vst.add.f32.msk $0xffff, v5  }
0x267: {  	v5 =	vld.idx.msk [tilespmem:v4+s9+$0xC10 ss:$0x1], $0xffff;
	_ =	sdelay $0x4  }
0x268: {  	[tilespmem:s20+$0x1810] =	vst.add.f32.msk $0xffff, v5  }
0x269: {  	[tilespmem:s28+$0x1810] =	vst.add.f32.msk $0xffff, v5  }
0x26a: {  	[tilespmem:s29+$0x1810] =	vst.add.f32.msk $0xffff, v5  }
0x26b: {  	[tilespmem:s1+$0x1810] =	vst.add.f32.msk $0xffff, v5  }
0x26c: {  	v5 =	vld.idx.msk [tilespmem:v4+s9+$0xC20 ss:$0x1], $0xffff;
	_ =	sdelay $0x4  }
0x26d: {  	[tilespmem:s20+$0x1820] =	vst.add.f32.msk $0xffff, v5  }
0x26e: {  	[tilespmem:s28+$0x1820] =	vst.add.f32.msk $0xffff, v5  }
0x26f: {  	[tilespmem:s29+$0x1820] =	vst.add.f32.msk $0xffff, v5  }
0x270: {  	[tilespmem:s1+$0x1820] =	vst.add.f32.msk $0xffff, v5  }
0x271: {  	v5 =	vld.idx.msk [tilespmem:v4+s9+$0xC30 ss:$0x1], $0xffff;
	_ =	sdelay $0x4  }
0x272: {  	[tilespmem:s20+$0x1830] =	vst.add.f32.msk $0xffff, v5  }
0x273: {  	[tilespmem:s28+$0x1830] =	vst.add.f32.msk $0xffff, v5  }
0x274: {  	[tilespmem:s29+$0x1830] =	vst.add.f32.msk $0xffff, v5  }
0x275: {  	[tilespmem:s1+$0x1830] =	vst.add.f32.msk $0xffff, v5  }
0x276: {  	v5 =	vld.idx.msk [tilespmem:v4+s9+$0xC40 ss:$0x1], $0xffff;
	_ =	sdelay $0x4  }
0x277: {  	[tilespmem:s20+$0x1840] =	vst.add.f32.msk $0xffff, v5  }
0x278: {  	[tilespmem:s28+$0x1840] =	vst.add.f32.msk $0xffff, v5  }
0x279: {  	[tilespmem:s29+$0x1840] =	vst.add.f32.msk $0xffff, v5  }
0x27a: {  	[tilespmem:s1+$0x1840] =	vst.add.f32.msk $0xffff, v5  }
0x27b: {  	v5 =	vld.idx.msk [tilespmem:v4+s9+$0xC50 ss:$0x1], $0xffff;
	_ =	sdelay $0x4  }
0x27c: {  	[tilespmem:s20+$0x1850] =	vst.add.f32.msk $0xffff, v5  }
0x27d: {  	[tilespmem:s28+$0x1850] =	vst.add.f32.msk $0xffff, v5  }
0x27e: {  	[tilespmem:s29+$0x1850] =	vst.add.f32.msk $0xffff, v5  }
0x27f: {  	[tilespmem:s1+$0x1850] =	vst.add.f32.msk $0xffff, v5  }
0x280: {  	v5 =	vld.idx.msk [tilespmem:v4+s9+$0xC60 ss:$0x1], $0xffff;
	_ =	sdelay $0x4  }
0x281: {  	[tilespmem:s20+$0x1860] =	vst.add.f32.msk $0xffff, v5  }
0x282: {  	[tilespmem:s28+$0x1860] =	vst.add.f32.msk $0xffff, v5  }
0x283: {  	[tilespmem:s29+$0x1860] =	vst.add.f32.msk $0xffff, v5  }
0x284: {  	[tilespmem:s1+$0x1860] =	vst.add.f32.msk $0xffff, v5  }
0x285: {  	v5 =	vld.idx.msk [tilespmem:v4+s9+$0xC70 ss:$0x1], $0xffff;
	_ =	sdelay $0x4  }
0x286: {  	[tilespmem:s20+$0x1870] =	vst.add.f32.msk $0xffff, v5  }
0x287: {  	[tilespmem:s28+$0x1870] =	vst.add.f32.msk $0xffff, v5  }
0x288: {  	[tilespmem:s29+$0x1870] =	vst.add.f32.msk $0xffff, v5  }
0x289: {  	[tilespmem:s1+$0x1870] =	vst.add.f32.msk $0xffff, v5  }
0x28a: {  	v5 =	vld.idx.msk [tilespmem:v4+s9+$0xE00 ss:$0x1], $0xffff;
	_ =	sdelay $0x4  }
0x28b: {  	[tilespmem:s20+$0x1C00] =	vst.add.f32.msk $0xffff, v5  }
0x28c: {  	[tilespmem:s28+$0x1C00] =	vst.add.f32.msk $0xffff, v5  }
0x28d: {  	[tilespmem:s29+$0x1C00] =	vst.add.f32.msk $0xffff, v5  }
0x28e: {  	[tilespmem:s1+$0x1C00] =	vst.add.f32.msk $0xffff, v5  }
0x28f: {  	v5 =	vld.idx.msk [tilespmem:v4+s9+$0xE10 ss:$0x1], $0xffff;
	_ =	sdelay $0x4  }
0x290: {  	[tilespmem:s20+$0x1C10] =	vst.add.f32.msk $0xffff, v5  }
0x291: {  	[tilespmem:s28+$0x1C10] =	vst.add.f32.msk $0xffff, v5  }
0x292: {  	[tilespmem:s29+$0x1C10] =	vst.add.f32.msk $0xffff, v5  }
0x293: {  	[tilespmem:s1+$0x1C10] =	vst.add.f32.msk $0xffff, v5  }
0x294: {  	v5 =	vld.idx.msk [tilespmem:v4+s9+$0xE20 ss:$0x1], $0xffff;
	_ =	sdelay $0x4  }
0x295: {  	[tilespmem:s20+$0x1C20] =	vst.add.f32.msk $0xffff, v5  }
0x296: {  	[tilespmem:s28+$0x1C20] =	vst.add.f32.msk $0xffff, v5  }
0x297: {  	[tilespmem:s29+$0x1C20] =	vst.add.f32.msk $0xffff, v5  }
0x298: {  	[tilespmem:s1+$0x1C20] =	vst.add.f32.msk $0xffff, v5  }
0x299: {  	v5 =	vld.idx.msk [tilespmem:v4+s9+$0xE30 ss:$0x1], $0xffff;
	_ =	sdelay $0x4  }
0x29a: {  	[tilespmem:s20+$0x1C30] =	vst.add.f32.msk $0xffff, v5  }
0x29b: {  	[tilespmem:s28+$0x1C30] =	vst.add.f32.msk $0xffff, v5  }
0x29c: {  	[tilespmem:s29+$0x1C30] =	vst.add.f32.msk $0xffff, v5  }
0x29d: {  	[tilespmem:s1+$0x1C30] =	vst.add.f32.msk $0xffff, v5  }
0x29e: {  	v5 =	vld.idx.msk [tilespmem:v4+s9+$0xE40 ss:$0x1], $0xffff;
	_ =	sdelay $0x4  }
0x29f: {  	[tilespmem:s20+$0x1C40] =	vst.add.f32.msk $0xffff, v5  }
0x2a0: {  	[tilespmem:s28+$0x1C40] =	vst.add.f32.msk $0xffff, v5  }
0x2a1: {  	[tilespmem:s29+$0x1C40] =	vst.add.f32.msk $0xffff, v5  }
0x2a2: {  	[tilespmem:s1+$0x1C40] =	vst.add.f32.msk $0xffff, v5  }
0x2a3: {  	v5 =	vld.idx.msk [tilespmem:v4+s9+$0xE50 ss:$0x1], $0xffff;
	_ =	sdelay $0x4  }
0x2a4: {  	[tilespmem:s20+$0x1C50] =	vst.add.f32.msk $0xffff, v5  }
0x2a5: {  	[tilespmem:s28+$0x1C50] =	vst.add.f32.msk $0xffff, v5  }
0x2a6: {  	[tilespmem:s29+$0x1C50] =	vst.add.f32.msk $0xffff, v5  }
0x2a7: {  	[tilespmem:s1+$0x1C50] =	vst.add.f32.msk $0xffff, v5  }
0x2a8: {  	v5 =	vld.idx.msk [tilespmem:v4+s9+$0xE60 ss:$0x1], $0xffff;
	_ =	sdelay $0x4  }
0x2a9: {  	[tilespmem:s20+$0x1C60] =	vst.add.f32.msk $0xffff, v5  }
0x2aa: {  	[tilespmem:s28+$0x1C60] =	vst.add.f32.msk $0xffff, v5  }
0x2ab: {  	[tilespmem:s29+$0x1C60] =	vst.add.f32.msk $0xffff, v5  }
0x2ac: {  	[tilespmem:s1+$0x1C60] =	vst.add.f32.msk $0xffff, v5  }
0x2ad: {  	v5 =	vld.idx.msk [tilespmem:v4+s9+$0xE70 ss:$0x1], $0xffff;
	_ =	sdelay $0x2  }
0x2ae: {  	p1 =	sne.s32 s19, $0x3  }
.Ltmp6:
0x2af: {  	_ = 	snop;
	(pc) =	sbr.rel @p1 .LBB2_6-.Ltmp6, $4  }
0x2b0: {  	[tilespmem:s20+$0x1C70] =	vst.add.f32.msk $0xffff, v5  }
0x2b1: {  	[tilespmem:s28+$0x1C70] =	vst.add.f32.msk $0xffff, v5  }
0x2b2: {  	[tilespmem:s29+$0x1C70] =	vst.add.f32.msk $0xffff, v5  }
0x2b3: {  	s19 =	sadd.s32 $0x1, s19;
	[tilespmem:s1+$0x1C70] =	vst.add.f32.msk $0xffff, v5  }
0x2b4: {  	s1 =	sshll.u32 s25, $0x9  }
0x2b5: {  	s9 =	sand.u32 $0x40, s15;
	s1 =	sand.u32 $0x1C00, s1  }
0x2b6: {  	s1 =	sor.u32 s9, s1  }
0x2b7: {  	s9 =	sor.u32 s6, s1  }
0x2b8: {  	s1 =	sadd.s32 $0x7, s12;
	s12 =	sadd.s32 s3, s9  }
0x2b9: {  	[hbm4b:s12+s4] =	stream.linear.scatter [tilespmem:s13], [sflag:s1], $0x200, $0x38;
	[tilespmem:$0x1E900] =	vst v63  }
0x2ba: {  	s19 =	sor.u32 $0xD00, s7;
	s20 =	sadd.s32 $0x80, s12  }
0x2bb: {  	[hbm4b:s20+s4] =	stream.linear.scatter [tilespmem:s19], [sflag:s1], $0x200, $0x38;
	[tilespmem:$0x1E900] =	vst v63  }
0x2bc: {  	s28 =	sor.u32 $0x1100, s7;
	s29 =	sadd.s32 $0x100, s12  }
0x2bd: {  	[hbm4b:s29+s4] =	stream.linear.scatter [tilespmem:s28], [sflag:s1], $0x200, $0x38;
	[tilespmem:$0x1E900] =	vst v63  }
0x2be: {  	s19 =	sor.u32 $0x1500, s7;
	s20 =	sadd.s32 $0x180, s12  }
0x2bf: {  	[hbm4b:s20+s4] =	stream.linear.scatter [tilespmem:s19], [sflag:s1], $0x200, $0x38;
	[tilespmem:$0x1E900] =	vst v63  }
0x2c0: {  	s28 =	sor.u32 $0x1900, s7;
	s29 =	sadd.s32 $0x200, s12  }
0x2c1: {  	[hbm4b:s29+s4] =	stream.linear.scatter [tilespmem:s28], [sflag:s1], $0x200, $0x38;
	[tilespmem:$0x1E900] =	vst v63  }
0x2c2: {  	s19 =	sor.u32 $0x1D00, s7;
	s20 =	sadd.s32 $0x280, s12  }
0x2c3: {  	[hbm4b:s20+s4] =	stream.linear.scatter [tilespmem:s19], [sflag:s1], $0x200, $0x38;
	[tilespmem:$0x1E900] =	vst v63  }
0x2c4: {  	s28 =	sor.u32 $0x2100, s7;
	s29 =	sadd.s32 $0x300, s12  }
0x2c5: {  	[hbm4b:s29+s4] =	stream.linear.scatter [tilespmem:s28], [sflag:s1], $0x200, $0x38;
	[tilespmem:$0x1E900] =	vst v63  }
0x2c6: {  	s12 =	sadd.s32 $0x380, s12;
	s19 =	sor.u32 $0x2500, s7  }
0x2c7: {  	[hbm4b:s12+s4] =	stream.linear.scatter [tilespmem:s19], [sflag:s1], $0x200, $0x38;
	[tilespmem:$0x1E900] =	vst v63  }
0x2c8: {  	s20 =	sor.u32 $0xB00, s7;
	s12 =	sadd.s32 s9, s16  }
0x2c9: {  	[hbm4b:s12+s4] =	stream.linear.scatter [tilespmem:s20], [sflag:s1], $0x200, $0x38;
	[tilespmem:$0x1E900] =	vst v63  }
0x2ca: {  	s28 =	sor.u32 $0xF00, s7;
	s29 =	sadd.s32 $0x80, s12  }
0x2cb: {  	[hbm4b:s29+s4] =	stream.linear.scatter [tilespmem:s28], [sflag:s1], $0x200, $0x38;
	[tilespmem:$0x1E900] =	vst v63  }
0x2cc: {  	s19 =	sor.u32 $0x1300, s7;
	s20 =	sadd.s32 $0x100, s12  }
0x2cd: {  	[hbm4b:s20+s4] =	stream.linear.scatter [tilespmem:s19], [sflag:s1], $0x200, $0x38;
	[tilespmem:$0x1E900] =	vst v63  }
0x2ce: {  	s28 =	sor.u32 $0x1700, s7;
	s29 =	sadd.s32 $0x180, s12  }
0x2cf: {  	[hbm4b:s29+s4] =	stream.linear.scatter [tilespmem:s28], [sflag:s1], $0x200, $0x38;
	[tilespmem:$0x1E900] =	vst v63  }
0x2d0: {  	s19 =	sor.u32 $0x1B00, s7;
	s20 =	sadd.s32 $0x200, s12  }
0x2d1: {  	[hbm4b:s20+s4] =	stream.linear.scatter [tilespmem:s19], [sflag:s1], $0x200, $0x38;
	[tilespmem:$0x1E900] =	vst v63  }
0x2d2: {  	s28 =	sor.u32 $0x1F00, s7;
	s29 =	sadd.s32 $0x280, s12  }
0x2d3: {  	[hbm4b:s29+s4] =	stream.linear.scatter [tilespmem:s28], [sflag:s1], $0x200, $0x38;
	[tilespmem:$0x1E900] =	vst v63  }
0x2d4: {  	s15 =	sor.u32 $0x2300, s7;
	s19 =	sadd.s32 $0x300, s12  }
0x2d5: {  	[hbm4b:s19+s4] =	stream.linear.scatter [tilespmem:s15], [sflag:s1], $0x200, $0x38;
	[tilespmem:$0x1E900] =	vst v63  }
0x2d6: {  	s20 =	sor.u32 $0x2700, s7;
	s12 =	sadd.s32 $0x380, s12  }
0x2d7: {  	[hbm4b:s12+s4] =	stream.linear.scatter [tilespmem:s20], [sflag:s1], $0x200, $0x38;
	[tilespmem:$0x1E900] =	vst v63  }
0x2d8: {  	s12 =	sadd.s32 s9, s17  }
0x2d9: {  	[hbm4b:s12+s4] =	stream.linear.scatter [tilespmem:s14], [sflag:s1], $0x200, $0x38;
	[tilespmem:$0x1E900] =	vst v63  }
0x2da: {  	s28 =	sor.u32 $0x2D00, s7;
	s29 =	sadd.s32 $0x80, s12  }
0x2db: {  	[hbm4b:s29+s4] =	stream.linear.scatter [tilespmem:s28], [sflag:s1], $0x200, $0x38;
	[tilespmem:$0x1E900] =	vst v63  }
0x2dc: {  	s15 =	sadd.s32 $0x100, s12;
	s14 =	sor.u32 $0x3100, s7  }
0x2dd: {  	[hbm4b:s15+s4] =	stream.linear.scatter [tilespmem:s14], [sflag:s1], $0x200, $0x38;
	[tilespmem:$0x1E900] =	vst v63  }
0x2de: {  	s19 =	sor.u32 $0x3500, s7;
	s20 =	sadd.s32 $0x180, s12  }
0x2df: {  	[hbm4b:s20+s4] =	stream.linear.scatter [tilespmem:s19], [sflag:s1], $0x200, $0x38;
	[tilespmem:$0x1E900] =	vst v63  }
0x2e0: {  	s28 =	sor.u32 $0x3900, s7;
	s29 =	sadd.s32 $0x200, s12  }
0x2e1: {  	[hbm4b:s29+s4] =	stream.linear.scatter [tilespmem:s28], [sflag:s1], $0x200, $0x38;
	[tilespmem:$0x1E900] =	vst v63  }
0x2e2: {  	s15 =	sor.u32 $0x3D00, s7;
	s19 =	sadd.s32 $0x280, s12  }
0x2e3: {  	[hbm4b:s19+s4] =	stream.linear.scatter [tilespmem:s15], [sflag:s1], $0x200, $0x38;
	[tilespmem:$0x1E900] =	vst v63  }
0x2e4: {  	s20 =	sadd.s32 $0x4100, s7;
	s28 =	sadd.s32 $0x300, s12  }
0x2e5: {  	[hbm4b:s28+s4] =	stream.linear.scatter [tilespmem:s20], [sflag:s1], $0x200, $0x38;
	[tilespmem:$0x1E900] =	vst v63  }
0x2e6: {  	s29 =	sadd.s32 $0x4500, s7;
	s12 =	sadd.s32 $0x380, s12  }
0x2e7: {  	[hbm4b:s12+s4] =	stream.linear.scatter [tilespmem:s29], [sflag:s1], $0x200, $0x38;
	[tilespmem:$0x1E900] =	vst v63  }
0x2e8: {  	s13 =	sor.u32 $0x2B00, s7;
	s9 =	sadd.s32 s9, s18  }
0x2e9: {  	[hbm4b:s9+s4] =	stream.linear.scatter [tilespmem:s13], [sflag:s1], $0x200, $0x38;
	[tilespmem:$0x1E900] =	vst v63  }
0x2ea: {  	s14 =	sor.u32 $0x2F00, s7;
	s15 =	sadd.s32 $0x80, s9  }
0x2eb: {  	[hbm4b:s15+s4] =	stream.linear.scatter [tilespmem:s14], [sflag:s1], $0x200, $0x38;
	[tilespmem:$0x1E900] =	vst v63  }
0x2ec: {  	s19 =	sor.u32 $0x3300, s7;
	s20 =	sadd.s32 $0x100, s9  }
0x2ed: {  	[hbm4b:s20+s4] =	stream.linear.scatter [tilespmem:s19], [sflag:s1], $0x200, $0x38;
	[tilespmem:$0x1E900] =	vst v63  }
0x2ee: {  	s28 =	sor.u32 $0x3700, s7;
	s29 =	sadd.s32 $0x180, s9  }
0x2ef: {  	[hbm4b:s29+s4] =	stream.linear.scatter [tilespmem:s28], [sflag:s1], $0x200, $0x38;
	[tilespmem:$0x1E900] =	vst v63  }
0x2f0: {  	s13 =	sor.u32 $0x3B00, s7;
	s14 =	sadd.s32 $0x200, s9  }
0x2f1: {  	[hbm4b:s14+s4] =	stream.linear.scatter [tilespmem:s13], [sflag:s1], $0x200, $0x38;
	[tilespmem:$0x1E900] =	vst v63  }
0x2f2: {  	p1 =	sgt.u32 s25, $0xA;
	s15 =	sor.u32 $0x3F00, s7;
	s19 =	sadd.s32 $0x280, s9  }
0x2f3: {  	[hbm4b:s19+s4] =	stream.linear.scatter [tilespmem:s15], [sflag:s1], $0x200, $0x38;
	[tilespmem:$0x1E900] =	vst v63  }
.Ltmp7:
0x2f4: {  	_ = 	snop;
	(pc) =	sbr.rel @p1 .LBB2_9-.Ltmp7, $4  }
0x2f5: {  	s20 =	sadd.s32 $0x4300, s7;
	s28 =	sadd.s32 $0x300, s9  }
0x2f6: {  	[hbm4b:s28+s4] =	stream.linear.scatter [tilespmem:s20], [sflag:s1], $0x200, $0x38;
	[tilespmem:$0x1E900] =	vst v63  }
0x2f7: {  	s29 =	sadd.s32 $0x4700, s7;
	s9 =	sadd.s32 $0x380, s9  }
0x2f8: {  	[hbm4b:s9+s4] =	stream.linear.scatter [tilespmem:s29], [sflag:s1], $0x200, $0x38;
	[tilespmem:$0x1E900] =	vst v63  }
0x2f9: {  	s1 =	sadd.s32 $0x5, s25  }
0x2fa: {  	s7 =	smul.u32 $0xAB, s1;
	_ =	sdelay $0x1  }
0x2fb: {  	s7 =	sshrl.u32 s7, $0xA  }
0x2fc: {  	s7 =	sand.u32 $0x3F, s7  }
0x2fd: {  	s7 =	smul.u32 $0x6, s7;
	_ =	sdelay $0x1  }
0x2fe: {  	s7 =	ssub.s32 s1, s7  }
0x2ff: {  	p1 =	seq.s32 s25, $0x0;
	s7 =	sand.u32 $0xFF, s7  }
0x300: {  	s9 =	sadd.s32 @!p1 $0x7, s7  }
0x301: {  	_ =	swait.ge @!p1 [sflag:s9], $0x1000  }
0x302: {  	[sflag:s9] =	ssyncset.done @!p1 $0x0  }
0x303: {  	[sflag:s9] =	ssyncadd.s32 @!p1 $0xFFFFF000  }
0x304: {  	_ =	swait.ge @!p1 [sflag:s9], $0x1000  }
0x305: {  	[sflag:s9] =	ssyncset.done @!p1 $0x0  }
0x306: {  	[sflag:s9] =	ssyncadd.s32 @!p1 $0xFFFFF000  }
0x307: {  	_ =	swait.ge @!p1 [sflag:s9], $0x1000  }
0x308: {  	[sflag:s9] =	ssyncset.done @!p1 $0x0  }
0x309: {  	[sflag:s9] =	ssyncadd.s32 @!p1 $0xFFFFF000  }
0x30a: {  	_ =	swait.ge @!p1 [sflag:s9], $0x1000  }
0x30b: {  	s12 =	sshll.u32 s1, $0x9;
	[sflag:s9] =	ssyncset.done @!p1 $0x0  }
0x30c: {  	s19 =	sshrl.u32 s12, $0x2;
	[sflag:s9] =	ssyncadd.s32 @!p1 $0xFFFFF000  }
0x30d: {  	v4 =	vld [tilespmem:s19+$0x0];
	_ =	sdelay $0x4  }
0x30e: {  	v5 =	vshll.u32 v4, $0x3  }
0x30f: {  	v4 =	vand.u32 $0x7, v4;
	v5 =	vand.u32 $0xFFFFFFC0, v5  }
0x310: {  	v4 =	vor.u32 v4, v5  }
0x311: {  	v5 =	vperm.xlane v4, v0;
	_ =	sdelay $0x1  }
0x312: {  	v5 =	vadd.s32 v1, v5;
	_ =	sdelay $0x2  }
0x313: {  	s9 =	sshll.u32 s7, $0xE  }
0x314: {  	s14 =	sadd.s32 $0x1, s7;
	s13 =	sor.u32 $0x900, s9  }
0x315: {  	[tilespmem:s13], [sflag:s14] =	stream.indirect_vreg.gather [hbm4b:s2+s4], $0x80, v5, vm0, $0xb8;
	[tilespmem:$0x1E900] =	vst v63  }
0x316: {  	s20 =	sor.u32 $0x1100, s9;
	v4 =	vperm.xlane v4, v2  }
0x317: {  	[tilespmem:s20], [sflag:s14] =	stream.indirect_vreg.gather [hbm4b:s8+s4], $0x80, v5, vm0, $0xb8;
	[tilespmem:$0x1E900] =	vst v63  }
0x318: {  	s28 =	sor.u32 $0x1900, s9;
	v4 =	vadd.s32 v1, v4  }
0x319: {  	[tilespmem:s28], [sflag:s14] =	stream.indirect_vreg.gather [hbm4b:s10+s4], $0x80, v5, vm0, $0xb8;
	[tilespmem:$0x1E900] =	vst v63  }
0x31a: {  	s29 =	sor.u32 $0x2100, s9  }
0x31b: {  	[tilespmem:s29], [sflag:s14] =	stream.indirect_vreg.gather [hbm4b:s11+s4], $0x80, v5, vm0, $0xb8;
	[tilespmem:$0x1E900] =	vst v63  }
0x31c: {  	s15 =	sor.u32 $0x2900, s9  }
0x31d: {  	[tilespmem:s15], [sflag:s14] =	stream.indirect_vreg.gather [hbm4b:s2+s4], $0x80, v4, vm0, $0xb8;
	[tilespmem:$0x1E900] =	vst v63  }
0x31e: {  	s1 =	sshll.u32 s1, $0x6;
	s19 =	sor.u32 $0x3100, s9  }
0x31f: {  	[tilespmem:s19], [sflag:s14] =	stream.indirect_vreg.gather [hbm4b:s8+s4], $0x80, v4, vm0, $0xb8;
	[tilespmem:$0x1E900] =	vst v63  }
0x320: {  	s1 =	sand.u32 $0x40, s1;
	s20 =	sor.u32 $0x3900, s9  }
0x321: {  	[tilespmem:s20], [sflag:s14] =	stream.indirect_vreg.gather [hbm4b:s10+s4], $0x80, v4, vm0, $0xb8;
	[tilespmem:$0x1E900] =	vst v63  }
.Ltmp8:
0x322: {  	s9 =	sadd.s32 $0x4100, s9;
	s28 =	sadd.s32 s6, s12;
	(pc) =	sbr.rel .LBB2_9-.Ltmp8, $4  }
0x323: {  	[tilespmem:s9], [sflag:s14] =	stream.indirect_vreg.gather [hbm4b:s11+s4], $0x80, v4, vm0, $0xb8;
	[tilespmem:$0x1E900] =	vst v63  }
0x324: {  	s1 =	sadd.s32 s5, s1;
	s29 =	sshll.u32 s7, $0xC;
	s9 =	sand.u32 $0x7FC00, s28  }
0x325: {  	s7 =	sadd.s32 $0xD, s7;
	s12 =	sadd.s32 $0x18900, s29;
	s1 =	sadd.s32 s9, s1  }
0x326: {  	[tilespmem:s12], [sflag:s7] =	stream.strided.gather [hbm4b:s1+s30], $0x1000, s31, s30, $0x38;
	[tilespmem:$0x1E900] =	vst v63  }
.LBB2_11:
0x327: {  	_ =	sfence.sel $0x180000  }
0x328: {  	[bflag:$0x0] =	sbarrier.arrive $0xFFFF  }
0x329: {  	_ =	strace $0x90000047  }
0x32a: {  	s0 =	stileid.u32;
	[bflag:$0x2] =	sbarrier.arrive $0xFFFF  }
0x32b: {  	p0 =	sne.s32 s0, $0x0;
	s0 =	rddreg [dreg:$0x3]  }
0x32c: {  	s0 =	sadd.s32 @!p0 $0x100000, s0  }
0x32d: {  	[sflag:s0] =	ssyncadd.tile.s32 @!p0 $0x1;
	_ =	shalt  }
.Lfunc_end2:
_tile_overlayer_lowered:
.L_overlay_start_2:
0x32e: {  	(tag) =	ssettag $0x2  }
0x32f: {  	s0 =	rddreg [dreg:$0x0];
	s2 =	stileid.u32  }
0x330: {  	s1 =	rddreg [dreg:$0x1];
	p0 =	sne.s32 s2, $0x0  }
0x331: {  	s3 =	rddreg [dreg:$0x2];
	[bflag:$0x3] =	sbarrier.arrive $0xFFFF;
	s2 =	simm.s32 @!p0 $0x1C13  }
0x332: {  	[timem:s3], [sflag:s2] =	dma.local @!p0 [hbm:s0], s1  }
0x333: {  	s0 =	simm.s32 @!p0 $0x13  }
0x334: {  	_ =	swait.ge @!p0 [sflag:s0], s1  }
0x335: {  	s1 =	ssub.s32 @!p0 $0x0, s1;
	[sflag:s0] =	ssyncset.done @!p0 $0x0  }
0x336: {  	[sflag:s0] =	ssyncadd.s32 @!p0 s1  }
0x337: {  	[bflag:$0x3] =	sbarrier.arrive $0xFFFF  }
0x338: {  	_ =	shalt  }

</sc_bundles>
